<compile_context>
chip_gen: v7x
topology: tpu7x:2x2x1
jax: 0.10.2.dev20260603
libtpu: 0.0.44.dev20260713+nightly
codegen_flags: <defaults>
</compile_context>

<pallas_src>
import functools

import jax
import jax.numpy as jnp
import numpy as np
from jax import lax
from jax.experimental import pallas as pl
from jax.experimental.pallas import tpu as pltpu
from jax.experimental.pallas import tpu_sc as plsc

_SPATIAL_LEVELS = 24
_TEMPORAL_LEVELS = 24
_F = 2
_TABLE = 65536
_LEVELS = _SPATIAL_LEVELS + 3 * _TEMPORAL_LEVELS
_ENC_DIM = _LEVELS * _F
_IN_DIM = 13
_HID = 64

_NW = 32
_LPW = _LEVELS // _NW
_CH = 2048
_NCHUNK = 21
_NPAD = _CH * _NCHUNK

_P1 = np.int32(np.uint32(2654435761).view(np.int32))
_P2 = np.int32(805459861)


def _resolutions(n_levels, base=16.0, max_res=4096.0):
    g = np.exp(np.log(max_res / base) / max(n_levels - 1, 1))
    return [float(base * g**l) for l in range(n_levels)]


_SRES = _resolutions(_SPATIAL_LEVELS)
_TRES = _resolutions(_TEMPORAL_LEVELS)
_RES_LIST = _SRES + [_TRES[tl] for tl in range(_TEMPORAL_LEVELS) for _ in range(3)]


def _encode_body(nchunk, spat_hbm, temp_hbm, coordsp_hbm, res_hbm, enc_hbm, table_v, cbuf, ebuf, res_v, sem):
    wid = lax.axis_index("s") * 2 + lax.axis_index("c")
    pltpu.sync_copy(res_hbm, res_v)

    for k in range(_LPW):
        level = wid * _LPW + k
        pi = jnp.where(level < _SPATIAL_LEVELS,
                       0, 1 + lax.rem(level - _SPATIAL_LEVELS, 3))
        @pl.when(level < _SPATIAL_LEVELS)
        def _():
            pltpu.sync_copy(spat_hbm.at[pl.ds(level * _TABLE, _TABLE)],
                            table_v)

        @pl.when(level >= _SPATIAL_LEVELS)
        def _():
            pltpu.sync_copy(
                temp_hbm.at[pl.ds((level - _SPATIAL_LEVELS) * _TABLE, _TABLE)],
                table_v)

        resv = plsc.load_gather(res_v, [jnp.full((16,), level, jnp.int32)])
        row0 = level * 2

        def chunk_body(c, _, resv=resv, row0=row0, pi=pi):
            pltpu.sync_copy(
                coordsp_hbm.at[pl.ds((pi * nchunk + c) * 3 * _CH, 3 * _CH)],
                cbuf)

            @plsc.parallel_loop(0, _CH, 16, unroll=2)
            def group_body(lb, resv=resv):
                cx = cbuf[pl.ds(lb, 16)] * resv
                cy = cbuf[pl.ds(_CH + lb, 16)] * resv
                cz = cbuf[pl.ds(2 * _CH + lb, 16)] * resv
                xi = cx.astype(jnp.int32)
                yi = cy.astype(jnp.int32)
                zi = cz.astype(jnp.int32)
                fx = cx - xi.astype(jnp.float32)
                fy = cy - yi.astype(jnp.float32)
                fz = cz - zi.astype(jnp.float32)
                a = (xi, xi + 1)
                b = (yi * _P1, yi * _P1 + _P1)
                cc = (zi * _P2, zi * _P2 + _P2)
                wxs = (1.0 - fx, fx)
                wys = (1.0 - fy, fy)
                wzs = (1.0 - fz, fz)
                acc0 = jnp.zeros((16,), jnp.float32)
                acc1 = jnp.zeros((16,), jnp.float32)
                for dx in range(2):
                    for dy in range(2):
                        ab = a[dx] ^ b[dy]
                        wxy = wxs[dx] * wys[dy]
                        for dz in range(2):
                            h = (ab ^ cc[dz]) & jnp.int32(_TABLE - 1)
                            w = wxy * wzs[dz]
                            t = plsc.load_gather(table_v, [h])
                            f0 = plsc.bitcast(t << 16, jnp.float32)
                            f1 = plsc.bitcast(t & jnp.int32(-65536), jnp.float32)
                            acc0 = acc0 + w * f0
                            acc1 = acc1 + w * f1
                ebuf[pl.ds(lb, 16)] = acc0
                ebuf[pl.ds(_CH + lb, 16)] = acc1

            pltpu.sync_copy(
                ebuf,
                enc_hbm.at[pl.ds((c * _ENC_DIM + row0) * _CH, 2 * _CH)])
            return 0

        lax.fori_loop(0, nchunk, chunk_body, 0)


@functools.cache
def _encode_sc(nchunk):
    return pl.kernel(
        functools.partial(_encode_body, nchunk),
        out_type=jax.ShapeDtypeStruct((_ENC_DIM * nchunk * _CH,), jnp.float32),
        mesh=plsc.VectorSubcoreMesh(core_axis_name="c", subcore_axis_name="s",
                                    num_cores=2, num_subcores=16),
        compiler_params=pltpu.CompilerParams(needs_layout_passes=False),
        scratch_types=[
            pltpu.VMEM((_TABLE,), jnp.int32),
            pltpu.VMEM((3 * _CH,), jnp.float32),
            pltpu.VMEM((2 * _CH,), jnp.float32),
            pltpu.VMEM((_LEVELS,), jnp.float32),
            pltpu.SemaphoreType.DMA,
        ],
    )


_TN = 2048
_B = 4


def _ln(h, g_row, be_row, mean_mat):
    mu = jax.lax.dot_general(h, mean_mat, (((1,), (0,)), ((), ())),
                             preferred_element_type=jnp.float32)
    ex2 = jax.lax.dot_general(h * h, mean_mat, (((1,), (0,)), ((), ())),
                              preferred_element_type=jnp.float32)
    var = ex2 - mu * mu
    return (h - mu) * (lax.rsqrt(var + 1e-5) * g_row) + be_row


def _mlp_body(enc_ref, nf_ref, w1e_ref, w1n_ref, b1_ref, g1_ref, be1_ref,
              w2_ref, b2_ref, g2_ref, be2_ref, out_ref):
    mean_mat = jnp.full((_HID, _HID), 1.0 / _HID, jnp.float32)
    h1e = lax.dot_general(
        enc_ref[0], w1e_ref[...],
        (((0,), (0,)), ((), ())), preferred_element_type=jnp.float32)
    for b in range(_B):
        h = h1e + jnp.dot(nf_ref[b], w1n_ref[...],
                          preferred_element_type=jnp.float32) + b1_ref[...]
        h = _ln(h, g1_ref[...], be1_ref[...], mean_mat)
        h = jnp.maximum(h, 0.0)
        h = jnp.dot(h, w2_ref[...],
                    preferred_element_type=jnp.float32) + b2_ref[...]
        out_ref[b] = _ln(h, g2_ref[...], be2_ref[...], mean_mat)


def kernel(node_features, coordinates, spatial_tables, temporal_tables,
           W1, b1, g1, be1, W2, b2, g2, be2):
    B, N = node_features.shape[0], node_features.shape[1]

    def _pack(t):
        return lax.bitcast_convert_type(t.astype(jnp.bfloat16),
                                        jnp.int32).reshape(-1)

    packed_s = _pack(spatial_tables)
    packed_t = _pack(temporal_tables)

    coordsp = jnp.pad(coordinates.T, ((0, 0), (0, _NPAD - N)))
    rows_per_plane = jnp.asarray(
        [[0, 1, 2], [0, 1, 3], [0, 2, 3], [1, 2, 3]], jnp.int32)
    planes = coordsp[rows_per_plane]
    planes = planes.reshape(4, 3, _NCHUNK, _CH).transpose(0, 2, 1, 3)
    res_arr = jnp.asarray(_RES_LIST, jnp.float32)

    w1e, w1n = W1[:_ENC_DIM], W1[_ENC_DIM:]

    def _mlp(enc3, nf, npts, nj):
        return pl.pallas_call(
            _mlp_body,
            out_shape=jax.ShapeDtypeStruct((B, npts, _HID), jnp.float32),
            grid=(nj,),
            in_specs=[
                pl.BlockSpec((1, _ENC_DIM, _TN), lambda j: (j, 0, 0)),
                pl.BlockSpec((_B, _TN, _IN_DIM), lambda j: (0, j, 0)),
                pl.BlockSpec((_ENC_DIM, _HID), lambda j: (0, 0)),
                pl.BlockSpec((_IN_DIM, _HID), lambda j: (0, 0)),
                pl.BlockSpec((1, _HID), lambda j: (0, 0)),
                pl.BlockSpec((1, _HID), lambda j: (0, 0)),
                pl.BlockSpec((1, _HID), lambda j: (0, 0)),
                pl.BlockSpec((_HID, _HID), lambda j: (0, 0)),
                pl.BlockSpec((1, _HID), lambda j: (0, 0)),
                pl.BlockSpec((1, _HID), lambda j: (0, 0)),
                pl.BlockSpec((1, _HID), lambda j: (0, 0)),
            ],
            out_specs=pl.BlockSpec((_B, _TN, _HID), lambda j: (0, j, 0)),
        )(enc3, nf, w1e, w1n,
          b1.reshape(1, -1), g1.reshape(1, -1), be1.reshape(1, -1),
          W2, b2.reshape(1, -1), g2.reshape(1, -1), be2.reshape(1, -1))

    nc1 = 11
    n1 = nc1 * _CH
    nc2 = _NCHUNK - nc1
    outs = []
    for (c0, nc, npts) in ((0, nc1, n1), (nc1, nc2, N - n1)):
        enc3 = _encode_sc(nc)(
            packed_s, packed_t, planes[:, c0:c0 + nc].reshape(-1),
            res_arr).reshape(nc, _ENC_DIM, _CH)
        outs.append(_mlp(enc3, node_features[:, c0 * _CH:c0 * _CH + nc * _CH],
                         npts, nc))
    return jnp.concatenate(outs, axis=1)

# --- scband reference (transcript-rebuilt; emitter-appended) ---
"""Pipeline reference for scband-multi-scale-spatio-temporal-node-86732569575656 (READ-ONLY COPY).

The authoritative reference and input builder live on the scoring server;
editing this copy changes nothing except your own understanding.
"""

import jax, jax.numpy as jnp
import numpy as np

SPATIAL_LEVELS = 24
TEMPORAL_LEVELS = 24
F = 2
TABLE_SIZE = 65536
INPUT_DIM = 13
HIDDEN = 64
B = 4
N = 40962
ENCODER_DIM = SPATIAL_LEVELS * F + TEMPORAL_LEVELS * F * 3

_P0 = np.uint32(1)
_P1 = np.uint32(2654435761)
_P2 = np.uint32(805459861)


def _level_resolutions(n_levels, base=16.0, max_res=4096.0):
    g = np.exp(np.log(max_res / base) / max(n_levels - 1, 1))
    return [float(base * g ** l) for l in range(n_levels)]


def _encode_level(c3, table, res):
    # c3: (P, 3) normalized coords in [0,1]; table: (TABLE_SIZE, F)
    x = c3 * res
    x0 = jnp.floor(x)
    f = x - x0
    xi = x0.astype(jnp.uint32)
    out = jnp.zeros((c3.shape[0], table.shape[1]), dtype=table.dtype)
    for dx in (0, 1):
        wx = f[:, 0] if dx else 1.0 - f[:, 0]
        for dy in (0, 1):
            wy = f[:, 1] if dy else 1.0 - f[:, 1]
            for dz in (0, 1):
                wz = f[:, 2] if dz else 1.0 - f[:, 2]
                ix = xi[:, 0] + np.uint32(dx)
                iy = xi[:, 1] + np.uint32(dy)
                iz = xi[:, 2] + np.uint32(dz)
                h = ((ix * _P0) ^ (iy * _P1) ^ (iz * _P2)) % np.uint32(TABLE_SIZE)
                out = out + (wx * wy * wz)[:, None] * table[h.astype(jnp.int32)]
    return out


def _earth4d(coords, spatial_tables, temporal_tables):
    # coords: (P, 4) = [lat, lon, elev, time] normalized
    xyz = coords[:, :3]
    sres = _level_resolutions(SPATIAL_LEVELS)
    tres = _level_resolutions(TEMPORAL_LEVELS)
    outs = []
    for l in range(SPATIAL_LEVELS):
        outs.append(_encode_level(xyz, spatial_tables[l], sres[l]))
    planes = [np.array([0, 1, 3]), np.array([0, 2, 3]), np.array([1, 2, 3])]
    for l in range(TEMPORAL_LEVELS):
        for p in range(3):
            tri = coords[:, planes[p]]
            outs.append(_encode_level(tri, temporal_tables[l * 3 + p], tres[l]))
    return jnp.concatenate(outs, axis=-1)


def _layer_norm(x, g, b):
    mu = jnp.mean(x, -1, keepdims=True)
    v = jnp.mean((x - mu) ** 2, -1, keepdims=True)
    return (x - mu) / jnp.sqrt(v + 1e-5) * g + b


def setup_inputs(seed: int = 0):
    key = jax.random.key(seed)
    ks = jax.random.split(key, 8)
    combined = ENCODER_DIM + INPUT_DIM
    inp = {}
    inp["node_features"] = jax.random.normal(ks[0], (B, N, INPUT_DIM), dtype=jnp.float32)
    inp["coordinates"] = jax.random.uniform(ks[1], (N, 4), dtype=jnp.float32)
    inp["spatial_tables"] = jax.random.uniform(ks[2], (SPATIAL_LEVELS, TABLE_SIZE, F), minval=-1e-4, maxval=1e-4, dtype=jnp.float32)
    inp["temporal_tables"] = jax.random.uniform(ks[3], (TEMPORAL_LEVELS * 3, TABLE_SIZE, F), minval=-1e-4, maxval=1e-4, dtype=jnp.float32)
    inp["W1"] = jax.random.normal(ks[4], (combined, HIDDEN), dtype=jnp.float32) / np.sqrt(combined)
    inp["b1"] = jnp.zeros((HIDDEN,), dtype=jnp.float32)
    inp["g1"] = jnp.ones((HIDDEN,), dtype=jnp.float32)
    inp["be1"] = jnp.zeros((HIDDEN,), dtype=jnp.float32)
    inp["W2"] = jax.random.normal(ks[5], (HIDDEN, HIDDEN), dtype=jnp.float32) / np.sqrt(HIDDEN)
    inp["b2"] = jnp.zeros((HIDDEN,), dtype=jnp.float32)
    inp["g2"] = jnp.ones((HIDDEN,), dtype=jnp.float32)
    inp["be2"] = jnp.zeros((HIDDEN,), dtype=jnp.float32)
    return inp


def reference(node_features, coordinates, spatial_tables, temporal_tables, W1, b1, g1, be1, W2, b2, g2, be2):
    Bn, Nn = node_features.shape[0], node_features.shape[1]
    coords = jnp.broadcast_to(coordinates[None], (Bn, Nn, 4)).reshape(-1, 4)
    enc = _earth4d(coords, spatial_tables, temporal_tables).reshape(Bn, Nn, ENCODER_DIM)
    combined = jnp.concatenate([enc, node_features], axis=-1)
    h = combined @ W1 + b1
    h = _layer_norm(h, g1, be1)
    h = jax.nn.relu(h)
    h = h @ W2 + b2
    return _layer_norm(h, g2, be2)

if __name__ == "__main__":
    import jax
    _d = setup_inputs()
    print(jax.jit(kernel)(*tuple(_d.values())))

</pallas_src>

<mosaic_0001>
#map = affine_map<(d0, d1) -> (0)>
module attributes {stable_mosaic.version = 14 : i64} {
  func.func @_encode_body(%arg0: i32, %arg1: i32, %arg2: memref<1572864xi32, #tpu.memory_space<hbm>>, %arg3: memref<4718592xi32, #tpu.memory_space<hbm>>, %arg4: memref<245760xf32, #tpu.memory_space<hbm>>, %arg5: memref<96xf32, #tpu.memory_space<hbm>>, %arg6: memref<3932160xf32, #tpu.memory_space<hbm>>, %arg7: memref<65536xi32, #tpu.memory_space<vmem>>, %arg8: memref<6144xf32, #tpu.memory_space<vmem>>, %arg9: memref<4096xf32, #tpu.memory_space<vmem>>, %arg10: memref<96xf32, #tpu.memory_space<vmem>>, %arg11: memref<!tpu.dma_semaphore, #tpu.memory_space<semaphore_mem>>) attributes {dimension_semantics = [#tpu.dimension_semantics<core_parallel>, #tpu.dimension_semantics<subcore_parallel>], iteration_bounds = array<i64: 2, 16>, scalar_prefetch = 0 : i64, scratch_operands = 5 : i64, tpu.core_type = #tpu.core_type<sc_vector_subcore>, window_params = [{transform_indices = #map}, {transform_indices = #map}, {transform_indices = #map}, {transform_indices = #map}, {transform_indices = #map}]} {
    %mul3A = arith.constant 2 : i32
    %mul3A_0 = arith.muli %arg1, %mul3A : i32
    %add3A = arith.addi %mul3A_0, %arg0 : i32
    "tpu.region"() ({
      %run_scoped3A = tpu.sem_alloc : memref<!tpu.dma_semaphore, #tpu.memory_space<semaphore_mem>>
      tpu.enqueue_dma source(%arg5 : memref<96xf32, #tpu.memory_space<hbm>>) target(%arg10 : memref<96xf32, #tpu.memory_space<vmem>>) target_semaphore(%run_scoped3A : memref<!tpu.dma_semaphore, #tpu.memory_space<semaphore_mem>>)
      tpu.wait_dma2 semaphore(%run_scoped3A : memref<!tpu.dma_semaphore, #tpu.memory_space<semaphore_mem>>) src(%arg5 : memref<96xf32, #tpu.memory_space<hbm>>) dst(%arg10 : memref<96xf32, #tpu.memory_space<vmem>>)
      tpu.yield
    }) : () -> ()
    %mul3A_1 = arith.constant 3 : i32
    %mul3A_2 = arith.muli %add3A, %mul3A_1 : i32
    %add3A_3 = arith.constant 0 : i32
    %add3A_4 = arith.addi %mul3A_2, %add3A_3 : i32
    %lt3A = arith.constant 24 : i32
    %lt3A_5 = arith.cmpi slt, %add3A_4, %lt3A : i32
    %sub3A = arith.constant 24 : i32
    %sub3A_6 = arith.subi %add3A_4, %sub3A : i32
    %rem3A = arith.constant 3 : i32
    %rem3A_7 = arith.remsi %sub3A_6, %rem3A : i32
    %add3A_8 = arith.constant 1 : i32
    %add3A_9 = arith.addi %add3A_8, %rem3A_7 : i32
    %jit3A = arith.constant 0 : i32
    %select_n3A = arith.select %lt3A_5, %jit3A, %add3A_9 : i32
    %lt3A_10 = arith.constant 24 : i32
    %lt3A_11 = arith.cmpi slt, %add3A_4, %lt3A_10 : i32
    %convert_element_type3A = arith.extui %lt3A_11 : i1 to i32
    %cond3A = arith.constant 0 : i32
    %cond3A_12 = arith.cmpi ne, %convert_element_type3A, %cond3A : i32
    scf.if %cond3A_12 {
      %mul3A_95 = arith.constant 65536 : i32
      %mul3A_96 = arith.muli %add3A_4, %mul3A_95 : i32
      "tpu.region"() ({
        %run_scoped3A = tpu.sem_alloc : memref<!tpu.dma_semaphore, #tpu.memory_space<semaphore_mem>>
        %dma_start3A = tpu.memref_slice %arg2[%mul3A_96] : memref<1572864xi32, #tpu.memory_space<hbm>> -> memref<65536xi32, #tpu.memory_space<hbm>>
        %dma_start3A_97 = tpu.memref_slice %arg2[%mul3A_96] : memref<1572864xi32, #tpu.memory_space<hbm>> -> memref<65536xi32, #tpu.memory_space<hbm>>
        tpu.enqueue_dma source(%dma_start3A_97 : memref<65536xi32, #tpu.memory_space<hbm>>) target(%arg7 : memref<65536xi32, #tpu.memory_space<vmem>>) target_semaphore(%run_scoped3A : memref<!tpu.dma_semaphore, #tpu.memory_space<semaphore_mem>>)
        %dma_wait3A = tpu.memref_slice %arg2[%mul3A_96] : memref<1572864xi32, #tpu.memory_space<hbm>> -> memref<65536xi32, #tpu.memory_space<hbm>>
        %dma_wait3A_98 = tpu.memref_slice %arg2[%mul3A_96] : memref<1572864xi32, #tpu.memory_space<hbm>> -> memref<65536xi32, #tpu.memory_space<hbm>>
        tpu.wait_dma2 semaphore(%run_scoped3A : memref<!tpu.dma_semaphore, #tpu.memory_space<semaphore_mem>>) src(%dma_wait3A_98 : memref<65536xi32, #tpu.memory_space<hbm>>) dst(%arg7 : memref<65536xi32, #tpu.memory_space<vmem>>)
        tpu.yield
      }) : () -> ()
    } else {
    }
    %ge3A = arith.constant 24 : i32
    %ge3A_13 = arith.cmpi sge, %add3A_4, %ge3A : i32
    %convert_element_type3A_14 = arith.extui %ge3A_13 : i1 to i32
    %cond3A_15 = arith.constant 0 : i32
    %cond3A_16 = arith.cmpi ne, %convert_element_type3A_14, %cond3A_15 : i32
    scf.if %cond3A_16 {
      %sub3A_95 = arith.constant 24 : i32
      %sub3A_96 = arith.subi %add3A_4, %sub3A_95 : i32
      %mul3A_97 = arith.constant 65536 : i32
      %mul3A_98 = arith.muli %sub3A_96, %mul3A_97 : i32
      "tpu.region"() ({
        %run_scoped3A = tpu.sem_alloc : memref<!tpu.dma_semaphore, #tpu.memory_space<semaphore_mem>>
        %dma_start3A = tpu.memref_slice %arg3[%mul3A_98] : memref<4718592xi32, #tpu.memory_space<hbm>> -> memref<65536xi32, #tpu.memory_space<hbm>>
        %dma_start3A_99 = tpu.memref_slice %arg3[%mul3A_98] : memref<4718592xi32, #tpu.memory_space<hbm>> -> memref<65536xi32, #tpu.memory_space<hbm>>
        tpu.enqueue_dma source(%dma_start3A_99 : memref<65536xi32, #tpu.memory_space<hbm>>) target(%arg7 : memref<65536xi32, #tpu.memory_space<vmem>>) target_semaphore(%run_scoped3A : memref<!tpu.dma_semaphore, #tpu.memory_space<semaphore_mem>>)
        %dma_wait3A = tpu.memref_slice %arg3[%mul3A_98] : memref<4718592xi32, #tpu.memory_space<hbm>> -> memref<65536xi32, #tpu.memory_space<hbm>>
        %dma_wait3A_100 = tpu.memref_slice %arg3[%mul3A_98] : memref<4718592xi32, #tpu.memory_space<hbm>> -> memref<65536xi32, #tpu.memory_space<hbm>>
        tpu.wait_dma2 semaphore(%run_scoped3A : memref<!tpu.dma_semaphore, #tpu.memory_space<semaphore_mem>>) src(%dma_wait3A_100 : memref<65536xi32, #tpu.memory_space<hbm>>) dst(%arg7 : memref<65536xi32, #tpu.memory_space<vmem>>)
        tpu.yield
      }) : () -> ()
    } else {
    }
    %broadcast_in_dim3A = vector.broadcast %add3A_4 : i32 to vector<16xi32>
    %gather3A = tpu.vector_load_idx %arg10[%broadcast_in_dim3A] : memref<96xf32, #tpu.memory_space<vmem>>[vector<16xi32>], vector<16xf32>,
    %mul3A_17 = arith.constant 2 : i32
    %mul3A_18 = arith.muli %add3A_4, %mul3A_17 : i32
    %scan3A = arith.constant 0 : i32
    %scan3A_19 = arith.constant 0 : i32
    %scan3A_20 = arith.constant 10 : i32
    %scan3A_21 = arith.addi %scan3A_19, %scan3A_20 : i32
    %scan3A_22 = arith.constant 1 : i32
    %scan3A_23 = scf.for %scan3A_95 = %scan3A_19 to %scan3A_21 step %scan3A_22 iter_args(%scan3A_96 = %scan3A) -> (i32)  : i32 {
      %mul3A_97 = arith.constant 10 : i32
      %mul3A_98 = arith.muli %select_n3A, %mul3A_97 : i32
      %add3A_99 = arith.addi %mul3A_98, %scan3A_95 : i32
      %mul3A_100 = arith.constant 3 : i32
      %mul3A_101 = arith.muli %add3A_99, %mul3A_100 : i32
      %mul3A_102 = arith.constant 2048 : i32
      %mul3A_103 = arith.muli %mul3A_101, %mul3A_102 : i32
      "tpu.region"() ({
        %run_scoped3A = tpu.sem_alloc : memref<!tpu.dma_semaphore, #tpu.memory_space<semaphore_mem>>
        %dma_start3A = tpu.memref_slice %arg4[%mul3A_103] : memref<245760xf32, #tpu.memory_space<hbm>> -> memref<6144xf32, #tpu.memory_space<hbm>>
        %dma_start3A_112 = tpu.memref_slice %arg4[%mul3A_103] : memref<245760xf32, #tpu.memory_space<hbm>> -> memref<6144xf32, #tpu.memory_space<hbm>>
        tpu.enqueue_dma source(%dma_start3A_112 : memref<6144xf32, #tpu.memory_space<hbm>>) target(%arg8 : memref<6144xf32, #tpu.memory_space<vmem>>) target_semaphore(%run_scoped3A : memref<!tpu.dma_semaphore, #tpu.memory_space<semaphore_mem>>)
        %dma_wait3A = tpu.memref_slice %arg4[%mul3A_103] : memref<245760xf32, #tpu.memory_space<hbm>> -> memref<6144xf32, #tpu.memory_space<hbm>>
        %dma_wait3A_113 = tpu.memref_slice %arg4[%mul3A_103] : memref<245760xf32, #tpu.memory_space<hbm>> -> memref<6144xf32, #tpu.memory_space<hbm>>
        tpu.wait_dma2 semaphore(%run_scoped3A : memref<!tpu.dma_semaphore, #tpu.memory_space<semaphore_mem>>) src(%dma_wait3A_113 : memref<6144xf32, #tpu.memory_space<hbm>>) dst(%arg8 : memref<6144xf32, #tpu.memory_space<vmem>>)
        tpu.yield
      }) : () -> ()
      %parallel_loop3A = arith.constant 0 : i32
      %parallel_loop3A_104 = arith.constant 2048 : i32
      %parallel_loop3A_105 = arith.constant 16 : i32
      scf.for %parallel_loop3A_112 = %parallel_loop3A to %parallel_loop3A_104 step %parallel_loop3A_105  : i32 {
        %parallel_loop3A_113 = arith.index_cast %parallel_loop3A_112 : i32 to index
        %parallel_loop3A_114 = tpu.vector_load %arg8[%parallel_loop3A_113] {strides = array<i32>} : memref<6144xf32, #tpu.memory_space<vmem>>, vector<16xf32>,
        %parallel_loop3A_115 = arith.mulf %parallel_loop3A_114, %gather3A : vector<16xf32>
        %parallel_loop3A_116 = arith.constant 2048 : i32
        %parallel_loop3A_117 = arith.addi %parallel_loop3A_116, %parallel_loop3A_112 : i32
        %parallel_loop3A_118 = arith.index_cast %parallel_loop3A_117 : i32 to index
        %parallel_loop3A_119 = tpu.vector_load %arg8[%parallel_loop3A_118] {strides = array<i32>} : memref<6144xf32, #tpu.memory_space<vmem>>, vector<16xf32>,
        %parallel_loop3A_120 = arith.mulf %parallel_loop3A_119, %gather3A : vector<16xf32>
        %parallel_loop3A_121 = arith.constant 4096 : i32
        %parallel_loop3A_122 = arith.addi %parallel_loop3A_121, %parallel_loop3A_112 : i32
        %parallel_loop3A_123 = arith.index_cast %parallel_loop3A_122 : i32 to index
        %parallel_loop3A_124 = tpu.vector_load %arg8[%parallel_loop3A_123] {strides = array<i32>} : memref<6144xf32, #tpu.memory_space<vmem>>, vector<16xf32>,
        %parallel_loop3A_125 = arith.mulf %parallel_loop3A_124, %gather3A : vector<16xf32>
        %parallel_loop3A_126 = arith.fptosi %parallel_loop3A_115 : vector<16xf32> to vector<16xi32>
        %parallel_loop3A_127 = arith.fptosi %parallel_loop3A_120 : vector<16xf32> to vector<16xi32>
        %parallel_loop3A_128 = arith.fptosi %parallel_loop3A_125 : vector<16xf32> to vector<16xi32>
        %parallel_loop3A_129 = arith.sitofp %parallel_loop3A_126 : vector<16xi32> to vector<16xf32>
        %parallel_loop3A_130 = arith.subf %parallel_loop3A_115, %parallel_loop3A_129 : vector<16xf32>
        %parallel_loop3A_131 = arith.sitofp %parallel_loop3A_127 : vector<16xi32> to vector<16xf32>
        %parallel_loop3A_132 = arith.subf %parallel_loop3A_120, %parallel_loop3A_131 : vector<16xf32>
        %parallel_loop3A_133 = arith.sitofp %parallel_loop3A_128 : vector<16xi32> to vector<16xf32>
        %parallel_loop3A_134 = arith.subf %parallel_loop3A_125, %parallel_loop3A_133 : vector<16xf32>
        %parallel_loop3A_135 = arith.constant 1 : i32
        %parallel_loop3A_136 = vector.broadcast %parallel_loop3A_135 : i32 to vector<16xi32>
        %parallel_loop3A_137 = arith.addi %parallel_loop3A_126, %parallel_loop3A_136 : vector<16xi32>
        %parallel_loop3A_138 = arith.constant -1640531535 : i32
        %parallel_loop3A_139 = vector.broadcast %parallel_loop3A_138 : i32 to vector<16xi32>
        %parallel_loop3A_140 = arith.muli %parallel_loop3A_127, %parallel_loop3A_139 : vector<16xi32>
        %parallel_loop3A_141 = arith.constant -1640531535 : i32
        %parallel_loop3A_142 = vector.broadcast %parallel_loop3A_141 : i32 to vector<16xi32>
        %parallel_loop3A_143 = arith.muli %parallel_loop3A_127, %parallel_loop3A_142 : vector<16xi32>
        %parallel_loop3A_144 = arith.constant -1640531535 : i32
        %parallel_loop3A_145 = vector.broadcast %parallel_loop3A_144 : i32 to vector<16xi32>
        %parallel_loop3A_146 = arith.addi %parallel_loop3A_143, %parallel_loop3A_145 : vector<16xi32>
        %parallel_loop3A_147 = arith.constant 805459861 : i32
        %parallel_loop3A_148 = vector.broadcast %parallel_loop3A_147 : i32 to vector<16xi32>
        %parallel_loop3A_149 = arith.muli %parallel_loop3A_128, %parallel_loop3A_148 : vector<16xi32>
        %parallel_loop3A_150 = arith.constant 805459861 : i32
        %parallel_loop3A_151 = vector.broadcast %parallel_loop3A_150 : i32 to vector<16xi32>
        %parallel_loop3A_152 = arith.muli %parallel_loop3A_128, %parallel_loop3A_151 : vector<16xi32>
        %parallel_loop3A_153 = arith.constant 805459861 : i32
        %parallel_loop3A_154 = vector.broadcast %parallel_loop3A_153 : i32 to vector<16xi32>
        %parallel_loop3A_155 = arith.addi %parallel_loop3A_152, %parallel_loop3A_154 : vector<16xi32>
        %parallel_loop3A_156 = arith.constant 1.000000e+00 : f32
        %parallel_loop3A_157 = vector.broadcast %parallel_loop3A_156 : f32 to vector<16xf32>
        %parallel_loop3A_158 = arith.subf %parallel_loop3A_157, %parallel_loop3A_130 : vector<16xf32>
        %parallel_loop3A_159 = arith.constant 1.000000e+00 : f32
        %parallel_loop3A_160 = vector.broadcast %parallel_loop3A_159 : f32 to vector<16xf32>
        %parallel_loop3A_161 = arith.subf %parallel_loop3A_160, %parallel_loop3A_132 : vector<16xf32>
        %parallel_loop3A_162 = arith.constant 1.000000e+00 : f32
        %parallel_loop3A_163 = vector.broadcast %parallel_loop3A_162 : f32 to vector<16xf32>
        %parallel_loop3A_164 = arith.subf %parallel_loop3A_163, %parallel_loop3A_134 : vector<16xf32>
        %parallel_loop3A_165 = arith.constant 0.000000e+00 : f32
        %parallel_loop3A_166 = vector.broadcast %parallel_loop3A_165 : f32 to vector<16xf32>
        %parallel_loop3A_167 = arith.constant 0.000000e+00 : f32
        %parallel_loop3A_168 = vector.broadcast %parallel_loop3A_167 : f32 to vector<16xf32>
        %parallel_loop3A_169 = arith.xori %parallel_loop3A_126, %parallel_loop3A_140 : vector<16xi32>
        %parallel_loop3A_170 = arith.mulf %parallel_loop3A_158, %parallel_loop3A_161 : vector<16xf32>
        %parallel_loop3A_171 = arith.xori %parallel_loop3A_169, %parallel_loop3A_149 : vector<16xi32>
        %parallel_loop3A_172 = arith.constant 65535 : i32
        %parallel_loop3A_173 = vector.broadcast %parallel_loop3A_172 : i32 to vector<16xi32>
        %parallel_loop3A_174 = arith.andi %parallel_loop3A_171, %parallel_loop3A_173 : vector<16xi32>
        %parallel_loop3A_175 = arith.mulf %parallel_loop3A_170, %parallel_loop3A_164 : vector<16xf32>
        %parallel_loop3A_176 = tpu.vector_load_idx %arg7[%parallel_loop3A_174] : memref<65536xi32, #tpu.memory_space<vmem>>[vector<16xi32>], vector<16xi32>,
        %parallel_loop3A_177 = arith.constant 16 : i32
        %parallel_loop3A_178 = vector.broadcast %parallel_loop3A_177 : i32 to vector<16xi32>
        %parallel_loop3A_179 = arith.shli %parallel_loop3A_176, %parallel_loop3A_178 : vector<16xi32>
        %parallel_loop3A_180 = vector.bitcast %parallel_loop3A_179 : vector<16xi32> to vector<16xf32>
        %parallel_loop3A_181 = arith.constant -65536 : i32
        %parallel_loop3A_182 = vector.broadcast %parallel_loop3A_181 : i32 to vector<16xi32>
        %parallel_loop3A_183 = arith.andi %parallel_loop3A_176, %parallel_loop3A_182 : vector<16xi32>
        %parallel_loop3A_184 = vector.bitcast %parallel_loop3A_183 : vector<16xi32> to vector<16xf32>
        %parallel_loop3A_185 = arith.mulf %parallel_loop3A_175, %parallel_loop3A_180 : vector<16xf32>
        %parallel_loop3A_186 = arith.addf %parallel_loop3A_166, %parallel_loop3A_185 : vector<16xf32>
        %parallel_loop3A_187 = arith.mulf %parallel_loop3A_175, %parallel_loop3A_184 : vector<16xf32>
        %parallel_loop3A_188 = arith.addf %parallel_loop3A_168, %parallel_loop3A_187 : vector<16xf32>
        %parallel_loop3A_189 = arith.xori %parallel_loop3A_169, %parallel_loop3A_155 : vector<16xi32>
        %parallel_loop3A_190 = arith.constant 65535 : i32
        %parallel_loop3A_191 = vector.broadcast %parallel_loop3A_190 : i32 to vector<16xi32>
        %parallel_loop3A_192 = arith.andi %parallel_loop3A_189, %parallel_loop3A_191 : vector<16xi32>
        %parallel_loop3A_193 = arith.mulf %parallel_loop3A_170, %parallel_loop3A_134 : vector<16xf32>
        %parallel_loop3A_194 = tpu.vector_load_idx %arg7[%parallel_loop3A_192] : memref<65536xi32, #tpu.memory_space<vmem>>[vector<16xi32>], vector<16xi32>,
        %parallel_loop3A_195 = arith.constant 16 : i32
        %parallel_loop3A_196 = vector.broadcast %parallel_loop3A_195 : i32 to vector<16xi32>
        %parallel_loop3A_197 = arith.shli %parallel_loop3A_194, %parallel_loop3A_196 : vector<16xi32>
        %parallel_loop3A_198 = vector.bitcast %parallel_loop3A_197 : vector<16xi32> to vector<16xf32>
        %parallel_loop3A_199 = arith.constant -65536 : i32
        %parallel_loop3A_200 = vector.broadcast %parallel_loop3A_199 : i32 to vector<16xi32>
        %parallel_loop3A_201 = arith.andi %parallel_loop3A_194, %parallel_loop3A_200 : vector<16xi32>
        %parallel_loop3A_202 = vector.bitcast %parallel_loop3A_201 : vector<16xi32> to vector<16xf32>
        %parallel_loop3A_203 = arith.mulf %parallel_loop3A_193, %parallel_loop3A_198 : vector<16xf32>
        %parallel_loop3A_204 = arith.addf %parallel_loop3A_186, %parallel_loop3A_203 : vector<16xf32>
        %parallel_loop3A_205 = arith.mulf %parallel_loop3A_193, %parallel_loop3A_202 : vector<16xf32>
        %parallel_loop3A_206 = arith.addf %parallel_loop3A_188, %parallel_loop3A_205 : vector<16xf32>
        %parallel_loop3A_207 = arith.xori %parallel_loop3A_126, %parallel_loop3A_146 : vector<16xi32>
        %parallel_loop3A_208 = arith.mulf %parallel_loop3A_158, %parallel_loop3A_132 : vector<16xf32>
        %parallel_loop3A_209 = arith.xori %parallel_loop3A_207, %parallel_loop3A_149 : vector<16xi32>
        %parallel_loop3A_210 = arith.constant 65535 : i32
        %parallel_loop3A_211 = vector.broadcast %parallel_loop3A_210 : i32 to vector<16xi32>
        %parallel_loop3A_212 = arith.andi %parallel_loop3A_209, %parallel_loop3A_211 : vector<16xi32>
        %parallel_loop3A_213 = arith.mulf %parallel_loop3A_208, %parallel_loop3A_164 : vector<16xf32>
        %parallel_loop3A_214 = tpu.vector_load_idx %arg7[%parallel_loop3A_212] : memref<65536xi32, #tpu.memory_space<vmem>>[vector<16xi32>], vector<16xi32>,
        %parallel_loop3A_215 = arith.constant 16 : i32
        %parallel_loop3A_216 = vector.broadcast %parallel_loop3A_215 : i32 to vector<16xi32>
        %parallel_loop3A_217 = arith.shli %parallel_loop3A_214, %parallel_loop3A_216 : vector<16xi32>
        %parallel_loop3A_218 = vector.bitcast %parallel_loop3A_217 : vector<16xi32> to vector<16xf32>
        %parallel_loop3A_219 = arith.constant -65536 : i32
        %parallel_loop3A_220 = vector.broadcast %parallel_loop3A_219 : i32 to vector<16xi32>
        %parallel_loop3A_221 = arith.andi %parallel_loop3A_214, %parallel_loop3A_220 : vector<16xi32>
        %parallel_loop3A_222 = vector.bitcast %parallel_loop3A_221 : vector<16xi32> to vector<16xf32>
        %parallel_loop3A_223 = arith.mulf %parallel_loop3A_213, %parallel_loop3A_218 : vector<16xf32>
        %parallel_loop3A_224 = arith.addf %parallel_loop3A_204, %parallel_loop3A_223 : vector<16xf32>
        %parallel_loop3A_225 = arith.mulf %parallel_loop3A_213, %parallel_loop3A_222 : vector<16xf32>
        %parallel_loop3A_226 = arith.addf %parallel_loop3A_206, %parallel_loop3A_225 : vector<16xf32>
        %parallel_loop3A_227 = arith.xori %parallel_loop3A_207, %parallel_loop3A_155 : vector<16xi32>
        %parallel_loop3A_228 = arith.constant 65535 : i32
        %parallel_loop3A_229 = vector.broadcast %parallel_loop3A_228 : i32 to vector<16xi32>
        %parallel_loop3A_230 = arith.andi %parallel_loop3A_227, %parallel_loop3A_229 : vector<16xi32>
        %parallel_loop3A_231 = arith.mulf %parallel_loop3A_208, %parallel_loop3A_134 : vector<16xf32>
        %parallel_loop3A_232 = tpu.vector_load_idx %arg7[%parallel_loop3A_230] : memref<65536xi32, #tpu.memory_space<vmem>>[vector<16xi32>], vector<16xi32>,
        %parallel_loop3A_233 = arith.constant 16 : i32
        %parallel_loop3A_234 = vector.broadcast %parallel_loop3A_233 : i32 to vector<16xi32>
        %parallel_loop3A_235 = arith.shli %parallel_loop3A_232, %parallel_loop3A_234 : vector<16xi32>
        %parallel_loop3A_236 = vector.bitcast %parallel_loop3A_235 : vector<16xi32> to vector<16xf32>
        %parallel_loop3A_237 = arith.constant -65536 : i32
        %parallel_loop3A_238 = vector.broadcast %parallel_loop3A_237 : i32 to vector<16xi32>
        %parallel_loop3A_239 = arith.andi %parallel_loop3A_232, %parallel_loop3A_238 : vector<16xi32>
        %parallel_loop3A_240 = vector.bitcast %parallel_loop3A_239 : vector<16xi32> to vector<16xf32>
        %parallel_loop3A_241 = arith.mulf %parallel_loop3A_231, %parallel_loop3A_236 : vector<16xf32>
        %parallel_loop3A_242 = arith.addf %parallel_loop3A_224, %parallel_loop3A_241 : vector<16xf32>
        %parallel_loop3A_243 = arith.mulf %parallel_loop3A_231, %parallel_loop3A_240 : vector<16xf32>
        %parallel_loop3A_244 = arith.addf %parallel_loop3A_226, %parallel_loop3A_243 : vector<16xf32>
        %parallel_loop3A_245 = arith.xori %parallel_loop3A_137, %parallel_loop3A_140 : vector<16xi32>
        %parallel_loop3A_246 = arith.mulf %parallel_loop3A_130, %parallel_loop3A_161 : vector<16xf32>
        %parallel_loop3A_247 = arith.xori %parallel_loop3A_245, %parallel_loop3A_149 : vector<16xi32>
        %parallel_loop3A_248 = arith.constant 65535 : i32
        %parallel_loop3A_249 = vector.broadcast %parallel_loop3A_248 : i32 to vector<16xi32>
        %parallel_loop3A_250 = arith.andi %parallel_loop3A_247, %parallel_loop3A_249 : vector<16xi32>
        %parallel_loop3A_251 = arith.mulf %parallel_loop3A_246, %parallel_loop3A_164 : vector<16xf32>
        %parallel_loop3A_252 = tpu.vector_load_idx %arg7[%parallel_loop3A_250] : memref<65536xi32, #tpu.memory_space<vmem>>[vector<16xi32>], vector<16xi32>,
        %parallel_loop3A_253 = arith.constant 16 : i32
        %parallel_loop3A_254 = vector.broadcast %parallel_loop3A_253 : i32 to vector<16xi32>
        %parallel_loop3A_255 = arith.shli %parallel_loop3A_252, %parallel_loop3A_254 : vector<16xi32>
        %parallel_loop3A_256 = vector.bitcast %parallel_loop3A_255 : vector<16xi32> to vector<16xf32>
        %parallel_loop3A_257 = arith.constant -65536 : i32
        %parallel_loop3A_258 = vector.broadcast %parallel_loop3A_257 : i32 to vector<16xi32>
        %parallel_loop3A_259 = arith.andi %parallel_loop3A_252, %parallel_loop3A_258 : vector<16xi32>
        %parallel_loop3A_260 = vector.bitcast %parallel_loop3A_259 : vector<16xi32> to vector<16xf32>
        %parallel_loop3A_261 = arith.mulf %parallel_loop3A_251, %parallel_loop3A_256 : vector<16xf32>
        %parallel_loop3A_262 = arith.addf %parallel_loop3A_242, %parallel_loop3A_261 : vector<16xf32>
        %parallel_loop3A_263 = arith.mulf %parallel_loop3A_251, %parallel_loop3A_260 : vector<16xf32>
        %parallel_loop3A_264 = arith.addf %parallel_loop3A_244, %parallel_loop3A_263 : vector<16xf32>
        %parallel_loop3A_265 = arith.xori %parallel_loop3A_245, %parallel_loop3A_155 : vector<16xi32>
        %parallel_loop3A_266 = arith.constant 65535 : i32
        %parallel_loop3A_267 = vector.broadcast %parallel_loop3A_266 : i32 to vector<16xi32>
        %parallel_loop3A_268 = arith.andi %parallel_loop3A_265, %parallel_loop3A_267 : vector<16xi32>
        %parallel_loop3A_269 = arith.mulf %parallel_loop3A_246, %parallel_loop3A_134 : vector<16xf32>
        %parallel_loop3A_270 = tpu.vector_load_idx %arg7[%parallel_loop3A_268] : memref<65536xi32, #tpu.memory_space<vmem>>[vector<16xi32>], vector<16xi32>,
        %parallel_loop3A_271 = arith.constant 16 : i32
        %parallel_loop3A_272 = vector.broadcast %parallel_loop3A_271 : i32 to vector<16xi32>
        %parallel_loop3A_273 = arith.shli %parallel_loop3A_270, %parallel_loop3A_272 : vector<16xi32>
        %parallel_loop3A_274 = vector.bitcast %parallel_loop3A_273 : vector<16xi32> to vector<16xf32>
        %parallel_loop3A_275 = arith.constant -65536 : i32
        %parallel_loop3A_276 = vector.broadcast %parallel_loop3A_275 : i32 to vector<16xi32>
        %parallel_loop3A_277 = arith.andi %parallel_loop3A_270, %parallel_loop3A_276 : vector<16xi32>
        %parallel_loop3A_278 = vector.bitcast %parallel_loop3A_277 : vector<16xi32> to vector<16xf32>
        %parallel_loop3A_279 = arith.mulf %parallel_loop3A_269, %parallel_loop3A_274 : vector<16xf32>
        %parallel_loop3A_280 = arith.addf %parallel_loop3A_262, %parallel_loop3A_279 : vector<16xf32>
        %parallel_loop3A_281 = arith.mulf %parallel_loop3A_269, %parallel_loop3A_278 : vector<16xf32>
        %parallel_loop3A_282 = arith.addf %parallel_loop3A_264, %parallel_loop3A_281 : vector<16xf32>
        %parallel_loop3A_283 = arith.xori %parallel_loop3A_137, %parallel_loop3A_146 : vector<16xi32>
        %parallel_loop3A_284 = arith.mulf %parallel_loop3A_130, %parallel_loop3A_132 : vector<16xf32>
        %parallel_loop3A_285 = arith.xori %parallel_loop3A_283, %parallel_loop3A_149 : vector<16xi32>
        %parallel_loop3A_286 = arith.constant 65535 : i32
        %parallel_loop3A_287 = vector.broadcast %parallel_loop3A_286 : i32 to vector<16xi32>
        %parallel_loop3A_288 = arith.andi %parallel_loop3A_285, %parallel_loop3A_287 : vector<16xi32>
        %parallel_loop3A_289 = arith.mulf %parallel_loop3A_284, %parallel_loop3A_164 : vector<16xf32>
        %parallel_loop3A_290 = tpu.vector_load_idx %arg7[%parallel_loop3A_288] : memref<65536xi32, #tpu.memory_space<vmem>>[vector<16xi32>], vector<16xi32>,
        %parallel_loop3A_291 = arith.constant 16 : i32
        %parallel_loop3A_292 = vector.broadcast %parallel_loop3A_291 : i32 to vector<16xi32>
        %parallel_loop3A_293 = arith.shli %parallel_loop3A_290, %parallel_loop3A_292 : vector<16xi32>
        %parallel_loop3A_294 = vector.bitcast %parallel_loop3A_293 : vector<16xi32> to vector<16xf32>
        %parallel_loop3A_295 = arith.constant -65536 : i32
        %parallel_loop3A_296 = vector.broadcast %parallel_loop3A_295 : i32 to vector<16xi32>
        %parallel_loop3A_297 = arith.andi %parallel_loop3A_290, %parallel_loop3A_296 : vector<16xi32>
        %parallel_loop3A_298 = vector.bitcast %parallel_loop3A_297 : vector<16xi32> to vector<16xf32>
        %parallel_loop3A_299 = arith.mulf %parallel_loop3A_289, %parallel_loop3A_294 : vector<16xf32>
        %parallel_loop3A_300 = arith.addf %parallel_loop3A_280, %parallel_loop3A_299 : vector<16xf32>
        %parallel_loop3A_301 = arith.mulf %parallel_loop3A_289, %parallel_loop3A_298 : vector<16xf32>
        %parallel_loop3A_302 = arith.addf %parallel_loop3A_282, %parallel_loop3A_301 : vector<16xf32>
        %parallel_loop3A_303 = arith.xori %parallel_loop3A_283, %parallel_loop3A_155 : vector<16xi32>
        %parallel_loop3A_304 = arith.constant 65535 : i32
        %parallel_loop3A_305 = vector.broadcast %parallel_loop3A_304 : i32 to vector<16xi32>
        %parallel_loop3A_306 = arith.andi %parallel_loop3A_303, %parallel_loop3A_305 : vector<16xi32>
        %parallel_loop3A_307 = arith.mulf %parallel_loop3A_284, %parallel_loop3A_134 : vector<16xf32>
        %parallel_loop3A_308 = tpu.vector_load_idx %arg7[%parallel_loop3A_306] : memref<65536xi32, #tpu.memory_space<vmem>>[vector<16xi32>], vector<16xi32>,
        %parallel_loop3A_309 = arith.constant 16 : i32
        %parallel_loop3A_310 = vector.broadcast %parallel_loop3A_309 : i32 to vector<16xi32>
        %parallel_loop3A_311 = arith.shli %parallel_loop3A_308, %parallel_loop3A_310 : vector<16xi32>
        %parallel_loop3A_312 = vector.bitcast %parallel_loop3A_311 : vector<16xi32> to vector<16xf32>
        %parallel_loop3A_313 = arith.constant -65536 : i32
        %parallel_loop3A_314 = vector.broadcast %parallel_loop3A_313 : i32 to vector<16xi32>
        %parallel_loop3A_315 = arith.andi %parallel_loop3A_308, %parallel_loop3A_314 : vector<16xi32>
        %parallel_loop3A_316 = vector.bitcast %parallel_loop3A_315 : vector<16xi32> to vector<16xf32>
        %parallel_loop3A_317 = arith.mulf %parallel_loop3A_307, %parallel_loop3A_312 : vector<16xf32>
        %parallel_loop3A_318 = arith.addf %parallel_loop3A_300, %parallel_loop3A_317 : vector<16xf32>
        %parallel_loop3A_319 = arith.mulf %parallel_loop3A_307, %parallel_loop3A_316 : vector<16xf32>
        %parallel_loop3A_320 = arith.addf %parallel_loop3A_302, %parallel_loop3A_319 : vector<16xf32>
        %parallel_loop3A_321 = arith.index_cast %parallel_loop3A_112 : i32 to index
        %parallel_loop3A_322 = tpu.vector_load %arg9[%parallel_loop3A_321] {strides = array<i32>} : memref<4096xf32, #tpu.memory_space<vmem>>, vector<16xf32>,
        tpu.vector_store %arg9[%parallel_loop3A_321], %parallel_loop3A_318 {strides = array<i32>} : memref<4096xf32, #tpu.memory_space<vmem>>, vector<16xf32>,
        %parallel_loop3A_323 = arith.constant 2048 : i32
        %parallel_loop3A_324 = arith.addi %parallel_loop3A_323, %parallel_loop3A_112 : i32
        %parallel_loop3A_325 = arith.index_cast %parallel_loop3A_324 : i32 to index
        %parallel_loop3A_326 = tpu.vector_load %arg9[%parallel_loop3A_325] {strides = array<i32>} : memref<4096xf32, #tpu.memory_space<vmem>>, vector<16xf32>,
        tpu.vector_store %arg9[%parallel_loop3A_325], %parallel_loop3A_320 {strides = array<i32>} : memref<4096xf32, #tpu.memory_space<vmem>>, vector<16xf32>,
      } {sc.loop_unroll_factor = 2 : i64, sc.parallel_access}
      %mul3A_106 = arith.constant 192 : i32
      %mul3A_107 = arith.muli %scan3A_95, %mul3A_106 : i32
      %add3A_108 = arith.addi %mul3A_107, %mul3A_18 : i32
      %mul3A_109 = arith.constant 2048 : i32
      %mul3A_110 = arith.muli %add3A_108, %mul3A_109 : i32
      "tpu.region"() ({
        %run_scoped3A = tpu.sem_alloc : memref<!tpu.dma_semaphore, #tpu.memory_space<semaphore_mem>>
        %dma_start3A = tpu.memref_slice %arg6[%mul3A_110] : memref<3932160xf32, #tpu.memory_space<hbm>> -> memref<4096xf32, #tpu.memory_space<hbm>>
        %dma_start3A_112 = tpu.memref_slice %arg6[%mul3A_110] : memref<3932160xf32, #tpu.memory_space<hbm>> -> memref<4096xf32, #tpu.memory_space<hbm>>
        tpu.enqueue_dma source(%arg9 : memref<4096xf32, #tpu.memory_space<vmem>>) target(%dma_start3A_112 : memref<4096xf32, #tpu.memory_space<hbm>>) target_semaphore(%run_scoped3A : memref<!tpu.dma_semaphore, #tpu.memory_space<semaphore_mem>>)
        %dma_wait3A = tpu.memref_slice %arg6[%mul3A_110] : memref<3932160xf32, #tpu.memory_space<hbm>> -> memref<4096xf32, #tpu.memory_space<hbm>>
        %dma_wait3A_113 = tpu.memref_slice %arg6[%mul3A_110] : memref<3932160xf32, #tpu.memory_space<hbm>> -> memref<4096xf32, #tpu.memory_space<hbm>>
        tpu.wait_dma2 semaphore(%run_scoped3A : memref<!tpu.dma_semaphore, #tpu.memory_space<semaphore_mem>>) src(%arg9 : memref<4096xf32, #tpu.memory_space<vmem>>) dst(%dma_wait3A_113 : memref<4096xf32, #tpu.memory_space<hbm>>)
        tpu.yield
      }) : () -> ()
      %scan3A_111 = arith.constant 0 : i32
      scf.yield %scan3A_111 : i32
    }
    %scan3A_24 = arith.constant 10 : i32
    %mul3A_25 = arith.constant 3 : i32
    %mul3A_26 = arith.muli %add3A, %mul3A_25 : i32
    %add3A_27 = arith.constant 1 : i32
    %add3A_28 = arith.addi %mul3A_26, %add3A_27 : i32
    %lt3A_29 = arith.constant 24 : i32
    %lt3A_30 = arith.cmpi slt, %add3A_28, %lt3A_29 : i32
    %sub3A_31 = arith.constant 24 : i32
    %sub3A_32 = arith.subi %add3A_28, %sub3A_31 : i32
    %rem3A_33 = arith.constant 3 : i32
    %rem3A_34 = arith.remsi %sub3A_32, %rem3A_33 : i32
    %add3A_35 = arith.constant 1 : i32
    %add3A_36 = arith.addi %add3A_35, %rem3A_34 : i32
    %jit3A_37 = arith.constant 0 : i32
    %select_n3A_38 = arith.select %lt3A_30, %jit3A_37, %add3A_36 : i32
    %lt3A_39 = arith.constant 24 : i32
    %lt3A_40 = arith.cmpi slt, %add3A_28, %lt3A_39 : i32
    %convert_element_type3A_41 = arith.extui %lt3A_40 : i1 to i32
    %cond3A_42 = arith.constant 0 : i32
    %cond3A_43 = arith.cmpi ne, %convert_element_type3A_41, %cond3A_42 : i32
    scf.if %cond3A_43 {
      %mul3A_95 = arith.constant 65536 : i32
      %mul3A_96 = arith.muli %add3A_28, %mul3A_95 : i32
      "tpu.region"() ({
        %run_scoped3A = tpu.sem_alloc : memref<!tpu.dma_semaphore, #tpu.memory_space<semaphore_mem>>
        %dma_start3A = tpu.memref_slice %arg2[%mul3A_96] : memref<1572864xi32, #tpu.memory_space<hbm>> -> memref<65536xi32, #tpu.memory_space<hbm>>
        %dma_start3A_97 = tpu.memref_slice %arg2[%mul3A_96] : memref<1572864xi32, #tpu.memory_space<hbm>> -> memref<65536xi32, #tpu.memory_space<hbm>>
        tpu.enqueue_dma source(%dma_start3A_97 : memref<65536xi32, #tpu.memory_space<hbm>>) target(%arg7 : memref<65536xi32, #tpu.memory_space<vmem>>) target_semaphore(%run_scoped3A : memref<!tpu.dma_semaphore, #tpu.memory_space<semaphore_mem>>)
        %dma_wait3A = tpu.memref_slice %arg2[%mul3A_96] : memref<1572864xi32, #tpu.memory_space<hbm>> -> memref<65536xi32, #tpu.memory_space<hbm>>
        %dma_wait3A_98 = tpu.memref_slice %arg2[%mul3A_96] : memref<1572864xi32, #tpu.memory_space<hbm>> -> memref<65536xi32, #tpu.memory_space<hbm>>
        tpu.wait_dma2 semaphore(%run_scoped3A : memref<!tpu.dma_semaphore, #tpu.memory_space<semaphore_mem>>) src(%dma_wait3A_98 : memref<65536xi32, #tpu.memory_space<hbm>>) dst(%arg7 : memref<65536xi32, #tpu.memory_space<vmem>>)
        tpu.yield
      }) : () -> ()
    } else {
    }
    %ge3A_44 = arith.constant 24 : i32
    %ge3A_45 = arith.cmpi sge, %add3A_28, %ge3A_44 : i32
    %convert_element_type3A_46 = arith.extui %ge3A_45 : i1 to i32
    %cond3A_47 = arith.constant 0 : i32
    %cond3A_48 = arith.cmpi ne, %convert_element_type3A_46, %cond3A_47 : i32
    scf.if %cond3A_48 {
      %sub3A_95 = arith.constant 24 : i32
      %sub3A_96 = arith.subi %add3A_28, %sub3A_95 : i32
      %mul3A_97 = arith.constant 65536 : i32
      %mul3A_98 = arith.muli %sub3A_96, %mul3A_97 : i32
      "tpu.region"() ({
        %run_scoped3A = tpu.sem_alloc : memref<!tpu.dma_semaphore, #tpu.memory_space<semaphore_mem>>
        %dma_start3A = tpu.memref_slice %arg3[%mul3A_98] : memref<4718592xi32, #tpu.memory_space<hbm>> -> memref<65536xi32, #tpu.memory_space<hbm>>
        %dma_start3A_99 = tpu.memref_slice %arg3[%mul3A_98] : memref<4718592xi32, #tpu.memory_space<hbm>> -> memref<65536xi32, #tpu.memory_space<hbm>>
        tpu.enqueue_dma source(%dma_start3A_99 : memref<65536xi32, #tpu.memory_space<hbm>>) target(%arg7 : memref<65536xi32, #tpu.memory_space<vmem>>) target_semaphore(%run_scoped3A : memref<!tpu.dma_semaphore, #tpu.memory_space<semaphore_mem>>)
        %dma_wait3A = tpu.memref_slice %arg3[%mul3A_98] : memref<4718592xi32, #tpu.memory_space<hbm>> -> memref<65536xi32, #tpu.memory_space<hbm>>
        %dma_wait3A_100 = tpu.memref_slice %arg3[%mul3A_98] : memref<4718592xi32, #tpu.memory_space<hbm>> -> memref<65536xi32, #tpu.memory_space<hbm>>
        tpu.wait_dma2 semaphore(%run_scoped3A : memref<!tpu.dma_semaphore, #tpu.memory_space<semaphore_mem>>) src(%dma_wait3A_100 : memref<65536xi32, #tpu.memory_space<hbm>>) dst(%arg7 : memref<65536xi32, #tpu.memory_space<vmem>>)
        tpu.yield
      }) : () -> ()
    } else {
    }
    %broadcast_in_dim3A_49 = vector.broadcast %add3A_28 : i32 to vector<16xi32>
    %gather3A_50 = tpu.vector_load_idx %arg10[%broadcast_in_dim3A_49] : memref<96xf32, #tpu.memory_space<vmem>>[vector<16xi32>], vector<16xf32>,
    %mul3A_51 = arith.constant 2 : i32
    %mul3A_52 = arith.muli %add3A_28, %mul3A_51 : i32
    %scan3A_53 = arith.constant 0 : i32
    %scan3A_54 = arith.constant 0 : i32
    %scan3A_55 = arith.constant 10 : i32
    %scan3A_56 = arith.addi %scan3A_54, %scan3A_55 : i32
    %scan3A_57 = arith.constant 1 : i32
    %scan3A_58 = scf.for %scan3A_95 = %scan3A_54 to %scan3A_56 step %scan3A_57 iter_args(%scan3A_96 = %scan3A_53) -> (i32)  : i32 {
      %mul3A_97 = arith.constant 10 : i32
      %mul3A_98 = arith.muli %select_n3A_38, %mul3A_97 : i32
      %add3A_99 = arith.addi %mul3A_98, %scan3A_95 : i32
      %mul3A_100 = arith.constant 3 : i32
      %mul3A_101 = arith.muli %add3A_99, %mul3A_100 : i32
      %mul3A_102 = arith.constant 2048 : i32
      %mul3A_103 = arith.muli %mul3A_101, %mul3A_102 : i32
      "tpu.region"() ({
        %run_scoped3A = tpu.sem_alloc : memref<!tpu.dma_semaphore, #tpu.memory_space<semaphore_mem>>
        %dma_start3A = tpu.memref_slice %arg4[%mul3A_103] : memref<245760xf32, #tpu.memory_space<hbm>> -> memref<6144xf32, #tpu.memory_space<hbm>>
        %dma_start3A_112 = tpu.memref_slice %arg4[%mul3A_103] : memref<245760xf32, #tpu.memory_space<hbm>> -> memref<6144xf32, #tpu.memory_space<hbm>>
        tpu.enqueue_dma source(%dma_start3A_112 : memref<6144xf32, #tpu.memory_space<hbm>>) target(%arg8 : memref<6144xf32, #tpu.memory_space<vmem>>) target_semaphore(%run_scoped3A : memref<!tpu.dma_semaphore, #tpu.memory_space<semaphore_mem>>)
        %dma_wait3A = tpu.memref_slice %arg4[%mul3A_103] : memref<245760xf32, #tpu.memory_space<hbm>> -> memref<6144xf32, #tpu.memory_space<hbm>>
        %dma_wait3A_113 = tpu.memref_slice %arg4[%mul3A_103] : memref<245760xf32, #tpu.memory_space<hbm>> -> memref<6144xf32, #tpu.memory_space<hbm>>
        tpu.wait_dma2 semaphore(%run_scoped3A : memref<!tpu.dma_semaphore, #tpu.memory_space<semaphore_mem>>) src(%dma_wait3A_113 : memref<6144xf32, #tpu.memory_space<hbm>>) dst(%arg8 : memref<6144xf32, #tpu.memory_space<vmem>>)
        tpu.yield
      }) : () -> ()
      %parallel_loop3A = arith.constant 0 : i32
      %parallel_loop3A_104 = arith.constant 2048 : i32
      %parallel_loop3A_105 = arith.constant 16 : i32
      scf.for %parallel_loop3A_112 = %parallel_loop3A to %parallel_loop3A_104 step %parallel_loop3A_105  : i32 {
        %parallel_loop3A_113 = arith.index_cast %parallel_loop3A_112 : i32 to index
        %parallel_loop3A_114 = tpu.vector_load %arg8[%parallel_loop3A_113] {strides = array<i32>} : memref<6144xf32, #tpu.memory_space<vmem>>, vector<16xf32>,
        %parallel_loop3A_115 = arith.mulf %parallel_loop3A_114, %gather3A_50 : vector<16xf32>
        %parallel_loop3A_116 = arith.constant 2048 : i32
        %parallel_loop3A_117 = arith.addi %parallel_loop3A_116, %parallel_loop3A_112 : i32
        %parallel_loop3A_118 = arith.index_cast %parallel_loop3A_117 : i32 to index
        %parallel_loop3A_119 = tpu.vector_load %arg8[%parallel_loop3A_118] {strides = array<i32>} : memref<6144xf32, #tpu.memory_space<vmem>>, vector<16xf32>,
        %parallel_loop3A_120 = arith.mulf %parallel_loop3A_119, %gather3A_50 : vector<16xf32>
        %parallel_loop3A_121 = arith.constant 4096 : i32
        %parallel_loop3A_122 = arith.addi %parallel_loop3A_121, %parallel_loop3A_112 : i32
        %parallel_loop3A_123 = arith.index_cast %parallel_loop3A_122 : i32 to index
        %parallel_loop3A_124 = tpu.vector_load %arg8[%parallel_loop3A_123] {strides = array<i32>} : memref<6144xf32, #tpu.memory_space<vmem>>, vector<16xf32>,
        %parallel_loop3A_125 = arith.mulf %parallel_loop3A_124, %gather3A_50 : vector<16xf32>
        %parallel_loop3A_126 = arith.fptosi %parallel_loop3A_115 : vector<16xf32> to vector<16xi32>
        %parallel_loop3A_127 = arith.fptosi %parallel_loop3A_120 : vector<16xf32> to vector<16xi32>
        %parallel_loop3A_128 = arith.fptosi %parallel_loop3A_125 : vector<16xf32> to vector<16xi32>
        %parallel_loop3A_129 = arith.sitofp %parallel_loop3A_126 : vector<16xi32> to vector<16xf32>
        %parallel_loop3A_130 = arith.subf %parallel_loop3A_115, %parallel_loop3A_129 : vector<16xf32>
        %parallel_loop3A_131 = arith.sitofp %parallel_loop3A_127 : vector<16xi32> to vector<16xf32>
        %parallel_loop3A_132 = arith.subf %parallel_loop3A_120, %parallel_loop3A_131 : vector<16xf32>
        %parallel_loop3A_133 = arith.sitofp %parallel_loop3A_128 : vector<16xi32> to vector<16xf32>
        %parallel_loop3A_134 = arith.subf %parallel_loop3A_125, %parallel_loop3A_133 : vector<16xf32>
        %parallel_loop3A_135 = arith.constant 1 : i32
        %parallel_loop3A_136 = vector.broadcast %parallel_loop3A_135 : i32 to vector<16xi32>
        %parallel_loop3A_137 = arith.addi %parallel_loop3A_126, %parallel_loop3A_136 : vector<16xi32>
        %parallel_loop3A_138 = arith.constant -1640531535 : i32
        %parallel_loop3A_139 = vector.broadcast %parallel_loop3A_138 : i32 to vector<16xi32>
        %parallel_loop3A_140 = arith.muli %parallel_loop3A_127, %parallel_loop3A_139 : vector<16xi32>
        %parallel_loop3A_141 = arith.constant -1640531535 : i32
        %parallel_loop3A_142 = vector.broadcast %parallel_loop3A_141 : i32 to vector<16xi32>
        %parallel_loop3A_143 = arith.muli %parallel_loop3A_127, %parallel_loop3A_142 : vector<16xi32>
        %parallel_loop3A_144 = arith.constant -1640531535 : i32
        %parallel_loop3A_145 = vector.broadcast %parallel_loop3A_144 : i32 to vector<16xi32>
        %parallel_loop3A_146 = arith.addi %parallel_loop3A_143, %parallel_loop3A_145 : vector<16xi32>
        %parallel_loop3A_147 = arith.constant 805459861 : i32
        %parallel_loop3A_148 = vector.broadcast %parallel_loop3A_147 : i32 to vector<16xi32>
        %parallel_loop3A_149 = arith.muli %parallel_loop3A_128, %parallel_loop3A_148 : vector<16xi32>
        %parallel_loop3A_150 = arith.constant 805459861 : i32
        %parallel_loop3A_151 = vector.broadcast %parallel_loop3A_150 : i32 to vector<16xi32>
        %parallel_loop3A_152 = arith.muli %parallel_loop3A_128, %parallel_loop3A_151 : vector<16xi32>
        %parallel_loop3A_153 = arith.constant 805459861 : i32
        %parallel_loop3A_154 = vector.broadcast %parallel_loop3A_153 : i32 to vector<16xi32>
        %parallel_loop3A_155 = arith.addi %parallel_loop3A_152, %parallel_loop3A_154 : vector<16xi32>
        %parallel_loop3A_156 = arith.constant 1.000000e+00 : f32
        %parallel_loop3A_157 = vector.broadcast %parallel_loop3A_156 : f32 to vector<16xf32>
        %parallel_loop3A_158 = arith.subf %parallel_loop3A_157, %parallel_loop3A_130 : vector<16xf32>
        %parallel_loop3A_159 = arith.constant 1.000000e+00 : f32
        %parallel_loop3A_160 = vector.broadcast %parallel_loop3A_159 : f32 to vector<16xf32>
        %parallel_loop3A_161 = arith.subf %parallel_loop3A_160, %parallel_loop3A_132 : vector<16xf32>
        %parallel_loop3A_162 = arith.constant 1.000000e+00 : f32
        %parallel_loop3A_163 = vector.broadcast %parallel_loop3A_162 : f32 to vector<16xf32>
        %parallel_loop3A_164 = arith.subf %parallel_loop3A_163, %parallel_loop3A_134 : vector<16xf32>
        %parallel_loop3A_165 = arith.constant 0.000000e+00 : f32
        %parallel_loop3A_166 = vector.broadcast %parallel_loop3A_165 : f32 to vector<16xf32>
        %parallel_loop3A_167 = arith.constant 0.000000e+00 : f32
        %parallel_loop3A_168 = vector.broadcast %parallel_loop3A_167 : f32 to vector<16xf32>
        %parallel_loop3A_169 = arith.xori %parallel_loop3A_126, %parallel_loop3A_140 : vector<16xi32>
        %parallel_loop3A_170 = arith.mulf %parallel_loop3A_158, %parallel_loop3A_161 : vector<16xf32>
        %parallel_loop3A_171 = arith.xori %parallel_loop3A_169, %parallel_loop3A_149 : vector<16xi32>
        %parallel_loop3A_172 = arith.constant 65535 : i32
        %parallel_loop3A_173 = vector.broadcast %parallel_loop3A_172 : i32 to vector<16xi32>
        %parallel_loop3A_174 = arith.andi %parallel_loop3A_171, %parallel_loop3A_173 : vector<16xi32>
        %parallel_loop3A_175 = arith.mulf %parallel_loop3A_170, %parallel_loop3A_164 : vector<16xf32>
        %parallel_loop3A_176 = tpu.vector_load_idx %arg7[%parallel_loop3A_174] : memref<65536xi32, #tpu.memory_space<vmem>>[vector<16xi32>], vector<16xi32>,
        %parallel_loop3A_177 = arith.constant 16 : i32
        %parallel_loop3A_178 = vector.broadcast %parallel_loop3A_177 : i32 to vector<16xi32>
        %parallel_loop3A_179 = arith.shli %parallel_loop3A_176, %parallel_loop3A_178 : vector<16xi32>
        %parallel_loop3A_180 = vector.bitcast %parallel_loop3A_179 : vector<16xi32> to vector<16xf32>
        %parallel_loop3A_181 = arith.constant -65536 : i32
        %parallel_loop3A_182 = vector.broadcast %parallel_loop3A_181 : i32 to vector<16xi32>
        %parallel_loop3A_183 = arith.andi %parallel_loop3A_176, %parallel_loop3A_182 : vector<16xi32>
        %parallel_loop3A_184 = vector.bitcast %parallel_loop3A_183 : vector<16xi32> to vector<16xf32>
        %parallel_loop3A_185 = arith.mulf %parallel_loop3A_175, %parallel_loop3A_180 : vector<16xf32>
        %parallel_loop3A_186 = arith.addf %parallel_loop3A_166, %parallel_loop3A_185 : vector<16xf32>
        %parallel_loop3A_187 = arith.mulf %parallel_loop3A_175, %parallel_loop3A_184 : vector<16xf32>
        %parallel_loop3A_188 = arith.addf %parallel_loop3A_168, %parallel_loop3A_187 : vector<16xf32>
        %parallel_loop3A_189 = arith.xori %parallel_loop3A_169, %parallel_loop3A_155 : vector<16xi32>
        %parallel_loop3A_190 = arith.constant 65535 : i32
        %parallel_loop3A_191 = vector.broadcast %parallel_loop3A_190 : i32 to vector<16xi32>
        %parallel_loop3A_192 = arith.andi %parallel_loop3A_189, %parallel_loop3A_191 : vector<16xi32>
        %parallel_loop3A_193 = arith.mulf %parallel_loop3A_170, %parallel_loop3A_134 : vector<16xf32>
        %parallel_loop3A_194 = tpu.vector_load_idx %arg7[%parallel_loop3A_192] : memref<65536xi32, #tpu.memory_space<vmem>>[vector<16xi32>], vector<16xi32>,
        %parallel_loop3A_195 = arith.constant 16 : i32
        %parallel_loop3A_196 = vector.broadcast %parallel_loop3A_195 : i32 to vector<16xi32>
        %parallel_loop3A_197 = arith.shli %parallel_loop3A_194, %parallel_loop3A_196 : vector<16xi32>
        %parallel_loop3A_198 = vector.bitcast %parallel_loop3A_197 : vector<16xi32> to vector<16xf32>
        %parallel_loop3A_199 = arith.constant -65536 : i32
        %parallel_loop3A_200 = vector.broadcast %parallel_loop3A_199 : i32 to vector<16xi32>
        %parallel_loop3A_201 = arith.andi %parallel_loop3A_194, %parallel_loop3A_200 : vector<16xi32>
        %parallel_loop3A_202 = vector.bitcast %parallel_loop3A_201 : vector<16xi32> to vector<16xf32>
        %parallel_loop3A_203 = arith.mulf %parallel_loop3A_193, %parallel_loop3A_198 : vector<16xf32>
        %parallel_loop3A_204 = arith.addf %parallel_loop3A_186, %parallel_loop3A_203 : vector<16xf32>
        %parallel_loop3A_205 = arith.mulf %parallel_loop3A_193, %parallel_loop3A_202 : vector<16xf32>
        %parallel_loop3A_206 = arith.addf %parallel_loop3A_188, %parallel_loop3A_205 : vector<16xf32>
        %parallel_loop3A_207 = arith.xori %parallel_loop3A_126, %parallel_loop3A_146 : vector<16xi32>
        %parallel_loop3A_208 = arith.mulf %parallel_loop3A_158, %parallel_loop3A_132 : vector<16xf32>
        %parallel_loop3A_209 = arith.xori %parallel_loop3A_207, %parallel_loop3A_149 : vector<16xi32>
        %parallel_loop3A_210 = arith.constant 65535 : i32
        %parallel_loop3A_211 = vector.broadcast %parallel_loop3A_210 : i32 to vector<16xi32>
        %parallel_loop3A_212 = arith.andi %parallel_loop3A_209, %parallel_loop3A_211 : vector<16xi32>
        %parallel_loop3A_213 = arith.mulf %parallel_loop3A_208, %parallel_loop3A_164 : vector<16xf32>
        %parallel_loop3A_214 = tpu.vector_load_idx %arg7[%parallel_loop3A_212] : memref<65536xi32, #tpu.memory_space<vmem>>[vector<16xi32>], vector<16xi32>,
        %parallel_loop3A_215 = arith.constant 16 : i32
        %parallel_loop3A_216 = vector.broadcast %parallel_loop3A_215 : i32 to vector<16xi32>
        %parallel_loop3A_217 = arith.shli %parallel_loop3A_214, %parallel_loop3A_216 : vector<16xi32>
        %parallel_loop3A_218 = vector.bitcast %parallel_loop3A_217 : vector<16xi32> to vector<16xf32>
        %parallel_loop3A_219 = arith.constant -65536 : i32
        %parallel_loop3A_220 = vector.broadcast %parallel_loop3A_219 : i32 to vector<16xi32>
        %parallel_loop3A_221 = arith.andi %parallel_loop3A_214, %parallel_loop3A_220 : vector<16xi32>
        %parallel_loop3A_222 = vector.bitcast %parallel_loop3A_221 : vector<16xi32> to vector<16xf32>
        %parallel_loop3A_223 = arith.mulf %parallel_loop3A_213, %parallel_loop3A_218 : vector<16xf32>
        %parallel_loop3A_224 = arith.addf %parallel_loop3A_204, %parallel_loop3A_223 : vector<16xf32>
        %parallel_loop3A_225 = arith.mulf %parallel_loop3A_213, %parallel_loop3A_222 : vector<16xf32>
        %parallel_loop3A_226 = arith.addf %parallel_loop3A_206, %parallel_loop3A_225 : vector<16xf32>
        %parallel_loop3A_227 = arith.xori %parallel_loop3A_207, %parallel_loop3A_155 : vector<16xi32>
        %parallel_loop3A_228 = arith.constant 65535 : i32
        %parallel_loop3A_229 = vector.broadcast %parallel_loop3A_228 : i32 to vector<16xi32>
        %parallel_loop3A_230 = arith.andi %parallel_loop3A_227, %parallel_loop3A_229 : vector<16xi32>
        %parallel_loop3A_231 = arith.mulf %parallel_loop3A_208, %parallel_loop3A_134 : vector<16xf32>
        %parallel_loop3A_232 = tpu.vector_load_idx %arg7[%parallel_loop3A_230] : memref<65536xi32, #tpu.memory_space<vmem>>[vector<16xi32>], vector<16xi32>,
        %parallel_loop3A_233 = arith.constant 16 : i32
        %parallel_loop3A_234 = vector.broadcast %parallel_loop3A_233 : i32 to vector<16xi32>
        %parallel_loop3A_235 = arith.shli %parallel_loop3A_232, %parallel_loop3A_234 : vector<16xi32>
        %parallel_loop3A_236 = vector.bitcast %parallel_loop3A_235 : vector<16xi32> to vector<16xf32>
        %parallel_loop3A_237 = arith.constant -65536 : i32
        %parallel_loop3A_238 = vector.broadcast %parallel_loop3A_237 : i32 to vector<16xi32>
        %parallel_loop3A_239 = arith.andi %parallel_loop3A_232, %parallel_loop3A_238 : vector<16xi32>
        %parallel_loop3A_240 = vector.bitcast %parallel_loop3A_239 : vector<16xi32> to vector<16xf32>
        %parallel_loop3A_241 = arith.mulf %parallel_loop3A_231, %parallel_loop3A_236 : vector<16xf32>
        %parallel_loop3A_242 = arith.addf %parallel_loop3A_224, %parallel_loop3A_241 : vector<16xf32>
        %parallel_loop3A_243 = arith.mulf %parallel_loop3A_231, %parallel_loop3A_240 : vector<16xf32>
        %parallel_loop3A_244 = arith.addf %parallel_loop3A_226, %parallel_loop3A_243 : vector<16xf32>
        %parallel_loop3A_245 = arith.xori %parallel_loop3A_137, %parallel_loop3A_140 : vector<16xi32>
        %parallel_loop3A_246 = arith.mulf %parallel_loop3A_130, %parallel_loop3A_161 : vector<16xf32>
        %parallel_loop3A_247 = arith.xori %parallel_loop3A_245, %parallel_loop3A_149 : vector<16xi32>
        %parallel_loop3A_248 = arith.constant 65535 : i32
        %parallel_loop3A_249 = vector.broadcast %parallel_loop3A_248 : i32 to vector<16xi32>
        %parallel_loop3A_250 = arith.andi %parallel_loop3A_247, %parallel_loop3A_249 : vector<16xi32>
        %parallel_loop3A_251 = arith.mulf %parallel_loop3A_246, %parallel_loop3A_164 : vector<16xf32>
        %parallel_loop3A_252 = tpu.vector_load_idx %arg7[%parallel_loop3A_250] : memref<65536xi32, #tpu.memory_space<vmem>>[vector<16xi32>], vector<16xi32>,
        %parallel_loop3A_253 = arith.constant 16 : i32
        %parallel_loop3A_254 = vector.broadcast %parallel_loop3A_253 : i32 to vector<16xi32>
        %parallel_loop3A_255 = arith.shli %parallel_loop3A_252, %parallel_loop3A_254 : vector<16xi32>
        %parallel_loop3A_256 = vector.bitcast %parallel_loop3A_255 : vector<16xi32> to vector<16xf32>
        %parallel_loop3A_257 = arith.constant -65536 : i32
        %parallel_loop3A_258 = vector.broadcast %parallel_loop3A_257 : i32 to vector<16xi32>
        %parallel_loop3A_259 = arith.andi %parallel_loop3A_252, %parallel_loop3A_258 : vector<16xi32>
        %parallel_loop3A_260 = vector.bitcast %parallel_loop3A_259 : vector<16xi32> to vector<16xf32>
        %parallel_loop3A_261 = arith.mulf %parallel_loop3A_251, %parallel_loop3A_256 : vector<16xf32>
        %parallel_loop3A_262 = arith.addf %parallel_loop3A_242, %parallel_loop3A_261 : vector<16xf32>
        %parallel_loop3A_263 = arith.mulf %parallel_loop3A_251, %parallel_loop3A_260 : vector<16xf32>
        %parallel_loop3A_264 = arith.addf %parallel_loop3A_244, %parallel_loop3A_263 : vector<16xf32>
        %parallel_loop3A_265 = arith.xori %parallel_loop3A_245, %parallel_loop3A_155 : vector<16xi32>
        %parallel_loop3A_266 = arith.constant 65535 : i32
        %parallel_loop3A_267 = vector.broadcast %parallel_loop3A_266 : i32 to vector<16xi32>
        %parallel_loop3A_268 = arith.andi %parallel_loop3A_265, %parallel_loop3A_267 : vector<16xi32>
        %parallel_loop3A_269 = arith.mulf %parallel_loop3A_246, %parallel_loop3A_134 : vector<16xf32>
        %parallel_loop3A_270 = tpu.vector_load_idx %arg7[%parallel_loop3A_268] : memref<65536xi32, #tpu.memory_space<vmem>>[vector<16xi32>], vector<16xi32>,
        %parallel_loop3A_271 = arith.constant 16 : i32
        %parallel_loop3A_272 = vector.broadcast %parallel_loop3A_271 : i32 to vector<16xi32>
        %parallel_loop3A_273 = arith.shli %parallel_loop3A_270, %parallel_loop3A_272 : vector<16xi32>
        %parallel_loop3A_274 = vector.bitcast %parallel_loop3A_273 : vector<16xi32> to vector<16xf32>
        %parallel_loop3A_275 = arith.constant -65536 : i32
        %parallel_loop3A_276 = vector.broadcast %parallel_loop3A_275 : i32 to vector<16xi32>
        %parallel_loop3A_277 = arith.andi %parallel_loop3A_270, %parallel_loop3A_276 : vector<16xi32>
        %parallel_loop3A_278 = vector.bitcast %parallel_loop3A_277 : vector<16xi32> to vector<16xf32>
        %parallel_loop3A_279 = arith.mulf %parallel_loop3A_269, %parallel_loop3A_274 : vector<16xf32>
        %parallel_loop3A_280 = arith.addf %parallel_loop3A_262, %parallel_loop3A_279 : vector<16xf32>
        %parallel_loop3A_281 = arith.mulf %parallel_loop3A_269, %parallel_loop3A_278 : vector<16xf32>
        %parallel_loop3A_282 = arith.addf %parallel_loop3A_264, %parallel_loop3A_281 : vector<16xf32>
        %parallel_loop3A_283 = arith.xori %parallel_loop3A_137, %parallel_loop3A_146 : vector<16xi32>
        %parallel_loop3A_284 = arith.mulf %parallel_loop3A_130, %parallel_loop3A_132 : vector<16xf32>
        %parallel_loop3A_285 = arith.xori %parallel_loop3A_283, %parallel_loop3A_149 : vector<16xi32>
        %parallel_loop3A_286 = arith.constant 65535 : i32
        %parallel_loop3A_287 = vector.broadcast %parallel_loop3A_286 : i32 to vector<16xi32>
        %parallel_loop3A_288 = arith.andi %parallel_loop3A_285, %parallel_loop3A_287 : vector<16xi32>
        %parallel_loop3A_289 = arith.mulf %parallel_loop3A_284, %parallel_loop3A_164 : vector<16xf32>
        %parallel_loop3A_290 = tpu.vector_load_idx %arg7[%parallel_loop3A_288] : memref<65536xi32, #tpu.memory_space<vmem>>[vector<16xi32>], vector<16xi32>,
        %parallel_loop3A_291 = arith.constant 16 : i32
        %parallel_loop3A_292 = vector.broadcast %parallel_loop3A_291 : i32 to vector<16xi32>
        %parallel_loop3A_293 = arith.shli %parallel_loop3A_290, %parallel_loop3A_292 : vector<16xi32>
        %parallel_loop3A_294 = vector.bitcast %parallel_loop3A_293 : vector<16xi32> to vector<16xf32>
        %parallel_loop3A_295 = arith.constant -65536 : i32
        %parallel_loop3A_296 = vector.broadcast %parallel_loop3A_295 : i32 to vector<16xi32>
        %parallel_loop3A_297 = arith.andi %parallel_loop3A_290, %parallel_loop3A_296 : vector<16xi32>
        %parallel_loop3A_298 = vector.bitcast %parallel_loop3A_297 : vector<16xi32> to vector<16xf32>
        %parallel_loop3A_299 = arith.mulf %parallel_loop3A_289, %parallel_loop3A_294 : vector<16xf32>
        %parallel_loop3A_300 = arith.addf %parallel_loop3A_280, %parallel_loop3A_299 : vector<16xf32>
        %parallel_loop3A_301 = arith.mulf %parallel_loop3A_289, %parallel_loop3A_298 : vector<16xf32>
        %parallel_loop3A_302 = arith.addf %parallel_loop3A_282, %parallel_loop3A_301 : vector<16xf32>
        %parallel_loop3A_303 = arith.xori %parallel_loop3A_283, %parallel_loop3A_155 : vector<16xi32>
        %parallel_loop3A_304 = arith.constant 65535 : i32
        %parallel_loop3A_305 = vector.broadcast %parallel_loop3A_304 : i32 to vector<16xi32>
        %parallel_loop3A_306 = arith.andi %parallel_loop3A_303, %parallel_loop3A_305 : vector<16xi32>
        %parallel_loop3A_307 = arith.mulf %parallel_loop3A_284, %parallel_loop3A_134 : vector<16xf32>
        %parallel_loop3A_308 = tpu.vector_load_idx %arg7[%parallel_loop3A_306] : memref<65536xi32, #tpu.memory_space<vmem>>[vector<16xi32>], vector<16xi32>,
        %parallel_loop3A_309 = arith.constant 16 : i32
        %parallel_loop3A_310 = vector.broadcast %parallel_loop3A_309 : i32 to vector<16xi32>
        %parallel_loop3A_311 = arith.shli %parallel_loop3A_308, %parallel_loop3A_310 : vector<16xi32>
        %parallel_loop3A_312 = vector.bitcast %parallel_loop3A_311 : vector<16xi32> to vector<16xf32>
        %parallel_loop3A_313 = arith.constant -65536 : i32
        %parallel_loop3A_314 = vector.broadcast %parallel_loop3A_313 : i32 to vector<16xi32>
        %parallel_loop3A_315 = arith.andi %parallel_loop3A_308, %parallel_loop3A_314 : vector<16xi32>
        %parallel_loop3A_316 = vector.bitcast %parallel_loop3A_315 : vector<16xi32> to vector<16xf32>
        %parallel_loop3A_317 = arith.mulf %parallel_loop3A_307, %parallel_loop3A_312 : vector<16xf32>
        %parallel_loop3A_318 = arith.addf %parallel_loop3A_300, %parallel_loop3A_317 : vector<16xf32>
        %parallel_loop3A_319 = arith.mulf %parallel_loop3A_307, %parallel_loop3A_316 : vector<16xf32>
        %parallel_loop3A_320 = arith.addf %parallel_loop3A_302, %parallel_loop3A_319 : vector<16xf32>
        %parallel_loop3A_321 = arith.index_cast %parallel_loop3A_112 : i32 to index
        %parallel_loop3A_322 = tpu.vector_load %arg9[%parallel_loop3A_321] {strides = array<i32>} : memref<4096xf32, #tpu.memory_space<vmem>>, vector<16xf32>,
        tpu.vector_store %arg9[%parallel_loop3A_321], %parallel_loop3A_318 {strides = array<i32>} : memref<4096xf32, #tpu.memory_space<vmem>>, vector<16xf32>,
        %parallel_loop3A_323 = arith.constant 2048 : i32
        %parallel_loop3A_324 = arith.addi %parallel_loop3A_323, %parallel_loop3A_112 : i32
        %parallel_loop3A_325 = arith.index_cast %parallel_loop3A_324 : i32 to index
        %parallel_loop3A_326 = tpu.vector_load %arg9[%parallel_loop3A_325] {strides = array<i32>} : memref<4096xf32, #tpu.memory_space<vmem>>, vector<16xf32>,
        tpu.vector_store %arg9[%parallel_loop3A_325], %parallel_loop3A_320 {strides = array<i32>} : memref<4096xf32, #tpu.memory_space<vmem>>, vector<16xf32>,
      } {sc.loop_unroll_factor = 2 : i64, sc.parallel_access}
      %mul3A_106 = arith.constant 192 : i32
      %mul3A_107 = arith.muli %scan3A_95, %mul3A_106 : i32
      %add3A_108 = arith.addi %mul3A_107, %mul3A_52 : i32
      %mul3A_109 = arith.constant 2048 : i32
      %mul3A_110 = arith.muli %add3A_108, %mul3A_109 : i32
      "tpu.region"() ({
        %run_scoped3A = tpu.sem_alloc : memref<!tpu.dma_semaphore, #tpu.memory_space<semaphore_mem>>
        %dma_start3A = tpu.memref_slice %arg6[%mul3A_110] : memref<3932160xf32, #tpu.memory_space<hbm>> -> memref<4096xf32, #tpu.memory_space<hbm>>
        %dma_start3A_112 = tpu.memref_slice %arg6[%mul3A_110] : memref<3932160xf32, #tpu.memory_space<hbm>> -> memref<4096xf32, #tpu.memory_space<hbm>>
        tpu.enqueue_dma source(%arg9 : memref<4096xf32, #tpu.memory_space<vmem>>) target(%dma_start3A_112 : memref<4096xf32, #tpu.memory_space<hbm>>) target_semaphore(%run_scoped3A : memref<!tpu.dma_semaphore, #tpu.memory_space<semaphore_mem>>)
        %dma_wait3A = tpu.memref_slice %arg6[%mul3A_110] : memref<3932160xf32, #tpu.memory_space<hbm>> -> memref<4096xf32, #tpu.memory_space<hbm>>
        %dma_wait3A_113 = tpu.memref_slice %arg6[%mul3A_110] : memref<3932160xf32, #tpu.memory_space<hbm>> -> memref<4096xf32, #tpu.memory_space<hbm>>
        tpu.wait_dma2 semaphore(%run_scoped3A : memref<!tpu.dma_semaphore, #tpu.memory_space<semaphore_mem>>) src(%arg9 : memref<4096xf32, #tpu.memory_space<vmem>>) dst(%dma_wait3A_113 : memref<4096xf32, #tpu.memory_space<hbm>>)
        tpu.yield
      }) : () -> ()
      %scan3A_111 = arith.constant 0 : i32
      scf.yield %scan3A_111 : i32
    }
    %scan3A_59 = arith.constant 10 : i32
    %mul3A_60 = arith.constant 3 : i32
    %mul3A_61 = arith.muli %add3A, %mul3A_60 : i32
    %add3A_62 = arith.constant 2 : i32
    %add3A_63 = arith.addi %mul3A_61, %add3A_62 : i32
    %lt3A_64 = arith.constant 24 : i32
    %lt3A_65 = arith.cmpi slt, %add3A_63, %lt3A_64 : i32
    %sub3A_66 = arith.constant 24 : i32
    %sub3A_67 = arith.subi %add3A_63, %sub3A_66 : i32
    %rem3A_68 = arith.constant 3 : i32
    %rem3A_69 = arith.remsi %sub3A_67, %rem3A_68 : i32
    %add3A_70 = arith.constant 1 : i32
    %add3A_71 = arith.addi %add3A_70, %rem3A_69 : i32
    %jit3A_72 = arith.constant 0 : i32
    %select_n3A_73 = arith.select %lt3A_65, %jit3A_72, %add3A_71 : i32
    %lt3A_74 = arith.constant 24 : i32
    %lt3A_75 = arith.cmpi slt, %add3A_63, %lt3A_74 : i32
    %convert_element_type3A_76 = arith.extui %lt3A_75 : i1 to i32
    %cond3A_77 = arith.constant 0 : i32
    %cond3A_78 = arith.cmpi ne, %convert_element_type3A_76, %cond3A_77 : i32
    scf.if %cond3A_78 {
      %mul3A_95 = arith.constant 65536 : i32
      %mul3A_96 = arith.muli %add3A_63, %mul3A_95 : i32
      "tpu.region"() ({
        %run_scoped3A = tpu.sem_alloc : memref<!tpu.dma_semaphore, #tpu.memory_space<semaphore_mem>>
        %dma_start3A = tpu.memref_slice %arg2[%mul3A_96] : memref<1572864xi32, #tpu.memory_space<hbm>> -> memref<65536xi32, #tpu.memory_space<hbm>>
        %dma_start3A_97 = tpu.memref_slice %arg2[%mul3A_96] : memref<1572864xi32, #tpu.memory_space<hbm>> -> memref<65536xi32, #tpu.memory_space<hbm>>
        tpu.enqueue_dma source(%dma_start3A_97 : memref<65536xi32, #tpu.memory_space<hbm>>) target(%arg7 : memref<65536xi32, #tpu.memory_space<vmem>>) target_semaphore(%run_scoped3A : memref<!tpu.dma_semaphore, #tpu.memory_space<semaphore_mem>>)
        %dma_wait3A = tpu.memref_slice %arg2[%mul3A_96] : memref<1572864xi32, #tpu.memory_space<hbm>> -> memref<65536xi32, #tpu.memory_space<hbm>>
        %dma_wait3A_98 = tpu.memref_slice %arg2[%mul3A_96] : memref<1572864xi32, #tpu.memory_space<hbm>> -> memref<65536xi32, #tpu.memory_space<hbm>>
        tpu.wait_dma2 semaphore(%run_scoped3A : memref<!tpu.dma_semaphore, #tpu.memory_space<semaphore_mem>>) src(%dma_wait3A_98 : memref<65536xi32, #tpu.memory_space<hbm>>) dst(%arg7 : memref<65536xi32, #tpu.memory_space<vmem>>)
        tpu.yield
      }) : () -> ()
    } else {
    }
    %ge3A_79 = arith.constant 24 : i32
    %ge3A_80 = arith.cmpi sge, %add3A_63, %ge3A_79 : i32
    %convert_element_type3A_81 = arith.extui %ge3A_80 : i1 to i32
    %cond3A_82 = arith.constant 0 : i32
    %cond3A_83 = arith.cmpi ne, %convert_element_type3A_81, %cond3A_82 : i32
    scf.if %cond3A_83 {
      %sub3A_95 = arith.constant 24 : i32
      %sub3A_96 = arith.subi %add3A_63, %sub3A_95 : i32
      %mul3A_97 = arith.constant 65536 : i32
      %mul3A_98 = arith.muli %sub3A_96, %mul3A_97 : i32
      "tpu.region"() ({
        %run_scoped3A = tpu.sem_alloc : memref<!tpu.dma_semaphore, #tpu.memory_space<semaphore_mem>>
        %dma_start3A = tpu.memref_slice %arg3[%mul3A_98] : memref<4718592xi32, #tpu.memory_space<hbm>> -> memref<65536xi32, #tpu.memory_space<hbm>>
        %dma_start3A_99 = tpu.memref_slice %arg3[%mul3A_98] : memref<4718592xi32, #tpu.memory_space<hbm>> -> memref<65536xi32, #tpu.memory_space<hbm>>
        tpu.enqueue_dma source(%dma_start3A_99 : memref<65536xi32, #tpu.memory_space<hbm>>) target(%arg7 : memref<65536xi32, #tpu.memory_space<vmem>>) target_semaphore(%run_scoped3A : memref<!tpu.dma_semaphore, #tpu.memory_space<semaphore_mem>>)
        %dma_wait3A = tpu.memref_slice %arg3[%mul3A_98] : memref<4718592xi32, #tpu.memory_space<hbm>> -> memref<65536xi32, #tpu.memory_space<hbm>>
        %dma_wait3A_100 = tpu.memref_slice %arg3[%mul3A_98] : memref<4718592xi32, #tpu.memory_space<hbm>> -> memref<65536xi32, #tpu.memory_space<hbm>>
        tpu.wait_dma2 semaphore(%run_scoped3A : memref<!tpu.dma_semaphore, #tpu.memory_space<semaphore_mem>>) src(%dma_wait3A_100 : memref<65536xi32, #tpu.memory_space<hbm>>) dst(%arg7 : memref<65536xi32, #tpu.memory_space<vmem>>)
        tpu.yield
      }) : () -> ()
    } else {
    }
    %broadcast_in_dim3A_84 = vector.broadcast %add3A_63 : i32 to vector<16xi32>
    %gather3A_85 = tpu.vector_load_idx %arg10[%broadcast_in_dim3A_84] : memref<96xf32, #tpu.memory_space<vmem>>[vector<16xi32>], vector<16xf32>,
    %mul3A_86 = arith.constant 2 : i32
    %mul3A_87 = arith.muli %add3A_63, %mul3A_86 : i32
    %scan3A_88 = arith.constant 0 : i32
    %scan3A_89 = arith.constant 0 : i32
    %scan3A_90 = arith.constant 10 : i32
    %scan3A_91 = arith.addi %scan3A_89, %scan3A_90 : i32
    %scan3A_92 = arith.constant 1 : i32
    %scan3A_93 = scf.for %scan3A_95 = %scan3A_89 to %scan3A_91 step %scan3A_92 iter_args(%scan3A_96 = %scan3A_88) -> (i32)  : i32 {
      %mul3A_97 = arith.constant 10 : i32
      %mul3A_98 = arith.muli %select_n3A_73, %mul3A_97 : i32
      %add3A_99 = arith.addi %mul3A_98, %scan3A_95 : i32
      %mul3A_100 = arith.constant 3 : i32
      %mul3A_101 = arith.muli %add3A_99, %mul3A_100 : i32
      %mul3A_102 = arith.constant 2048 : i32
      %mul3A_103 = arith.muli %mul3A_101, %mul3A_102 : i32
      "tpu.region"() ({
        %run_scoped3A = tpu.sem_alloc : memref<!tpu.dma_semaphore, #tpu.memory_space<semaphore_mem>>
        %dma_start3A = tpu.memref_slice %arg4[%mul3A_103] : memref<245760xf32, #tpu.memory_space<hbm>> -> memref<6144xf32, #tpu.memory_space<hbm>>
        %dma_start3A_112 = tpu.memref_slice %arg4[%mul3A_103] : memref<245760xf32, #tpu.memory_space<hbm>> -> memref<6144xf32, #tpu.memory_space<hbm>>
        tpu.enqueue_dma source(%dma_start3A_112 : memref<6144xf32, #tpu.memory_space<hbm>>) target(%arg8 : memref<6144xf32, #tpu.memory_space<vmem>>) target_semaphore(%run_scoped3A : memref<!tpu.dma_semaphore, #tpu.memory_space<semaphore_mem>>)
        %dma_wait3A = tpu.memref_slice %arg4[%mul3A_103] : memref<245760xf32, #tpu.memory_space<hbm>> -> memref<6144xf32, #tpu.memory_space<hbm>>
        %dma_wait3A_113 = tpu.memref_slice %arg4[%mul3A_103] : memref<245760xf32, #tpu.memory_space<hbm>> -> memref<6144xf32, #tpu.memory_space<hbm>>
        tpu.wait_dma2 semaphore(%run_scoped3A : memref<!tpu.dma_semaphore, #tpu.memory_space<semaphore_mem>>) src(%dma_wait3A_113 : memref<6144xf32, #tpu.memory_space<hbm>>) dst(%arg8 : memref<6144xf32, #tpu.memory_space<vmem>>)
        tpu.yield
      }) : () -> ()
      %parallel_loop3A = arith.constant 0 : i32
      %parallel_loop3A_104 = arith.constant 2048 : i32
      %parallel_loop3A_105 = arith.constant 16 : i32
      scf.for %parallel_loop3A_112 = %parallel_loop3A to %parallel_loop3A_104 step %parallel_loop3A_105  : i32 {
        %parallel_loop3A_113 = arith.index_cast %parallel_loop3A_112 : i32 to index
        %parallel_loop3A_114 = tpu.vector_load %arg8[%parallel_loop3A_113] {strides = array<i32>} : memref<6144xf32, #tpu.memory_space<vmem>>, vector<16xf32>,
        %parallel_loop3A_115 = arith.mulf %parallel_loop3A_114, %gather3A_85 : vector<16xf32>
        %parallel_loop3A_116 = arith.constant 2048 : i32
        %parallel_loop3A_117 = arith.addi %parallel_loop3A_116, %parallel_loop3A_112 : i32
        %parallel_loop3A_118 = arith.index_cast %parallel_loop3A_117 : i32 to index
        %parallel_loop3A_119 = tpu.vector_load %arg8[%parallel_loop3A_118] {strides = array<i32>} : memref<6144xf32, #tpu.memory_space<vmem>>, vector<16xf32>,
        %parallel_loop3A_120 = arith.mulf %parallel_loop3A_119, %gather3A_85 : vector<16xf32>
        %parallel_loop3A_121 = arith.constant 4096 : i32
        %parallel_loop3A_122 = arith.addi %parallel_loop3A_121, %parallel_loop3A_112 : i32
        %parallel_loop3A_123 = arith.index_cast %parallel_loop3A_122 : i32 to index
        %parallel_loop3A_124 = tpu.vector_load %arg8[%parallel_loop3A_123] {strides = array<i32>} : memref<6144xf32, #tpu.memory_space<vmem>>, vector<16xf32>,
        %parallel_loop3A_125 = arith.mulf %parallel_loop3A_124, %gather3A_85 : vector<16xf32>
        %parallel_loop3A_126 = arith.fptosi %parallel_loop3A_115 : vector<16xf32> to vector<16xi32>
        %parallel_loop3A_127 = arith.fptosi %parallel_loop3A_120 : vector<16xf32> to vector<16xi32>
        %parallel_loop3A_128 = arith.fptosi %parallel_loop3A_125 : vector<16xf32> to vector<16xi32>
        %parallel_loop3A_129 = arith.sitofp %parallel_loop3A_126 : vector<16xi32> to vector<16xf32>
        %parallel_loop3A_130 = arith.subf %parallel_loop3A_115, %parallel_loop3A_129 : vector<16xf32>
        %parallel_loop3A_131 = arith.sitofp %parallel_loop3A_127 : vector<16xi32> to vector<16xf32>
        %parallel_loop3A_132 = arith.subf %parallel_loop3A_120, %parallel_loop3A_131 : vector<16xf32>
        %parallel_loop3A_133 = arith.sitofp %parallel_loop3A_128 : vector<16xi32> to vector<16xf32>
        %parallel_loop3A_134 = arith.subf %parallel_loop3A_125, %parallel_loop3A_133 : vector<16xf32>
        %parallel_loop3A_135 = arith.constant 1 : i32
        %parallel_loop3A_136 = vector.broadcast %parallel_loop3A_135 : i32 to vector<16xi32>
        %parallel_loop3A_137 = arith.addi %parallel_loop3A_126, %parallel_loop3A_136 : vector<16xi32>
        %parallel_loop3A_138 = arith.constant -1640531535 : i32
        %parallel_loop3A_139 = vector.broadcast %parallel_loop3A_138 : i32 to vector<16xi32>
        %parallel_loop3A_140 = arith.muli %parallel_loop3A_127, %parallel_loop3A_139 : vector<16xi32>
        %parallel_loop3A_141 = arith.constant -1640531535 : i32
        %parallel_loop3A_142 = vector.broadcast %parallel_loop3A_141 : i32 to vector<16xi32>
        %parallel_loop3A_143 = arith.muli %parallel_loop3A_127, %parallel_loop3A_142 : vector<16xi32>
        %parallel_loop3A_144 = arith.constant -1640531535 : i32
        %parallel_loop3A_145 = vector.broadcast %parallel_loop3A_144 : i32 to vector<16xi32>
        %parallel_loop3A_146 = arith.addi %parallel_loop3A_143, %parallel_loop3A_145 : vector<16xi32>
        %parallel_loop3A_147 = arith.constant 805459861 : i32
        %parallel_loop3A_148 = vector.broadcast %parallel_loop3A_147 : i32 to vector<16xi32>
        %parallel_loop3A_149 = arith.muli %parallel_loop3A_128, %parallel_loop3A_148 : vector<16xi32>
        %parallel_loop3A_150 = arith.constant 805459861 : i32
        %parallel_loop3A_151 = vector.broadcast %parallel_loop3A_150 : i32 to vector<16xi32>
        %parallel_loop3A_152 = arith.muli %parallel_loop3A_128, %parallel_loop3A_151 : vector<16xi32>
        %parallel_loop3A_153 = arith.constant 805459861 : i32
        %parallel_loop3A_154 = vector.broadcast %parallel_loop3A_153 : i32 to vector<16xi32>
        %parallel_loop3A_155 = arith.addi %parallel_loop3A_152, %parallel_loop3A_154 : vector<16xi32>
        %parallel_loop3A_156 = arith.constant 1.000000e+00 : f32
        %parallel_loop3A_157 = vector.broadcast %parallel_loop3A_156 : f32 to vector<16xf32>
        %parallel_loop3A_158 = arith.subf %parallel_loop3A_157, %parallel_loop3A_130 : vector<16xf32>
        %parallel_loop3A_159 = arith.constant 1.000000e+00 : f32
        %parallel_loop3A_160 = vector.broadcast %parallel_loop3A_159 : f32 to vector<16xf32>
        %parallel_loop3A_161 = arith.subf %parallel_loop3A_160, %parallel_loop3A_132 : vector<16xf32>
        %parallel_loop3A_162 = arith.constant 1.000000e+00 : f32
        %parallel_loop3A_163 = vector.broadcast %parallel_loop3A_162 : f32 to vector<16xf32>
        %parallel_loop3A_164 = arith.subf %parallel_loop3A_163, %parallel_loop3A_134 : vector<16xf32>
        %parallel_loop3A_165 = arith.constant 0.000000e+00 : f32
        %parallel_loop3A_166 = vector.broadcast %parallel_loop3A_165 : f32 to vector<16xf32>
        %parallel_loop3A_167 = arith.constant 0.000000e+00 : f32
        %parallel_loop3A_168 = vector.broadcast %parallel_loop3A_167 : f32 to vector<16xf32>
        %parallel_loop3A_169 = arith.xori %parallel_loop3A_126, %parallel_loop3A_140 : vector<16xi32>
        %parallel_loop3A_170 = arith.mulf %parallel_loop3A_158, %parallel_loop3A_161 : vector<16xf32>
        %parallel_loop3A_171 = arith.xori %parallel_loop3A_169, %parallel_loop3A_149 : vector<16xi32>
        %parallel_loop3A_172 = arith.constant 65535 : i32
        %parallel_loop3A_173 = vector.broadcast %parallel_loop3A_172 : i32 to vector<16xi32>
        %parallel_loop3A_174 = arith.andi %parallel_loop3A_171, %parallel_loop3A_173 : vector<16xi32>
        %parallel_loop3A_175 = arith.mulf %parallel_loop3A_170, %parallel_loop3A_164 : vector<16xf32>
        %parallel_loop3A_176 = tpu.vector_load_idx %arg7[%parallel_loop3A_174] : memref<65536xi32, #tpu.memory_space<vmem>>[vector<16xi32>], vector<16xi32>,
        %parallel_loop3A_177 = arith.constant 16 : i32
        %parallel_loop3A_178 = vector.broadcast %parallel_loop3A_177 : i32 to vector<16xi32>
        %parallel_loop3A_179 = arith.shli %parallel_loop3A_176, %parallel_loop3A_178 : vector<16xi32>
        %parallel_loop3A_180 = vector.bitcast %parallel_loop3A_179 : vector<16xi32> to vector<16xf32>
        %parallel_loop3A_181 = arith.constant -65536 : i32
        %parallel_loop3A_182 = vector.broadcast %parallel_loop3A_181 : i32 to vector<16xi32>
        %parallel_loop3A_183 = arith.andi %parallel_loop3A_176, %parallel_loop3A_182 : vector<16xi32>
        %parallel_loop3A_184 = vector.bitcast %parallel_loop3A_183 : vector<16xi32> to vector<16xf32>
        %parallel_loop3A_185 = arith.mulf %parallel_loop3A_175, %parallel_loop3A_180 : vector<16xf32>
        %parallel_loop3A_186 = arith.addf %parallel_loop3A_166, %parallel_loop3A_185 : vector<16xf32>
        %parallel_loop3A_187 = arith.mulf %parallel_loop3A_175, %parallel_loop3A_184 : vector<16xf32>
        %parallel_loop3A_188 = arith.addf %parallel_loop3A_168, %parallel_loop3A_187 : vector<16xf32>
        %parallel_loop3A_189 = arith.xori %parallel_loop3A_169, %parallel_loop3A_155 : vector<16xi32>
        %parallel_loop3A_190 = arith.constant 65535 : i32
        %parallel_loop3A_191 = vector.broadcast %parallel_loop3A_190 : i32 to vector<16xi32>
        %parallel_loop3A_192 = arith.andi %parallel_loop3A_189, %parallel_loop3A_191 : vector<16xi32>
        %parallel_loop3A_193 = arith.mulf %parallel_loop3A_170, %parallel_loop3A_134 : vector<16xf32>
        %parallel_loop3A_194 = tpu.vector_load_idx %arg7[%parallel_loop3A_192] : memref<65536xi32, #tpu.memory_space<vmem>>[vector<16xi32>], vector<16xi32>,
        %parallel_loop3A_195 = arith.constant 16 : i32
        %parallel_loop3A_196 = vector.broadcast %parallel_loop3A_195 : i32 to vector<16xi32>
        %parallel_loop3A_197 = arith.shli %parallel_loop3A_194, %parallel_loop3A_196 : vector<16xi32>
        %parallel_loop3A_198 = vector.bitcast %parallel_loop3A_197 : vector<16xi32> to vector<16xf32>
        %parallel_loop3A_199 = arith.constant -65536 : i32
        %parallel_loop3A_200 = vector.broadcast %parallel_loop3A_199 : i32 to vector<16xi32>
        %parallel_loop3A_201 = arith.andi %parallel_loop3A_194, %parallel_loop3A_200 : vector<16xi32>
        %parallel_loop3A_202 = vector.bitcast %parallel_loop3A_201 : vector<16xi32> to vector<16xf32>
        %parallel_loop3A_203 = arith.mulf %parallel_loop3A_193, %parallel_loop3A_198 : vector<16xf32>
        %parallel_loop3A_204 = arith.addf %parallel_loop3A_186, %parallel_loop3A_203 : vector<16xf32>
        %parallel_loop3A_205 = arith.mulf %parallel_loop3A_193, %parallel_loop3A_202 : vector<16xf32>
        %parallel_loop3A_206 = arith.addf %parallel_loop3A_188, %parallel_loop3A_205 : vector<16xf32>
        %parallel_loop3A_207 = arith.xori %parallel_loop3A_126, %parallel_loop3A_146 : vector<16xi32>
        %parallel_loop3A_208 = arith.mulf %parallel_loop3A_158, %parallel_loop3A_132 : vector<16xf32>
        %parallel_loop3A_209 = arith.xori %parallel_loop3A_207, %parallel_loop3A_149 : vector<16xi32>
        %parallel_loop3A_210 = arith.constant 65535 : i32
        %parallel_loop3A_211 = vector.broadcast %parallel_loop3A_210 : i32 to vector<16xi32>
        %parallel_loop3A_212 = arith.andi %parallel_loop3A_209, %parallel_loop3A_211 : vector<16xi32>
        %parallel_loop3A_213 = arith.mulf %parallel_loop3A_208, %parallel_loop3A_164 : vector<16xf32>
        %parallel_loop3A_214 = tpu.vector_load_idx %arg7[%parallel_loop3A_212] : memref<65536xi32, #tpu.memory_space<vmem>>[vector<16xi32>], vector<16xi32>,
        %parallel_loop3A_215 = arith.constant 16 : i32
        %parallel_loop3A_216 = vector.broadcast %parallel_loop3A_215 : i32 to vector<16xi32>
        %parallel_loop3A_217 = arith.shli %parallel_loop3A_214, %parallel_loop3A_216 : vector<16xi32>
        %parallel_loop3A_218 = vector.bitcast %parallel_loop3A_217 : vector<16xi32> to vector<16xf32>
        %parallel_loop3A_219 = arith.constant -65536 : i32
        %parallel_loop3A_220 = vector.broadcast %parallel_loop3A_219 : i32 to vector<16xi32>
        %parallel_loop3A_221 = arith.andi %parallel_loop3A_214, %parallel_loop3A_220 : vector<16xi32>
        %parallel_loop3A_222 = vector.bitcast %parallel_loop3A_221 : vector<16xi32> to vector<16xf32>
        %parallel_loop3A_223 = arith.mulf %parallel_loop3A_213, %parallel_loop3A_218 : vector<16xf32>
        %parallel_loop3A_224 = arith.addf %parallel_loop3A_204, %parallel_loop3A_223 : vector<16xf32>
        %parallel_loop3A_225 = arith.mulf %parallel_loop3A_213, %parallel_loop3A_222 : vector<16xf32>
        %parallel_loop3A_226 = arith.addf %parallel_loop3A_206, %parallel_loop3A_225 : vector<16xf32>
        %parallel_loop3A_227 = arith.xori %parallel_loop3A_207, %parallel_loop3A_155 : vector<16xi32>
        %parallel_loop3A_228 = arith.constant 65535 : i32
        %parallel_loop3A_229 = vector.broadcast %parallel_loop3A_228 : i32 to vector<16xi32>
        %parallel_loop3A_230 = arith.andi %parallel_loop3A_227, %parallel_loop3A_229 : vector<16xi32>
        %parallel_loop3A_231 = arith.mulf %parallel_loop3A_208, %parallel_loop3A_134 : vector<16xf32>
        %parallel_loop3A_232 = tpu.vector_load_idx %arg7[%parallel_loop3A_230] : memref<65536xi32, #tpu.memory_space<vmem>>[vector<16xi32>], vector<16xi32>,
        %parallel_loop3A_233 = arith.constant 16 : i32
        %parallel_loop3A_234 = vector.broadcast %parallel_loop3A_233 : i32 to vector<16xi32>
        %parallel_loop3A_235 = arith.shli %parallel_loop3A_232, %parallel_loop3A_234 : vector<16xi32>
        %parallel_loop3A_236 = vector.bitcast %parallel_loop3A_235 : vector<16xi32> to vector<16xf32>
        %parallel_loop3A_237 = arith.constant -65536 : i32
        %parallel_loop3A_238 = vector.broadcast %parallel_loop3A_237 : i32 to vector<16xi32>
        %parallel_loop3A_239 = arith.andi %parallel_loop3A_232, %parallel_loop3A_238 : vector<16xi32>
        %parallel_loop3A_240 = vector.bitcast %parallel_loop3A_239 : vector<16xi32> to vector<16xf32>
        %parallel_loop3A_241 = arith.mulf %parallel_loop3A_231, %parallel_loop3A_236 : vector<16xf32>
        %parallel_loop3A_242 = arith.addf %parallel_loop3A_224, %parallel_loop3A_241 : vector<16xf32>
        %parallel_loop3A_243 = arith.mulf %parallel_loop3A_231, %parallel_loop3A_240 : vector<16xf32>
        %parallel_loop3A_244 = arith.addf %parallel_loop3A_226, %parallel_loop3A_243 : vector<16xf32>
        %parallel_loop3A_245 = arith.xori %parallel_loop3A_137, %parallel_loop3A_140 : vector<16xi32>
        %parallel_loop3A_246 = arith.mulf %parallel_loop3A_130, %parallel_loop3A_161 : vector<16xf32>
        %parallel_loop3A_247 = arith.xori %parallel_loop3A_245, %parallel_loop3A_149 : vector<16xi32>
        %parallel_loop3A_248 = arith.constant 65535 : i32
        %parallel_loop3A_249 = vector.broadcast %parallel_loop3A_248 : i32 to vector<16xi32>
        %parallel_loop3A_250 = arith.andi %parallel_loop3A_247, %parallel_loop3A_249 : vector<16xi32>
        %parallel_loop3A_251 = arith.mulf %parallel_loop3A_246, %parallel_loop3A_164 : vector<16xf32>
        %parallel_loop3A_252 = tpu.vector_load_idx %arg7[%parallel_loop3A_250] : memref<65536xi32, #tpu.memory_space<vmem>>[vector<16xi32>], vector<16xi32>,
        %parallel_loop3A_253 = arith.constant 16 : i32
        %parallel_loop3A_254 = vector.broadcast %parallel_loop3A_253 : i32 to vector<16xi32>
        %parallel_loop3A_255 = arith.shli %parallel_loop3A_252, %parallel_loop3A_254 : vector<16xi32>
        %parallel_loop3A_256 = vector.bitcast %parallel_loop3A_255 : vector<16xi32> to vector<16xf32>
        %parallel_loop3A_257 = arith.constant -65536 : i32
        %parallel_loop3A_258 = vector.broadcast %parallel_loop3A_257 : i32 to vector<16xi32>
        %parallel_loop3A_259 = arith.andi %parallel_loop3A_252, %parallel_loop3A_258 : vector<16xi32>
        %parallel_loop3A_260 = vector.bitcast %parallel_loop3A_259 : vector<16xi32> to vector<16xf32>
        %parallel_loop3A_261 = arith.mulf %parallel_loop3A_251, %parallel_loop3A_256 : vector<16xf32>
        %parallel_loop3A_262 = arith.addf %parallel_loop3A_242, %parallel_loop3A_261 : vector<16xf32>
        %parallel_loop3A_263 = arith.mulf %parallel_loop3A_251, %parallel_loop3A_260 : vector<16xf32>
        %parallel_loop3A_264 = arith.addf %parallel_loop3A_244, %parallel_loop3A_263 : vector<16xf32>
        %parallel_loop3A_265 = arith.xori %parallel_loop3A_245, %parallel_loop3A_155 : vector<16xi32>
        %parallel_loop3A_266 = arith.constant 65535 : i32
        %parallel_loop3A_267 = vector.broadcast %parallel_loop3A_266 : i32 to vector<16xi32>
        %parallel_loop3A_268 = arith.andi %parallel_loop3A_265, %parallel_loop3A_267 : vector<16xi32>
        %parallel_loop3A_269 = arith.mulf %parallel_loop3A_246, %parallel_loop3A_134 : vector<16xf32>
        %parallel_loop3A_270 = tpu.vector_load_idx %arg7[%parallel_loop3A_268] : memref<65536xi32, #tpu.memory_space<vmem>>[vector<16xi32>], vector<16xi32>,
        %parallel_loop3A_271 = arith.constant 16 : i32
        %parallel_loop3A_272 = vector.broadcast %parallel_loop3A_271 : i32 to vector<16xi32>
        %parallel_loop3A_273 = arith.shli %parallel_loop3A_270, %parallel_loop3A_272 : vector<16xi32>
        %parallel_loop3A_274 = vector.bitcast %parallel_loop3A_273 : vector<16xi32> to vector<16xf32>
        %parallel_loop3A_275 = arith.constant -65536 : i32
        %parallel_loop3A_276 = vector.broadcast %parallel_loop3A_275 : i32 to vector<16xi32>
        %parallel_loop3A_277 = arith.andi %parallel_loop3A_270, %parallel_loop3A_276 : vector<16xi32>
        %parallel_loop3A_278 = vector.bitcast %parallel_loop3A_277 : vector<16xi32> to vector<16xf32>
        %parallel_loop3A_279 = arith.mulf %parallel_loop3A_269, %parallel_loop3A_274 : vector<16xf32>
        %parallel_loop3A_280 = arith.addf %parallel_loop3A_262, %parallel_loop3A_279 : vector<16xf32>
        %parallel_loop3A_281 = arith.mulf %parallel_loop3A_269, %parallel_loop3A_278 : vector<16xf32>
        %parallel_loop3A_282 = arith.addf %parallel_loop3A_264, %parallel_loop3A_281 : vector<16xf32>
        %parallel_loop3A_283 = arith.xori %parallel_loop3A_137, %parallel_loop3A_146 : vector<16xi32>
        %parallel_loop3A_284 = arith.mulf %parallel_loop3A_130, %parallel_loop3A_132 : vector<16xf32>
        %parallel_loop3A_285 = arith.xori %parallel_loop3A_283, %parallel_loop3A_149 : vector<16xi32>
        %parallel_loop3A_286 = arith.constant 65535 : i32
        %parallel_loop3A_287 = vector.broadcast %parallel_loop3A_286 : i32 to vector<16xi32>
        %parallel_loop3A_288 = arith.andi %parallel_loop3A_285, %parallel_loop3A_287 : vector<16xi32>
        %parallel_loop3A_289 = arith.mulf %parallel_loop3A_284, %parallel_loop3A_164 : vector<16xf32>
        %parallel_loop3A_290 = tpu.vector_load_idx %arg7[%parallel_loop3A_288] : memref<65536xi32, #tpu.memory_space<vmem>>[vector<16xi32>], vector<16xi32>,
        %parallel_loop3A_291 = arith.constant 16 : i32
        %parallel_loop3A_292 = vector.broadcast %parallel_loop3A_291 : i32 to vector<16xi32>
        %parallel_loop3A_293 = arith.shli %parallel_loop3A_290, %parallel_loop3A_292 : vector<16xi32>
        %parallel_loop3A_294 = vector.bitcast %parallel_loop3A_293 : vector<16xi32> to vector<16xf32>
        %parallel_loop3A_295 = arith.constant -65536 : i32
        %parallel_loop3A_296 = vector.broadcast %parallel_loop3A_295 : i32 to vector<16xi32>
        %parallel_loop3A_297 = arith.andi %parallel_loop3A_290, %parallel_loop3A_296 : vector<16xi32>
        %parallel_loop3A_298 = vector.bitcast %parallel_loop3A_297 : vector<16xi32> to vector<16xf32>
        %parallel_loop3A_299 = arith.mulf %parallel_loop3A_289, %parallel_loop3A_294 : vector<16xf32>
        %parallel_loop3A_300 = arith.addf %parallel_loop3A_280, %parallel_loop3A_299 : vector<16xf32>
        %parallel_loop3A_301 = arith.mulf %parallel_loop3A_289, %parallel_loop3A_298 : vector<16xf32>
        %parallel_loop3A_302 = arith.addf %parallel_loop3A_282, %parallel_loop3A_301 : vector<16xf32>
        %parallel_loop3A_303 = arith.xori %parallel_loop3A_283, %parallel_loop3A_155 : vector<16xi32>
        %parallel_loop3A_304 = arith.constant 65535 : i32
        %parallel_loop3A_305 = vector.broadcast %parallel_loop3A_304 : i32 to vector<16xi32>
        %parallel_loop3A_306 = arith.andi %parallel_loop3A_303, %parallel_loop3A_305 : vector<16xi32>
        %parallel_loop3A_307 = arith.mulf %parallel_loop3A_284, %parallel_loop3A_134 : vector<16xf32>
        %parallel_loop3A_308 = tpu.vector_load_idx %arg7[%parallel_loop3A_306] : memref<65536xi32, #tpu.memory_space<vmem>>[vector<16xi32>], vector<16xi32>,
        %parallel_loop3A_309 = arith.constant 16 : i32
        %parallel_loop3A_310 = vector.broadcast %parallel_loop3A_309 : i32 to vector<16xi32>
        %parallel_loop3A_311 = arith.shli %parallel_loop3A_308, %parallel_loop3A_310 : vector<16xi32>
        %parallel_loop3A_312 = vector.bitcast %parallel_loop3A_311 : vector<16xi32> to vector<16xf32>
        %parallel_loop3A_313 = arith.constant -65536 : i32
        %parallel_loop3A_314 = vector.broadcast %parallel_loop3A_313 : i32 to vector<16xi32>
        %parallel_loop3A_315 = arith.andi %parallel_loop3A_308, %parallel_loop3A_314 : vector<16xi32>
        %parallel_loop3A_316 = vector.bitcast %parallel_loop3A_315 : vector<16xi32> to vector<16xf32>
        %parallel_loop3A_317 = arith.mulf %parallel_loop3A_307, %parallel_loop3A_312 : vector<16xf32>
        %parallel_loop3A_318 = arith.addf %parallel_loop3A_300, %parallel_loop3A_317 : vector<16xf32>
        %parallel_loop3A_319 = arith.mulf %parallel_loop3A_307, %parallel_loop3A_316 : vector<16xf32>
        %parallel_loop3A_320 = arith.addf %parallel_loop3A_302, %parallel_loop3A_319 : vector<16xf32>
        %parallel_loop3A_321 = arith.index_cast %parallel_loop3A_112 : i32 to index
        %parallel_loop3A_322 = tpu.vector_load %arg9[%parallel_loop3A_321] {strides = array<i32>} : memref<4096xf32, #tpu.memory_space<vmem>>, vector<16xf32>,
        tpu.vector_store %arg9[%parallel_loop3A_321], %parallel_loop3A_318 {strides = array<i32>} : memref<4096xf32, #tpu.memory_space<vmem>>, vector<16xf32>,
        %parallel_loop3A_323 = arith.constant 2048 : i32
        %parallel_loop3A_324 = arith.addi %parallel_loop3A_323, %parallel_loop3A_112 : i32
        %parallel_loop3A_325 = arith.index_cast %parallel_loop3A_324 : i32 to index
        %parallel_loop3A_326 = tpu.vector_load %arg9[%parallel_loop3A_325] {strides = array<i32>} : memref<4096xf32, #tpu.memory_space<vmem>>, vector<16xf32>,
        tpu.vector_store %arg9[%parallel_loop3A_325], %parallel_loop3A_320 {strides = array<i32>} : memref<4096xf32, #tpu.memory_space<vmem>>, vector<16xf32>,
      } {sc.loop_unroll_factor = 2 : i64, sc.parallel_access}
      %mul3A_106 = arith.constant 192 : i32
      %mul3A_107 = arith.muli %scan3A_95, %mul3A_106 : i32
      %add3A_108 = arith.addi %mul3A_107, %mul3A_87 : i32
      %mul3A_109 = arith.constant 2048 : i32
      %mul3A_110 = arith.muli %add3A_108, %mul3A_109 : i32
      "tpu.region"() ({
        %run_scoped3A = tpu.sem_alloc : memref<!tpu.dma_semaphore, #tpu.memory_space<semaphore_mem>>
        %dma_start3A = tpu.memref_slice %arg6[%mul3A_110] : memref<3932160xf32, #tpu.memory_space<hbm>> -> memref<4096xf32, #tpu.memory_space<hbm>>
        %dma_start3A_112 = tpu.memref_slice %arg6[%mul3A_110] : memref<3932160xf32, #tpu.memory_space<hbm>> -> memref<4096xf32, #tpu.memory_space<hbm>>
        tpu.enqueue_dma source(%arg9 : memref<4096xf32, #tpu.memory_space<vmem>>) target(%dma_start3A_112 : memref<4096xf32, #tpu.memory_space<hbm>>) target_semaphore(%run_scoped3A : memref<!tpu.dma_semaphore, #tpu.memory_space<semaphore_mem>>)
        %dma_wait3A = tpu.memref_slice %arg6[%mul3A_110] : memref<3932160xf32, #tpu.memory_space<hbm>> -> memref<4096xf32, #tpu.memory_space<hbm>>
        %dma_wait3A_113 = tpu.memref_slice %arg6[%mul3A_110] : memref<3932160xf32, #tpu.memory_space<hbm>> -> memref<4096xf32, #tpu.memory_space<hbm>>
        tpu.wait_dma2 semaphore(%run_scoped3A : memref<!tpu.dma_semaphore, #tpu.memory_space<semaphore_mem>>) src(%arg9 : memref<4096xf32, #tpu.memory_space<vmem>>) dst(%dma_wait3A_113 : memref<4096xf32, #tpu.memory_space<hbm>>)
        tpu.yield
      }) : () -> ()
      %scan3A_111 = arith.constant 0 : i32
      scf.yield %scan3A_111 : i32
    }
    %scan3A_94 = arith.constant 10 : i32
    return
  }
}

#map = affine_map<(d0, d1) -> (0)>
module attributes {stable_mosaic.version = 14 : i64} {
  func.func @_encode_body(%arg0: i32, %arg1: i32, %arg2: memref<1572864xi32, #tpu.memory_space<hbm>>, %arg3: memref<4718592xi32, #tpu.memory_space<hbm>>, %arg4: memref<270336xf32, #tpu.memory_space<hbm>>, %arg5: memref<96xf32, #tpu.memory_space<hbm>>, %arg6: memref<4325376xf32, #tpu.memory_space<hbm>>, %arg7: memref<65536xi32, #tpu.memory_space<vmem>>, %arg8: memref<6144xf32, #tpu.memory_space<vmem>>, %arg9: memref<4096xf32, #tpu.memory_space<vmem>>, %arg10: memref<96xf32, #tpu.memory_space<vmem>>, %arg11: memref<!tpu.dma_semaphore, #tpu.memory_space<semaphore_mem>>) attributes {dimension_semantics = [#tpu.dimension_semantics<core_parallel>, #tpu.dimension_semantics<subcore_parallel>], iteration_bounds = array<i64: 2, 16>, scalar_prefetch = 0 : i64, scratch_operands = 5 : i64, tpu.core_type = #tpu.core_type<sc_vector_subcore>, window_params = [{transform_indices = #map}, {transform_indices = #map}, {transform_indices = #map}, {transform_indices = #map}, {transform_indices = #map}]} {
    %mul3A = arith.constant 2 : i32
    %mul3A_0 = arith.muli %arg1, %mul3A : i32
    %add3A = arith.addi %mul3A_0, %arg0 : i32
    "tpu.region"() ({
      %run_scoped3A = tpu.sem_alloc : memref<!tpu.dma_semaphore, #tpu.memory_space<semaphore_mem>>
      tpu.enqueue_dma source(%arg5 : memref<96xf32, #tpu.memory_space<hbm>>) target(%arg10 : memref<96xf32, #tpu.memory_space<vmem>>) target_semaphore(%run_scoped3A : memref<!tpu.dma_semaphore, #tpu.memory_space<semaphore_mem>>)
      tpu.wait_dma2 semaphore(%run_scoped3A : memref<!tpu.dma_semaphore, #tpu.memory_space<semaphore_mem>>) src(%arg5 : memref<96xf32, #tpu.memory_space<hbm>>) dst(%arg10 : memref<96xf32, #tpu.memory_space<vmem>>)
      tpu.yield
    }) : () -> ()
    %mul3A_1 = arith.constant 3 : i32
    %mul3A_2 = arith.muli %add3A, %mul3A_1 : i32
    %add3A_3 = arith.constant 0 : i32
    %add3A_4 = arith.addi %mul3A_2, %add3A_3 : i32
    %lt3A = arith.constant 24 : i32
    %lt3A_5 = arith.cmpi slt, %add3A_4, %lt3A : i32
    %sub3A = arith.constant 24 : i32
    %sub3A_6 = arith.subi %add3A_4, %sub3A : i32
    %rem3A = arith.constant 3 : i32
    %rem3A_7 = arith.remsi %sub3A_6, %rem3A : i32
    %add3A_8 = arith.constant 1 : i32
    %add3A_9 = arith.addi %add3A_8, %rem3A_7 : i32
    %jit3A = arith.constant 0 : i32
    %select_n3A = arith.select %lt3A_5, %jit3A, %add3A_9 : i32
    %lt3A_10 = arith.constant 24 : i32
    %lt3A_11 = arith.cmpi slt, %add3A_4, %lt3A_10 : i32
    %convert_element_type3A = arith.extui %lt3A_11 : i1 to i32
    %cond3A = arith.constant 0 : i32
    %cond3A_12 = arith.cmpi ne, %convert_element_type3A, %cond3A : i32
    scf.if %cond3A_12 {
      %mul3A_95 = arith.constant 65536 : i32
      %mul3A_96 = arith.muli %add3A_4, %mul3A_95 : i32
      "tpu.region"() ({
        %run_scoped3A = tpu.sem_alloc : memref<!tpu.dma_semaphore, #tpu.memory_space<semaphore_mem>>
        %dma_start3A = tpu.memref_slice %arg2[%mul3A_96] : memref<1572864xi32, #tpu.memory_space<hbm>> -> memref<65536xi32, #tpu.memory_space<hbm>>
        %dma_start3A_97 = tpu.memref_slice %arg2[%mul3A_96] : memref<1572864xi32, #tpu.memory_space<hbm>> -> memref<65536xi32, #tpu.memory_space<hbm>>
        tpu.enqueue_dma source(%dma_start3A_97 : memref<65536xi32, #tpu.memory_space<hbm>>) target(%arg7 : memref<65536xi32, #tpu.memory_space<vmem>>) target_semaphore(%run_scoped3A : memref<!tpu.dma_semaphore, #tpu.memory_space<semaphore_mem>>)
        %dma_wait3A = tpu.memref_slice %arg2[%mul3A_96] : memref<1572864xi32, #tpu.memory_space<hbm>> -> memref<65536xi32, #tpu.memory_space<hbm>>
        %dma_wait3A_98 = tpu.memref_slice %arg2[%mul3A_96] : memref<1572864xi32, #tpu.memory_space<hbm>> -> memref<65536xi32, #tpu.memory_space<hbm>>
        tpu.wait_dma2 semaphore(%run_scoped3A : memref<!tpu.dma_semaphore, #tpu.memory_space<semaphore_mem>>) src(%dma_wait3A_98 : memref<65536xi32, #tpu.memory_space<hbm>>) dst(%arg7 : memref<65536xi32, #tpu.memory_space<vmem>>)
        tpu.yield
      }) : () -> ()
    } else {
    }
    %ge3A = arith.constant 24 : i32
    %ge3A_13 = arith.cmpi sge, %add3A_4, %ge3A : i32
    %convert_element_type3A_14 = arith.extui %ge3A_13 : i1 to i32
    %cond3A_15 = arith.constant 0 : i32
    %cond3A_16 = arith.cmpi ne, %convert_element_type3A_14, %cond3A_15 : i32
    scf.if %cond3A_16 {
      %sub3A_95 = arith.constant 24 : i32
      %sub3A_96 = arith.subi %add3A_4, %sub3A_95 : i32
      %mul3A_97 = arith.constant 65536 : i32
      %mul3A_98 = arith.muli %sub3A_96, %mul3A_97 : i32
      "tpu.region"() ({
        %run_scoped3A = tpu.sem_alloc : memref<!tpu.dma_semaphore, #tpu.memory_space<semaphore_mem>>
        %dma_start3A = tpu.memref_slice %arg3[%mul3A_98] : memref<4718592xi32, #tpu.memory_space<hbm>> -> memref<65536xi32, #tpu.memory_space<hbm>>
        %dma_start3A_99 = tpu.memref_slice %arg3[%mul3A_98] : memref<4718592xi32, #tpu.memory_space<hbm>> -> memref<65536xi32, #tpu.memory_space<hbm>>
        tpu.enqueue_dma source(%dma_start3A_99 : memref<65536xi32, #tpu.memory_space<hbm>>) target(%arg7 : memref<65536xi32, #tpu.memory_space<vmem>>) target_semaphore(%run_scoped3A : memref<!tpu.dma_semaphore, #tpu.memory_space<semaphore_mem>>)
        %dma_wait3A = tpu.memref_slice %arg3[%mul3A_98] : memref<4718592xi32, #tpu.memory_space<hbm>> -> memref<65536xi32, #tpu.memory_space<hbm>>
        %dma_wait3A_100 = tpu.memref_slice %arg3[%mul3A_98] : memref<4718592xi32, #tpu.memory_space<hbm>> -> memref<65536xi32, #tpu.memory_space<hbm>>
        tpu.wait_dma2 semaphore(%run_scoped3A : memref<!tpu.dma_semaphore, #tpu.memory_space<semaphore_mem>>) src(%dma_wait3A_100 : memref<65536xi32, #tpu.memory_space<hbm>>) dst(%arg7 : memref<65536xi32, #tpu.memory_space<vmem>>)
        tpu.yield
      }) : () -> ()
    } else {
    }
    %broadcast_in_dim3A = vector.broadcast %add3A_4 : i32 to vector<16xi32>
    %gather3A = tpu.vector_load_idx %arg10[%broadcast_in_dim3A] : memref<96xf32, #tpu.memory_space<vmem>>[vector<16xi32>], vector<16xf32>,
    %mul3A_17 = arith.constant 2 : i32
    %mul3A_18 = arith.muli %add3A_4, %mul3A_17 : i32
    %scan3A = arith.constant 0 : i32
    %scan3A_19 = arith.constant 0 : i32
    %scan3A_20 = arith.constant 11 : i32
    %scan3A_21 = arith.addi %scan3A_19, %scan3A_20 : i32
    %scan3A_22 = arith.constant 1 : i32
    %scan3A_23 = scf.for %scan3A_95 = %scan3A_19 to %scan3A_21 step %scan3A_22 iter_args(%scan3A_96 = %scan3A) -> (i32)  : i32 {
      %mul3A_97 = arith.constant 11 : i32
      %mul3A_98 = arith.muli %select_n3A, %mul3A_97 : i32
      %add3A_99 = arith.addi %mul3A_98, %scan3A_95 : i32
      %mul3A_100 = arith.constant 3 : i32
      %mul3A_101 = arith.muli %add3A_99, %mul3A_100 : i32
      %mul3A_102 = arith.constant 2048 : i32
      %mul3A_103 = arith.muli %mul3A_101, %mul3A_102 : i32
      "tpu.region"() ({
        %run_scoped3A = tpu.sem_alloc : memref<!tpu.dma_semaphore, #tpu.memory_space<semaphore_mem>>
        %dma_start3A = tpu.memref_slice %arg4[%mul3A_103] : memref<270336xf32, #tpu.memory_space<hbm>> -> memref<6144xf32, #tpu.memory_space<hbm>>
        %dma_start3A_112 = tpu.memref_slice %arg4[%mul3A_103] : memref<270336xf32, #tpu.memory_space<hbm>> -> memref<6144xf32, #tpu.memory_space<hbm>>
        tpu.enqueue_dma source(%dma_start3A_112 : memref<6144xf32, #tpu.memory_space<hbm>>) target(%arg8 : memref<6144xf32, #tpu.memory_space<vmem>>) target_semaphore(%run_scoped3A : memref<!tpu.dma_semaphore, #tpu.memory_space<semaphore_mem>>)
        %dma_wait3A = tpu.memref_slice %arg4[%mul3A_103] : memref<270336xf32, #tpu.memory_space<hbm>> -> memref<6144xf32, #tpu.memory_space<hbm>>
        %dma_wait3A_113 = tpu.memref_slice %arg4[%mul3A_103] : memref<270336xf32, #tpu.memory_space<hbm>> -> memref<6144xf32, #tpu.memory_space<hbm>>
        tpu.wait_dma2 semaphore(%run_scoped3A : memref<!tpu.dma_semaphore, #tpu.memory_space<semaphore_mem>>) src(%dma_wait3A_113 : memref<6144xf32, #tpu.memory_space<hbm>>) dst(%arg8 : memref<6144xf32, #tpu.memory_space<vmem>>)
        tpu.yield
      }) : () -> ()
      %parallel_loop3A = arith.constant 0 : i32
      %parallel_loop3A_104 = arith.constant 2048 : i32
      %parallel_loop3A_105 = arith.constant 16 : i32
      scf.for %parallel_loop3A_112 = %parallel_loop3A to %parallel_loop3A_104 step %parallel_loop3A_105  : i32 {
        %parallel_loop3A_113 = arith.index_cast %parallel_loop3A_112 : i32 to index
        %parallel_loop3A_114 = tpu.vector_load %arg8[%parallel_loop3A_113] {strides = array<i32>} : memref<6144xf32, #tpu.memory_space<vmem>>, vector<16xf32>,
        %parallel_loop3A_115 = arith.mulf %parallel_loop3A_114, %gather3A : vector<16xf32>
        %parallel_loop3A_116 = arith.constant 2048 : i32
        %parallel_loop3A_117 = arith.addi %parallel_loop3A_116, %parallel_loop3A_112 : i32
        %parallel_loop3A_118 = arith.index_cast %parallel_loop3A_117 : i32 to index
        %parallel_loop3A_119 = tpu.vector_load %arg8[%parallel_loop3A_118] {strides = array<i32>} : memref<6144xf32, #tpu.memory_space<vmem>>, vector<16xf32>,
        %parallel_loop3A_120 = arith.mulf %parallel_loop3A_119, %gather3A : vector<16xf32>
        %parallel_loop3A_121 = arith.constant 4096 : i32
        %parallel_loop3A_122 = arith.addi %parallel_loop3A_121, %parallel_loop3A_112 : i32
        %parallel_loop3A_123 = arith.index_cast %parallel_loop3A_122 : i32 to index
        %parallel_loop3A_124 = tpu.vector_load %arg8[%parallel_loop3A_123] {strides = array<i32>} : memref<6144xf32, #tpu.memory_space<vmem>>, vector<16xf32>,
        %parallel_loop3A_125 = arith.mulf %parallel_loop3A_124, %gather3A : vector<16xf32>
        %parallel_loop3A_126 = arith.fptosi %parallel_loop3A_115 : vector<16xf32> to vector<16xi32>
        %parallel_loop3A_127 = arith.fptosi %parallel_loop3A_120 : vector<16xf32> to vector<16xi32>
        %parallel_loop3A_128 = arith.fptosi %parallel_loop3A_125 : vector<16xf32> to vector<16xi32>
        %parallel_loop3A_129 = arith.sitofp %parallel_loop3A_126 : vector<16xi32> to vector<16xf32>
        %parallel_loop3A_130 = arith.subf %parallel_loop3A_115, %parallel_loop3A_129 : vector<16xf32>
        %parallel_loop3A_131 = arith.sitofp %parallel_loop3A_127 : vector<16xi32> to vector<16xf32>
        %parallel_loop3A_132 = arith.subf %parallel_loop3A_120, %parallel_loop3A_131 : vector<16xf32>
        %parallel_loop3A_133 = arith.sitofp %parallel_loop3A_128 : vector<16xi32> to vector<16xf32>
        %parallel_loop3A_134 = arith.subf %parallel_loop3A_125, %parallel_loop3A_133 : vector<16xf32>
        %parallel_loop3A_135 = arith.constant 1 : i32
        %parallel_loop3A_136 = vector.broadcast %parallel_loop3A_135 : i32 to vector<16xi32>
        %parallel_loop3A_137 = arith.addi %parallel_loop3A_126, %parallel_loop3A_136 : vector<16xi32>
        %parallel_loop3A_138 = arith.constant -1640531535 : i32
        %parallel_loop3A_139 = vector.broadcast %parallel_loop3A_138 : i32 to vector<16xi32>
        %parallel_loop3A_140 = arith.muli %parallel_loop3A_127, %parallel_loop3A_139 : vector<16xi32>
        %parallel_loop3A_141 = arith.constant -1640531535 : i32
        %parallel_loop3A_142 = vector.broadcast %parallel_loop3A_141 : i32 to vector<16xi32>
        %parallel_loop3A_143 = arith.muli %parallel_loop3A_127, %parallel_loop3A_142 : vector<16xi32>
        %parallel_loop3A_144 = arith.constant -1640531535 : i32
        %parallel_loop3A_145 = vector.broadcast %parallel_loop3A_144 : i32 to vector<16xi32>
        %parallel_loop3A_146 = arith.addi %parallel_loop3A_143, %parallel_loop3A_145 : vector<16xi32>
        %parallel_loop3A_147 = arith.constant 805459861 : i32
        %parallel_loop3A_148 = vector.broadcast %parallel_loop3A_147 : i32 to vector<16xi32>
        %parallel_loop3A_149 = arith.muli %parallel_loop3A_128, %parallel_loop3A_148 : vector<16xi32>
        %parallel_loop3A_150 = arith.constant 805459861 : i32
        %parallel_loop3A_151 = vector.broadcast %parallel_loop3A_150 : i32 to vector<16xi32>
        %parallel_loop3A_152 = arith.muli %parallel_loop3A_128, %parallel_loop3A_151 : vector<16xi32>
        %parallel_loop3A_153 = arith.constant 805459861 : i32
        %parallel_loop3A_154 = vector.broadcast %parallel_loop3A_153 : i32 to vector<16xi32>
        %parallel_loop3A_155 = arith.addi %parallel_loop3A_152, %parallel_loop3A_154 : vector<16xi32>
        %parallel_loop3A_156 = arith.constant 1.000000e+00 : f32
        %parallel_loop3A_157 = vector.broadcast %parallel_loop3A_156 : f32 to vector<16xf32>
        %parallel_loop3A_158 = arith.subf %parallel_loop3A_157, %parallel_loop3A_130 : vector<16xf32>
        %parallel_loop3A_159 = arith.constant 1.000000e+00 : f32
        %parallel_loop3A_160 = vector.broadcast %parallel_loop3A_159 : f32 to vector<16xf32>
        %parallel_loop3A_161 = arith.subf %parallel_loop3A_160, %parallel_loop3A_132 : vector<16xf32>
        %parallel_loop3A_162 = arith.constant 1.000000e+00 : f32
        %parallel_loop3A_163 = vector.broadcast %parallel_loop3A_162 : f32 to vector<16xf32>
        %parallel_loop3A_164 = arith.subf %parallel_loop3A_163, %parallel_loop3A_134 : vector<16xf32>
        %parallel_loop3A_165 = arith.constant 0.000000e+00 : f32
        %parallel_loop3A_166 = vector.broadcast %parallel_loop3A_165 : f32 to vector<16xf32>
        %parallel_loop3A_167 = arith.constant 0.000000e+00 : f32
        %parallel_loop3A_168 = vector.broadcast %parallel_loop3A_167 : f32 to vector<16xf32>
        %parallel_loop3A_169 = arith.xori %parallel_loop3A_126, %parallel_loop3A_140 : vector<16xi32>
        %parallel_loop3A_170 = arith.mulf %parallel_loop3A_158, %parallel_loop3A_161 : vector<16xf32>
        %parallel_loop3A_171 = arith.xori %parallel_loop3A_169, %parallel_loop3A_149 : vector<16xi32>
        %parallel_loop3A_172 = arith.constant 65535 : i32
        %parallel_loop3A_173 = vector.broadcast %parallel_loop3A_172 : i32 to vector<16xi32>
        %parallel_loop3A_174 = arith.andi %parallel_loop3A_171, %parallel_loop3A_173 : vector<16xi32>
        %parallel_loop3A_175 = arith.mulf %parallel_loop3A_170, %parallel_loop3A_164 : vector<16xf32>
        %parallel_loop3A_176 = tpu.vector_load_idx %arg7[%parallel_loop3A_174] : memref<65536xi32, #tpu.memory_space<vmem>>[vector<16xi32>], vector<16xi32>,
        %parallel_loop3A_177 = arith.constant 16 : i32
        %parallel_loop3A_178 = vector.broadcast %parallel_loop3A_177 : i32 to vector<16xi32>
        %parallel_loop3A_179 = arith.shli %parallel_loop3A_176, %parallel_loop3A_178 : vector<16xi32>
        %parallel_loop3A_180 = vector.bitcast %parallel_loop3A_179 : vector<16xi32> to vector<16xf32>
        %parallel_loop3A_181 = arith.constant -65536 : i32
        %parallel_loop3A_182 = vector.broadcast %parallel_loop3A_181 : i32 to vector<16xi32>
        %parallel_loop3A_183 = arith.andi %parallel_loop3A_176, %parallel_loop3A_182 : vector<16xi32>
        %parallel_loop3A_184 = vector.bitcast %parallel_loop3A_183 : vector<16xi32> to vector<16xf32>
        %parallel_loop3A_185 = arith.mulf %parallel_loop3A_175, %parallel_loop3A_180 : vector<16xf32>
        %parallel_loop3A_186 = arith.addf %parallel_loop3A_166, %parallel_loop3A_185 : vector<16xf32>
        %parallel_loop3A_187 = arith.mulf %parallel_loop3A_175, %parallel_loop3A_184 : vector<16xf32>
        %parallel_loop3A_188 = arith.addf %parallel_loop3A_168, %parallel_loop3A_187 : vector<16xf32>
        %parallel_loop3A_189 = arith.xori %parallel_loop3A_169, %parallel_loop3A_155 : vector<16xi32>
        %parallel_loop3A_190 = arith.constant 65535 : i32
        %parallel_loop3A_191 = vector.broadcast %parallel_loop3A_190 : i32 to vector<16xi32>
        %parallel_loop3A_192 = arith.andi %parallel_loop3A_189, %parallel_loop3A_191 : vector<16xi32>
        %parallel_loop3A_193 = arith.mulf %parallel_loop3A_170, %parallel_loop3A_134 : vector<16xf32>
        %parallel_loop3A_194 = tpu.vector_load_idx %arg7[%parallel_loop3A_192] : memref<65536xi32, #tpu.memory_space<vmem>>[vector<16xi32>], vector<16xi32>,
        %parallel_loop3A_195 = arith.constant 16 : i32
        %parallel_loop3A_196 = vector.broadcast %parallel_loop3A_195 : i32 to vector<16xi32>
        %parallel_loop3A_197 = arith.shli %parallel_loop3A_194, %parallel_loop3A_196 : vector<16xi32>
        %parallel_loop3A_198 = vector.bitcast %parallel_loop3A_197 : vector<16xi32> to vector<16xf32>
        %parallel_loop3A_199 = arith.constant -65536 : i32
        %parallel_loop3A_200 = vector.broadcast %parallel_loop3A_199 : i32 to vector<16xi32>
        %parallel_loop3A_201 = arith.andi %parallel_loop3A_194, %parallel_loop3A_200 : vector<16xi32>
        %parallel_loop3A_202 = vector.bitcast %parallel_loop3A_201 : vector<16xi32> to vector<16xf32>
        %parallel_loop3A_203 = arith.mulf %parallel_loop3A_193, %parallel_loop3A_198 : vector<16xf32>
        %parallel_loop3A_204 = arith.addf %parallel_loop3A_186, %parallel_loop3A_203 : vector<16xf32>
        %parallel_loop3A_205 = arith.mulf %parallel_loop3A_193, %parallel_loop3A_202 : vector<16xf32>
        %parallel_loop3A_206 = arith.addf %parallel_loop3A_188, %parallel_loop3A_205 : vector<16xf32>
        %parallel_loop3A_207 = arith.xori %parallel_loop3A_126, %parallel_loop3A_146 : vector<16xi32>
        %parallel_loop3A_208 = arith.mulf %parallel_loop3A_158, %parallel_loop3A_132 : vector<16xf32>
        %parallel_loop3A_209 = arith.xori %parallel_loop3A_207, %parallel_loop3A_149 : vector<16xi32>
        %parallel_loop3A_210 = arith.constant 65535 : i32
        %parallel_loop3A_211 = vector.broadcast %parallel_loop3A_210 : i32 to vector<16xi32>
        %parallel_loop3A_212 = arith.andi %parallel_loop3A_209, %parallel_loop3A_211 : vector<16xi32>
        %parallel_loop3A_213 = arith.mulf %parallel_loop3A_208, %parallel_loop3A_164 : vector<16xf32>
        %parallel_loop3A_214 = tpu.vector_load_idx %arg7[%parallel_loop3A_212] : memref<65536xi32, #tpu.memory_space<vmem>>[vector<16xi32>], vector<16xi32>,
        %parallel_loop3A_215 = arith.constant 16 : i32
        %parallel_loop3A_216 = vector.broadcast %parallel_loop3A_215 : i32 to vector<16xi32>
        %parallel_loop3A_217 = arith.shli %parallel_loop3A_214, %parallel_loop3A_216 : vector<16xi32>
        %parallel_loop3A_218 = vector.bitcast %parallel_loop3A_217 : vector<16xi32> to vector<16xf32>
        %parallel_loop3A_219 = arith.constant -65536 : i32
        %parallel_loop3A_220 = vector.broadcast %parallel_loop3A_219 : i32 to vector<16xi32>
        %parallel_loop3A_221 = arith.andi %parallel_loop3A_214, %parallel_loop3A_220 : vector<16xi32>
        %parallel_loop3A_222 = vector.bitcast %parallel_loop3A_221 : vector<16xi32> to vector<16xf32>
        %parallel_loop3A_223 = arith.mulf %parallel_loop3A_213, %parallel_loop3A_218 : vector<16xf32>
        %parallel_loop3A_224 = arith.addf %parallel_loop3A_204, %parallel_loop3A_223 : vector<16xf32>
        %parallel_loop3A_225 = arith.mulf %parallel_loop3A_213, %parallel_loop3A_222 : vector<16xf32>
        %parallel_loop3A_226 = arith.addf %parallel_loop3A_206, %parallel_loop3A_225 : vector<16xf32>
        %parallel_loop3A_227 = arith.xori %parallel_loop3A_207, %parallel_loop3A_155 : vector<16xi32>
        %parallel_loop3A_228 = arith.constant 65535 : i32
        %parallel_loop3A_229 = vector.broadcast %parallel_loop3A_228 : i32 to vector<16xi32>
        %parallel_loop3A_230 = arith.andi %parallel_loop3A_227, %parallel_loop3A_229 : vector<16xi32>
        %parallel_loop3A_231 = arith.mulf %parallel_loop3A_208, %parallel_loop3A_134 : vector<16xf32>
        %parallel_loop3A_232 = tpu.vector_load_idx %arg7[%parallel_loop3A_230] : memref<65536xi32, #tpu.memory_space<vmem>>[vector<16xi32>], vector<16xi32>,
        %parallel_loop3A_233 = arith.constant 16 : i32
        %parallel_loop3A_234 = vector.broadcast %parallel_loop3A_233 : i32 to vector<16xi32>
        %parallel_loop3A_235 = arith.shli %parallel_loop3A_232, %parallel_loop3A_234 : vector<16xi32>
        %parallel_loop3A_236 = vector.bitcast %parallel_loop3A_235 : vector<16xi32> to vector<16xf32>
        %parallel_loop3A_237 = arith.constant -65536 : i32
        %parallel_loop3A_238 = vector.broadcast %parallel_loop3A_237 : i32 to vector<16xi32>
        %parallel_loop3A_239 = arith.andi %parallel_loop3A_232, %parallel_loop3A_238 : vector<16xi32>
        %parallel_loop3A_240 = vector.bitcast %parallel_loop3A_239 : vector<16xi32> to vector<16xf32>
        %parallel_loop3A_241 = arith.mulf %parallel_loop3A_231, %parallel_loop3A_236 : vector<16xf32>
        %parallel_loop3A_242 = arith.addf %parallel_loop3A_224, %parallel_loop3A_241 : vector<16xf32>
        %parallel_loop3A_243 = arith.mulf %parallel_loop3A_231, %parallel_loop3A_240 : vector<16xf32>
        %parallel_loop3A_244 = arith.addf %parallel_loop3A_226, %parallel_loop3A_243 : vector<16xf32>
        %parallel_loop3A_245 = arith.xori %parallel_loop3A_137, %parallel_loop3A_140 : vector<16xi32>
        %parallel_loop3A_246 = arith.mulf %parallel_loop3A_130, %parallel_loop3A_161 : vector<16xf32>
        %parallel_loop3A_247 = arith.xori %parallel_loop3A_245, %parallel_loop3A_149 : vector<16xi32>
        %parallel_loop3A_248 = arith.constant 65535 : i32
        %parallel_loop3A_249 = vector.broadcast %parallel_loop3A_248 : i32 to vector<16xi32>
        %parallel_loop3A_250 = arith.andi %parallel_loop3A_247, %parallel_loop3A_249 : vector<16xi32>
        %parallel_loop3A_251 = arith.mulf %parallel_loop3A_246, %parallel_loop3A_164 : vector<16xf32>
        %parallel_loop3A_252 = tpu.vector_load_idx %arg7[%parallel_loop3A_250] : memref<65536xi32, #tpu.memory_space<vmem>>[vector<16xi32>], vector<16xi32>,
        %parallel_loop3A_253 = arith.constant 16 : i32
        %parallel_loop3A_254 = vector.broadcast %parallel_loop3A_253 : i32 to vector<16xi32>
        %parallel_loop3A_255 = arith.shli %parallel_loop3A_252, %parallel_loop3A_254 : vector<16xi32>
        %parallel_loop3A_256 = vector.bitcast %parallel_loop3A_255 : vector<16xi32> to vector<16xf32>
        %parallel_loop3A_257 = arith.constant -65536 : i32
        %parallel_loop3A_258 = vector.broadcast %parallel_loop3A_257 : i32 to vector<16xi32>
        %parallel_loop3A_259 = arith.andi %parallel_loop3A_252, %parallel_loop3A_258 : vector<16xi32>
        %parallel_loop3A_260 = vector.bitcast %parallel_loop3A_259 : vector<16xi32> to vector<16xf32>
        %parallel_loop3A_261 = arith.mulf %parallel_loop3A_251, %parallel_loop3A_256 : vector<16xf32>
        %parallel_loop3A_262 = arith.addf %parallel_loop3A_242, %parallel_loop3A_261 : vector<16xf32>
        %parallel_loop3A_263 = arith.mulf %parallel_loop3A_251, %parallel_loop3A_260 : vector<16xf32>
        %parallel_loop3A_264 = arith.addf %parallel_loop3A_244, %parallel_loop3A_263 : vector<16xf32>
        %parallel_loop3A_265 = arith.xori %parallel_loop3A_245, %parallel_loop3A_155 : vector<16xi32>
        %parallel_loop3A_266 = arith.constant 65535 : i32
        %parallel_loop3A_267 = vector.broadcast %parallel_loop3A_266 : i32 to vector<16xi32>
        %parallel_loop3A_268 = arith.andi %parallel_loop3A_265, %parallel_loop3A_267 : vector<16xi32>
        %parallel_loop3A_269 = arith.mulf %parallel_loop3A_246, %parallel_loop3A_134 : vector<16xf32>
        %parallel_loop3A_270 = tpu.vector_load_idx %arg7[%parallel_loop3A_268] : memref<65536xi32, #tpu.memory_space<vmem>>[vector<16xi32>], vector<16xi32>,
        %parallel_loop3A_271 = arith.constant 16 : i32
        %parallel_loop3A_272 = vector.broadcast %parallel_loop3A_271 : i32 to vector<16xi32>
        %parallel_loop3A_273 = arith.shli %parallel_loop3A_270, %parallel_loop3A_272 : vector<16xi32>
        %parallel_loop3A_274 = vector.bitcast %parallel_loop3A_273 : vector<16xi32> to vector<16xf32>
        %parallel_loop3A_275 = arith.constant -65536 : i32
        %parallel_loop3A_276 = vector.broadcast %parallel_loop3A_275 : i32 to vector<16xi32>
        %parallel_loop3A_277 = arith.andi %parallel_loop3A_270, %parallel_loop3A_276 : vector<16xi32>
        %parallel_loop3A_278 = vector.bitcast %parallel_loop3A_277 : vector<16xi32> to vector<16xf32>
        %parallel_loop3A_279 = arith.mulf %parallel_loop3A_269, %parallel_loop3A_274 : vector<16xf32>
        %parallel_loop3A_280 = arith.addf %parallel_loop3A_262, %parallel_loop3A_279 : vector<16xf32>
        %parallel_loop3A_281 = arith.mulf %parallel_loop3A_269, %parallel_loop3A_278 : vector<16xf32>
        %parallel_loop3A_282 = arith.addf %parallel_loop3A_264, %parallel_loop3A_281 : vector<16xf32>
        %parallel_loop3A_283 = arith.xori %parallel_loop3A_137, %parallel_loop3A_146 : vector<16xi32>
        %parallel_loop3A_284 = arith.mulf %parallel_loop3A_130, %parallel_loop3A_132 : vector<16xf32>
        %parallel_loop3A_285 = arith.xori %parallel_loop3A_283, %parallel_loop3A_149 : vector<16xi32>
        %parallel_loop3A_286 = arith.constant 65535 : i32
        %parallel_loop3A_287 = vector.broadcast %parallel_loop3A_286 : i32 to vector<16xi32>
        %parallel_loop3A_288 = arith.andi %parallel_loop3A_285, %parallel_loop3A_287 : vector<16xi32>
        %parallel_loop3A_289 = arith.mulf %parallel_loop3A_284, %parallel_loop3A_164 : vector<16xf32>
        %parallel_loop3A_290 = tpu.vector_load_idx %arg7[%parallel_loop3A_288] : memref<65536xi32, #tpu.memory_space<vmem>>[vector<16xi32>], vector<16xi32>,
        %parallel_loop3A_291 = arith.constant 16 : i32
        %parallel_loop3A_292 = vector.broadcast %parallel_loop3A_291 : i32 to vector<16xi32>
        %parallel_loop3A_293 = arith.shli %parallel_loop3A_290, %parallel_loop3A_292 : vector<16xi32>
        %parallel_loop3A_294 = vector.bitcast %parallel_loop3A_293 : vector<16xi32> to vector<16xf32>
        %parallel_loop3A_295 = arith.constant -65536 : i32
        %parallel_loop3A_296 = vector.broadcast %parallel_loop3A_295 : i32 to vector<16xi32>
        %parallel_loop3A_297 = arith.andi %parallel_loop3A_290, %parallel_loop3A_296 : vector<16xi32>
        %parallel_loop3A_298 = vector.bitcast %parallel_loop3A_297 : vector<16xi32> to vector<16xf32>
        %parallel_loop3A_299 = arith.mulf %parallel_loop3A_289, %parallel_loop3A_294 : vector<16xf32>
        %parallel_loop3A_300 = arith.addf %parallel_loop3A_280, %parallel_loop3A_299 : vector<16xf32>
        %parallel_loop3A_301 = arith.mulf %parallel_loop3A_289, %parallel_loop3A_298 : vector<16xf32>
        %parallel_loop3A_302 = arith.addf %parallel_loop3A_282, %parallel_loop3A_301 : vector<16xf32>
        %parallel_loop3A_303 = arith.xori %parallel_loop3A_283, %parallel_loop3A_155 : vector<16xi32>
        %parallel_loop3A_304 = arith.constant 65535 : i32
        %parallel_loop3A_305 = vector.broadcast %parallel_loop3A_304 : i32 to vector<16xi32>
        %parallel_loop3A_306 = arith.andi %parallel_loop3A_303, %parallel_loop3A_305 : vector<16xi32>
        %parallel_loop3A_307 = arith.mulf %parallel_loop3A_284, %parallel_loop3A_134 : vector<16xf32>
        %parallel_loop3A_308 = tpu.vector_load_idx %arg7[%parallel_loop3A_306] : memref<65536xi32, #tpu.memory_space<vmem>>[vector<16xi32>], vector<16xi32>,
        %parallel_loop3A_309 = arith.constant 16 : i32
        %parallel_loop3A_310 = vector.broadcast %parallel_loop3A_309 : i32 to vector<16xi32>
        %parallel_loop3A_311 = arith.shli %parallel_loop3A_308, %parallel_loop3A_310 : vector<16xi32>
        %parallel_loop3A_312 = vector.bitcast %parallel_loop3A_311 : vector<16xi32> to vector<16xf32>
        %parallel_loop3A_313 = arith.constant -65536 : i32
        %parallel_loop3A_314 = vector.broadcast %parallel_loop3A_313 : i32 to vector<16xi32>
        %parallel_loop3A_315 = arith.andi %parallel_loop3A_308, %parallel_loop3A_314 : vector<16xi32>
        %parallel_loop3A_316 = vector.bitcast %parallel_loop3A_315 : vector<16xi32> to vector<16xf32>
        %parallel_loop3A_317 = arith.mulf %parallel_loop3A_307, %parallel_loop3A_312 : vector<16xf32>
        %parallel_loop3A_318 = arith.addf %parallel_loop3A_300, %parallel_loop3A_317 : vector<16xf32>
        %parallel_loop3A_319 = arith.mulf %parallel_loop3A_307, %parallel_loop3A_316 : vector<16xf32>
        %parallel_loop3A_320 = arith.addf %parallel_loop3A_302, %parallel_loop3A_319 : vector<16xf32>
        %parallel_loop3A_321 = arith.index_cast %parallel_loop3A_112 : i32 to index
        %parallel_loop3A_322 = tpu.vector_load %arg9[%parallel_loop3A_321] {strides = array<i32>} : memref<4096xf32, #tpu.memory_space<vmem>>, vector<16xf32>,
        tpu.vector_store %arg9[%parallel_loop3A_321], %parallel_loop3A_318 {strides = array<i32>} : memref<4096xf32, #tpu.memory_space<vmem>>, vector<16xf32>,
        %parallel_loop3A_323 = arith.constant 2048 : i32
        %parallel_loop3A_324 = arith.addi %parallel_loop3A_323, %parallel_loop3A_112 : i32
        %parallel_loop3A_325 = arith.index_cast %parallel_loop3A_324 : i32 to index
        %parallel_loop3A_326 = tpu.vector_load %arg9[%parallel_loop3A_325] {strides = array<i32>} : memref<4096xf32, #tpu.memory_space<vmem>>, vector<16xf32>,
        tpu.vector_store %arg9[%parallel_loop3A_325], %parallel_loop3A_320 {strides = array<i32>} : memref<4096xf32, #tpu.memory_space<vmem>>, vector<16xf32>,
      } {sc.loop_unroll_factor = 2 : i64, sc.parallel_access}
      %mul3A_106 = arith.constant 192 : i32
      %mul3A_107 = arith.muli %scan3A_95, %mul3A_106 : i32
      %add3A_108 = arith.addi %mul3A_107, %mul3A_18 : i32
      %mul3A_109 = arith.constant 2048 : i32
      %mul3A_110 = arith.muli %add3A_108, %mul3A_109 : i32
      "tpu.region"() ({
        %run_scoped3A = tpu.sem_alloc : memref<!tpu.dma_semaphore, #tpu.memory_space<semaphore_mem>>
        %dma_start3A = tpu.memref_slice %arg6[%mul3A_110] : memref<4325376xf32, #tpu.memory_space<hbm>> -> memref<4096xf32, #tpu.memory_space<hbm>>
        %dma_start3A_112 = tpu.memref_slice %arg6[%mul3A_110] : memref<4325376xf32, #tpu.memory_space<hbm>> -> memref<4096xf32, #tpu.memory_space<hbm>>
        tpu.enqueue_dma source(%arg9 : memref<4096xf32, #tpu.memory_space<vmem>>) target(%dma_start3A_112 : memref<4096xf32, #tpu.memory_space<hbm>>) target_semaphore(%run_scoped3A : memref<!tpu.dma_semaphore, #tpu.memory_space<semaphore_mem>>)
        %dma_wait3A = tpu.memref_slice %arg6[%mul3A_110] : memref<4325376xf32, #tpu.memory_space<hbm>> -> memref<4096xf32, #tpu.memory_space<hbm>>
        %dma_wait3A_113 = tpu.memref_slice %arg6[%mul3A_110] : memref<4325376xf32, #tpu.memory_space<hbm>> -> memref<4096xf32, #tpu.memory_space<hbm>>
        tpu.wait_dma2 semaphore(%run_scoped3A : memref<!tpu.dma_semaphore, #tpu.memory_space<semaphore_mem>>) src(%arg9 : memref<4096xf32, #tpu.memory_space<vmem>>) dst(%dma_wait3A_113 : memref<4096xf32, #tpu.memory_space<hbm>>)
        tpu.yield
      }) : () -> ()
      %scan3A_111 = arith.constant 0 : i32
      scf.yield %scan3A_111 : i32
    }
    %scan3A_24 = arith.constant 11 : i32
    %mul3A_25 = arith.constant 3 : i32
    %mul3A_26 = arith.muli %add3A, %mul3A_25 : i32
    %add3A_27 = arith.constant 1 : i32
    %add3A_28 = arith.addi %mul3A_26, %add3A_27 : i32
    %lt3A_29 = arith.constant 24 : i32
    %lt3A_30 = arith.cmpi slt, %add3A_28, %lt3A_29 : i32
    %sub3A_31 = arith.constant 24 : i32
    %sub3A_32 = arith.subi %add3A_28, %sub3A_31 : i32
    %rem3A_33 = arith.constant 3 : i32
    %rem3A_34 = arith.remsi %sub3A_32, %rem3A_33 : i32
    %add3A_35 = arith.constant 1 : i32
    %add3A_36 = arith.addi %add3A_35, %rem3A_34 : i32
    %jit3A_37 = arith.constant 0 : i32
    %select_n3A_38 = arith.select %lt3A_30, %jit3A_37, %add3A_36 : i32
    %lt3A_39 = arith.constant 24 : i32
    %lt3A_40 = arith.cmpi slt, %add3A_28, %lt3A_39 : i32
    %convert_element_type3A_41 = arith.extui %lt3A_40 : i1 to i32
    %cond3A_42 = arith.constant 0 : i32
    %cond3A_43 = arith.cmpi ne, %convert_element_type3A_41, %cond3A_42 : i32
    scf.if %cond3A_43 {
      %mul3A_95 = arith.constant 65536 : i32
      %mul3A_96 = arith.muli %add3A_28, %mul3A_95 : i32
      "tpu.region"() ({
        %run_scoped3A = tpu.sem_alloc : memref<!tpu.dma_semaphore, #tpu.memory_space<semaphore_mem>>
        %dma_start3A = tpu.memref_slice %arg2[%mul3A_96] : memref<1572864xi32, #tpu.memory_space<hbm>> -> memref<65536xi32, #tpu.memory_space<hbm>>
        %dma_start3A_97 = tpu.memref_slice %arg2[%mul3A_96] : memref<1572864xi32, #tpu.memory_space<hbm>> -> memref<65536xi32, #tpu.memory_space<hbm>>
        tpu.enqueue_dma source(%dma_start3A_97 : memref<65536xi32, #tpu.memory_space<hbm>>) target(%arg7 : memref<65536xi32, #tpu.memory_space<vmem>>) target_semaphore(%run_scoped3A : memref<!tpu.dma_semaphore, #tpu.memory_space<semaphore_mem>>)
        %dma_wait3A = tpu.memref_slice %arg2[%mul3A_96] : memref<1572864xi32, #tpu.memory_space<hbm>> -> memref<65536xi32, #tpu.memory_space<hbm>>
        %dma_wait3A_98 = tpu.memref_slice %arg2[%mul3A_96] : memref<1572864xi32, #tpu.memory_space<hbm>> -> memref<65536xi32, #tpu.memory_space<hbm>>
        tpu.wait_dma2 semaphore(%run_scoped3A : memref<!tpu.dma_semaphore, #tpu.memory_space<semaphore_mem>>) src(%dma_wait3A_98 : memref<65536xi32, #tpu.memory_space<hbm>>) dst(%arg7 : memref<65536xi32, #tpu.memory_space<vmem>>)
        tpu.yield
      }) : () -> ()
    } else {
    }
    %ge3A_44 = arith.constant 24 : i32
    %ge3A_45 = arith.cmpi sge, %add3A_28, %ge3A_44 : i32
    %convert_element_type3A_46 = arith.extui %ge3A_45 : i1 to i32
    %cond3A_47 = arith.constant 0 : i32
    %cond3A_48 = arith.cmpi ne, %convert_element_type3A_46, %cond3A_47 : i32
    scf.if %cond3A_48 {
      %sub3A_95 = arith.constant 24 : i32
      %sub3A_96 = arith.subi %add3A_28, %sub3A_95 : i32
      %mul3A_97 = arith.constant 65536 : i32
      %mul3A_98 = arith.muli %sub3A_96, %mul3A_97 : i32
      "tpu.region"() ({
        %run_scoped3A = tpu.sem_alloc : memref<!tpu.dma_semaphore, #tpu.memory_space<semaphore_mem>>
        %dma_start3A = tpu.memref_slice %arg3[%mul3A_98] : memref<4718592xi32, #tpu.memory_space<hbm>> -> memref<65536xi32, #tpu.memory_space<hbm>>
        %dma_start3A_99 = tpu.memref_slice %arg3[%mul3A_98] : memref<4718592xi32, #tpu.memory_space<hbm>> -> memref<65536xi32, #tpu.memory_space<hbm>>
        tpu.enqueue_dma source(%dma_start3A_99 : memref<65536xi32, #tpu.memory_space<hbm>>) target(%arg7 : memref<65536xi32, #tpu.memory_space<vmem>>) target_semaphore(%run_scoped3A : memref<!tpu.dma_semaphore, #tpu.memory_space<semaphore_mem>>)
        %dma_wait3A = tpu.memref_slice %arg3[%mul3A_98] : memref<4718592xi32, #tpu.memory_space<hbm>> -> memref<65536xi32, #tpu.memory_space<hbm>>
        %dma_wait3A_100 = tpu.memref_slice %arg3[%mul3A_98] : memref<4718592xi32, #tpu.memory_space<hbm>> -> memref<65536xi32, #tpu.memory_space<hbm>>
        tpu.wait_dma2 semaphore(%run_scoped3A : memref<!tpu.dma_semaphore, #tpu.memory_space<semaphore_mem>>) src(%dma_wait3A_100 : memref<65536xi32, #tpu.memory_space<hbm>>) dst(%arg7 : memref<65536xi32, #tpu.memory_space<vmem>>)
        tpu.yield
      }) : () -> ()
    } else {
    }
    %broadcast_in_dim3A_49 = vector.broadcast %add3A_28 : i32 to vector<16xi32>
    %gather3A_50 = tpu.vector_load_idx %arg10[%broadcast_in_dim3A_49] : memref<96xf32, #tpu.memory_space<vmem>>[vector<16xi32>], vector<16xf32>,
    %mul3A_51 = arith.constant 2 : i32
    %mul3A_52 = arith.muli %add3A_28, %mul3A_51 : i32
    %scan3A_53 = arith.constant 0 : i32
    %scan3A_54 = arith.constant 0 : i32
    %scan3A_55 = arith.constant 11 : i32
    %scan3A_56 = arith.addi %scan3A_54, %scan3A_55 : i32
    %scan3A_57 = arith.constant 1 : i32
    %scan3A_58 = scf.for %scan3A_95 = %scan3A_54 to %scan3A_56 step %scan3A_57 iter_args(%scan3A_96 = %scan3A_53) -> (i32)  : i32 {
      %mul3A_97 = arith.constant 11 : i32
      %mul3A_98 = arith.muli %select_n3A_38, %mul3A_97 : i32
      %add3A_99 = arith.addi %mul3A_98, %scan3A_95 : i32
      %mul3A_100 = arith.constant 3 : i32
      %mul3A_101 = arith.muli %add3A_99, %mul3A_100 : i32
      %mul3A_102 = arith.constant 2048 : i32
      %mul3A_103 = arith.muli %mul3A_101, %mul3A_102 : i32
      "tpu.region"() ({
        %run_scoped3A = tpu.sem_alloc : memref<!tpu.dma_semaphore, #tpu.memory_space<semaphore_mem>>
        %dma_start3A = tpu.memref_slice %arg4[%mul3A_103] : memref<270336xf32, #tpu.memory_space<hbm>> -> memref<6144xf32, #tpu.memory_space<hbm>>
        %dma_start3A_112 = tpu.memref_slice %arg4[%mul3A_103] : memref<270336xf32, #tpu.memory_space<hbm>> -> memref<6144xf32, #tpu.memory_space<hbm>>
        tpu.enqueue_dma source(%dma_start3A_112 : memref<6144xf32, #tpu.memory_space<hbm>>) target(%arg8 : memref<6144xf32, #tpu.memory_space<vmem>>) target_semaphore(%run_scoped3A : memref<!tpu.dma_semaphore, #tpu.memory_space<semaphore_mem>>)
        %dma_wait3A = tpu.memref_slice %arg4[%mul3A_103] : memref<270336xf32, #tpu.memory_space<hbm>> -> memref<6144xf32, #tpu.memory_space<hbm>>
        %dma_wait3A_113 = tpu.memref_slice %arg4[%mul3A_103] : memref<270336xf32, #tpu.memory_space<hbm>> -> memref<6144xf32, #tpu.memory_space<hbm>>
        tpu.wait_dma2 semaphore(%run_scoped3A : memref<!tpu.dma_semaphore, #tpu.memory_space<semaphore_mem>>) src(%dma_wait3A_113 : memref<6144xf32, #tpu.memory_space<hbm>>) dst(%arg8 : memref<6144xf32, #tpu.memory_space<vmem>>)
        tpu.yield
      }) : () -> ()
      %parallel_loop3A = arith.constant 0 : i32
      %parallel_loop3A_104 = arith.constant 2048 : i32
      %parallel_loop3A_105 = arith.constant 16 : i32
      scf.for %parallel_loop3A_112 = %parallel_loop3A to %parallel_loop3A_104 step %parallel_loop3A_105  : i32 {
        %parallel_loop3A_113 = arith.index_cast %parallel_loop3A_112 : i32 to index
        %parallel_loop3A_114 = tpu.vector_load %arg8[%parallel_loop3A_113] {strides = array<i32>} : memref<6144xf32, #tpu.memory_space<vmem>>, vector<16xf32>,
        %parallel_loop3A_115 = arith.mulf %parallel_loop3A_114, %gather3A_50 : vector<16xf32>
        %parallel_loop3A_116 = arith.constant 2048 : i32
        %parallel_loop3A_117 = arith.addi %parallel_loop3A_116, %parallel_loop3A_112 : i32
        %parallel_loop3A_118 = arith.index_cast %parallel_loop3A_117 : i32 to index
        %parallel_loop3A_119 = tpu.vector_load %arg8[%parallel_loop3A_118] {strides = array<i32>} : memref<6144xf32, #tpu.memory_space<vmem>>, vector<16xf32>,
        %parallel_loop3A_120 = arith.mulf %parallel_loop3A_119, %gather3A_50 : vector<16xf32>
        %parallel_loop3A_121 = arith.constant 4096 : i32
        %parallel_loop3A_122 = arith.addi %parallel_loop3A_121, %parallel_loop3A_112 : i32
        %parallel_loop3A_123 = arith.index_cast %parallel_loop3A_122 : i32 to index
        %parallel_loop3A_124 = tpu.vector_load %arg8[%parallel_loop3A_123] {strides = array<i32>} : memref<6144xf32, #tpu.memory_space<vmem>>, vector<16xf32>,
        %parallel_loop3A_125 = arith.mulf %parallel_loop3A_124, %gather3A_50 : vector<16xf32>
        %parallel_loop3A_126 = arith.fptosi %parallel_loop3A_115 : vector<16xf32> to vector<16xi32>
        %parallel_loop3A_127 = arith.fptosi %parallel_loop3A_120 : vector<16xf32> to vector<16xi32>
        %parallel_loop3A_128 = arith.fptosi %parallel_loop3A_125 : vector<16xf32> to vector<16xi32>
        %parallel_loop3A_129 = arith.sitofp %parallel_loop3A_126 : vector<16xi32> to vector<16xf32>
        %parallel_loop3A_130 = arith.subf %parallel_loop3A_115, %parallel_loop3A_129 : vector<16xf32>
        %parallel_loop3A_131 = arith.sitofp %parallel_loop3A_127 : vector<16xi32> to vector<16xf32>
        %parallel_loop3A_132 = arith.subf %parallel_loop3A_120, %parallel_loop3A_131 : vector<16xf32>
        %parallel_loop3A_133 = arith.sitofp %parallel_loop3A_128 : vector<16xi32> to vector<16xf32>
        %parallel_loop3A_134 = arith.subf %parallel_loop3A_125, %parallel_loop3A_133 : vector<16xf32>
        %parallel_loop3A_135 = arith.constant 1 : i32
        %parallel_loop3A_136 = vector.broadcast %parallel_loop3A_135 : i32 to vector<16xi32>
        %parallel_loop3A_137 = arith.addi %parallel_loop3A_126, %parallel_loop3A_136 : vector<16xi32>
        %parallel_loop3A_138 = arith.constant -1640531535 : i32
        %parallel_loop3A_139 = vector.broadcast %parallel_loop3A_138 : i32 to vector<16xi32>
        %parallel_loop3A_140 = arith.muli %parallel_loop3A_127, %parallel_loop3A_139 : vector<16xi32>
        %parallel_loop3A_141 = arith.constant -1640531535 : i32
        %parallel_loop3A_142 = vector.broadcast %parallel_loop3A_141 : i32 to vector<16xi32>
        %parallel_loop3A_143 = arith.muli %parallel_loop3A_127, %parallel_loop3A_142 : vector<16xi32>
        %parallel_loop3A_144 = arith.constant -1640531535 : i32
        %parallel_loop3A_145 = vector.broadcast %parallel_loop3A_144 : i32 to vector<16xi32>
        %parallel_loop3A_146 = arith.addi %parallel_loop3A_143, %parallel_loop3A_145 : vector<16xi32>
        %parallel_loop3A_147 = arith.constant 805459861 : i32
        %parallel_loop3A_148 = vector.broadcast %parallel_loop3A_147 : i32 to vector<16xi32>
        %parallel_loop3A_149 = arith.muli %parallel_loop3A_128, %parallel_loop3A_148 : vector<16xi32>
        %parallel_loop3A_150 = arith.constant 805459861 : i32
        %parallel_loop3A_151 = vector.broadcast %parallel_loop3A_150 : i32 to vector<16xi32>
        %parallel_loop3A_152 = arith.muli %parallel_loop3A_128, %parallel_loop3A_151 : vector<16xi32>
        %parallel_loop3A_153 = arith.constant 805459861 : i32
        %parallel_loop3A_154 = vector.broadcast %parallel_loop3A_153 : i32 to vector<16xi32>
        %parallel_loop3A_155 = arith.addi %parallel_loop3A_152, %parallel_loop3A_154 : vector<16xi32>
        %parallel_loop3A_156 = arith.constant 1.000000e+00 : f32
        %parallel_loop3A_157 = vector.broadcast %parallel_loop3A_156 : f32 to vector<16xf32>
        %parallel_loop3A_158 = arith.subf %parallel_loop3A_157, %parallel_loop3A_130 : vector<16xf32>
        %parallel_loop3A_159 = arith.constant 1.000000e+00 : f32
        %parallel_loop3A_160 = vector.broadcast %parallel_loop3A_159 : f32 to vector<16xf32>
        %parallel_loop3A_161 = arith.subf %parallel_loop3A_160, %parallel_loop3A_132 : vector<16xf32>
        %parallel_loop3A_162 = arith.constant 1.000000e+00 : f32
        %parallel_loop3A_163 = vector.broadcast %parallel_loop3A_162 : f32 to vector<16xf32>
        %parallel_loop3A_164 = arith.subf %parallel_loop3A_163, %parallel_loop3A_134 : vector<16xf32>
        %parallel_loop3A_165 = arith.constant 0.000000e+00 : f32
        %parallel_loop3A_166 = vector.broadcast %parallel_loop3A_165 : f32 to vector<16xf32>
        %parallel_loop3A_167 = arith.constant 0.000000e+00 : f32
        %parallel_loop3A_168 = vector.broadcast %parallel_loop3A_167 : f32 to vector<16xf32>
        %parallel_loop3A_169 = arith.xori %parallel_loop3A_126, %parallel_loop3A_140 : vector<16xi32>
        %parallel_loop3A_170 = arith.mulf %parallel_loop3A_158, %parallel_loop3A_161 : vector<16xf32>
        %parallel_loop3A_171 = arith.xori %parallel_loop3A_169, %parallel_loop3A_149 : vector<16xi32>
        %parallel_loop3A_172 = arith.constant 65535 : i32
        %parallel_loop3A_173 = vector.broadcast %parallel_loop3A_172 : i32 to vector<16xi32>
        %parallel_loop3A_174 = arith.andi %parallel_loop3A_171, %parallel_loop3A_173 : vector<16xi32>
        %parallel_loop3A_175 = arith.mulf %parallel_loop3A_170, %parallel_loop3A_164 : vector<16xf32>
        %parallel_loop3A_176 = tpu.vector_load_idx %arg7[%parallel_loop3A_174] : memref<65536xi32, #tpu.memory_space<vmem>>[vector<16xi32>], vector<16xi32>,
        %parallel_loop3A_177 = arith.constant 16 : i32
        %parallel_loop3A_178 = vector.broadcast %parallel_loop3A_177 : i32 to vector<16xi32>
        %parallel_loop3A_179 = arith.shli %parallel_loop3A_176, %parallel_loop3A_178 : vector<16xi32>
        %parallel_loop3A_180 = vector.bitcast %parallel_loop3A_179 : vector<16xi32> to vector<16xf32>
        %parallel_loop3A_181 = arith.constant -65536 : i32
        %parallel_loop3A_182 = vector.broadcast %parallel_loop3A_181 : i32 to vector<16xi32>
        %parallel_loop3A_183 = arith.andi %parallel_loop3A_176, %parallel_loop3A_182 : vector<16xi32>
        %parallel_loop3A_184 = vector.bitcast %parallel_loop3A_183 : vector<16xi32> to vector<16xf32>
        %parallel_loop3A_185 = arith.mulf %parallel_loop3A_175, %parallel_loop3A_180 : vector<16xf32>
        %parallel_loop3A_186 = arith.addf %parallel_loop3A_166, %parallel_loop3A_185 : vector<16xf32>
        %parallel_loop3A_187 = arith.mulf %parallel_loop3A_175, %parallel_loop3A_184 : vector<16xf32>
        %parallel_loop3A_188 = arith.addf %parallel_loop3A_168, %parallel_loop3A_187 : vector<16xf32>
        %parallel_loop3A_189 = arith.xori %parallel_loop3A_169, %parallel_loop3A_155 : vector<16xi32>
        %parallel_loop3A_190 = arith.constant 65535 : i32
        %parallel_loop3A_191 = vector.broadcast %parallel_loop3A_190 : i32 to vector<16xi32>
        %parallel_loop3A_192 = arith.andi %parallel_loop3A_189, %parallel_loop3A_191 : vector<16xi32>
        %parallel_loop3A_193 = arith.mulf %parallel_loop3A_170, %parallel_loop3A_134 : vector<16xf32>
        %parallel_loop3A_194 = tpu.vector_load_idx %arg7[%parallel_loop3A_192] : memref<65536xi32, #tpu.memory_space<vmem>>[vector<16xi32>], vector<16xi32>,
        %parallel_loop3A_195 = arith.constant 16 : i32
        %parallel_loop3A_196 = vector.broadcast %parallel_loop3A_195 : i32 to vector<16xi32>
        %parallel_loop3A_197 = arith.shli %parallel_loop3A_194, %parallel_loop3A_196 : vector<16xi32>
        %parallel_loop3A_198 = vector.bitcast %parallel_loop3A_197 : vector<16xi32> to vector<16xf32>
        %parallel_loop3A_199 = arith.constant -65536 : i32
        %parallel_loop3A_200 = vector.broadcast %parallel_loop3A_199 : i32 to vector<16xi32>
        %parallel_loop3A_201 = arith.andi %parallel_loop3A_194, %parallel_loop3A_200 : vector<16xi32>
        %parallel_loop3A_202 = vector.bitcast %parallel_loop3A_201 : vector<16xi32> to vector<16xf32>
        %parallel_loop3A_203 = arith.mulf %parallel_loop3A_193, %parallel_loop3A_198 : vector<16xf32>
        %parallel_loop3A_204 = arith.addf %parallel_loop3A_186, %parallel_loop3A_203 : vector<16xf32>
        %parallel_loop3A_205 = arith.mulf %parallel_loop3A_193, %parallel_loop3A_202 : vector<16xf32>
        %parallel_loop3A_206 = arith.addf %parallel_loop3A_188, %parallel_loop3A_205 : vector<16xf32>
        %parallel_loop3A_207 = arith.xori %parallel_loop3A_126, %parallel_loop3A_146 : vector<16xi32>
        %parallel_loop3A_208 = arith.mulf %parallel_loop3A_158, %parallel_loop3A_132 : vector<16xf32>
        %parallel_loop3A_209 = arith.xori %parallel_loop3A_207, %parallel_loop3A_149 : vector<16xi32>
        %parallel_loop3A_210 = arith.constant 65535 : i32
        %parallel_loop3A_211 = vector.broadcast %parallel_loop3A_210 : i32 to vector<16xi32>
        %parallel_loop3A_212 = arith.andi %parallel_loop3A_209, %parallel_loop3A_211 : vector<16xi32>
        %parallel_loop3A_213 = arith.mulf %parallel_loop3A_208, %parallel_loop3A_164 : vector<16xf32>
        %parallel_loop3A_214 = tpu.vector_load_idx %arg7[%parallel_loop3A_212] : memref<65536xi32, #tpu.memory_space<vmem>>[vector<16xi32>], vector<16xi32>,
        %parallel_loop3A_215 = arith.constant 16 : i32
        %parallel_loop3A_216 = vector.broadcast %parallel_loop3A_215 : i32 to vector<16xi32>
        %parallel_loop3A_217 = arith.shli %parallel_loop3A_214, %parallel_loop3A_216 : vector<16xi32>
        %parallel_loop3A_218 = vector.bitcast %parallel_loop3A_217 : vector<16xi32> to vector<16xf32>
        %parallel_loop3A_219 = arith.constant -65536 : i32
        %parallel_loop3A_220 = vector.broadcast %parallel_loop3A_219 : i32 to vector<16xi32>
        %parallel_loop3A_221 = arith.andi %parallel_loop3A_214, %parallel_loop3A_220 : vector<16xi32>
        %parallel_loop3A_222 = vector.bitcast %parallel_loop3A_221 : vector<16xi32> to vector<16xf32>
        %parallel_loop3A_223 = arith.mulf %parallel_loop3A_213, %parallel_loop3A_218 : vector<16xf32>
        %parallel_loop3A_224 = arith.addf %parallel_loop3A_204, %parallel_loop3A_223 : vector<16xf32>
        %parallel_loop3A_225 = arith.mulf %parallel_loop3A_213, %parallel_loop3A_222 : vector<16xf32>
        %parallel_loop3A_226 = arith.addf %parallel_loop3A_206, %parallel_loop3A_225 : vector<16xf32>
        %parallel_loop3A_227 = arith.xori %parallel_loop3A_207, %parallel_loop3A_155 : vector<16xi32>
        %parallel_loop3A_228 = arith.constant 65535 : i32
        %parallel_loop3A_229 = vector.broadcast %parallel_loop3A_228 : i32 to vector<16xi32>
        %parallel_loop3A_230 = arith.andi %parallel_loop3A_227, %parallel_loop3A_229 : vector<16xi32>
        %parallel_loop3A_231 = arith.mulf %parallel_loop3A_208, %parallel_loop3A_134 : vector<16xf32>
        %parallel_loop3A_232 = tpu.vector_load_idx %arg7[%parallel_loop3A_230] : memref<65536xi32, #tpu.memory_space<vmem>>[vector<16xi32>], vector<16xi32>,
        %parallel_loop3A_233 = arith.constant 16 : i32
        %parallel_loop3A_234 = vector.broadcast %parallel_loop3A_233 : i32 to vector<16xi32>
        %parallel_loop3A_235 = arith.shli %parallel_loop3A_232, %parallel_loop3A_234 : vector<16xi32>
        %parallel_loop3A_236 = vector.bitcast %parallel_loop3A_235 : vector<16xi32> to vector<16xf32>
        %parallel_loop3A_237 = arith.constant -65536 : i32
        %parallel_loop3A_238 = vector.broadcast %parallel_loop3A_237 : i32 to vector<16xi32>
        %parallel_loop3A_239 = arith.andi %parallel_loop3A_232, %parallel_loop3A_238 : vector<16xi32>
        %parallel_loop3A_240 = vector.bitcast %parallel_loop3A_239 : vector<16xi32> to vector<16xf32>
        %parallel_loop3A_241 = arith.mulf %parallel_loop3A_231, %parallel_loop3A_236 : vector<16xf32>
        %parallel_loop3A_242 = arith.addf %parallel_loop3A_224, %parallel_loop3A_241 : vector<16xf32>
        %parallel_loop3A_243 = arith.mulf %parallel_loop3A_231, %parallel_loop3A_240 : vector<16xf32>
        %parallel_loop3A_244 = arith.addf %parallel_loop3A_226, %parallel_loop3A_243 : vector<16xf32>
        %parallel_loop3A_245 = arith.xori %parallel_loop3A_137, %parallel_loop3A_140 : vector<16xi32>
        %parallel_loop3A_246 = arith.mulf %parallel_loop3A_130, %parallel_loop3A_161 : vector<16xf32>
        %parallel_loop3A_247 = arith.xori %parallel_loop3A_245, %parallel_loop3A_149 : vector<16xi32>
        %parallel_loop3A_248 = arith.constant 65535 : i32
        %parallel_loop3A_249 = vector.broadcast %parallel_loop3A_248 : i32 to vector<16xi32>
        %parallel_loop3A_250 = arith.andi %parallel_loop3A_247, %parallel_loop3A_249 : vector<16xi32>
        %parallel_loop3A_251 = arith.mulf %parallel_loop3A_246, %parallel_loop3A_164 : vector<16xf32>
        %parallel_loop3A_252 = tpu.vector_load_idx %arg7[%parallel_loop3A_250] : memref<65536xi32, #tpu.memory_space<vmem>>[vector<16xi32>], vector<16xi32>,
        %parallel_loop3A_253 = arith.constant 16 : i32
        %parallel_loop3A_254 = vector.broadcast %parallel_loop3A_253 : i32 to vector<16xi32>
        %parallel_loop3A_255 = arith.shli %parallel_loop3A_252, %parallel_loop3A_254 : vector<16xi32>
        %parallel_loop3A_256 = vector.bitcast %parallel_loop3A_255 : vector<16xi32> to vector<16xf32>
        %parallel_loop3A_257 = arith.constant -65536 : i32
        %parallel_loop3A_258 = vector.broadcast %parallel_loop3A_257 : i32 to vector<16xi32>
        %parallel_loop3A_259 = arith.andi %parallel_loop3A_252, %parallel_loop3A_258 : vector<16xi32>
        %parallel_loop3A_260 = vector.bitcast %parallel_loop3A_259 : vector<16xi32> to vector<16xf32>
        %parallel_loop3A_261 = arith.mulf %parallel_loop3A_251, %parallel_loop3A_256 : vector<16xf32>
        %parallel_loop3A_262 = arith.addf %parallel_loop3A_242, %parallel_loop3A_261 : vector<16xf32>
        %parallel_loop3A_263 = arith.mulf %parallel_loop3A_251, %parallel_loop3A_260 : vector<16xf32>
        %parallel_loop3A_264 = arith.addf %parallel_loop3A_244, %parallel_loop3A_263 : vector<16xf32>
        %parallel_loop3A_265 = arith.xori %parallel_loop3A_245, %parallel_loop3A_155 : vector<16xi32>
        %parallel_loop3A_266 = arith.constant 65535 : i32
        %parallel_loop3A_267 = vector.broadcast %parallel_loop3A_266 : i32 to vector<16xi32>
        %parallel_loop3A_268 = arith.andi %parallel_loop3A_265, %parallel_loop3A_267 : vector<16xi32>
        %parallel_loop3A_269 = arith.mulf %parallel_loop3A_246, %parallel_loop3A_134 : vector<16xf32>
        %parallel_loop3A_270 = tpu.vector_load_idx %arg7[%parallel_loop3A_268] : memref<65536xi32, #tpu.memory_space<vmem>>[vector<16xi32>], vector<16xi32>,
        %parallel_loop3A_271 = arith.constant 16 : i32
        %parallel_loop3A_272 = vector.broadcast %parallel_loop3A_271 : i32 to vector<16xi32>
        %parallel_loop3A_273 = arith.shli %parallel_loop3A_270, %parallel_loop3A_272 : vector<16xi32>
        %parallel_loop3A_274 = vector.bitcast %parallel_loop3A_273 : vector<16xi32> to vector<16xf32>
        %parallel_loop3A_275 = arith.constant -65536 : i32
        %parallel_loop3A_276 = vector.broadcast %parallel_loop3A_275 : i32 to vector<16xi32>
        %parallel_loop3A_277 = arith.andi %parallel_loop3A_270, %parallel_loop3A_276 : vector<16xi32>
        %parallel_loop3A_278 = vector.bitcast %parallel_loop3A_277 : vector<16xi32> to vector<16xf32>
        %parallel_loop3A_279 = arith.mulf %parallel_loop3A_269, %parallel_loop3A_274 : vector<16xf32>
        %parallel_loop3A_280 = arith.addf %parallel_loop3A_262, %parallel_loop3A_279 : vector<16xf32>
        %parallel_loop3A_281 = arith.mulf %parallel_loop3A_269, %parallel_loop3A_278 : vector<16xf32>
        %parallel_loop3A_282 = arith.addf %parallel_loop3A_264, %parallel_loop3A_281 : vector<16xf32>
        %parallel_loop3A_283 = arith.xori %parallel_loop3A_137, %parallel_loop3A_146 : vector<16xi32>
        %parallel_loop3A_284 = arith.mulf %parallel_loop3A_130, %parallel_loop3A_132 : vector<16xf32>
        %parallel_loop3A_285 = arith.xori %parallel_loop3A_283, %parallel_loop3A_149 : vector<16xi32>
        %parallel_loop3A_286 = arith.constant 65535 : i32
        %parallel_loop3A_287 = vector.broadcast %parallel_loop3A_286 : i32 to vector<16xi32>
        %parallel_loop3A_288 = arith.andi %parallel_loop3A_285, %parallel_loop3A_287 : vector<16xi32>
        %parallel_loop3A_289 = arith.mulf %parallel_loop3A_284, %parallel_loop3A_164 : vector<16xf32>
        %parallel_loop3A_290 = tpu.vector_load_idx %arg7[%parallel_loop3A_288] : memref<65536xi32, #tpu.memory_space<vmem>>[vector<16xi32>], vector<16xi32>,
        %parallel_loop3A_291 = arith.constant 16 : i32
        %parallel_loop3A_292 = vector.broadcast %parallel_loop3A_291 : i32 to vector<16xi32>
        %parallel_loop3A_293 = arith.shli %parallel_loop3A_290, %parallel_loop3A_292 : vector<16xi32>
        %parallel_loop3A_294 = vector.bitcast %parallel_loop3A_293 : vector<16xi32> to vector<16xf32>
        %parallel_loop3A_295 = arith.constant -65536 : i32
        %parallel_loop3A_296 = vector.broadcast %parallel_loop3A_295 : i32 to vector<16xi32>
        %parallel_loop3A_297 = arith.andi %parallel_loop3A_290, %parallel_loop3A_296 : vector<16xi32>
        %parallel_loop3A_298 = vector.bitcast %parallel_loop3A_297 : vector<16xi32> to vector<16xf32>
        %parallel_loop3A_299 = arith.mulf %parallel_loop3A_289, %parallel_loop3A_294 : vector<16xf32>
        %parallel_loop3A_300 = arith.addf %parallel_loop3A_280, %parallel_loop3A_299 : vector<16xf32>
        %parallel_loop3A_301 = arith.mulf %parallel_loop3A_289, %parallel_loop3A_298 : vector<16xf32>
        %parallel_loop3A_302 = arith.addf %parallel_loop3A_282, %parallel_loop3A_301 : vector<16xf32>
        %parallel_loop3A_303 = arith.xori %parallel_loop3A_283, %parallel_loop3A_155 : vector<16xi32>
        %parallel_loop3A_304 = arith.constant 65535 : i32
        %parallel_loop3A_305 = vector.broadcast %parallel_loop3A_304 : i32 to vector<16xi32>
        %parallel_loop3A_306 = arith.andi %parallel_loop3A_303, %parallel_loop3A_305 : vector<16xi32>
        %parallel_loop3A_307 = arith.mulf %parallel_loop3A_284, %parallel_loop3A_134 : vector<16xf32>
        %parallel_loop3A_308 = tpu.vector_load_idx %arg7[%parallel_loop3A_306] : memref<65536xi32, #tpu.memory_space<vmem>>[vector<16xi32>], vector<16xi32>,
        %parallel_loop3A_309 = arith.constant 16 : i32
        %parallel_loop3A_310 = vector.broadcast %parallel_loop3A_309 : i32 to vector<16xi32>
        %parallel_loop3A_311 = arith.shli %parallel_loop3A_308, %parallel_loop3A_310 : vector<16xi32>
        %parallel_loop3A_312 = vector.bitcast %parallel_loop3A_311 : vector<16xi32> to vector<16xf32>
        %parallel_loop3A_313 = arith.constant -65536 : i32
        %parallel_loop3A_314 = vector.broadcast %parallel_loop3A_313 : i32 to vector<16xi32>
        %parallel_loop3A_315 = arith.andi %parallel_loop3A_308, %parallel_loop3A_314 : vector<16xi32>
        %parallel_loop3A_316 = vector.bitcast %parallel_loop3A_315 : vector<16xi32> to vector<16xf32>
        %parallel_loop3A_317 = arith.mulf %parallel_loop3A_307, %parallel_loop3A_312 : vector<16xf32>
        %parallel_loop3A_318 = arith.addf %parallel_loop3A_300, %parallel_loop3A_317 : vector<16xf32>
        %parallel_loop3A_319 = arith.mulf %parallel_loop3A_307, %parallel_loop3A_316 : vector<16xf32>
        %parallel_loop3A_320 = arith.addf %parallel_loop3A_302, %parallel_loop3A_319 : vector<16xf32>
        %parallel_loop3A_321 = arith.index_cast %parallel_loop3A_112 : i32 to index
        %parallel_loop3A_322 = tpu.vector_load %arg9[%parallel_loop3A_321] {strides = array<i32>} : memref<4096xf32, #tpu.memory_space<vmem>>, vector<16xf32>,
        tpu.vector_store %arg9[%parallel_loop3A_321], %parallel_loop3A_318 {strides = array<i32>} : memref<4096xf32, #tpu.memory_space<vmem>>, vector<16xf32>,
        %parallel_loop3A_323 = arith.constant 2048 : i32
        %parallel_loop3A_324 = arith.addi %parallel_loop3A_323, %parallel_loop3A_112 : i32
        %parallel_loop3A_325 = arith.index_cast %parallel_loop3A_324 : i32 to index
        %parallel_loop3A_326 = tpu.vector_load %arg9[%parallel_loop3A_325] {strides = array<i32>} : memref<4096xf32, #tpu.memory_space<vmem>>, vector<16xf32>,
        tpu.vector_store %arg9[%parallel_loop3A_325], %parallel_loop3A_320 {strides = array<i32>} : memref<4096xf32, #tpu.memory_space<vmem>>, vector<16xf32>,
      } {sc.loop_unroll_factor = 2 : i64, sc.parallel_access}
      %mul3A_106 = arith.constant 192 : i32
      %mul3A_107 = arith.muli %scan3A_95, %mul3A_106 : i32
      %add3A_108 = arith.addi %mul3A_107, %mul3A_52 : i32
      %mul3A_109 = arith.constant 2048 : i32
      %mul3A_110 = arith.muli %add3A_108, %mul3A_109 : i32
      "tpu.region"() ({
        %run_scoped3A = tpu.sem_alloc : memref<!tpu.dma_semaphore, #tpu.memory_space<semaphore_mem>>
        %dma_start3A = tpu.memref_slice %arg6[%mul3A_110] : memref<4325376xf32, #tpu.memory_space<hbm>> -> memref<4096xf32, #tpu.memory_space<hbm>>
        %dma_start3A_112 = tpu.memref_slice %arg6[%mul3A_110] : memref<4325376xf32, #tpu.memory_space<hbm>> -> memref<4096xf32, #tpu.memory_space<hbm>>
        tpu.enqueue_dma source(%arg9 : memref<4096xf32, #tpu.memory_space<vmem>>) target(%dma_start3A_112 : memref<4096xf32, #tpu.memory_space<hbm>>) target_semaphore(%run_scoped3A : memref<!tpu.dma_semaphore, #tpu.memory_space<semaphore_mem>>)
        %dma_wait3A = tpu.memref_slice %arg6[%mul3A_110] : memref<4325376xf32, #tpu.memory_space<hbm>> -> memref<4096xf32, #tpu.memory_space<hbm>>
        %dma_wait3A_113 = tpu.memref_slice %arg6[%mul3A_110] : memref<4325376xf32, #tpu.memory_space<hbm>> -> memref<4096xf32, #tpu.memory_space<hbm>>
        tpu.wait_dma2 semaphore(%run_scoped3A : memref<!tpu.dma_semaphore, #tpu.memory_space<semaphore_mem>>) src(%arg9 : memref<4096xf32, #tpu.memory_space<vmem>>) dst(%dma_wait3A_113 : memref<4096xf32, #tpu.memory_space<hbm>>)
        tpu.yield
      }) : () -> ()
      %scan3A_111 = arith.constant 0 : i32
      scf.yield %scan3A_111 : i32
    }
    %scan3A_59 = arith.constant 11 : i32
    %mul3A_60 = arith.constant 3 : i32
    %mul3A_61 = arith.muli %add3A, %mul3A_60 : i32
    %add3A_62 = arith.constant 2 : i32
    %add3A_63 = arith.addi %mul3A_61, %add3A_62 : i32
    %lt3A_64 = arith.constant 24 : i32
    %lt3A_65 = arith.cmpi slt, %add3A_63, %lt3A_64 : i32
    %sub3A_66 = arith.constant 24 : i32
    %sub3A_67 = arith.subi %add3A_63, %sub3A_66 : i32
    %rem3A_68 = arith.constant 3 : i32
    %rem3A_69 = arith.remsi %sub3A_67, %rem3A_68 : i32
    %add3A_70 = arith.constant 1 : i32
    %add3A_71 = arith.addi %add3A_70, %rem3A_69 : i32
    %jit3A_72 = arith.constant 0 : i32
    %select_n3A_73 = arith.select %lt3A_65, %jit3A_72, %add3A_71 : i32
    %lt3A_74 = arith.constant 24 : i32
    %lt3A_75 = arith.cmpi slt, %add3A_63, %lt3A_74 : i32
    %convert_element_type3A_76 = arith.extui %lt3A_75 : i1 to i32
    %cond3A_77 = arith.constant 0 : i32
    %cond3A_78 = arith.cmpi ne, %convert_element_type3A_76, %cond3A_77 : i32
    scf.if %cond3A_78 {
      %mul3A_95 = arith.constant 65536 : i32
      %mul3A_96 = arith.muli %add3A_63, %mul3A_95 : i32
      "tpu.region"() ({
        %run_scoped3A = tpu.sem_alloc : memref<!tpu.dma_semaphore, #tpu.memory_space<semaphore_mem>>
        %dma_start3A = tpu.memref_slice %arg2[%mul3A_96] : memref<1572864xi32, #tpu.memory_space<hbm>> -> memref<65536xi32, #tpu.memory_space<hbm>>
        %dma_start3A_97 = tpu.memref_slice %arg2[%mul3A_96] : memref<1572864xi32, #tpu.memory_space<hbm>> -> memref<65536xi32, #tpu.memory_space<hbm>>
        tpu.enqueue_dma source(%dma_start3A_97 : memref<65536xi32, #tpu.memory_space<hbm>>) target(%arg7 : memref<65536xi32, #tpu.memory_space<vmem>>) target_semaphore(%run_scoped3A : memref<!tpu.dma_semaphore, #tpu.memory_space<semaphore_mem>>)
        %dma_wait3A = tpu.memref_slice %arg2[%mul3A_96] : memref<1572864xi32, #tpu.memory_space<hbm>> -> memref<65536xi32, #tpu.memory_space<hbm>>
        %dma_wait3A_98 = tpu.memref_slice %arg2[%mul3A_96] : memref<1572864xi32, #tpu.memory_space<hbm>> -> memref<65536xi32, #tpu.memory_space<hbm>>
        tpu.wait_dma2 semaphore(%run_scoped3A : memref<!tpu.dma_semaphore, #tpu.memory_space<semaphore_mem>>) src(%dma_wait3A_98 : memref<65536xi32, #tpu.memory_space<hbm>>) dst(%arg7 : memref<65536xi32, #tpu.memory_space<vmem>>)
        tpu.yield
      }) : () -> ()
    } else {
    }
    %ge3A_79 = arith.constant 24 : i32
    %ge3A_80 = arith.cmpi sge, %add3A_63, %ge3A_79 : i32
    %convert_element_type3A_81 = arith.extui %ge3A_80 : i1 to i32
    %cond3A_82 = arith.constant 0 : i32
    %cond3A_83 = arith.cmpi ne, %convert_element_type3A_81, %cond3A_82 : i32
    scf.if %cond3A_83 {
      %sub3A_95 = arith.constant 24 : i32
      %sub3A_96 = arith.subi %add3A_63, %sub3A_95 : i32
      %mul3A_97 = arith.constant 65536 : i32
      %mul3A_98 = arith.muli %sub3A_96, %mul3A_97 : i32
      "tpu.region"() ({
        %run_scoped3A = tpu.sem_alloc : memref<!tpu.dma_semaphore, #tpu.memory_space<semaphore_mem>>
        %dma_start3A = tpu.memref_slice %arg3[%mul3A_98] : memref<4718592xi32, #tpu.memory_space<hbm>> -> memref<65536xi32, #tpu.memory_space<hbm>>
        %dma_start3A_99 = tpu.memref_slice %arg3[%mul3A_98] : memref<4718592xi32, #tpu.memory_space<hbm>> -> memref<65536xi32, #tpu.memory_space<hbm>>
        tpu.enqueue_dma source(%dma_start3A_99 : memref<65536xi32, #tpu.memory_space<hbm>>) target(%arg7 : memref<65536xi32, #tpu.memory_space<vmem>>) target_semaphore(%run_scoped3A : memref<!tpu.dma_semaphore, #tpu.memory_space<semaphore_mem>>)
        %dma_wait3A = tpu.memref_slice %arg3[%mul3A_98] : memref<4718592xi32, #tpu.memory_space<hbm>> -> memref<65536xi32, #tpu.memory_space<hbm>>
        %dma_wait3A_100 = tpu.memref_slice %arg3[%mul3A_98] : memref<4718592xi32, #tpu.memory_space<hbm>> -> memref<65536xi32, #tpu.memory_space<hbm>>
        tpu.wait_dma2 semaphore(%run_scoped3A : memref<!tpu.dma_semaphore, #tpu.memory_space<semaphore_mem>>) src(%dma_wait3A_100 : memref<65536xi32, #tpu.memory_space<hbm>>) dst(%arg7 : memref<65536xi32, #tpu.memory_space<vmem>>)
        tpu.yield
      }) : () -> ()
    } else {
    }
    %broadcast_in_dim3A_84 = vector.broadcast %add3A_63 : i32 to vector<16xi32>
    %gather3A_85 = tpu.vector_load_idx %arg10[%broadcast_in_dim3A_84] : memref<96xf32, #tpu.memory_space<vmem>>[vector<16xi32>], vector<16xf32>,
    %mul3A_86 = arith.constant 2 : i32
    %mul3A_87 = arith.muli %add3A_63, %mul3A_86 : i32
    %scan3A_88 = arith.constant 0 : i32
    %scan3A_89 = arith.constant 0 : i32
    %scan3A_90 = arith.constant 11 : i32
    %scan3A_91 = arith.addi %scan3A_89, %scan3A_90 : i32
    %scan3A_92 = arith.constant 1 : i32
    %scan3A_93 = scf.for %scan3A_95 = %scan3A_89 to %scan3A_91 step %scan3A_92 iter_args(%scan3A_96 = %scan3A_88) -> (i32)  : i32 {
      %mul3A_97 = arith.constant 11 : i32
      %mul3A_98 = arith.muli %select_n3A_73, %mul3A_97 : i32
      %add3A_99 = arith.addi %mul3A_98, %scan3A_95 : i32
      %mul3A_100 = arith.constant 3 : i32
      %mul3A_101 = arith.muli %add3A_99, %mul3A_100 : i32
      %mul3A_102 = arith.constant 2048 : i32
      %mul3A_103 = arith.muli %mul3A_101, %mul3A_102 : i32
      "tpu.region"() ({
        %run_scoped3A = tpu.sem_alloc : memref<!tpu.dma_semaphore, #tpu.memory_space<semaphore_mem>>
        %dma_start3A = tpu.memref_slice %arg4[%mul3A_103] : memref<270336xf32, #tpu.memory_space<hbm>> -> memref<6144xf32, #tpu.memory_space<hbm>>
        %dma_start3A_112 = tpu.memref_slice %arg4[%mul3A_103] : memref<270336xf32, #tpu.memory_space<hbm>> -> memref<6144xf32, #tpu.memory_space<hbm>>
        tpu.enqueue_dma source(%dma_start3A_112 : memref<6144xf32, #tpu.memory_space<hbm>>) target(%arg8 : memref<6144xf32, #tpu.memory_space<vmem>>) target_semaphore(%run_scoped3A : memref<!tpu.dma_semaphore, #tpu.memory_space<semaphore_mem>>)
        %dma_wait3A = tpu.memref_slice %arg4[%mul3A_103] : memref<270336xf32, #tpu.memory_space<hbm>> -> memref<6144xf32, #tpu.memory_space<hbm>>
        %dma_wait3A_113 = tpu.memref_slice %arg4[%mul3A_103] : memref<270336xf32, #tpu.memory_space<hbm>> -> memref<6144xf32, #tpu.memory_space<hbm>>
        tpu.wait_dma2 semaphore(%run_scoped3A : memref<!tpu.dma_semaphore, #tpu.memory_space<semaphore_mem>>) src(%dma_wait3A_113 : memref<6144xf32, #tpu.memory_space<hbm>>) dst(%arg8 : memref<6144xf32, #tpu.memory_space<vmem>>)
        tpu.yield
      }) : () -> ()
      %parallel_loop3A = arith.constant 0 : i32
      %parallel_loop3A_104 = arith.constant 2048 : i32
      %parallel_loop3A_105 = arith.constant 16 : i32
      scf.for %parallel_loop3A_112 = %parallel_loop3A to %parallel_loop3A_104 step %parallel_loop3A_105  : i32 {
        %parallel_loop3A_113 = arith.index_cast %parallel_loop3A_112 : i32 to index
        %parallel_loop3A_114 = tpu.vector_load %arg8[%parallel_loop3A_113] {strides = array<i32>} : memref<6144xf32, #tpu.memory_space<vmem>>, vector<16xf32>,
        %parallel_loop3A_115 = arith.mulf %parallel_loop3A_114, %gather3A_85 : vector<16xf32>
        %parallel_loop3A_116 = arith.constant 2048 : i32
        %parallel_loop3A_117 = arith.addi %parallel_loop3A_116, %parallel_loop3A_112 : i32
        %parallel_loop3A_118 = arith.index_cast %parallel_loop3A_117 : i32 to index
        %parallel_loop3A_119 = tpu.vector_load %arg8[%parallel_loop3A_118] {strides = array<i32>} : memref<6144xf32, #tpu.memory_space<vmem>>, vector<16xf32>,
        %parallel_loop3A_120 = arith.mulf %parallel_loop3A_119, %gather3A_85 : vector<16xf32>
        %parallel_loop3A_121 = arith.constant 4096 : i32
        %parallel_loop3A_122 = arith.addi %parallel_loop3A_121, %parallel_loop3A_112 : i32
        %parallel_loop3A_123 = arith.index_cast %parallel_loop3A_122 : i32 to index
        %parallel_loop3A_124 = tpu.vector_load %arg8[%parallel_loop3A_123] {strides = array<i32>} : memref<6144xf32, #tpu.memory_space<vmem>>, vector<16xf32>,
        %parallel_loop3A_125 = arith.mulf %parallel_loop3A_124, %gather3A_85 : vector<16xf32>
        %parallel_loop3A_126 = arith.fptosi %parallel_loop3A_115 : vector<16xf32> to vector<16xi32>
        %parallel_loop3A_127 = arith.fptosi %parallel_loop3A_120 : vector<16xf32> to vector<16xi32>
        %parallel_loop3A_128 = arith.fptosi %parallel_loop3A_125 : vector<16xf32> to vector<16xi32>
        %parallel_loop3A_129 = arith.sitofp %parallel_loop3A_126 : vector<16xi32> to vector<16xf32>
        %parallel_loop3A_130 = arith.subf %parallel_loop3A_115, %parallel_loop3A_129 : vector<16xf32>
        %parallel_loop3A_131 = arith.sitofp %parallel_loop3A_127 : vector<16xi32> to vector<16xf32>
        %parallel_loop3A_132 = arith.subf %parallel_loop3A_120, %parallel_loop3A_131 : vector<16xf32>
        %parallel_loop3A_133 = arith.sitofp %parallel_loop3A_128 : vector<16xi32> to vector<16xf32>
        %parallel_loop3A_134 = arith.subf %parallel_loop3A_125, %parallel_loop3A_133 : vector<16xf32>
        %parallel_loop3A_135 = arith.constant 1 : i32
        %parallel_loop3A_136 = vector.broadcast %parallel_loop3A_135 : i32 to vector<16xi32>
        %parallel_loop3A_137 = arith.addi %parallel_loop3A_126, %parallel_loop3A_136 : vector<16xi32>
        %parallel_loop3A_138 = arith.constant -1640531535 : i32
        %parallel_loop3A_139 = vector.broadcast %parallel_loop3A_138 : i32 to vector<16xi32>
        %parallel_loop3A_140 = arith.muli %parallel_loop3A_127, %parallel_loop3A_139 : vector<16xi32>
        %parallel_loop3A_141 = arith.constant -1640531535 : i32
        %parallel_loop3A_142 = vector.broadcast %parallel_loop3A_141 : i32 to vector<16xi32>
        %parallel_loop3A_143 = arith.muli %parallel_loop3A_127, %parallel_loop3A_142 : vector<16xi32>
        %parallel_loop3A_144 = arith.constant -1640531535 : i32
        %parallel_loop3A_145 = vector.broadcast %parallel_loop3A_144 : i32 to vector<16xi32>
        %parallel_loop3A_146 = arith.addi %parallel_loop3A_143, %parallel_loop3A_145 : vector<16xi32>
        %parallel_loop3A_147 = arith.constant 805459861 : i32
        %parallel_loop3A_148 = vector.broadcast %parallel_loop3A_147 : i32 to vector<16xi32>
        %parallel_loop3A_149 = arith.muli %parallel_loop3A_128, %parallel_loop3A_148 : vector<16xi32>
        %parallel_loop3A_150 = arith.constant 805459861 : i32
        %parallel_loop3A_151 = vector.broadcast %parallel_loop3A_150 : i32 to vector<16xi32>
        %parallel_loop3A_152 = arith.muli %parallel_loop3A_128, %parallel_loop3A_151 : vector<16xi32>
        %parallel_loop3A_153 = arith.constant 805459861 : i32
        %parallel_loop3A_154 = vector.broadcast %parallel_loop3A_153 : i32 to vector<16xi32>
        %parallel_loop3A_155 = arith.addi %parallel_loop3A_152, %parallel_loop3A_154 : vector<16xi32>
        %parallel_loop3A_156 = arith.constant 1.000000e+00 : f32
        %parallel_loop3A_157 = vector.broadcast %parallel_loop3A_156 : f32 to vector<16xf32>
        %parallel_loop3A_158 = arith.subf %parallel_loop3A_157, %parallel_loop3A_130 : vector<16xf32>
        %parallel_loop3A_159 = arith.constant 1.000000e+00 : f32
        %parallel_loop3A_160 = vector.broadcast %parallel_loop3A_159 : f32 to vector<16xf32>
        %parallel_loop3A_161 = arith.subf %parallel_loop3A_160, %parallel_loop3A_132 : vector<16xf32>
        %parallel_loop3A_162 = arith.constant 1.000000e+00 : f32
        %parallel_loop3A_163 = vector.broadcast %parallel_loop3A_162 : f32 to vector<16xf32>
        %parallel_loop3A_164 = arith.subf %parallel_loop3A_163, %parallel_loop3A_134 : vector<16xf32>
        %parallel_loop3A_165 = arith.constant 0.000000e+00 : f32
        %parallel_loop3A_166 = vector.broadcast %parallel_loop3A_165 : f32 to vector<16xf32>
        %parallel_loop3A_167 = arith.constant 0.000000e+00 : f32
        %parallel_loop3A_168 = vector.broadcast %parallel_loop3A_167 : f32 to vector<16xf32>
        %parallel_loop3A_169 = arith.xori %parallel_loop3A_126, %parallel_loop3A_140 : vector<16xi32>
        %parallel_loop3A_170 = arith.mulf %parallel_loop3A_158, %parallel_loop3A_161 : vector<16xf32>
        %parallel_loop3A_171 = arith.xori %parallel_loop3A_169, %parallel_loop3A_149 : vector<16xi32>
        %parallel_loop3A_172 = arith.constant 65535 : i32
        %parallel_loop3A_173 = vector.broadcast %parallel_loop3A_172 : i32 to vector<16xi32>
        %parallel_loop3A_174 = arith.andi %parallel_loop3A_171, %parallel_loop3A_173 : vector<16xi32>
        %parallel_loop3A_175 = arith.mulf %parallel_loop3A_170, %parallel_loop3A_164 : vector<16xf32>
        %parallel_loop3A_176 = tpu.vector_load_idx %arg7[%parallel_loop3A_174] : memref<65536xi32, #tpu.memory_space<vmem>>[vector<16xi32>], vector<16xi32>,
        %parallel_loop3A_177 = arith.constant 16 : i32
        %parallel_loop3A_178 = vector.broadcast %parallel_loop3A_177 : i32 to vector<16xi32>
        %parallel_loop3A_179 = arith.shli %parallel_loop3A_176, %parallel_loop3A_178 : vector<16xi32>
        %parallel_loop3A_180 = vector.bitcast %parallel_loop3A_179 : vector<16xi32> to vector<16xf32>
        %parallel_loop3A_181 = arith.constant -65536 : i32
        %parallel_loop3A_182 = vector.broadcast %parallel_loop3A_181 : i32 to vector<16xi32>
        %parallel_loop3A_183 = arith.andi %parallel_loop3A_176, %parallel_loop3A_182 : vector<16xi32>
        %parallel_loop3A_184 = vector.bitcast %parallel_loop3A_183 : vector<16xi32> to vector<16xf32>
        %parallel_loop3A_185 = arith.mulf %parallel_loop3A_175, %parallel_loop3A_180 : vector<16xf32>
        %parallel_loop3A_186 = arith.addf %parallel_loop3A_166, %parallel_loop3A_185 : vector<16xf32>
        %parallel_loop3A_187 = arith.mulf %parallel_loop3A_175, %parallel_loop3A_184 : vector<16xf32>
        %parallel_loop3A_188 = arith.addf %parallel_loop3A_168, %parallel_loop3A_187 : vector<16xf32>
        %parallel_loop3A_189 = arith.xori %parallel_loop3A_169, %parallel_loop3A_155 : vector<16xi32>
        %parallel_loop3A_190 = arith.constant 65535 : i32
        %parallel_loop3A_191 = vector.broadcast %parallel_loop3A_190 : i32 to vector<16xi32>
        %parallel_loop3A_192 = arith.andi %parallel_loop3A_189, %parallel_loop3A_191 : vector<16xi32>
        %parallel_loop3A_193 = arith.mulf %parallel_loop3A_170, %parallel_loop3A_134 : vector<16xf32>
        %parallel_loop3A_194 = tpu.vector_load_idx %arg7[%parallel_loop3A_192] : memref<65536xi32, #tpu.memory_space<vmem>>[vector<16xi32>], vector<16xi32>,
        %parallel_loop3A_195 = arith.constant 16 : i32
        %parallel_loop3A_196 = vector.broadcast %parallel_loop3A_195 : i32 to vector<16xi32>
        %parallel_loop3A_197 = arith.shli %parallel_loop3A_194, %parallel_loop3A_196 : vector<16xi32>
        %parallel_loop3A_198 = vector.bitcast %parallel_loop3A_197 : vector<16xi32> to vector<16xf32>
        %parallel_loop3A_199 = arith.constant -65536 : i32
        %parallel_loop3A_200 = vector.broadcast %parallel_loop3A_199 : i32 to vector<16xi32>
        %parallel_loop3A_201 = arith.andi %parallel_loop3A_194, %parallel_loop3A_200 : vector<16xi32>
        %parallel_loop3A_202 = vector.bitcast %parallel_loop3A_201 : vector<16xi32> to vector<16xf32>
        %parallel_loop3A_203 = arith.mulf %parallel_loop3A_193, %parallel_loop3A_198 : vector<16xf32>
        %parallel_loop3A_204 = arith.addf %parallel_loop3A_186, %parallel_loop3A_203 : vector<16xf32>
        %parallel_loop3A_205 = arith.mulf %parallel_loop3A_193, %parallel_loop3A_202 : vector<16xf32>
        %parallel_loop3A_206 = arith.addf %parallel_loop3A_188, %parallel_loop3A_205 : vector<16xf32>
        %parallel_loop3A_207 = arith.xori %parallel_loop3A_126, %parallel_loop3A_146 : vector<16xi32>
        %parallel_loop3A_208 = arith.mulf %parallel_loop3A_158, %parallel_loop3A_132 : vector<16xf32>
        %parallel_loop3A_209 = arith.xori %parallel_loop3A_207, %parallel_loop3A_149 : vector<16xi32>
        %parallel_loop3A_210 = arith.constant 65535 : i32
        %parallel_loop3A_211 = vector.broadcast %parallel_loop3A_210 : i32 to vector<16xi32>
        %parallel_loop3A_212 = arith.andi %parallel_loop3A_209, %parallel_loop3A_211 : vector<16xi32>
        %parallel_loop3A_213 = arith.mulf %parallel_loop3A_208, %parallel_loop3A_164 : vector<16xf32>
        %parallel_loop3A_214 = tpu.vector_load_idx %arg7[%parallel_loop3A_212] : memref<65536xi32, #tpu.memory_space<vmem>>[vector<16xi32>], vector<16xi32>,
        %parallel_loop3A_215 = arith.constant 16 : i32
        %parallel_loop3A_216 = vector.broadcast %parallel_loop3A_215 : i32 to vector<16xi32>
        %parallel_loop3A_217 = arith.shli %parallel_loop3A_214, %parallel_loop3A_216 : vector<16xi32>
        %parallel_loop3A_218 = vector.bitcast %parallel_loop3A_217 : vector<16xi32> to vector<16xf32>
        %parallel_loop3A_219 = arith.constant -65536 : i32
        %parallel_loop3A_220 = vector.broadcast %parallel_loop3A_219 : i32 to vector<16xi32>
        %parallel_loop3A_221 = arith.andi %parallel_loop3A_214, %parallel_loop3A_220 : vector<16xi32>
        %parallel_loop3A_222 = vector.bitcast %parallel_loop3A_221 : vector<16xi32> to vector<16xf32>
        %parallel_loop3A_223 = arith.mulf %parallel_loop3A_213, %parallel_loop3A_218 : vector<16xf32>
        %parallel_loop3A_224 = arith.addf %parallel_loop3A_204, %parallel_loop3A_223 : vector<16xf32>
        %parallel_loop3A_225 = arith.mulf %parallel_loop3A_213, %parallel_loop3A_222 : vector<16xf32>
        %parallel_loop3A_226 = arith.addf %parallel_loop3A_206, %parallel_loop3A_225 : vector<16xf32>
        %parallel_loop3A_227 = arith.xori %parallel_loop3A_207, %parallel_loop3A_155 : vector<16xi32>
        %parallel_loop3A_228 = arith.constant 65535 : i32
        %parallel_loop3A_229 = vector.broadcast %parallel_loop3A_228 : i32 to vector<16xi32>
        %parallel_loop3A_230 = arith.andi %parallel_loop3A_227, %parallel_loop3A_229 : vector<16xi32>
        %parallel_loop3A_231 = arith.mulf %parallel_loop3A_208, %parallel_loop3A_134 : vector<16xf32>
        %parallel_loop3A_232 = tpu.vector_load_idx %arg7[%parallel_loop3A_230] : memref<65536xi32, #tpu.memory_space<vmem>>[vector<16xi32>], vector<16xi32>,
        %parallel_loop3A_233 = arith.constant 16 : i32
        %parallel_loop3A_234 = vector.broadcast %parallel_loop3A_233 : i32 to vector<16xi32>
        %parallel_loop3A_235 = arith.shli %parallel_loop3A_232, %parallel_loop3A_234 : vector<16xi32>
        %parallel_loop3A_236 = vector.bitcast %parallel_loop3A_235 : vector<16xi32> to vector<16xf32>
        %parallel_loop3A_237 = arith.constant -65536 : i32
        %parallel_loop3A_238 = vector.broadcast %parallel_loop3A_237 : i32 to vector<16xi32>
        %parallel_loop3A_239 = arith.andi %parallel_loop3A_232, %parallel_loop3A_238 : vector<16xi32>
        %parallel_loop3A_240 = vector.bitcast %parallel_loop3A_239 : vector<16xi32> to vector<16xf32>
        %parallel_loop3A_241 = arith.mulf %parallel_loop3A_231, %parallel_loop3A_236 : vector<16xf32>
        %parallel_loop3A_242 = arith.addf %parallel_loop3A_224, %parallel_loop3A_241 : vector<16xf32>
        %parallel_loop3A_243 = arith.mulf %parallel_loop3A_231, %parallel_loop3A_240 : vector<16xf32>
        %parallel_loop3A_244 = arith.addf %parallel_loop3A_226, %parallel_loop3A_243 : vector<16xf32>
        %parallel_loop3A_245 = arith.xori %parallel_loop3A_137, %parallel_loop3A_140 : vector<16xi32>
        %parallel_loop3A_246 = arith.mulf %parallel_loop3A_130, %parallel_loop3A_161 : vector<16xf32>
        %parallel_loop3A_247 = arith.xori %parallel_loop3A_245, %parallel_loop3A_149 : vector<16xi32>
        %parallel_loop3A_248 = arith.constant 65535 : i32
        %parallel_loop3A_249 = vector.broadcast %parallel_loop3A_248 : i32 to vector<16xi32>
        %parallel_loop3A_250 = arith.andi %parallel_loop3A_247, %parallel_loop3A_249 : vector<16xi32>
        %parallel_loop3A_251 = arith.mulf %parallel_loop3A_246, %parallel_loop3A_164 : vector<16xf32>
        %parallel_loop3A_252 = tpu.vector_load_idx %arg7[%parallel_loop3A_250] : memref<65536xi32, #tpu.memory_space<vmem>>[vector<16xi32>], vector<16xi32>,
        %parallel_loop3A_253 = arith.constant 16 : i32
        %parallel_loop3A_254 = vector.broadcast %parallel_loop3A_253 : i32 to vector<16xi32>
        %parallel_loop3A_255 = arith.shli %parallel_loop3A_252, %parallel_loop3A_254 : vector<16xi32>
        %parallel_loop3A_256 = vector.bitcast %parallel_loop3A_255 : vector<16xi32> to vector<16xf32>
        %parallel_loop3A_257 = arith.constant -65536 : i32
        %parallel_loop3A_258 = vector.broadcast %parallel_loop3A_257 : i32 to vector<16xi32>
        %parallel_loop3A_259 = arith.andi %parallel_loop3A_252, %parallel_loop3A_258 : vector<16xi32>
        %parallel_loop3A_260 = vector.bitcast %parallel_loop3A_259 : vector<16xi32> to vector<16xf32>
        %parallel_loop3A_261 = arith.mulf %parallel_loop3A_251, %parallel_loop3A_256 : vector<16xf32>
        %parallel_loop3A_262 = arith.addf %parallel_loop3A_242, %parallel_loop3A_261 : vector<16xf32>
        %parallel_loop3A_263 = arith.mulf %parallel_loop3A_251, %parallel_loop3A_260 : vector<16xf32>
        %parallel_loop3A_264 = arith.addf %parallel_loop3A_244, %parallel_loop3A_263 : vector<16xf32>
        %parallel_loop3A_265 = arith.xori %parallel_loop3A_245, %parallel_loop3A_155 : vector<16xi32>
        %parallel_loop3A_266 = arith.constant 65535 : i32
        %parallel_loop3A_267 = vector.broadcast %parallel_loop3A_266 : i32 to vector<16xi32>
        %parallel_loop3A_268 = arith.andi %parallel_loop3A_265, %parallel_loop3A_267 : vector<16xi32>
        %parallel_loop3A_269 = arith.mulf %parallel_loop3A_246, %parallel_loop3A_134 : vector<16xf32>
        %parallel_loop3A_270 = tpu.vector_load_idx %arg7[%parallel_loop3A_268] : memref<65536xi32, #tpu.memory_space<vmem>>[vector<16xi32>], vector<16xi32>,
        %parallel_loop3A_271 = arith.constant 16 : i32
        %parallel_loop3A_272 = vector.broadcast %parallel_loop3A_271 : i32 to vector<16xi32>
        %parallel_loop3A_273 = arith.shli %parallel_loop3A_270, %parallel_loop3A_272 : vector<16xi32>
        %parallel_loop3A_274 = vector.bitcast %parallel_loop3A_273 : vector<16xi32> to vector<16xf32>
        %parallel_loop3A_275 = arith.constant -65536 : i32
        %parallel_loop3A_276 = vector.broadcast %parallel_loop3A_275 : i32 to vector<16xi32>
        %parallel_loop3A_277 = arith.andi %parallel_loop3A_270, %parallel_loop3A_276 : vector<16xi32>
        %parallel_loop3A_278 = vector.bitcast %parallel_loop3A_277 : vector<16xi32> to vector<16xf32>
        %parallel_loop3A_279 = arith.mulf %parallel_loop3A_269, %parallel_loop3A_274 : vector<16xf32>
        %parallel_loop3A_280 = arith.addf %parallel_loop3A_262, %parallel_loop3A_279 : vector<16xf32>
        %parallel_loop3A_281 = arith.mulf %parallel_loop3A_269, %parallel_loop3A_278 : vector<16xf32>
        %parallel_loop3A_282 = arith.addf %parallel_loop3A_264, %parallel_loop3A_281 : vector<16xf32>
        %parallel_loop3A_283 = arith.xori %parallel_loop3A_137, %parallel_loop3A_146 : vector<16xi32>
        %parallel_loop3A_284 = arith.mulf %parallel_loop3A_130, %parallel_loop3A_132 : vector<16xf32>
        %parallel_loop3A_285 = arith.xori %parallel_loop3A_283, %parallel_loop3A_149 : vector<16xi32>
        %parallel_loop3A_286 = arith.constant 65535 : i32
        %parallel_loop3A_287 = vector.broadcast %parallel_loop3A_286 : i32 to vector<16xi32>
        %parallel_loop3A_288 = arith.andi %parallel_loop3A_285, %parallel_loop3A_287 : vector<16xi32>
        %parallel_loop3A_289 = arith.mulf %parallel_loop3A_284, %parallel_loop3A_164 : vector<16xf32>
        %parallel_loop3A_290 = tpu.vector_load_idx %arg7[%parallel_loop3A_288] : memref<65536xi32, #tpu.memory_space<vmem>>[vector<16xi32>], vector<16xi32>,
        %parallel_loop3A_291 = arith.constant 16 : i32
        %parallel_loop3A_292 = vector.broadcast %parallel_loop3A_291 : i32 to vector<16xi32>
        %parallel_loop3A_293 = arith.shli %parallel_loop3A_290, %parallel_loop3A_292 : vector<16xi32>
        %parallel_loop3A_294 = vector.bitcast %parallel_loop3A_293 : vector<16xi32> to vector<16xf32>
        %parallel_loop3A_295 = arith.constant -65536 : i32
        %parallel_loop3A_296 = vector.broadcast %parallel_loop3A_295 : i32 to vector<16xi32>
        %parallel_loop3A_297 = arith.andi %parallel_loop3A_290, %parallel_loop3A_296 : vector<16xi32>
        %parallel_loop3A_298 = vector.bitcast %parallel_loop3A_297 : vector<16xi32> to vector<16xf32>
        %parallel_loop3A_299 = arith.mulf %parallel_loop3A_289, %parallel_loop3A_294 : vector<16xf32>
        %parallel_loop3A_300 = arith.addf %parallel_loop3A_280, %parallel_loop3A_299 : vector<16xf32>
        %parallel_loop3A_301 = arith.mulf %parallel_loop3A_289, %parallel_loop3A_298 : vector<16xf32>
        %parallel_loop3A_302 = arith.addf %parallel_loop3A_282, %parallel_loop3A_301 : vector<16xf32>
        %parallel_loop3A_303 = arith.xori %parallel_loop3A_283, %parallel_loop3A_155 : vector<16xi32>
        %parallel_loop3A_304 = arith.constant 65535 : i32
        %parallel_loop3A_305 = vector.broadcast %parallel_loop3A_304 : i32 to vector<16xi32>
        %parallel_loop3A_306 = arith.andi %parallel_loop3A_303, %parallel_loop3A_305 : vector<16xi32>
        %parallel_loop3A_307 = arith.mulf %parallel_loop3A_284, %parallel_loop3A_134 : vector<16xf32>
        %parallel_loop3A_308 = tpu.vector_load_idx %arg7[%parallel_loop3A_306] : memref<65536xi32, #tpu.memory_space<vmem>>[vector<16xi32>], vector<16xi32>,
        %parallel_loop3A_309 = arith.constant 16 : i32
        %parallel_loop3A_310 = vector.broadcast %parallel_loop3A_309 : i32 to vector<16xi32>
        %parallel_loop3A_311 = arith.shli %parallel_loop3A_308, %parallel_loop3A_310 : vector<16xi32>
        %parallel_loop3A_312 = vector.bitcast %parallel_loop3A_311 : vector<16xi32> to vector<16xf32>
        %parallel_loop3A_313 = arith.constant -65536 : i32
        %parallel_loop3A_314 = vector.broadcast %parallel_loop3A_313 : i32 to vector<16xi32>
        %parallel_loop3A_315 = arith.andi %parallel_loop3A_308, %parallel_loop3A_314 : vector<16xi32>
        %parallel_loop3A_316 = vector.bitcast %parallel_loop3A_315 : vector<16xi32> to vector<16xf32>
        %parallel_loop3A_317 = arith.mulf %parallel_loop3A_307, %parallel_loop3A_312 : vector<16xf32>
        %parallel_loop3A_318 = arith.addf %parallel_loop3A_300, %parallel_loop3A_317 : vector<16xf32>
        %parallel_loop3A_319 = arith.mulf %parallel_loop3A_307, %parallel_loop3A_316 : vector<16xf32>
        %parallel_loop3A_320 = arith.addf %parallel_loop3A_302, %parallel_loop3A_319 : vector<16xf32>
        %parallel_loop3A_321 = arith.index_cast %parallel_loop3A_112 : i32 to index
        %parallel_loop3A_322 = tpu.vector_load %arg9[%parallel_loop3A_321] {strides = array<i32>} : memref<4096xf32, #tpu.memory_space<vmem>>, vector<16xf32>,
        tpu.vector_store %arg9[%parallel_loop3A_321], %parallel_loop3A_318 {strides = array<i32>} : memref<4096xf32, #tpu.memory_space<vmem>>, vector<16xf32>,
        %parallel_loop3A_323 = arith.constant 2048 : i32
        %parallel_loop3A_324 = arith.addi %parallel_loop3A_323, %parallel_loop3A_112 : i32
        %parallel_loop3A_325 = arith.index_cast %parallel_loop3A_324 : i32 to index
        %parallel_loop3A_326 = tpu.vector_load %arg9[%parallel_loop3A_325] {strides = array<i32>} : memref<4096xf32, #tpu.memory_space<vmem>>, vector<16xf32>,
        tpu.vector_store %arg9[%parallel_loop3A_325], %parallel_loop3A_320 {strides = array<i32>} : memref<4096xf32, #tpu.memory_space<vmem>>, vector<16xf32>,
      } {sc.loop_unroll_factor = 2 : i64, sc.parallel_access}
      %mul3A_106 = arith.constant 192 : i32
      %mul3A_107 = arith.muli %scan3A_95, %mul3A_106 : i32
      %add3A_108 = arith.addi %mul3A_107, %mul3A_87 : i32
      %mul3A_109 = arith.constant 2048 : i32
      %mul3A_110 = arith.muli %add3A_108, %mul3A_109 : i32
      "tpu.region"() ({
        %run_scoped3A = tpu.sem_alloc : memref<!tpu.dma_semaphore, #tpu.memory_space<semaphore_mem>>
        %dma_start3A = tpu.memref_slice %arg6[%mul3A_110] : memref<4325376xf32, #tpu.memory_space<hbm>> -> memref<4096xf32, #tpu.memory_space<hbm>>
        %dma_start3A_112 = tpu.memref_slice %arg6[%mul3A_110] : memref<4325376xf32, #tpu.memory_space<hbm>> -> memref<4096xf32, #tpu.memory_space<hbm>>
        tpu.enqueue_dma source(%arg9 : memref<4096xf32, #tpu.memory_space<vmem>>) target(%dma_start3A_112 : memref<4096xf32, #tpu.memory_space<hbm>>) target_semaphore(%run_scoped3A : memref<!tpu.dma_semaphore, #tpu.memory_space<semaphore_mem>>)
        %dma_wait3A = tpu.memref_slice %arg6[%mul3A_110] : memref<4325376xf32, #tpu.memory_space<hbm>> -> memref<4096xf32, #tpu.memory_space<hbm>>
        %dma_wait3A_113 = tpu.memref_slice %arg6[%mul3A_110] : memref<4325376xf32, #tpu.memory_space<hbm>> -> memref<4096xf32, #tpu.memory_space<hbm>>
        tpu.wait_dma2 semaphore(%run_scoped3A : memref<!tpu.dma_semaphore, #tpu.memory_space<semaphore_mem>>) src(%arg9 : memref<4096xf32, #tpu.memory_space<vmem>>) dst(%dma_wait3A_113 : memref<4096xf32, #tpu.memory_space<hbm>>)
        tpu.yield
      }) : () -> ()
      %scan3A_111 = arith.constant 0 : i32
      scf.yield %scan3A_111 : i32
    }
    %scan3A_94 = arith.constant 11 : i32
    return
  }
}

module attributes {stable_mosaic.version = 14 : i64} {
  func.func @_mlp_body(%arg0: i32, %arg1: memref<1x192x2048xf32, #tpu.memory_space<vmem>>, %arg2: memref<4x2048x13xf32, #tpu.memory_space<vmem>>, %arg3: memref<192x64xf32, #tpu.memory_space<vmem>>, %arg4: memref<13x64xf32, #tpu.memory_space<vmem>>, %arg5: memref<1x64xf32, #tpu.memory_space<vmem>>, %arg6: memref<1x64xf32, #tpu.memory_space<vmem>>, %arg7: memref<1x64xf32, #tpu.memory_space<vmem>>, %arg8: memref<64x64xf32, #tpu.memory_space<vmem>>, %arg9: memref<1x64xf32, #tpu.memory_space<vmem>>, %arg10: memref<1x64xf32, #tpu.memory_space<vmem>>, %arg11: memref<1x64xf32, #tpu.memory_space<vmem>>, %arg12: memref<4x2048x64xf32, #tpu.memory_space<vmem>>) attributes {dimension_semantics = [#tpu.dimension_semantics<arbitrary>], iteration_bounds = array<i64: 10>, scalar_prefetch = 0 : i64, scratch_operands = 0 : i64, tpu.core_type = #tpu.core_type<tc>, window_params = [{transform_indices = @transform_0, window_bounds = array<i64: 1, 192, 2048>}, {transform_indices = @transform_1, window_bounds = array<i64: 4, 2048, 13>}, {pipeline_mode = #tpu.pipeline_mode<synchronous>, transform_indices = @transform_2, window_bounds = array<i64: 192, 64>}, {pipeline_mode = #tpu.pipeline_mode<synchronous>, transform_indices = @transform_3, window_bounds = array<i64: 13, 64>}, {pipeline_mode = #tpu.pipeline_mode<synchronous>, transform_indices = @transform_4, window_bounds = array<i64: 1, 64>}, {pipeline_mode = #tpu.pipeline_mode<synchronous>, transform_indices = @transform_5, window_bounds = array<i64: 1, 64>}, {pipeline_mode = #tpu.pipeline_mode<synchronous>, transform_indices = @transform_6, window_bounds = array<i64: 1, 64>}, {pipeline_mode = #tpu.pipeline_mode<synchronous>, transform_indices = @transform_7, window_bounds = array<i64: 64, 64>}, {pipeline_mode = #tpu.pipeline_mode<synchronous>, transform_indices = @transform_8, window_bounds = array<i64: 1, 64>}, {pipeline_mode = #tpu.pipeline_mode<synchronous>, transform_indices = @transform_9, window_bounds = array<i64: 1, 64>}, {pipeline_mode = #tpu.pipeline_mode<synchronous>, transform_indices = @transform_10, window_bounds = array<i64: 1, 64>}, {transform_indices = @transform_11, window_bounds = array<i64: 4, 2048, 64>}]} {
    %broadcast_in_dim3A = arith.constant 1.562500e-02 : f32
    %broadcast_in_dim3A_0 = vector.broadcast %broadcast_in_dim3A : f32 to vector<64x64xf32>
    %get3A = arith.constant 0 : index
    %get3A_1 = arith.constant 0 : index
    %get3A_2 = arith.constant 0 : index
    %get3A_3 = vector.load %arg1[%get3A, %get3A_1, %get3A_2] : memref<1x192x2048xf32, #tpu.memory_space<vmem>>, vector<1x192x2048xf32>
    %get3A_4 = vector.shape_cast %get3A_3 : vector<1x192x2048xf32> to vector<192x2048xf32>
    %get3A_5 = arith.constant 0 : index
    %get3A_6 = arith.constant 0 : index
    %get3A_7 = vector.load %arg3[%get3A_5, %get3A_6] : memref<192x64xf32, #tpu.memory_space<vmem>>, vector<192x64xf32>
    %dot_general3A = arith.constant dense<0.000000e+00> : vector<2048x64xf32>
    %dot_general3A_8 = tpu.matmul %get3A_4, %get3A_7, %dot_general3A {dimension_numbers = #tpu.dot_dimension_numbers<[0], [0], [1], [1], [0, 1, 1, 1], [], []>, transpose_lhs_hint = false} : vector<192x2048xf32>, vector<192x64xf32>, vector<2048x64xf32> -> vector<2048x64xf32>
    %get3A_9 = arith.constant 0 : index
    %get3A_10 = arith.constant 0 : index
    %get3A_11 = arith.constant 0 : index
    %get3A_12 = vector.load %arg2[%get3A_9, %get3A_10, %get3A_11] : memref<4x2048x13xf32, #tpu.memory_space<vmem>>, vector<1x2048x13xf32>
    %get3A_13 = vector.shape_cast %get3A_12 : vector<1x2048x13xf32> to vector<2048x13xf32>
    %get3A_14 = arith.constant 0 : index
    %get3A_15 = arith.constant 0 : index
    %get3A_16 = vector.load %arg4[%get3A_14, %get3A_15] : memref<13x64xf32, #tpu.memory_space<vmem>>, vector<13x64xf32>
    %dot_general3A_17 = arith.constant dense<0.000000e+00> : vector<2048x64xf32>
    %dot_general3A_18 = tpu.matmul %get3A_13, %get3A_16, %dot_general3A_17 {dimension_numbers = #tpu.dot_dimension_numbers<[1], [0], [0], [1], [0, 0, 1, 1], [], []>, transpose_lhs_hint = false} : vector<2048x13xf32>, vector<13x64xf32>, vector<2048x64xf32> -> vector<2048x64xf32>
    %add3A = arith.addf %dot_general3A_8, %dot_general3A_18 : vector<2048x64xf32>
    %get3A_19 = arith.constant 0 : index
    %get3A_20 = arith.constant 0 : index
    %get3A_21 = vector.load %arg5[%get3A_19, %get3A_20] : memref<1x64xf32, #tpu.memory_space<vmem>>, vector<1x64xf32>
    %add3A_22 = vector.broadcast %get3A_21 : vector<1x64xf32> to vector<2048x64xf32>
    %add3A_23 = arith.addf %add3A, %add3A_22 : vector<2048x64xf32>
    %get3A_24 = arith.constant 0 : index
    %get3A_25 = arith.constant 0 : index
    %get3A_26 = vector.load %arg6[%get3A_24, %get3A_25] : memref<1x64xf32, #tpu.memory_space<vmem>>, vector<1x64xf32>
    %get3A_27 = arith.constant 0 : index
    %get3A_28 = arith.constant 0 : index
    %get3A_29 = vector.load %arg7[%get3A_27, %get3A_28] : memref<1x64xf32, #tpu.memory_space<vmem>>, vector<1x64xf32>
    %dot_general3A_30 = arith.constant dense<0.000000e+00> : vector<2048x64xf32>
    %dot_general3A_31 = tpu.matmul %add3A_23, %broadcast_in_dim3A_0, %dot_general3A_30 {dimension_numbers = #tpu.dot_dimension_numbers<[1], [0], [0], [1], [0, 0, 1, 1], [], []>, transpose_lhs_hint = false} : vector<2048x64xf32>, vector<64x64xf32>, vector<2048x64xf32> -> vector<2048x64xf32>
    %mul3A = arith.mulf %add3A_23, %add3A_23 : vector<2048x64xf32>
    %dot_general3A_32 = arith.constant dense<0.000000e+00> : vector<2048x64xf32>
    %dot_general3A_33 = tpu.matmul %mul3A, %broadcast_in_dim3A_0, %dot_general3A_32 {dimension_numbers = #tpu.dot_dimension_numbers<[1], [0], [0], [1], [0, 0, 1, 1], [], []>, transpose_lhs_hint = false} : vector<2048x64xf32>, vector<64x64xf32>, vector<2048x64xf32> -> vector<2048x64xf32>
    %mul3A_34 = arith.mulf %dot_general3A_31, %dot_general3A_31 : vector<2048x64xf32>
    %sub3A = arith.subf %dot_general3A_33, %mul3A_34 : vector<2048x64xf32>
    %sub3A_35 = arith.subf %add3A_23, %dot_general3A_31 : vector<2048x64xf32>
    %add3A_36 = arith.constant 9.99999974E-6 : f32
    %add3A_37 = vector.broadcast %add3A_36 : f32 to vector<2048x64xf32>
    %add3A_38 = arith.addf %sub3A, %add3A_37 : vector<2048x64xf32>
    %rsqrt3A = math.rsqrt %add3A_38 : vector<2048x64xf32>
    %mul3A_39 = vector.broadcast %get3A_26 : vector<1x64xf32> to vector<2048x64xf32>
    %mul3A_40 = arith.mulf %rsqrt3A, %mul3A_39 : vector<2048x64xf32>
    %mul3A_41 = arith.mulf %sub3A_35, %mul3A_40 : vector<2048x64xf32>
    %add3A_42 = vector.broadcast %get3A_29 : vector<1x64xf32> to vector<2048x64xf32>
    %add3A_43 = arith.addf %mul3A_41, %add3A_42 : vector<2048x64xf32>
    %max3A = arith.constant 0.000000e+00 : f32
    %max3A_44 = vector.broadcast %max3A : f32 to vector<2048x64xf32>
    %max3A_45 = arith.maximumf %add3A_43, %max3A_44 : vector<2048x64xf32>
    %get3A_46 = arith.constant 0 : index
    %get3A_47 = arith.constant 0 : index
    %get3A_48 = vector.load %arg8[%get3A_46, %get3A_47] : memref<64x64xf32, #tpu.memory_space<vmem>>, vector<64x64xf32>
    %dot_general3A_49 = arith.constant dense<0.000000e+00> : vector<2048x64xf32>
    %dot_general3A_50 = tpu.matmul %max3A_45, %get3A_48, %dot_general3A_49 {dimension_numbers = #tpu.dot_dimension_numbers<[1], [0], [0], [1], [0, 0, 1, 1], [], []>, transpose_lhs_hint = false} : vector<2048x64xf32>, vector<64x64xf32>, vector<2048x64xf32> -> vector<2048x64xf32>
    %get3A_51 = arith.constant 0 : index
    %get3A_52 = arith.constant 0 : index
    %get3A_53 = vector.load %arg9[%get3A_51, %get3A_52] : memref<1x64xf32, #tpu.memory_space<vmem>>, vector<1x64xf32>
    %add3A_54 = vector.broadcast %get3A_53 : vector<1x64xf32> to vector<2048x64xf32>
    %add3A_55 = arith.addf %dot_general3A_50, %add3A_54 : vector<2048x64xf32>
    %get3A_56 = arith.constant 0 : index
    %get3A_57 = arith.constant 0 : index
    %get3A_58 = vector.load %arg10[%get3A_56, %get3A_57] : memref<1x64xf32, #tpu.memory_space<vmem>>, vector<1x64xf32>
    %get3A_59 = arith.constant 0 : index
    %get3A_60 = arith.constant 0 : index
    %get3A_61 = vector.load %arg11[%get3A_59, %get3A_60] : memref<1x64xf32, #tpu.memory_space<vmem>>, vector<1x64xf32>
    %dot_general3A_62 = arith.constant dense<0.000000e+00> : vector<2048x64xf32>
    %dot_general3A_63 = tpu.matmul %add3A_55, %broadcast_in_dim3A_0, %dot_general3A_62 {dimension_numbers = #tpu.dot_dimension_numbers<[1], [0], [0], [1], [0, 0, 1, 1], [], []>, transpose_lhs_hint = false} : vector<2048x64xf32>, vector<64x64xf32>, vector<2048x64xf32> -> vector<2048x64xf32>
    %mul3A_64 = arith.mulf %add3A_55, %add3A_55 : vector<2048x64xf32>
    %dot_general3A_65 = arith.constant dense<0.000000e+00> : vector<2048x64xf32>
    %dot_general3A_66 = tpu.matmul %mul3A_64, %broadcast_in_dim3A_0, %dot_general3A_65 {dimension_numbers = #tpu.dot_dimension_numbers<[1], [0], [0], [1], [0, 0, 1, 1], [], []>, transpose_lhs_hint = false} : vector<2048x64xf32>, vector<64x64xf32>, vector<2048x64xf32> -> vector<2048x64xf32>
    %mul3A_67 = arith.mulf %dot_general3A_63, %dot_general3A_63 : vector<2048x64xf32>
    %sub3A_68 = arith.subf %dot_general3A_66, %mul3A_67 : vector<2048x64xf32>
    %sub3A_69 = arith.subf %add3A_55, %dot_general3A_63 : vector<2048x64xf32>
    %add3A_70 = arith.constant 9.99999974E-6 : f32
    %add3A_71 = vector.broadcast %add3A_70 : f32 to vector<2048x64xf32>
    %add3A_72 = arith.addf %sub3A_68, %add3A_71 : vector<2048x64xf32>
    %rsqrt3A_73 = math.rsqrt %add3A_72 : vector<2048x64xf32>
    %mul3A_74 = vector.broadcast %get3A_58 : vector<1x64xf32> to vector<2048x64xf32>
    %mul3A_75 = arith.mulf %rsqrt3A_73, %mul3A_74 : vector<2048x64xf32>
    %mul3A_76 = arith.mulf %sub3A_69, %mul3A_75 : vector<2048x64xf32>
    %add3A_77 = vector.broadcast %get3A_61 : vector<1x64xf32> to vector<2048x64xf32>
    %add3A_78 = arith.addf %mul3A_76, %add3A_77 : vector<2048x64xf32>
    %swap3A = arith.constant 0 : index
    %swap3A_79 = arith.constant 0 : index
    %swap3A_80 = arith.constant 0 : index
    %swap3A_81 = vector.load %arg12[%swap3A, %swap3A_79, %swap3A_80] : memref<4x2048x64xf32, #tpu.memory_space<vmem>>, vector<1x2048x64xf32>
    %swap3A_82 = vector.shape_cast %swap3A_81 : vector<1x2048x64xf32> to vector<2048x64xf32>
    %swap3A_83 = vector.shape_cast %add3A_78 : vector<2048x64xf32> to vector<1x2048x64xf32>
    tpu.vector_store %arg12[%swap3A, %swap3A_79, %swap3A_80], %swap3A_83 {strides = array<i32>} : memref<4x2048x64xf32, #tpu.memory_space<vmem>>, vector<1x2048x64xf32>,
    %get3A_84 = arith.constant 1 : index
    %get3A_85 = arith.constant 0 : index
    %get3A_86 = arith.constant 0 : index
    %get3A_87 = vector.load %arg2[%get3A_84, %get3A_85, %get3A_86] : memref<4x2048x13xf32, #tpu.memory_space<vmem>>, vector<1x2048x13xf32>
    %get3A_88 = vector.shape_cast %get3A_87 : vector<1x2048x13xf32> to vector<2048x13xf32>
    %get3A_89 = arith.constant 0 : index
    %get3A_90 = arith.constant 0 : index
    %get3A_91 = vector.load %arg4[%get3A_89, %get3A_90] : memref<13x64xf32, #tpu.memory_space<vmem>>, vector<13x64xf32>
    %dot_general3A_92 = arith.constant dense<0.000000e+00> : vector<2048x64xf32>
    %dot_general3A_93 = tpu.matmul %get3A_88, %get3A_91, %dot_general3A_92 {dimension_numbers = #tpu.dot_dimension_numbers<[1], [0], [0], [1], [0, 0, 1, 1], [], []>, transpose_lhs_hint = false} : vector<2048x13xf32>, vector<13x64xf32>, vector<2048x64xf32> -> vector<2048x64xf32>
    %add3A_94 = arith.addf %dot_general3A_8, %dot_general3A_93 : vector<2048x64xf32>
    %get3A_95 = arith.constant 0 : index
    %get3A_96 = arith.constant 0 : index
    %get3A_97 = vector.load %arg5[%get3A_95, %get3A_96] : memref<1x64xf32, #tpu.memory_space<vmem>>, vector<1x64xf32>
    %add3A_98 = vector.broadcast %get3A_97 : vector<1x64xf32> to vector<2048x64xf32>
    %add3A_99 = arith.addf %add3A_94, %add3A_98 : vector<2048x64xf32>
    %get3A_100 = arith.constant 0 : index
    %get3A_101 = arith.constant 0 : index
    %get3A_102 = vector.load %arg6[%get3A_100, %get3A_101] : memref<1x64xf32, #tpu.memory_space<vmem>>, vector<1x64xf32>
    %get3A_103 = arith.constant 0 : index
    %get3A_104 = arith.constant 0 : index
    %get3A_105 = vector.load %arg7[%get3A_103, %get3A_104] : memref<1x64xf32, #tpu.memory_space<vmem>>, vector<1x64xf32>
    %dot_general3A_106 = arith.constant dense<0.000000e+00> : vector<2048x64xf32>
    %dot_general3A_107 = tpu.matmul %add3A_99, %broadcast_in_dim3A_0, %dot_general3A_106 {dimension_numbers = #tpu.dot_dimension_numbers<[1], [0], [0], [1], [0, 0, 1, 1], [], []>, transpose_lhs_hint = false} : vector<2048x64xf32>, vector<64x64xf32>, vector<2048x64xf32> -> vector<2048x64xf32>
    %mul3A_108 = arith.mulf %add3A_99, %add3A_99 : vector<2048x64xf32>
    %dot_general3A_109 = arith.constant dense<0.000000e+00> : vector<2048x64xf32>
    %dot_general3A_110 = tpu.matmul %mul3A_108, %broadcast_in_dim3A_0, %dot_general3A_109 {dimension_numbers = #tpu.dot_dimension_numbers<[1], [0], [0], [1], [0, 0, 1, 1], [], []>, transpose_lhs_hint = false} : vector<2048x64xf32>, vector<64x64xf32>, vector<2048x64xf32> -> vector<2048x64xf32>
    %mul3A_111 = arith.mulf %dot_general3A_107, %dot_general3A_107 : vector<2048x64xf32>
    %sub3A_112 = arith.subf %dot_general3A_110, %mul3A_111 : vector<2048x64xf32>
    %sub3A_113 = arith.subf %add3A_99, %dot_general3A_107 : vector<2048x64xf32>
    %add3A_114 = arith.constant 9.99999974E-6 : f32
    %add3A_115 = vector.broadcast %add3A_114 : f32 to vector<2048x64xf32>
    %add3A_116 = arith.addf %sub3A_112, %add3A_115 : vector<2048x64xf32>
    %rsqrt3A_117 = math.rsqrt %add3A_116 : vector<2048x64xf32>
    %mul3A_118 = vector.broadcast %get3A_102 : vector<1x64xf32> to vector<2048x64xf32>
    %mul3A_119 = arith.mulf %rsqrt3A_117, %mul3A_118 : vector<2048x64xf32>
    %mul3A_120 = arith.mulf %sub3A_113, %mul3A_119 : vector<2048x64xf32>
    %add3A_121 = vector.broadcast %get3A_105 : vector<1x64xf32> to vector<2048x64xf32>
    %add3A_122 = arith.addf %mul3A_120, %add3A_121 : vector<2048x64xf32>
    %max3A_123 = arith.constant 0.000000e+00 : f32
    %max3A_124 = vector.broadcast %max3A_123 : f32 to vector<2048x64xf32>
    %max3A_125 = arith.maximumf %add3A_122, %max3A_124 : vector<2048x64xf32>
    %get3A_126 = arith.constant 0 : index
    %get3A_127 = arith.constant 0 : index
    %get3A_128 = vector.load %arg8[%get3A_126, %get3A_127] : memref<64x64xf32, #tpu.memory_space<vmem>>, vector<64x64xf32>
    %dot_general3A_129 = arith.constant dense<0.000000e+00> : vector<2048x64xf32>
    %dot_general3A_130 = tpu.matmul %max3A_125, %get3A_128, %dot_general3A_129 {dimension_numbers = #tpu.dot_dimension_numbers<[1], [0], [0], [1], [0, 0, 1, 1], [], []>, transpose_lhs_hint = false} : vector<2048x64xf32>, vector<64x64xf32>, vector<2048x64xf32> -> vector<2048x64xf32>
    %get3A_131 = arith.constant 0 : index
    %get3A_132 = arith.constant 0 : index
    %get3A_133 = vector.load %arg9[%get3A_131, %get3A_132] : memref<1x64xf32, #tpu.memory_space<vmem>>, vector<1x64xf32>
    %add3A_134 = vector.broadcast %get3A_133 : vector<1x64xf32> to vector<2048x64xf32>
    %add3A_135 = arith.addf %dot_general3A_130, %add3A_134 : vector<2048x64xf32>
    %get3A_136 = arith.constant 0 : index
    %get3A_137 = arith.constant 0 : index
    %get3A_138 = vector.load %arg10[%get3A_136, %get3A_137] : memref<1x64xf32, #tpu.memory_space<vmem>>, vector<1x64xf32>
    %get3A_139 = arith.constant 0 : index
    %get3A_140 = arith.constant 0 : index
    %get3A_141 = vector.load %arg11[%get3A_139, %get3A_140] : memref<1x64xf32, #tpu.memory_space<vmem>>, vector<1x64xf32>
    %dot_general3A_142 = arith.constant dense<0.000000e+00> : vector<2048x64xf32>
    %dot_general3A_143 = tpu.matmul %add3A_135, %broadcast_in_dim3A_0, %dot_general3A_142 {dimension_numbers = #tpu.dot_dimension_numbers<[1], [0], [0], [1], [0, 0, 1, 1], [], []>, transpose_lhs_hint = false} : vector<2048x64xf32>, vector<64x64xf32>, vector<2048x64xf32> -> vector<2048x64xf32>
    %mul3A_144 = arith.mulf %add3A_135, %add3A_135 : vector<2048x64xf32>
    %dot_general3A_145 = arith.constant dense<0.000000e+00> : vector<2048x64xf32>
    %dot_general3A_146 = tpu.matmul %mul3A_144, %broadcast_in_dim3A_0, %dot_general3A_145 {dimension_numbers = #tpu.dot_dimension_numbers<[1], [0], [0], [1], [0, 0, 1, 1], [], []>, transpose_lhs_hint = false} : vector<2048x64xf32>, vector<64x64xf32>, vector<2048x64xf32> -> vector<2048x64xf32>
    %mul3A_147 = arith.mulf %dot_general3A_143, %dot_general3A_143 : vector<2048x64xf32>
    %sub3A_148 = arith.subf %dot_general3A_146, %mul3A_147 : vector<2048x64xf32>
    %sub3A_149 = arith.subf %add3A_135, %dot_general3A_143 : vector<2048x64xf32>
    %add3A_150 = arith.constant 9.99999974E-6 : f32
    %add3A_151 = vector.broadcast %add3A_150 : f32 to vector<2048x64xf32>
    %add3A_152 = arith.addf %sub3A_148, %add3A_151 : vector<2048x64xf32>
    %rsqrt3A_153 = math.rsqrt %add3A_152 : vector<2048x64xf32>
    %mul3A_154 = vector.broadcast %get3A_138 : vector<1x64xf32> to vector<2048x64xf32>
    %mul3A_155 = arith.mulf %rsqrt3A_153, %mul3A_154 : vector<2048x64xf32>
    %mul3A_156 = arith.mulf %sub3A_149, %mul3A_155 : vector<2048x64xf32>
    %add3A_157 = vector.broadcast %get3A_141 : vector<1x64xf32> to vector<2048x64xf32>
    %add3A_158 = arith.addf %mul3A_156, %add3A_157 : vector<2048x64xf32>
    %swap3A_159 = arith.constant 1 : index
    %swap3A_160 = arith.constant 0 : index
    %swap3A_161 = arith.constant 0 : index
    %swap3A_162 = vector.load %arg12[%swap3A_159, %swap3A_160, %swap3A_161] : memref<4x2048x64xf32, #tpu.memory_space<vmem>>, vector<1x2048x64xf32>
    %swap3A_163 = vector.shape_cast %swap3A_162 : vector<1x2048x64xf32> to vector<2048x64xf32>
    %swap3A_164 = vector.shape_cast %add3A_158 : vector<2048x64xf32> to vector<1x2048x64xf32>
    tpu.vector_store %arg12[%swap3A_159, %swap3A_160, %swap3A_161], %swap3A_164 {strides = array<i32>} : memref<4x2048x64xf32, #tpu.memory_space<vmem>>, vector<1x2048x64xf32>,
    %get3A_165 = arith.constant 2 : index
    %get3A_166 = arith.constant 0 : index
    %get3A_167 = arith.constant 0 : index
    %get3A_168 = vector.load %arg2[%get3A_165, %get3A_166, %get3A_167] : memref<4x2048x13xf32, #tpu.memory_space<vmem>>, vector<1x2048x13xf32>
    %get3A_169 = vector.shape_cast %get3A_168 : vector<1x2048x13xf32> to vector<2048x13xf32>
    %get3A_170 = arith.constant 0 : index
    %get3A_171 = arith.constant 0 : index
    %get3A_172 = vector.load %arg4[%get3A_170, %get3A_171] : memref<13x64xf32, #tpu.memory_space<vmem>>, vector<13x64xf32>
    %dot_general3A_173 = arith.constant dense<0.000000e+00> : vector<2048x64xf32>
    %dot_general3A_174 = tpu.matmul %get3A_169, %get3A_172, %dot_general3A_173 {dimension_numbers = #tpu.dot_dimension_numbers<[1], [0], [0], [1], [0, 0, 1, 1], [], []>, transpose_lhs_hint = false} : vector<2048x13xf32>, vector<13x64xf32>, vector<2048x64xf32> -> vector<2048x64xf32>
    %add3A_175 = arith.addf %dot_general3A_8, %dot_general3A_174 : vector<2048x64xf32>
    %get3A_176 = arith.constant 0 : index
    %get3A_177 = arith.constant 0 : index
    %get3A_178 = vector.load %arg5[%get3A_176, %get3A_177] : memref<1x64xf32, #tpu.memory_space<vmem>>, vector<1x64xf32>
    %add3A_179 = vector.broadcast %get3A_178 : vector<1x64xf32> to vector<2048x64xf32>
    %add3A_180 = arith.addf %add3A_175, %add3A_179 : vector<2048x64xf32>
    %get3A_181 = arith.constant 0 : index
    %get3A_182 = arith.constant 0 : index
    %get3A_183 = vector.load %arg6[%get3A_181, %get3A_182] : memref<1x64xf32, #tpu.memory_space<vmem>>, vector<1x64xf32>
    %get3A_184 = arith.constant 0 : index
    %get3A_185 = arith.constant 0 : index
    %get3A_186 = vector.load %arg7[%get3A_184, %get3A_185] : memref<1x64xf32, #tpu.memory_space<vmem>>, vector<1x64xf32>
    %dot_general3A_187 = arith.constant dense<0.000000e+00> : vector<2048x64xf32>
    %dot_general3A_188 = tpu.matmul %add3A_180, %broadcast_in_dim3A_0, %dot_general3A_187 {dimension_numbers = #tpu.dot_dimension_numbers<[1], [0], [0], [1], [0, 0, 1, 1], [], []>, transpose_lhs_hint = false} : vector<2048x64xf32>, vector<64x64xf32>, vector<2048x64xf32> -> vector<2048x64xf32>
    %mul3A_189 = arith.mulf %add3A_180, %add3A_180 : vector<2048x64xf32>
    %dot_general3A_190 = arith.constant dense<0.000000e+00> : vector<2048x64xf32>
    %dot_general3A_191 = tpu.matmul %mul3A_189, %broadcast_in_dim3A_0, %dot_general3A_190 {dimension_numbers = #tpu.dot_dimension_numbers<[1], [0], [0], [1], [0, 0, 1, 1], [], []>, transpose_lhs_hint = false} : vector<2048x64xf32>, vector<64x64xf32>, vector<2048x64xf32> -> vector<2048x64xf32>
    %mul3A_192 = arith.mulf %dot_general3A_188, %dot_general3A_188 : vector<2048x64xf32>
    %sub3A_193 = arith.subf %dot_general3A_191, %mul3A_192 : vector<2048x64xf32>
    %sub3A_194 = arith.subf %add3A_180, %dot_general3A_188 : vector<2048x64xf32>
    %add3A_195 = arith.constant 9.99999974E-6 : f32
    %add3A_196 = vector.broadcast %add3A_195 : f32 to vector<2048x64xf32>
    %add3A_197 = arith.addf %sub3A_193, %add3A_196 : vector<2048x64xf32>
    %rsqrt3A_198 = math.rsqrt %add3A_197 : vector<2048x64xf32>
    %mul3A_199 = vector.broadcast %get3A_183 : vector<1x64xf32> to vector<2048x64xf32>
    %mul3A_200 = arith.mulf %rsqrt3A_198, %mul3A_199 : vector<2048x64xf32>
    %mul3A_201 = arith.mulf %sub3A_194, %mul3A_200 : vector<2048x64xf32>
    %add3A_202 = vector.broadcast %get3A_186 : vector<1x64xf32> to vector<2048x64xf32>
    %add3A_203 = arith.addf %mul3A_201, %add3A_202 : vector<2048x64xf32>
    %max3A_204 = arith.constant 0.000000e+00 : f32
    %max3A_205 = vector.broadcast %max3A_204 : f32 to vector<2048x64xf32>
    %max3A_206 = arith.maximumf %add3A_203, %max3A_205 : vector<2048x64xf32>
    %get3A_207 = arith.constant 0 : index
    %get3A_208 = arith.constant 0 : index
    %get3A_209 = vector.load %arg8[%get3A_207, %get3A_208] : memref<64x64xf32, #tpu.memory_space<vmem>>, vector<64x64xf32>
    %dot_general3A_210 = arith.constant dense<0.000000e+00> : vector<2048x64xf32>
    %dot_general3A_211 = tpu.matmul %max3A_206, %get3A_209, %dot_general3A_210 {dimension_numbers = #tpu.dot_dimension_numbers<[1], [0], [0], [1], [0, 0, 1, 1], [], []>, transpose_lhs_hint = false} : vector<2048x64xf32>, vector<64x64xf32>, vector<2048x64xf32> -> vector<2048x64xf32>
    %get3A_212 = arith.constant 0 : index
    %get3A_213 = arith.constant 0 : index
    %get3A_214 = vector.load %arg9[%get3A_212, %get3A_213] : memref<1x64xf32, #tpu.memory_space<vmem>>, vector<1x64xf32>
    %add3A_215 = vector.broadcast %get3A_214 : vector<1x64xf32> to vector<2048x64xf32>
    %add3A_216 = arith.addf %dot_general3A_211, %add3A_215 : vector<2048x64xf32>
    %get3A_217 = arith.constant 0 : index
    %get3A_218 = arith.constant 0 : index
    %get3A_219 = vector.load %arg10[%get3A_217, %get3A_218] : memref<1x64xf32, #tpu.memory_space<vmem>>, vector<1x64xf32>
    %get3A_220 = arith.constant 0 : index
    %get3A_221 = arith.constant 0 : index
    %get3A_222 = vector.load %arg11[%get3A_220, %get3A_221] : memref<1x64xf32, #tpu.memory_space<vmem>>, vector<1x64xf32>
    %dot_general3A_223 = arith.constant dense<0.000000e+00> : vector<2048x64xf32>
    %dot_general3A_224 = tpu.matmul %add3A_216, %broadcast_in_dim3A_0, %dot_general3A_223 {dimension_numbers = #tpu.dot_dimension_numbers<[1], [0], [0], [1], [0, 0, 1, 1], [], []>, transpose_lhs_hint = false} : vector<2048x64xf32>, vector<64x64xf32>, vector<2048x64xf32> -> vector<2048x64xf32>
    %mul3A_225 = arith.mulf %add3A_216, %add3A_216 : vector<2048x64xf32>
    %dot_general3A_226 = arith.constant dense<0.000000e+00> : vector<2048x64xf32>
    %dot_general3A_227 = tpu.matmul %mul3A_225, %broadcast_in_dim3A_0, %dot_general3A_226 {dimension_numbers = #tpu.dot_dimension_numbers<[1], [0], [0], [1], [0, 0, 1, 1], [], []>, transpose_lhs_hint = false} : vector<2048x64xf32>, vector<64x64xf32>, vector<2048x64xf32> -> vector<2048x64xf32>
    %mul3A_228 = arith.mulf %dot_general3A_224, %dot_general3A_224 : vector<2048x64xf32>
    %sub3A_229 = arith.subf %dot_general3A_227, %mul3A_228 : vector<2048x64xf32>
    %sub3A_230 = arith.subf %add3A_216, %dot_general3A_224 : vector<2048x64xf32>
    %add3A_231 = arith.constant 9.99999974E-6 : f32
    %add3A_232 = vector.broadcast %add3A_231 : f32 to vector<2048x64xf32>
    %add3A_233 = arith.addf %sub3A_229, %add3A_232 : vector<2048x64xf32>
    %rsqrt3A_234 = math.rsqrt %add3A_233 : vector<2048x64xf32>
    %mul3A_235 = vector.broadcast %get3A_219 : vector<1x64xf32> to vector<2048x64xf32>
    %mul3A_236 = arith.mulf %rsqrt3A_234, %mul3A_235 : vector<2048x64xf32>
    %mul3A_237 = arith.mulf %sub3A_230, %mul3A_236 : vector<2048x64xf32>
    %add3A_238 = vector.broadcast %get3A_222 : vector<1x64xf32> to vector<2048x64xf32>
    %add3A_239 = arith.addf %mul3A_237, %add3A_238 : vector<2048x64xf32>
    %swap3A_240 = arith.constant 2 : index
    %swap3A_241 = arith.constant 0 : index
    %swap3A_242 = arith.constant 0 : index
    %swap3A_243 = vector.load %arg12[%swap3A_240, %swap3A_241, %swap3A_242] : memref<4x2048x64xf32, #tpu.memory_space<vmem>>, vector<1x2048x64xf32>
    %swap3A_244 = vector.shape_cast %swap3A_243 : vector<1x2048x64xf32> to vector<2048x64xf32>
    %swap3A_245 = vector.shape_cast %add3A_239 : vector<2048x64xf32> to vector<1x2048x64xf32>
    tpu.vector_store %arg12[%swap3A_240, %swap3A_241, %swap3A_242], %swap3A_245 {strides = array<i32>} : memref<4x2048x64xf32, #tpu.memory_space<vmem>>, vector<1x2048x64xf32>,
    %get3A_246 = arith.constant 3 : index
    %get3A_247 = arith.constant 0 : index
    %get3A_248 = arith.constant 0 : index
    %get3A_249 = vector.load %arg2[%get3A_246, %get3A_247, %get3A_248] : memref<4x2048x13xf32, #tpu.memory_space<vmem>>, vector<1x2048x13xf32>
    %get3A_250 = vector.shape_cast %get3A_249 : vector<1x2048x13xf32> to vector<2048x13xf32>
    %get3A_251 = arith.constant 0 : index
    %get3A_252 = arith.constant 0 : index
    %get3A_253 = vector.load %arg4[%get3A_251, %get3A_252] : memref<13x64xf32, #tpu.memory_space<vmem>>, vector<13x64xf32>
    %dot_general3A_254 = arith.constant dense<0.000000e+00> : vector<2048x64xf32>
    %dot_general3A_255 = tpu.matmul %get3A_250, %get3A_253, %dot_general3A_254 {dimension_numbers = #tpu.dot_dimension_numbers<[1], [0], [0], [1], [0, 0, 1, 1], [], []>, transpose_lhs_hint = false} : vector<2048x13xf32>, vector<13x64xf32>, vector<2048x64xf32> -> vector<2048x64xf32>
    %add3A_256 = arith.addf %dot_general3A_8, %dot_general3A_255 : vector<2048x64xf32>
    %get3A_257 = arith.constant 0 : index
    %get3A_258 = arith.constant 0 : index
    %get3A_259 = vector.load %arg5[%get3A_257, %get3A_258] : memref<1x64xf32, #tpu.memory_space<vmem>>, vector<1x64xf32>
    %add3A_260 = vector.broadcast %get3A_259 : vector<1x64xf32> to vector<2048x64xf32>
    %add3A_261 = arith.addf %add3A_256, %add3A_260 : vector<2048x64xf32>
    %get3A_262 = arith.constant 0 : index
    %get3A_263 = arith.constant 0 : index
    %get3A_264 = vector.load %arg6[%get3A_262, %get3A_263] : memref<1x64xf32, #tpu.memory_space<vmem>>, vector<1x64xf32>
    %get3A_265 = arith.constant 0 : index
    %get3A_266 = arith.constant 0 : index
    %get3A_267 = vector.load %arg7[%get3A_265, %get3A_266] : memref<1x64xf32, #tpu.memory_space<vmem>>, vector<1x64xf32>
    %dot_general3A_268 = arith.constant dense<0.000000e+00> : vector<2048x64xf32>
    %dot_general3A_269 = tpu.matmul %add3A_261, %broadcast_in_dim3A_0, %dot_general3A_268 {dimension_numbers = #tpu.dot_dimension_numbers<[1], [0], [0], [1], [0, 0, 1, 1], [], []>, transpose_lhs_hint = false} : vector<2048x64xf32>, vector<64x64xf32>, vector<2048x64xf32> -> vector<2048x64xf32>
    %mul3A_270 = arith.mulf %add3A_261, %add3A_261 : vector<2048x64xf32>
    %dot_general3A_271 = arith.constant dense<0.000000e+00> : vector<2048x64xf32>
    %dot_general3A_272 = tpu.matmul %mul3A_270, %broadcast_in_dim3A_0, %dot_general3A_271 {dimension_numbers = #tpu.dot_dimension_numbers<[1], [0], [0], [1], [0, 0, 1, 1], [], []>, transpose_lhs_hint = false} : vector<2048x64xf32>, vector<64x64xf32>, vector<2048x64xf32> -> vector<2048x64xf32>
    %mul3A_273 = arith.mulf %dot_general3A_269, %dot_general3A_269 : vector<2048x64xf32>
    %sub3A_274 = arith.subf %dot_general3A_272, %mul3A_273 : vector<2048x64xf32>
    %sub3A_275 = arith.subf %add3A_261, %dot_general3A_269 : vector<2048x64xf32>
    %add3A_276 = arith.constant 9.99999974E-6 : f32
    %add3A_277 = vector.broadcast %add3A_276 : f32 to vector<2048x64xf32>
    %add3A_278 = arith.addf %sub3A_274, %add3A_277 : vector<2048x64xf32>
    %rsqrt3A_279 = math.rsqrt %add3A_278 : vector<2048x64xf32>
    %mul3A_280 = vector.broadcast %get3A_264 : vector<1x64xf32> to vector<2048x64xf32>
    %mul3A_281 = arith.mulf %rsqrt3A_279, %mul3A_280 : vector<2048x64xf32>
    %mul3A_282 = arith.mulf %sub3A_275, %mul3A_281 : vector<2048x64xf32>
    %add3A_283 = vector.broadcast %get3A_267 : vector<1x64xf32> to vector<2048x64xf32>
    %add3A_284 = arith.addf %mul3A_282, %add3A_283 : vector<2048x64xf32>
    %max3A_285 = arith.constant 0.000000e+00 : f32
    %max3A_286 = vector.broadcast %max3A_285 : f32 to vector<2048x64xf32>
    %max3A_287 = arith.maximumf %add3A_284, %max3A_286 : vector<2048x64xf32>
    %get3A_288 = arith.constant 0 : index
    %get3A_289 = arith.constant 0 : index
    %get3A_290 = vector.load %arg8[%get3A_288, %get3A_289] : memref<64x64xf32, #tpu.memory_space<vmem>>, vector<64x64xf32>
    %dot_general3A_291 = arith.constant dense<0.000000e+00> : vector<2048x64xf32>
    %dot_general3A_292 = tpu.matmul %max3A_287, %get3A_290, %dot_general3A_291 {dimension_numbers = #tpu.dot_dimension_numbers<[1], [0], [0], [1], [0, 0, 1, 1], [], []>, transpose_lhs_hint = false} : vector<2048x64xf32>, vector<64x64xf32>, vector<2048x64xf32> -> vector<2048x64xf32>
    %get3A_293 = arith.constant 0 : index
    %get3A_294 = arith.constant 0 : index
    %get3A_295 = vector.load %arg9[%get3A_293, %get3A_294] : memref<1x64xf32, #tpu.memory_space<vmem>>, vector<1x64xf32>
    %add3A_296 = vector.broadcast %get3A_295 : vector<1x64xf32> to vector<2048x64xf32>
    %add3A_297 = arith.addf %dot_general3A_292, %add3A_296 : vector<2048x64xf32>
    %get3A_298 = arith.constant 0 : index
    %get3A_299 = arith.constant 0 : index
    %get3A_300 = vector.load %arg10[%get3A_298, %get3A_299] : memref<1x64xf32, #tpu.memory_space<vmem>>, vector<1x64xf32>
    %get3A_301 = arith.constant 0 : index
    %get3A_302 = arith.constant 0 : index
    %get3A_303 = vector.load %arg11[%get3A_301, %get3A_302] : memref<1x64xf32, #tpu.memory_space<vmem>>, vector<1x64xf32>
    %dot_general3A_304 = arith.constant dense<0.000000e+00> : vector<2048x64xf32>
    %dot_general3A_305 = tpu.matmul %add3A_297, %broadcast_in_dim3A_0, %dot_general3A_304 {dimension_numbers = #tpu.dot_dimension_numbers<[1], [0], [0], [1], [0, 0, 1, 1], [], []>, transpose_lhs_hint = false} : vector<2048x64xf32>, vector<64x64xf32>, vector<2048x64xf32> -> vector<2048x64xf32>
    %mul3A_306 = arith.mulf %add3A_297, %add3A_297 : vector<2048x64xf32>
    %dot_general3A_307 = arith.constant dense<0.000000e+00> : vector<2048x64xf32>
    %dot_general3A_308 = tpu.matmul %mul3A_306, %broadcast_in_dim3A_0, %dot_general3A_307 {dimension_numbers = #tpu.dot_dimension_numbers<[1], [0], [0], [1], [0, 0, 1, 1], [], []>, transpose_lhs_hint = false} : vector<2048x64xf32>, vector<64x64xf32>, vector<2048x64xf32> -> vector<2048x64xf32>
    %mul3A_309 = arith.mulf %dot_general3A_305, %dot_general3A_305 : vector<2048x64xf32>
    %sub3A_310 = arith.subf %dot_general3A_308, %mul3A_309 : vector<2048x64xf32>
    %sub3A_311 = arith.subf %add3A_297, %dot_general3A_305 : vector<2048x64xf32>
    %add3A_312 = arith.constant 9.99999974E-6 : f32
    %add3A_313 = vector.broadcast %add3A_312 : f32 to vector<2048x64xf32>
    %add3A_314 = arith.addf %sub3A_310, %add3A_313 : vector<2048x64xf32>
    %rsqrt3A_315 = math.rsqrt %add3A_314 : vector<2048x64xf32>
    %mul3A_316 = vector.broadcast %get3A_300 : vector<1x64xf32> to vector<2048x64xf32>
    %mul3A_317 = arith.mulf %rsqrt3A_315, %mul3A_316 : vector<2048x64xf32>
    %mul3A_318 = arith.mulf %sub3A_311, %mul3A_317 : vector<2048x64xf32>
    %add3A_319 = vector.broadcast %get3A_303 : vector<1x64xf32> to vector<2048x64xf32>
    %add3A_320 = arith.addf %mul3A_318, %add3A_319 : vector<2048x64xf32>
    %swap3A_321 = arith.constant 3 : index
    %swap3A_322 = arith.constant 0 : index
    %swap3A_323 = arith.constant 0 : index
    %swap3A_324 = vector.load %arg12[%swap3A_321, %swap3A_322, %swap3A_323] : memref<4x2048x64xf32, #tpu.memory_space<vmem>>, vector<1x2048x64xf32>
    %swap3A_325 = vector.shape_cast %swap3A_324 : vector<1x2048x64xf32> to vector<2048x64xf32>
    %swap3A_326 = vector.shape_cast %add3A_320 : vector<2048x64xf32> to vector<1x2048x64xf32>
    tpu.vector_store %arg12[%swap3A_321, %swap3A_322, %swap3A_323], %swap3A_326 {strides = array<i32>} : memref<4x2048x64xf32, #tpu.memory_space<vmem>>, vector<1x2048x64xf32>,
    return
  }
  func.func @transform_0(%arg0: i32) -> (i32, i32, i32) {
    %c0_i32 = arith.constant 0 : i32
    %c0_i32_0 = arith.constant 0 : i32
    %c0_i32_1 = arith.constant 0 : i32
    return %arg0, %c0_i32, %c0_i32_0 : i32, i32, i32
  }
  func.func @transform_1(%arg0: i32) -> (i32, i32, i32) {
    %c0_i32 = arith.constant 0 : i32
    %c0_i32_0 = arith.constant 0 : i32
    %c0_i32_1 = arith.constant 0 : i32
    return %c0_i32, %arg0, %c0_i32_0 : i32, i32, i32
  }
  func.func @transform_2(%arg0: i32) -> (i32, i32) {
    %c0_i32 = arith.constant 0 : i32
    %c0_i32_0 = arith.constant 0 : i32
    %c0_i32_1 = arith.constant 0 : i32
    return %c0_i32, %c0_i32_0 : i32, i32
  }
  func.func @transform_3(%arg0: i32) -> (i32, i32) {
    %c0_i32 = arith.constant 0 : i32
    %c0_i32_0 = arith.constant 0 : i32
    %c0_i32_1 = arith.constant 0 : i32
    return %c0_i32, %c0_i32_0 : i32, i32
  }
  func.func @transform_4(%arg0: i32) -> (i32, i32) {
    %c0_i32 = arith.constant 0 : i32
    %c0_i32_0 = arith.constant 0 : i32
    %c0_i32_1 = arith.constant 0 : i32
    return %c0_i32, %c0_i32_0 : i32, i32
  }
  func.func @transform_5(%arg0: i32) -> (i32, i32) {
    %c0_i32 = arith.constant 0 : i32
    %c0_i32_0 = arith.constant 0 : i32
    %c0_i32_1 = arith.constant 0 : i32
    return %c0_i32, %c0_i32_0 : i32, i32
  }
  func.func @transform_6(%arg0: i32) -> (i32, i32) {
    %c0_i32 = arith.constant 0 : i32
    %c0_i32_0 = arith.constant 0 : i32
    %c0_i32_1 = arith.constant 0 : i32
    return %c0_i32, %c0_i32_0 : i32, i32
  }
  func.func @transform_7(%arg0: i32) -> (i32, i32) {
    %c0_i32 = arith.constant 0 : i32
    %c0_i32_0 = arith.constant 0 : i32
    %c0_i32_1 = arith.constant 0 : i32
    return %c0_i32, %c0_i32_0 : i32, i32
  }
  func.func @transform_8(%arg0: i32) -> (i32, i32) {
    %c0_i32 = arith.constant 0 : i32
    %c0_i32_0 = arith.constant 0 : i32
    %c0_i32_1 = arith.constant 0 : i32
    return %c0_i32, %c0_i32_0 : i32, i32
  }
  func.func @transform_9(%arg0: i32) -> (i32, i32) {
    %c0_i32 = arith.constant 0 : i32
    %c0_i32_0 = arith.constant 0 : i32
    %c0_i32_1 = arith.constant 0 : i32
    return %c0_i32, %c0_i32_0 : i32, i32
  }
  func.func @transform_10(%arg0: i32) -> (i32, i32) {
    %c0_i32 = arith.constant 0 : i32
    %c0_i32_0 = arith.constant 0 : i32
    %c0_i32_1 = arith.constant 0 : i32
    return %c0_i32, %c0_i32_0 : i32, i32
  }
  func.func @transform_11(%arg0: i32) -> (i32, i32, i32) {
    %c0_i32 = arith.constant 0 : i32
    %c0_i32_0 = arith.constant 0 : i32
    %c0_i32_1 = arith.constant 0 : i32
    return %c0_i32, %arg0, %c0_i32_0 : i32, i32, i32
  }
}

module attributes {stable_mosaic.version = 14 : i64} {
  func.func @_mlp_body(%arg0: i32, %arg1: memref<1x192x2048xf32, #tpu.memory_space<vmem>>, %arg2: memref<4x2048x13xf32, #tpu.memory_space<vmem>>, %arg3: memref<192x64xf32, #tpu.memory_space<vmem>>, %arg4: memref<13x64xf32, #tpu.memory_space<vmem>>, %arg5: memref<1x64xf32, #tpu.memory_space<vmem>>, %arg6: memref<1x64xf32, #tpu.memory_space<vmem>>, %arg7: memref<1x64xf32, #tpu.memory_space<vmem>>, %arg8: memref<64x64xf32, #tpu.memory_space<vmem>>, %arg9: memref<1x64xf32, #tpu.memory_space<vmem>>, %arg10: memref<1x64xf32, #tpu.memory_space<vmem>>, %arg11: memref<1x64xf32, #tpu.memory_space<vmem>>, %arg12: memref<4x2048x64xf32, #tpu.memory_space<vmem>>) attributes {dimension_semantics = [#tpu.dimension_semantics<arbitrary>], iteration_bounds = array<i64: 11>, scalar_prefetch = 0 : i64, scratch_operands = 0 : i64, tpu.core_type = #tpu.core_type<tc>, window_params = [{transform_indices = @transform_0, window_bounds = array<i64: 1, 192, 2048>}, {transform_indices = @transform_1, window_bounds = array<i64: 4, 2048, 13>}, {pipeline_mode = #tpu.pipeline_mode<synchronous>, transform_indices = @transform_2, window_bounds = array<i64: 192, 64>}, {pipeline_mode = #tpu.pipeline_mode<synchronous>, transform_indices = @transform_3, window_bounds = array<i64: 13, 64>}, {pipeline_mode = #tpu.pipeline_mode<synchronous>, transform_indices = @transform_4, window_bounds = array<i64: 1, 64>}, {pipeline_mode = #tpu.pipeline_mode<synchronous>, transform_indices = @transform_5, window_bounds = array<i64: 1, 64>}, {pipeline_mode = #tpu.pipeline_mode<synchronous>, transform_indices = @transform_6, window_bounds = array<i64: 1, 64>}, {pipeline_mode = #tpu.pipeline_mode<synchronous>, transform_indices = @transform_7, window_bounds = array<i64: 64, 64>}, {pipeline_mode = #tpu.pipeline_mode<synchronous>, transform_indices = @transform_8, window_bounds = array<i64: 1, 64>}, {pipeline_mode = #tpu.pipeline_mode<synchronous>, transform_indices = @transform_9, window_bounds = array<i64: 1, 64>}, {pipeline_mode = #tpu.pipeline_mode<synchronous>, transform_indices = @transform_10, window_bounds = array<i64: 1, 64>}, {transform_indices = @transform_11, window_bounds = array<i64: 4, 2048, 64>}]} {
    %broadcast_in_dim3A = arith.constant 1.562500e-02 : f32
    %broadcast_in_dim3A_0 = vector.broadcast %broadcast_in_dim3A : f32 to vector<64x64xf32>
    %get3A = arith.constant 0 : index
    %get3A_1 = arith.constant 0 : index
    %get3A_2 = arith.constant 0 : index
    %get3A_3 = vector.load %arg1[%get3A, %get3A_1, %get3A_2] : memref<1x192x2048xf32, #tpu.memory_space<vmem>>, vector<1x192x2048xf32>
    %get3A_4 = vector.shape_cast %get3A_3 : vector<1x192x2048xf32> to vector<192x2048xf32>
    %get3A_5 = arith.constant 0 : index
    %get3A_6 = arith.constant 0 : index
    %get3A_7 = vector.load %arg3[%get3A_5, %get3A_6] : memref<192x64xf32, #tpu.memory_space<vmem>>, vector<192x64xf32>
    %dot_general3A = arith.constant dense<0.000000e+00> : vector<2048x64xf32>
    %dot_general3A_8 = tpu.matmul %get3A_4, %get3A_7, %dot_general3A {dimension_numbers = #tpu.dot_dimension_numbers<[0], [0], [1], [1], [0, 1, 1, 1], [], []>, transpose_lhs_hint = false} : vector<192x2048xf32>, vector<192x64xf32>, vector<2048x64xf32> -> vector<2048x64xf32>
    %get3A_9 = arith.constant 0 : index
    %get3A_10 = arith.constant 0 : index
    %get3A_11 = arith.constant 0 : index
    %get3A_12 = vector.load %arg2[%get3A_9, %get3A_10, %get3A_11] : memref<4x2048x13xf32, #tpu.memory_space<vmem>>, vector<1x2048x13xf32>
    %get3A_13 = vector.shape_cast %get3A_12 : vector<1x2048x13xf32> to vector<2048x13xf32>
    %get3A_14 = arith.constant 0 : index
    %get3A_15 = arith.constant 0 : index
    %get3A_16 = vector.load %arg4[%get3A_14, %get3A_15] : memref<13x64xf32, #tpu.memory_space<vmem>>, vector<13x64xf32>
    %dot_general3A_17 = arith.constant dense<0.000000e+00> : vector<2048x64xf32>
    %dot_general3A_18 = tpu.matmul %get3A_13, %get3A_16, %dot_general3A_17 {dimension_numbers = #tpu.dot_dimension_numbers<[1], [0], [0], [1], [0, 0, 1, 1], [], []>, transpose_lhs_hint = false} : vector<2048x13xf32>, vector<13x64xf32>, vector<2048x64xf32> -> vector<2048x64xf32>
    %add3A = arith.addf %dot_general3A_8, %dot_general3A_18 : vector<2048x64xf32>
    %get3A_19 = arith.constant 0 : index
    %get3A_20 = arith.constant 0 : index
    %get3A_21 = vector.load %arg5[%get3A_19, %get3A_20] : memref<1x64xf32, #tpu.memory_space<vmem>>, vector<1x64xf32>
    %add3A_22 = vector.broadcast %get3A_21 : vector<1x64xf32> to vector<2048x64xf32>
    %add3A_23 = arith.addf %add3A, %add3A_22 : vector<2048x64xf32>
    %get3A_24 = arith.constant 0 : index
    %get3A_25 = arith.constant 0 : index
    %get3A_26 = vector.load %arg6[%get3A_24, %get3A_25] : memref<1x64xf32, #tpu.memory_space<vmem>>, vector<1x64xf32>
    %get3A_27 = arith.constant 0 : index
    %get3A_28 = arith.constant 0 : index
    %get3A_29 = vector.load %arg7[%get3A_27, %get3A_28] : memref<1x64xf32, #tpu.memory_space<vmem>>, vector<1x64xf32>
    %dot_general3A_30 = arith.constant dense<0.000000e+00> : vector<2048x64xf32>
    %dot_general3A_31 = tpu.matmul %add3A_23, %broadcast_in_dim3A_0, %dot_general3A_30 {dimension_numbers = #tpu.dot_dimension_numbers<[1], [0], [0], [1], [0, 0, 1, 1], [], []>, transpose_lhs_hint = false} : vector<2048x64xf32>, vector<64x64xf32>, vector<2048x64xf32> -> vector<2048x64xf32>
    %mul3A = arith.mulf %add3A_23, %add3A_23 : vector<2048x64xf32>
    %dot_general3A_32 = arith.constant dense<0.000000e+00> : vector<2048x64xf32>
    %dot_general3A_33 = tpu.matmul %mul3A, %broadcast_in_dim3A_0, %dot_general3A_32 {dimension_numbers = #tpu.dot_dimension_numbers<[1], [0], [0], [1], [0, 0, 1, 1], [], []>, transpose_lhs_hint = false} : vector<2048x64xf32>, vector<64x64xf32>, vector<2048x64xf32> -> vector<2048x64xf32>
    %mul3A_34 = arith.mulf %dot_general3A_31, %dot_general3A_31 : vector<2048x64xf32>
    %sub3A = arith.subf %dot_general3A_33, %mul3A_34 : vector<2048x64xf32>
    %sub3A_35 = arith.subf %add3A_23, %dot_general3A_31 : vector<2048x64xf32>
    %add3A_36 = arith.constant 9.99999974E-6 : f32
    %add3A_37 = vector.broadcast %add3A_36 : f32 to vector<2048x64xf32>
    %add3A_38 = arith.addf %sub3A, %add3A_37 : vector<2048x64xf32>
    %rsqrt3A = math.rsqrt %add3A_38 : vector<2048x64xf32>
    %mul3A_39 = vector.broadcast %get3A_26 : vector<1x64xf32> to vector<2048x64xf32>
    %mul3A_40 = arith.mulf %rsqrt3A, %mul3A_39 : vector<2048x64xf32>
    %mul3A_41 = arith.mulf %sub3A_35, %mul3A_40 : vector<2048x64xf32>
    %add3A_42 = vector.broadcast %get3A_29 : vector<1x64xf32> to vector<2048x64xf32>
    %add3A_43 = arith.addf %mul3A_41, %add3A_42 : vector<2048x64xf32>
    %max3A = arith.constant 0.000000e+00 : f32
    %max3A_44 = vector.broadcast %max3A : f32 to vector<2048x64xf32>
    %max3A_45 = arith.maximumf %add3A_43, %max3A_44 : vector<2048x64xf32>
    %get3A_46 = arith.constant 0 : index
    %get3A_47 = arith.constant 0 : index
    %get3A_48 = vector.load %arg8[%get3A_46, %get3A_47] : memref<64x64xf32, #tpu.memory_space<vmem>>, vector<64x64xf32>
    %dot_general3A_49 = arith.constant dense<0.000000e+00> : vector<2048x64xf32>
    %dot_general3A_50 = tpu.matmul %max3A_45, %get3A_48, %dot_general3A_49 {dimension_numbers = #tpu.dot_dimension_numbers<[1], [0], [0], [1], [0, 0, 1, 1], [], []>, transpose_lhs_hint = false} : vector<2048x64xf32>, vector<64x64xf32>, vector<2048x64xf32> -> vector<2048x64xf32>
    %get3A_51 = arith.constant 0 : index
    %get3A_52 = arith.constant 0 : index
    %get3A_53 = vector.load %arg9[%get3A_51, %get3A_52] : memref<1x64xf32, #tpu.memory_space<vmem>>, vector<1x64xf32>
    %add3A_54 = vector.broadcast %get3A_53 : vector<1x64xf32> to vector<2048x64xf32>
    %add3A_55 = arith.addf %dot_general3A_50, %add3A_54 : vector<2048x64xf32>
    %get3A_56 = arith.constant 0 : index
    %get3A_57 = arith.constant 0 : index
    %get3A_58 = vector.load %arg10[%get3A_56, %get3A_57] : memref<1x64xf32, #tpu.memory_space<vmem>>, vector<1x64xf32>
    %get3A_59 = arith.constant 0 : index
    %get3A_60 = arith.constant 0 : index
    %get3A_61 = vector.load %arg11[%get3A_59, %get3A_60] : memref<1x64xf32, #tpu.memory_space<vmem>>, vector<1x64xf32>
    %dot_general3A_62 = arith.constant dense<0.000000e+00> : vector<2048x64xf32>
    %dot_general3A_63 = tpu.matmul %add3A_55, %broadcast_in_dim3A_0, %dot_general3A_62 {dimension_numbers = #tpu.dot_dimension_numbers<[1], [0], [0], [1], [0, 0, 1, 1], [], []>, transpose_lhs_hint = false} : vector<2048x64xf32>, vector<64x64xf32>, vector<2048x64xf32> -> vector<2048x64xf32>
    %mul3A_64 = arith.mulf %add3A_55, %add3A_55 : vector<2048x64xf32>
    %dot_general3A_65 = arith.constant dense<0.000000e+00> : vector<2048x64xf32>
    %dot_general3A_66 = tpu.matmul %mul3A_64, %broadcast_in_dim3A_0, %dot_general3A_65 {dimension_numbers = #tpu.dot_dimension_numbers<[1], [0], [0], [1], [0, 0, 1, 1], [], []>, transpose_lhs_hint = false} : vector<2048x64xf32>, vector<64x64xf32>, vector<2048x64xf32> -> vector<2048x64xf32>
    %mul3A_67 = arith.mulf %dot_general3A_63, %dot_general3A_63 : vector<2048x64xf32>
    %sub3A_68 = arith.subf %dot_general3A_66, %mul3A_67 : vector<2048x64xf32>
    %sub3A_69 = arith.subf %add3A_55, %dot_general3A_63 : vector<2048x64xf32>
    %add3A_70 = arith.constant 9.99999974E-6 : f32
    %add3A_71 = vector.broadcast %add3A_70 : f32 to vector<2048x64xf32>
    %add3A_72 = arith.addf %sub3A_68, %add3A_71 : vector<2048x64xf32>
    %rsqrt3A_73 = math.rsqrt %add3A_72 : vector<2048x64xf32>
    %mul3A_74 = vector.broadcast %get3A_58 : vector<1x64xf32> to vector<2048x64xf32>
    %mul3A_75 = arith.mulf %rsqrt3A_73, %mul3A_74 : vector<2048x64xf32>
    %mul3A_76 = arith.mulf %sub3A_69, %mul3A_75 : vector<2048x64xf32>
    %add3A_77 = vector.broadcast %get3A_61 : vector<1x64xf32> to vector<2048x64xf32>
    %add3A_78 = arith.addf %mul3A_76, %add3A_77 : vector<2048x64xf32>
    %swap3A = arith.constant 0 : index
    %swap3A_79 = arith.constant 0 : index
    %swap3A_80 = arith.constant 0 : index
    %swap3A_81 = vector.load %arg12[%swap3A, %swap3A_79, %swap3A_80] : memref<4x2048x64xf32, #tpu.memory_space<vmem>>, vector<1x2048x64xf32>
    %swap3A_82 = vector.shape_cast %swap3A_81 : vector<1x2048x64xf32> to vector<2048x64xf32>
    %swap3A_83 = vector.shape_cast %add3A_78 : vector<2048x64xf32> to vector<1x2048x64xf32>
    tpu.vector_store %arg12[%swap3A, %swap3A_79, %swap3A_80], %swap3A_83 {strides = array<i32>} : memref<4x2048x64xf32, #tpu.memory_space<vmem>>, vector<1x2048x64xf32>,
    %get3A_84 = arith.constant 1 : index
    %get3A_85 = arith.constant 0 : index
    %get3A_86 = arith.constant 0 : index
    %get3A_87 = vector.load %arg2[%get3A_84, %get3A_85, %get3A_86] : memref<4x2048x13xf32, #tpu.memory_space<vmem>>, vector<1x2048x13xf32>
    %get3A_88 = vector.shape_cast %get3A_87 : vector<1x2048x13xf32> to vector<2048x13xf32>
    %get3A_89 = arith.constant 0 : index
    %get3A_90 = arith.constant 0 : index
    %get3A_91 = vector.load %arg4[%get3A_89, %get3A_90] : memref<13x64xf32, #tpu.memory_space<vmem>>, vector<13x64xf32>
    %dot_general3A_92 = arith.constant dense<0.000000e+00> : vector<2048x64xf32>
    %dot_general3A_93 = tpu.matmul %get3A_88, %get3A_91, %dot_general3A_92 {dimension_numbers = #tpu.dot_dimension_numbers<[1], [0], [0], [1], [0, 0, 1, 1], [], []>, transpose_lhs_hint = false} : vector<2048x13xf32>, vector<13x64xf32>, vector<2048x64xf32> -> vector<2048x64xf32>
    %add3A_94 = arith.addf %dot_general3A_8, %dot_general3A_93 : vector<2048x64xf32>
    %get3A_95 = arith.constant 0 : index
    %get3A_96 = arith.constant 0 : index
    %get3A_97 = vector.load %arg5[%get3A_95, %get3A_96] : memref<1x64xf32, #tpu.memory_space<vmem>>, vector<1x64xf32>
    %add3A_98 = vector.broadcast %get3A_97 : vector<1x64xf32> to vector<2048x64xf32>
    %add3A_99 = arith.addf %add3A_94, %add3A_98 : vector<2048x64xf32>
    %get3A_100 = arith.constant 0 : index
    %get3A_101 = arith.constant 0 : index
    %get3A_102 = vector.load %arg6[%get3A_100, %get3A_101] : memref<1x64xf32, #tpu.memory_space<vmem>>, vector<1x64xf32>
    %get3A_103 = arith.constant 0 : index
    %get3A_104 = arith.constant 0 : index
    %get3A_105 = vector.load %arg7[%get3A_103, %get3A_104] : memref<1x64xf32, #tpu.memory_space<vmem>>, vector<1x64xf32>
    %dot_general3A_106 = arith.constant dense<0.000000e+00> : vector<2048x64xf32>
    %dot_general3A_107 = tpu.matmul %add3A_99, %broadcast_in_dim3A_0, %dot_general3A_106 {dimension_numbers = #tpu.dot_dimension_numbers<[1], [0], [0], [1], [0, 0, 1, 1], [], []>, transpose_lhs_hint = false} : vector<2048x64xf32>, vector<64x64xf32>, vector<2048x64xf32> -> vector<2048x64xf32>
    %mul3A_108 = arith.mulf %add3A_99, %add3A_99 : vector<2048x64xf32>
    %dot_general3A_109 = arith.constant dense<0.000000e+00> : vector<2048x64xf32>
    %dot_general3A_110 = tpu.matmul %mul3A_108, %broadcast_in_dim3A_0, %dot_general3A_109 {dimension_numbers = #tpu.dot_dimension_numbers<[1], [0], [0], [1], [0, 0, 1, 1], [], []>, transpose_lhs_hint = false} : vector<2048x64xf32>, vector<64x64xf32>, vector<2048x64xf32> -> vector<2048x64xf32>
    %mul3A_111 = arith.mulf %dot_general3A_107, %dot_general3A_107 : vector<2048x64xf32>
    %sub3A_112 = arith.subf %dot_general3A_110, %mul3A_111 : vector<2048x64xf32>
    %sub3A_113 = arith.subf %add3A_99, %dot_general3A_107 : vector<2048x64xf32>
    %add3A_114 = arith.constant 9.99999974E-6 : f32
    %add3A_115 = vector.broadcast %add3A_114 : f32 to vector<2048x64xf32>
    %add3A_116 = arith.addf %sub3A_112, %add3A_115 : vector<2048x64xf32>
    %rsqrt3A_117 = math.rsqrt %add3A_116 : vector<2048x64xf32>
    %mul3A_118 = vector.broadcast %get3A_102 : vector<1x64xf32> to vector<2048x64xf32>
    %mul3A_119 = arith.mulf %rsqrt3A_117, %mul3A_118 : vector<2048x64xf32>
    %mul3A_120 = arith.mulf %sub3A_113, %mul3A_119 : vector<2048x64xf32>
    %add3A_121 = vector.broadcast %get3A_105 : vector<1x64xf32> to vector<2048x64xf32>
    %add3A_122 = arith.addf %mul3A_120, %add3A_121 : vector<2048x64xf32>
    %max3A_123 = arith.constant 0.000000e+00 : f32
    %max3A_124 = vector.broadcast %max3A_123 : f32 to vector<2048x64xf32>
    %max3A_125 = arith.maximumf %add3A_122, %max3A_124 : vector<2048x64xf32>
    %get3A_126 = arith.constant 0 : index
    %get3A_127 = arith.constant 0 : index
    %get3A_128 = vector.load %arg8[%get3A_126, %get3A_127] : memref<64x64xf32, #tpu.memory_space<vmem>>, vector<64x64xf32>
    %dot_general3A_129 = arith.constant dense<0.000000e+00> : vector<2048x64xf32>
    %dot_general3A_130 = tpu.matmul %max3A_125, %get3A_128, %dot_general3A_129 {dimension_numbers = #tpu.dot_dimension_numbers<[1], [0], [0], [1], [0, 0, 1, 1], [], []>, transpose_lhs_hint = false} : vector<2048x64xf32>, vector<64x64xf32>, vector<2048x64xf32> -> vector<2048x64xf32>
    %get3A_131 = arith.constant 0 : index
    %get3A_132 = arith.constant 0 : index
    %get3A_133 = vector.load %arg9[%get3A_131, %get3A_132] : memref<1x64xf32, #tpu.memory_space<vmem>>, vector<1x64xf32>
    %add3A_134 = vector.broadcast %get3A_133 : vector<1x64xf32> to vector<2048x64xf32>
    %add3A_135 = arith.addf %dot_general3A_130, %add3A_134 : vector<2048x64xf32>
    %get3A_136 = arith.constant 0 : index
    %get3A_137 = arith.constant 0 : index
    %get3A_138 = vector.load %arg10[%get3A_136, %get3A_137] : memref<1x64xf32, #tpu.memory_space<vmem>>, vector<1x64xf32>
    %get3A_139 = arith.constant 0 : index
    %get3A_140 = arith.constant 0 : index
    %get3A_141 = vector.load %arg11[%get3A_139, %get3A_140] : memref<1x64xf32, #tpu.memory_space<vmem>>, vector<1x64xf32>
    %dot_general3A_142 = arith.constant dense<0.000000e+00> : vector<2048x64xf32>
    %dot_general3A_143 = tpu.matmul %add3A_135, %broadcast_in_dim3A_0, %dot_general3A_142 {dimension_numbers = #tpu.dot_dimension_numbers<[1], [0], [0], [1], [0, 0, 1, 1], [], []>, transpose_lhs_hint = false} : vector<2048x64xf32>, vector<64x64xf32>, vector<2048x64xf32> -> vector<2048x64xf32>
    %mul3A_144 = arith.mulf %add3A_135, %add3A_135 : vector<2048x64xf32>
    %dot_general3A_145 = arith.constant dense<0.000000e+00> : vector<2048x64xf32>
    %dot_general3A_146 = tpu.matmul %mul3A_144, %broadcast_in_dim3A_0, %dot_general3A_145 {dimension_numbers = #tpu.dot_dimension_numbers<[1], [0], [0], [1], [0, 0, 1, 1], [], []>, transpose_lhs_hint = false} : vector<2048x64xf32>, vector<64x64xf32>, vector<2048x64xf32> -> vector<2048x64xf32>
    %mul3A_147 = arith.mulf %dot_general3A_143, %dot_general3A_143 : vector<2048x64xf32>
    %sub3A_148 = arith.subf %dot_general3A_146, %mul3A_147 : vector<2048x64xf32>
    %sub3A_149 = arith.subf %add3A_135, %dot_general3A_143 : vector<2048x64xf32>
    %add3A_150 = arith.constant 9.99999974E-6 : f32
    %add3A_151 = vector.broadcast %add3A_150 : f32 to vector<2048x64xf32>
    %add3A_152 = arith.addf %sub3A_148, %add3A_151 : vector<2048x64xf32>
    %rsqrt3A_153 = math.rsqrt %add3A_152 : vector<2048x64xf32>
    %mul3A_154 = vector.broadcast %get3A_138 : vector<1x64xf32> to vector<2048x64xf32>
    %mul3A_155 = arith.mulf %rsqrt3A_153, %mul3A_154 : vector<2048x64xf32>
    %mul3A_156 = arith.mulf %sub3A_149, %mul3A_155 : vector<2048x64xf32>
    %add3A_157 = vector.broadcast %get3A_141 : vector<1x64xf32> to vector<2048x64xf32>
    %add3A_158 = arith.addf %mul3A_156, %add3A_157 : vector<2048x64xf32>
    %swap3A_159 = arith.constant 1 : index
    %swap3A_160 = arith.constant 0 : index
    %swap3A_161 = arith.constant 0 : index
    %swap3A_162 = vector.load %arg12[%swap3A_159, %swap3A_160, %swap3A_161] : memref<4x2048x64xf32, #tpu.memory_space<vmem>>, vector<1x2048x64xf32>
    %swap3A_163 = vector.shape_cast %swap3A_162 : vector<1x2048x64xf32> to vector<2048x64xf32>
    %swap3A_164 = vector.shape_cast %add3A_158 : vector<2048x64xf32> to vector<1x2048x64xf32>
    tpu.vector_store %arg12[%swap3A_159, %swap3A_160, %swap3A_161], %swap3A_164 {strides = array<i32>} : memref<4x2048x64xf32, #tpu.memory_space<vmem>>, vector<1x2048x64xf32>,
    %get3A_165 = arith.constant 2 : index
    %get3A_166 = arith.constant 0 : index
    %get3A_167 = arith.constant 0 : index
    %get3A_168 = vector.load %arg2[%get3A_165, %get3A_166, %get3A_167] : memref<4x2048x13xf32, #tpu.memory_space<vmem>>, vector<1x2048x13xf32>
    %get3A_169 = vector.shape_cast %get3A_168 : vector<1x2048x13xf32> to vector<2048x13xf32>
    %get3A_170 = arith.constant 0 : index
    %get3A_171 = arith.constant 0 : index
    %get3A_172 = vector.load %arg4[%get3A_170, %get3A_171] : memref<13x64xf32, #tpu.memory_space<vmem>>, vector<13x64xf32>
    %dot_general3A_173 = arith.constant dense<0.000000e+00> : vector<2048x64xf32>
    %dot_general3A_174 = tpu.matmul %get3A_169, %get3A_172, %dot_general3A_173 {dimension_numbers = #tpu.dot_dimension_numbers<[1], [0], [0], [1], [0, 0, 1, 1], [], []>, transpose_lhs_hint = false} : vector<2048x13xf32>, vector<13x64xf32>, vector<2048x64xf32> -> vector<2048x64xf32>
    %add3A_175 = arith.addf %dot_general3A_8, %dot_general3A_174 : vector<2048x64xf32>
    %get3A_176 = arith.constant 0 : index
    %get3A_177 = arith.constant 0 : index
    %get3A_178 = vector.load %arg5[%get3A_176, %get3A_177] : memref<1x64xf32, #tpu.memory_space<vmem>>, vector<1x64xf32>
    %add3A_179 = vector.broadcast %get3A_178 : vector<1x64xf32> to vector<2048x64xf32>
    %add3A_180 = arith.addf %add3A_175, %add3A_179 : vector<2048x64xf32>
    %get3A_181 = arith.constant 0 : index
    %get3A_182 = arith.constant 0 : index
    %get3A_183 = vector.load %arg6[%get3A_181, %get3A_182] : memref<1x64xf32, #tpu.memory_space<vmem>>, vector<1x64xf32>
    %get3A_184 = arith.constant 0 : index
    %get3A_185 = arith.constant 0 : index
    %get3A_186 = vector.load %arg7[%get3A_184, %get3A_185] : memref<1x64xf32, #tpu.memory_space<vmem>>, vector<1x64xf32>
    %dot_general3A_187 = arith.constant dense<0.000000e+00> : vector<2048x64xf32>
    %dot_general3A_188 = tpu.matmul %add3A_180, %broadcast_in_dim3A_0, %dot_general3A_187 {dimension_numbers = #tpu.dot_dimension_numbers<[1], [0], [0], [1], [0, 0, 1, 1], [], []>, transpose_lhs_hint = false} : vector<2048x64xf32>, vector<64x64xf32>, vector<2048x64xf32> -> vector<2048x64xf32>
    %mul3A_189 = arith.mulf %add3A_180, %add3A_180 : vector<2048x64xf32>
    %dot_general3A_190 = arith.constant dense<0.000000e+00> : vector<2048x64xf32>
    %dot_general3A_191 = tpu.matmul %mul3A_189, %broadcast_in_dim3A_0, %dot_general3A_190 {dimension_numbers = #tpu.dot_dimension_numbers<[1], [0], [0], [1], [0, 0, 1, 1], [], []>, transpose_lhs_hint = false} : vector<2048x64xf32>, vector<64x64xf32>, vector<2048x64xf32> -> vector<2048x64xf32>
    %mul3A_192 = arith.mulf %dot_general3A_188, %dot_general3A_188 : vector<2048x64xf32>
    %sub3A_193 = arith.subf %dot_general3A_191, %mul3A_192 : vector<2048x64xf32>
    %sub3A_194 = arith.subf %add3A_180, %dot_general3A_188 : vector<2048x64xf32>
    %add3A_195 = arith.constant 9.99999974E-6 : f32
    %add3A_196 = vector.broadcast %add3A_195 : f32 to vector<2048x64xf32>
    %add3A_197 = arith.addf %sub3A_193, %add3A_196 : vector<2048x64xf32>
    %rsqrt3A_198 = math.rsqrt %add3A_197 : vector<2048x64xf32>
    %mul3A_199 = vector.broadcast %get3A_183 : vector<1x64xf32> to vector<2048x64xf32>
    %mul3A_200 = arith.mulf %rsqrt3A_198, %mul3A_199 : vector<2048x64xf32>
    %mul3A_201 = arith.mulf %sub3A_194, %mul3A_200 : vector<2048x64xf32>
    %add3A_202 = vector.broadcast %get3A_186 : vector<1x64xf32> to vector<2048x64xf32>
    %add3A_203 = arith.addf %mul3A_201, %add3A_202 : vector<2048x64xf32>
    %max3A_204 = arith.constant 0.000000e+00 : f32
    %max3A_205 = vector.broadcast %max3A_204 : f32 to vector<2048x64xf32>
    %max3A_206 = arith.maximumf %add3A_203, %max3A_205 : vector<2048x64xf32>
    %get3A_207 = arith.constant 0 : index
    %get3A_208 = arith.constant 0 : index
    %get3A_209 = vector.load %arg8[%get3A_207, %get3A_208] : memref<64x64xf32, #tpu.memory_space<vmem>>, vector<64x64xf32>
    %dot_general3A_210 = arith.constant dense<0.000000e+00> : vector<2048x64xf32>
    %dot_general3A_211 = tpu.matmul %max3A_206, %get3A_209, %dot_general3A_210 {dimension_numbers = #tpu.dot_dimension_numbers<[1], [0], [0], [1], [0, 0, 1, 1], [], []>, transpose_lhs_hint = false} : vector<2048x64xf32>, vector<64x64xf32>, vector<2048x64xf32> -> vector<2048x64xf32>
    %get3A_212 = arith.constant 0 : index
    %get3A_213 = arith.constant 0 : index
    %get3A_214 = vector.load %arg9[%get3A_212, %get3A_213] : memref<1x64xf32, #tpu.memory_space<vmem>>, vector<1x64xf32>
    %add3A_215 = vector.broadcast %get3A_214 : vector<1x64xf32> to vector<2048x64xf32>
    %add3A_216 = arith.addf %dot_general3A_211, %add3A_215 : vector<2048x64xf32>
    %get3A_217 = arith.constant 0 : index
    %get3A_218 = arith.constant 0 : index
    %get3A_219 = vector.load %arg10[%get3A_217, %get3A_218] : memref<1x64xf32, #tpu.memory_space<vmem>>, vector<1x64xf32>
    %get3A_220 = arith.constant 0 : index
    %get3A_221 = arith.constant 0 : index
    %get3A_222 = vector.load %arg11[%get3A_220, %get3A_221] : memref<1x64xf32, #tpu.memory_space<vmem>>, vector<1x64xf32>
    %dot_general3A_223 = arith.constant dense<0.000000e+00> : vector<2048x64xf32>
    %dot_general3A_224 = tpu.matmul %add3A_216, %broadcast_in_dim3A_0, %dot_general3A_223 {dimension_numbers = #tpu.dot_dimension_numbers<[1], [0], [0], [1], [0, 0, 1, 1], [], []>, transpose_lhs_hint = false} : vector<2048x64xf32>, vector<64x64xf32>, vector<2048x64xf32> -> vector<2048x64xf32>
    %mul3A_225 = arith.mulf %add3A_216, %add3A_216 : vector<2048x64xf32>
    %dot_general3A_226 = arith.constant dense<0.000000e+00> : vector<2048x64xf32>
    %dot_general3A_227 = tpu.matmul %mul3A_225, %broadcast_in_dim3A_0, %dot_general3A_226 {dimension_numbers = #tpu.dot_dimension_numbers<[1], [0], [0], [1], [0, 0, 1, 1], [], []>, transpose_lhs_hint = false} : vector<2048x64xf32>, vector<64x64xf32>, vector<2048x64xf32> -> vector<2048x64xf32>
    %mul3A_228 = arith.mulf %dot_general3A_224, %dot_general3A_224 : vector<2048x64xf32>
    %sub3A_229 = arith.subf %dot_general3A_227, %mul3A_228 : vector<2048x64xf32>
    %sub3A_230 = arith.subf %add3A_216, %dot_general3A_224 : vector<2048x64xf32>
    %add3A_231 = arith.constant 9.99999974E-6 : f32
    %add3A_232 = vector.broadcast %add3A_231 : f32 to vector<2048x64xf32>
    %add3A_233 = arith.addf %sub3A_229, %add3A_232 : vector<2048x64xf32>
    %rsqrt3A_234 = math.rsqrt %add3A_233 : vector<2048x64xf32>
    %mul3A_235 = vector.broadcast %get3A_219 : vector<1x64xf32> to vector<2048x64xf32>
    %mul3A_236 = arith.mulf %rsqrt3A_234, %mul3A_235 : vector<2048x64xf32>
    %mul3A_237 = arith.mulf %sub3A_230, %mul3A_236 : vector<2048x64xf32>
    %add3A_238 = vector.broadcast %get3A_222 : vector<1x64xf32> to vector<2048x64xf32>
    %add3A_239 = arith.addf %mul3A_237, %add3A_238 : vector<2048x64xf32>
    %swap3A_240 = arith.constant 2 : index
    %swap3A_241 = arith.constant 0 : index
    %swap3A_242 = arith.constant 0 : index
    %swap3A_243 = vector.load %arg12[%swap3A_240, %swap3A_241, %swap3A_242] : memref<4x2048x64xf32, #tpu.memory_space<vmem>>, vector<1x2048x64xf32>
    %swap3A_244 = vector.shape_cast %swap3A_243 : vector<1x2048x64xf32> to vector<2048x64xf32>
    %swap3A_245 = vector.shape_cast %add3A_239 : vector<2048x64xf32> to vector<1x2048x64xf32>
    tpu.vector_store %arg12[%swap3A_240, %swap3A_241, %swap3A_242], %swap3A_245 {strides = array<i32>} : memref<4x2048x64xf32, #tpu.memory_space<vmem>>, vector<1x2048x64xf32>,
    %get3A_246 = arith.constant 3 : index
    %get3A_247 = arith.constant 0 : index
    %get3A_248 = arith.constant 0 : index
    %get3A_249 = vector.load %arg2[%get3A_246, %get3A_247, %get3A_248] : memref<4x2048x13xf32, #tpu.memory_space<vmem>>, vector<1x2048x13xf32>
    %get3A_250 = vector.shape_cast %get3A_249 : vector<1x2048x13xf32> to vector<2048x13xf32>
    %get3A_251 = arith.constant 0 : index
    %get3A_252 = arith.constant 0 : index
    %get3A_253 = vector.load %arg4[%get3A_251, %get3A_252] : memref<13x64xf32, #tpu.memory_space<vmem>>, vector<13x64xf32>
    %dot_general3A_254 = arith.constant dense<0.000000e+00> : vector<2048x64xf32>
    %dot_general3A_255 = tpu.matmul %get3A_250, %get3A_253, %dot_general3A_254 {dimension_numbers = #tpu.dot_dimension_numbers<[1], [0], [0], [1], [0, 0, 1, 1], [], []>, transpose_lhs_hint = false} : vector<2048x13xf32>, vector<13x64xf32>, vector<2048x64xf32> -> vector<2048x64xf32>
    %add3A_256 = arith.addf %dot_general3A_8, %dot_general3A_255 : vector<2048x64xf32>
    %get3A_257 = arith.constant 0 : index
    %get3A_258 = arith.constant 0 : index
    %get3A_259 = vector.load %arg5[%get3A_257, %get3A_258] : memref<1x64xf32, #tpu.memory_space<vmem>>, vector<1x64xf32>
    %add3A_260 = vector.broadcast %get3A_259 : vector<1x64xf32> to vector<2048x64xf32>
    %add3A_261 = arith.addf %add3A_256, %add3A_260 : vector<2048x64xf32>
    %get3A_262 = arith.constant 0 : index
    %get3A_263 = arith.constant 0 : index
    %get3A_264 = vector.load %arg6[%get3A_262, %get3A_263] : memref<1x64xf32, #tpu.memory_space<vmem>>, vector<1x64xf32>
    %get3A_265 = arith.constant 0 : index
    %get3A_266 = arith.constant 0 : index
    %get3A_267 = vector.load %arg7[%get3A_265, %get3A_266] : memref<1x64xf32, #tpu.memory_space<vmem>>, vector<1x64xf32>
    %dot_general3A_268 = arith.constant dense<0.000000e+00> : vector<2048x64xf32>
    %dot_general3A_269 = tpu.matmul %add3A_261, %broadcast_in_dim3A_0, %dot_general3A_268 {dimension_numbers = #tpu.dot_dimension_numbers<[1], [0], [0], [1], [0, 0, 1, 1], [], []>, transpose_lhs_hint = false} : vector<2048x64xf32>, vector<64x64xf32>, vector<2048x64xf32> -> vector<2048x64xf32>
    %mul3A_270 = arith.mulf %add3A_261, %add3A_261 : vector<2048x64xf32>
    %dot_general3A_271 = arith.constant dense<0.000000e+00> : vector<2048x64xf32>
    %dot_general3A_272 = tpu.matmul %mul3A_270, %broadcast_in_dim3A_0, %dot_general3A_271 {dimension_numbers = #tpu.dot_dimension_numbers<[1], [0], [0], [1], [0, 0, 1, 1], [], []>, transpose_lhs_hint = false} : vector<2048x64xf32>, vector<64x64xf32>, vector<2048x64xf32> -> vector<2048x64xf32>
    %mul3A_273 = arith.mulf %dot_general3A_269, %dot_general3A_269 : vector<2048x64xf32>
    %sub3A_274 = arith.subf %dot_general3A_272, %mul3A_273 : vector<2048x64xf32>
    %sub3A_275 = arith.subf %add3A_261, %dot_general3A_269 : vector<2048x64xf32>
    %add3A_276 = arith.constant 9.99999974E-6 : f32
    %add3A_277 = vector.broadcast %add3A_276 : f32 to vector<2048x64xf32>
    %add3A_278 = arith.addf %sub3A_274, %add3A_277 : vector<2048x64xf32>
    %rsqrt3A_279 = math.rsqrt %add3A_278 : vector<2048x64xf32>
    %mul3A_280 = vector.broadcast %get3A_264 : vector<1x64xf32> to vector<2048x64xf32>
    %mul3A_281 = arith.mulf %rsqrt3A_279, %mul3A_280 : vector<2048x64xf32>
    %mul3A_282 = arith.mulf %sub3A_275, %mul3A_281 : vector<2048x64xf32>
    %add3A_283 = vector.broadcast %get3A_267 : vector<1x64xf32> to vector<2048x64xf32>
    %add3A_284 = arith.addf %mul3A_282, %add3A_283 : vector<2048x64xf32>
    %max3A_285 = arith.constant 0.000000e+00 : f32
    %max3A_286 = vector.broadcast %max3A_285 : f32 to vector<2048x64xf32>
    %max3A_287 = arith.maximumf %add3A_284, %max3A_286 : vector<2048x64xf32>
    %get3A_288 = arith.constant 0 : index
    %get3A_289 = arith.constant 0 : index
    %get3A_290 = vector.load %arg8[%get3A_288, %get3A_289] : memref<64x64xf32, #tpu.memory_space<vmem>>, vector<64x64xf32>
    %dot_general3A_291 = arith.constant dense<0.000000e+00> : vector<2048x64xf32>
    %dot_general3A_292 = tpu.matmul %max3A_287, %get3A_290, %dot_general3A_291 {dimension_numbers = #tpu.dot_dimension_numbers<[1], [0], [0], [1], [0, 0, 1, 1], [], []>, transpose_lhs_hint = false} : vector<2048x64xf32>, vector<64x64xf32>, vector<2048x64xf32> -> vector<2048x64xf32>
    %get3A_293 = arith.constant 0 : index
    %get3A_294 = arith.constant 0 : index
    %get3A_295 = vector.load %arg9[%get3A_293, %get3A_294] : memref<1x64xf32, #tpu.memory_space<vmem>>, vector<1x64xf32>
    %add3A_296 = vector.broadcast %get3A_295 : vector<1x64xf32> to vector<2048x64xf32>
    %add3A_297 = arith.addf %dot_general3A_292, %add3A_296 : vector<2048x64xf32>
    %get3A_298 = arith.constant 0 : index
    %get3A_299 = arith.constant 0 : index
    %get3A_300 = vector.load %arg10[%get3A_298, %get3A_299] : memref<1x64xf32, #tpu.memory_space<vmem>>, vector<1x64xf32>
    %get3A_301 = arith.constant 0 : index
    %get3A_302 = arith.constant 0 : index
    %get3A_303 = vector.load %arg11[%get3A_301, %get3A_302] : memref<1x64xf32, #tpu.memory_space<vmem>>, vector<1x64xf32>
    %dot_general3A_304 = arith.constant dense<0.000000e+00> : vector<2048x64xf32>
    %dot_general3A_305 = tpu.matmul %add3A_297, %broadcast_in_dim3A_0, %dot_general3A_304 {dimension_numbers = #tpu.dot_dimension_numbers<[1], [0], [0], [1], [0, 0, 1, 1], [], []>, transpose_lhs_hint = false} : vector<2048x64xf32>, vector<64x64xf32>, vector<2048x64xf32> -> vector<2048x64xf32>
    %mul3A_306 = arith.mulf %add3A_297, %add3A_297 : vector<2048x64xf32>
    %dot_general3A_307 = arith.constant dense<0.000000e+00> : vector<2048x64xf32>
    %dot_general3A_308 = tpu.matmul %mul3A_306, %broadcast_in_dim3A_0, %dot_general3A_307 {dimension_numbers = #tpu.dot_dimension_numbers<[1], [0], [0], [1], [0, 0, 1, 1], [], []>, transpose_lhs_hint = false} : vector<2048x64xf32>, vector<64x64xf32>, vector<2048x64xf32> -> vector<2048x64xf32>
    %mul3A_309 = arith.mulf %dot_general3A_305, %dot_general3A_305 : vector<2048x64xf32>
    %sub3A_310 = arith.subf %dot_general3A_308, %mul3A_309 : vector<2048x64xf32>
    %sub3A_311 = arith.subf %add3A_297, %dot_general3A_305 : vector<2048x64xf32>
    %add3A_312 = arith.constant 9.99999974E-6 : f32
    %add3A_313 = vector.broadcast %add3A_312 : f32 to vector<2048x64xf32>
    %add3A_314 = arith.addf %sub3A_310, %add3A_313 : vector<2048x64xf32>
    %rsqrt3A_315 = math.rsqrt %add3A_314 : vector<2048x64xf32>
    %mul3A_316 = vector.broadcast %get3A_300 : vector<1x64xf32> to vector<2048x64xf32>
    %mul3A_317 = arith.mulf %rsqrt3A_315, %mul3A_316 : vector<2048x64xf32>
    %mul3A_318 = arith.mulf %sub3A_311, %mul3A_317 : vector<2048x64xf32>
    %add3A_319 = vector.broadcast %get3A_303 : vector<1x64xf32> to vector<2048x64xf32>
    %add3A_320 = arith.addf %mul3A_318, %add3A_319 : vector<2048x64xf32>
    %swap3A_321 = arith.constant 3 : index
    %swap3A_322 = arith.constant 0 : index
    %swap3A_323 = arith.constant 0 : index
    %swap3A_324 = vector.load %arg12[%swap3A_321, %swap3A_322, %swap3A_323] : memref<4x2048x64xf32, #tpu.memory_space<vmem>>, vector<1x2048x64xf32>
    %swap3A_325 = vector.shape_cast %swap3A_324 : vector<1x2048x64xf32> to vector<2048x64xf32>
    %swap3A_326 = vector.shape_cast %add3A_320 : vector<2048x64xf32> to vector<1x2048x64xf32>
    tpu.vector_store %arg12[%swap3A_321, %swap3A_322, %swap3A_323], %swap3A_326 {strides = array<i32>} : memref<4x2048x64xf32, #tpu.memory_space<vmem>>, vector<1x2048x64xf32>,
    return
  }
  func.func @transform_0(%arg0: i32) -> (i32, i32, i32) {
    %c0_i32 = arith.constant 0 : i32
    %c0_i32_0 = arith.constant 0 : i32
    %c0_i32_1 = arith.constant 0 : i32
    return %arg0, %c0_i32, %c0_i32_0 : i32, i32, i32
  }
  func.func @transform_1(%arg0: i32) -> (i32, i32, i32) {
    %c0_i32 = arith.constant 0 : i32
    %c0_i32_0 = arith.constant 0 : i32
    %c0_i32_1 = arith.constant 0 : i32
    return %c0_i32, %arg0, %c0_i32_0 : i32, i32, i32
  }
  func.func @transform_2(%arg0: i32) -> (i32, i32) {
    %c0_i32 = arith.constant 0 : i32
    %c0_i32_0 = arith.constant 0 : i32
    %c0_i32_1 = arith.constant 0 : i32
    return %c0_i32, %c0_i32_0 : i32, i32
  }
  func.func @transform_3(%arg0: i32) -> (i32, i32) {
    %c0_i32 = arith.constant 0 : i32
    %c0_i32_0 = arith.constant 0 : i32
    %c0_i32_1 = arith.constant 0 : i32
    return %c0_i32, %c0_i32_0 : i32, i32
  }
  func.func @transform_4(%arg0: i32) -> (i32, i32) {
    %c0_i32 = arith.constant 0 : i32
    %c0_i32_0 = arith.constant 0 : i32
    %c0_i32_1 = arith.constant 0 : i32
    return %c0_i32, %c0_i32_0 : i32, i32
  }
  func.func @transform_5(%arg0: i32) -> (i32, i32) {
    %c0_i32 = arith.constant 0 : i32
    %c0_i32_0 = arith.constant 0 : i32
    %c0_i32_1 = arith.constant 0 : i32
    return %c0_i32, %c0_i32_0 : i32, i32
  }
  func.func @transform_6(%arg0: i32) -> (i32, i32) {
    %c0_i32 = arith.constant 0 : i32
    %c0_i32_0 = arith.constant 0 : i32
    %c0_i32_1 = arith.constant 0 : i32
    return %c0_i32, %c0_i32_0 : i32, i32
  }
  func.func @transform_7(%arg0: i32) -> (i32, i32) {
    %c0_i32 = arith.constant 0 : i32
    %c0_i32_0 = arith.constant 0 : i32
    %c0_i32_1 = arith.constant 0 : i32
    return %c0_i32, %c0_i32_0 : i32, i32
  }
  func.func @transform_8(%arg0: i32) -> (i32, i32) {
    %c0_i32 = arith.constant 0 : i32
    %c0_i32_0 = arith.constant 0 : i32
    %c0_i32_1 = arith.constant 0 : i32
    return %c0_i32, %c0_i32_0 : i32, i32
  }
  func.func @transform_9(%arg0: i32) -> (i32, i32) {
    %c0_i32 = arith.constant 0 : i32
    %c0_i32_0 = arith.constant 0 : i32
    %c0_i32_1 = arith.constant 0 : i32
    return %c0_i32, %c0_i32_0 : i32, i32
  }
  func.func @transform_10(%arg0: i32) -> (i32, i32) {
    %c0_i32 = arith.constant 0 : i32
    %c0_i32_0 = arith.constant 0 : i32
    %c0_i32_1 = arith.constant 0 : i32
    return %c0_i32, %c0_i32_0 : i32, i32
  }
  func.func @transform_11(%arg0: i32) -> (i32, i32, i32) {
    %c0_i32 = arith.constant 0 : i32
    %c0_i32_0 = arith.constant 0 : i32
    %c0_i32_1 = arith.constant 0 : i32
    return %c0_i32, %arg0, %c0_i32_0 : i32, i32, i32
  }
}

</mosaic_0001>

<sc_bundles>
// kernel: kernel.6.cloned.1.call-start
scs
__scs_entry_jumppad:
0x0: {  	(pc) =	sbr.rel $0x88, $3  }
0x1: {  	(tag) =	ssettag $0x0;
	lr =	simm.s32 $0x1  }
0x2: {  	[smem:$0x3F95] =	sst lr;
	_ =	strace $0xD0000000  }
0x3: {  	_ = 	snop  }
0x4: {  	_ = 	snop  }
0x5: {  	_ = 	snop  }
0x6: {  	_ = 	snop  }
0x7: {  	_ = 	snop  }
__scs_overlays_trampoline_lowered:
0x8: {  	[smem:$0x3FA4] =	sst s0  }
0x9: {  	[smem:$0x3FA5] =	sst s1  }
0xa: {  	[smem:$0x3FA6] =	sst s2  }
0xb: {  	[smem:$0x3FA7] =	sst s3  }
0xc: {  	[smem:$0x3FA8] =	sst s4  }
0xd: {  	[smem:$0x3FA9] =	sst s5  }
0xe: {  	[smem:$0x3FAA] =	sst s6  }
0xf: {  	[smem:$0x3FAB] =	sst s7  }
0x10: {  	[smem:$0x3FAC] =	sst s8  }
0x11: {  	[smem:$0x3FAD] =	sst s9;
	s0 =	simm.s32 @!p0 $0x0  }
0x12: {  	s1 =	sld [smem:$0x3F93];
	s0 =	simm.s32 @p0 $0x1  }
0x13: {  	[smem:$0x3FAE] =	sst s0;
	s0 =	simm.s32 @!p1 $0x0  }
0x14: {  	s2 =	sld [smem:$0x3F92];
	s0 =	simm.s32 @p1 $0x1  }
0x15: {  	[smem:$0x3FAF] =	sst s0;
	s0 =	simm.s32 @!p2 $0x0  }
0x16: {  	s3 =	sld [smem:$0x3FDB];
	s0 =	simm.s32 @p2 $0x1  }
0x17: {  	s4 =	simm.s32 $0x1BF5;
	[smem:$0x3FB1] =	sst s0  }
0x18: {  	s0 =	sld [smem:$0x3F94];
	_ =	swait.ge [sflag:s4], $0x0  }
0x19: {  	s7 =	sld [smem:$0x3F95]  }
0x1a: {  	s8 =	sadd.s32 $0xFFFFE003, lr  }
0x1b: {  	s9 =	sadd.s32 $0xFFFFFEF7, lr;
	s5 =	simm.s32 $0xFFFFFFFF;
	p2 =	slt.u32 s8, $0xFFFFF086  }
0x1c: {  	p1 =	slt.u32 s9, $0xF7A;
	s5 =	simm.s32 @!p2 $0x0  }
0x1d: {  	s5 =	simm.s32 @p1 $0x1;
	p0 =	seq.s32 s7, s2  }
0x1e: {  	s7 =	smul.u32 @!p0 $0xF7A, s2;
	p2 =	seq.s32 @!p0 s5, $0x0  }
0x1f: {  	s9 =	smul.u32 $0xF7A, s1;
	s8 =	simm.s32 @!p0 $0x1BF5;
	p2 =	por !p2, p0  }
0x20: {  	[sflag:s8] =	ssyncset.s32 @!p0 $0xFFFFF086;
	s6 =	sadd.s32 @!p0 s3, s7;
	s7 =	simm.s32 @!p0 $0x108  }
0x21: {  	s3 =	sadd.s32 s3, s9;
	s6 =	sadd.s32 @!p0 $0x88, s6;
	s7 =	simm.s32 @p2 $0x1082  }
0x22: {  	[simem:s7], [sflag:s8] =	dma.local @!p0 [hbm:s6], $0xF7A  }
0x23: {  	s9 =	sor.u32 $0xD0000000, s2;
	s6 =	simm.s32 $0x108;
	_ =	swait.ge @!p0 [sflag:s8], $0x0  }
0x24: {  	s3 =	sadd.s32 $0x88, s3;
	s6 =	simm.s32 @!p1 $0x1082;
	[sflag:s4] =	ssyncset.s32 $0xFFFFF086  }
0x25: {  	[simem:s6], [sflag:s4] =	dma.local [hbm:s3], $0xF7A  }
0x26: {  	[smem:$0x3F95] =	sst s1;
	(tag) =	ssettag s2;
	_ =	strace s9  }
0x27: {  	s1 =	sld [smem:$0x3FA5]  }
0x28: {  	s2 =	sld [smem:$0x3FA6]  }
0x29: {  	s4 =	sld [smem:$0x3FA8]  }
0x2a: {  	p0 =	seq.s32 s5, $0x0;
	s5 =	sld [smem:$0x3FA9]  }
0x2b: {  	s6 =	sld [smem:$0x3FAA]  }
0x2c: {  	s7 =	sld [smem:$0x3FAB]  }
0x2d: {  	s3 =	simm.s32 $0x108;
	s8 =	sld [smem:$0x3FAC]  }
0x2e: {  	s3 =	simm.s32 @!p0 $0x1082;
	s9 =	sld [smem:$0x3FAD]  }
0x2f: {  	lr =	sadd.s32 s0, s3;
	s0 =	sld [smem:$0x3FA4]  }
0x30: {  	s3 =	sld [smem:$0x3FA7]  }
0x31: {  	[smem:$0x3FB0] =	sst s10  }
0x32: {  	s10 =	sld [smem:$0x3FAE];
	_ =	sdelay $0x3  }
0x33: {  	p0 =	seq.s32 s10, $0x1;
	s10 =	sld [smem:$0x3FB0];
	_ =	sdelay $0x3  }
0x34: {  	[smem:$0x3FB0] =	sst s10  }
0x35: {  	s10 =	sld [smem:$0x3FAF];
	_ =	sdelay $0x3  }
0x36: {  	p1 =	seq.s32 s10, $0x1;
	s10 =	sld [smem:$0x3FB0];
	_ =	sdelay $0x3  }
0x37: {  	[smem:$0x3FB0] =	sst s10  }
0x38: {  	s10 =	sld [smem:$0x3FB1]  }
0x39: {  	_ = 	snop;
	(pc) =	sbr.ind lr, $3  }
0x3a: {  	_ = 	snop  }
0x3b: {  	_ = 	snop  }
0x3c: {  	p2 =	seq.s32 s10, $0x1;
	s10 =	sld [smem:$0x3FB0]  }
0x3d: {  	_ =	shalt  }
0x3e: {  	_ =	shalt  }
0x3f: {  	_ =	shalt  }
0x40: {  	_ =	shalt  }
0x41: {  	_ =	shalt  }
0x42: {  	_ =	shalt  }
0x43: {  	_ =	shalt  }
0x44: {  	_ =	shalt  }
0x45: {  	_ =	shalt  }
0x46: {  	_ =	shalt  }
0x47: {  	_ =	shalt  }
0x48: {  	_ =	shalt  }
0x49: {  	_ =	shalt  }
0x4a: {  	_ =	shalt  }
0x4b: {  	_ =	shalt  }
0x4c: {  	_ =	shalt  }
0x4d: {  	_ =	shalt  }
0x4e: {  	_ =	shalt  }
0x4f: {  	_ =	shalt  }
0x50: {  	_ =	shalt  }
0x51: {  	_ =	shalt  }
0x52: {  	_ =	shalt  }
0x53: {  	_ =	shalt  }
0x54: {  	_ =	shalt  }
0x55: {  	_ =	shalt  }
0x56: {  	_ =	shalt  }
0x57: {  	_ =	shalt  }
0x58: {  	_ =	shalt  }
0x59: {  	_ =	shalt  }
0x5a: {  	_ =	shalt  }
0x5b: {  	_ =	shalt  }
0x5c: {  	_ =	shalt  }
0x5d: {  	_ =	shalt  }
0x5e: {  	_ =	shalt  }
0x5f: {  	_ =	shalt  }
0x60: {  	_ =	shalt  }
0x61: {  	_ =	shalt  }
0x62: {  	_ =	shalt  }
0x63: {  	_ =	shalt  }
0x64: {  	_ =	shalt  }
0x65: {  	_ =	shalt  }
0x66: {  	_ =	shalt  }
0x67: {  	_ =	shalt  }
0x68: {  	_ =	shalt  }
0x69: {  	_ =	shalt  }
0x6a: {  	_ =	shalt  }
0x6b: {  	_ =	shalt  }
0x6c: {  	_ =	shalt  }
0x6d: {  	_ =	shalt  }
0x6e: {  	_ =	shalt  }
0x6f: {  	_ =	shalt  }
0x70: {  	_ =	shalt  }
0x71: {  	_ =	shalt  }
0x72: {  	_ =	shalt  }
0x73: {  	_ =	shalt  }
0x74: {  	_ =	shalt  }
0x75: {  	_ =	shalt  }
0x76: {  	_ =	shalt  }
0x77: {  	_ =	shalt  }
0x78: {  	_ =	shalt  }
0x79: {  	_ =	shalt  }
0x7a: {  	_ =	shalt  }
0x7b: {  	_ =	shalt  }
0x7c: {  	_ =	shalt  }
0x7d: {  	_ =	shalt  }
0x7e: {  	_ =	shalt  }
0x7f: {  	_ =	shalt  }
0x80: {  	_ =	shalt  }
0x81: {  	_ =	shalt  }
0x82: {  	_ =	shalt  }
0x83: {  	_ =	shalt  }
0x84: {  	_ =	shalt  }
0x85: {  	_ =	shalt  }
0x86: {  	_ =	shalt  }
0x87: {  	_ =	shalt  }
.Lfunc_end0:
.L_simem_size_0:
called_computation.1_lowered:
.L_overlay_start_0:
0x88: {  	s2 =	sld [smem:$0x3FD9]  }
0x89: {  	s3 =	sld [smem:$0x3FFE];
	_ =	sdelay $0x1  }
0x8a: {  	s1 =	srdreg.scid  }
0x8b: {  	s0 =	sand.u32 $0x1, s1  }
0x8c: {  	s17 =	sshll.u32 s0, $0xA;
	s2 =	sadd.s32 s3, s2  }
0x8d: {  	s2 =	sadd.s32 s2, s17  }
0x8e: {  	[smem:$0x3FBC] =	sst s2  }
0x8f: {  	_ = 	snop  }
0x90: {  	(tm) =	ssettm $0x1  }
0x91: {  	s18 =	sld [smem:$0x3FFB];
	_ =	sdelay $0x3  }
0x92: {  	_ =	strace s18  }
0x93: {  	s2 =	sld [smem:$0x3FFC];
	_ =	sdelay $0x3  }
0x94: {  	_ =	strace s2  }
0x95: {  	s2 =	sld [smem:$0x3FFD];
	_ =	sdelay $0x3  }
0x96: {  	_ =	strace s2  }
0x97: {  	_ =	strace $0x8FFFFFFF  }
0x98: {  	s19 =	sld [smem:$0x3FDB];
	_ =	sdelay $0x1  }
0x99: {  	s20 =	simm.s32 $_scs_section_size  }
0x9a: {  	s4 =	simm.s32 $_size__tile_overlayer_lowered;
	s5 =	simm.s32 $_tile_overlayer_lowered  }
0x9b: {  	s6 =	simm.s32 $0x1BFF;
	s21 =	sshll.u32 s5, $0x1;
	s3 =	sadd.s32 s20, s19  }
0x9c: {  	s22 =	simm.s32 $0x0;
	s4 =	sshll.u32 s4, $0x1;
	s5 =	sadd.s32 s21, s3  }
0x9d: {  	[timem:s22], [sflag:s6] =	dma.local [hbm:s5], s4  }
0x9e: {  	_ =	swait.ge [sflag:s6], s4  }
0x9f: {  	s4 =	ssub.s32 $0x0, s4;
	[sflag:s6] =	ssyncset.done $0x0  }
0xa0: {  	[sflag:s6] =	ssyncadd.s32 s4;
	_ =	sdelay $0x1  }
0xa1: {  	s23 =	simm.s32 $0x1B8B  }
0xa2: {  	_ =	swait.ge [sflag:s23], $0x1  }
0xa3: {  	[sflag:s23] =	ssyncset.done $0x0  }
0xa4: {  	[sflag:s23] =	ssyncadd.s32 $0xFFFFFFFF  }
0xa5: {  	s4 =	sld [smem:$0x0]  }
0xa6: {  	s5 =	sand.u32 $0xFFFFFFFE, s1  }
0xa7: {  	p0 =	sne.s32 s1, s5  }
0xa8: {  	s5 =	sshll.u32 @p0 s5, $0xE  }
0xa9: {  	s5 =	sadd.s32 @p0 $0x11B8D, s5;
	s6 =	sshll.u32 @p0 s4, $0x11  }
0xaa: {  	s5 =	sor.u32 @p0 s6, s5  }
0xab: {  	[sflag:s5] =	ssyncadd.remote.s32 @p0 $0x1;
	_ =	sdelay $0x1  }
0xac: {  	s5 =	simm.s32 @p0 $0x1B8D  }
0xad: {  	_ =	swait.eq @p0 [sflag:s5], $0x1  }
0xae: {  	[sflag:s5] =	ssyncadd.s32 @p0 $0xFFFFFFFF  }
0xaf: {  	s6 =	sshll.u32 @!p0 s1, $0xE  }
0xb0: {  	s6 =	sor.u32 @!p0 $0x4000, s6;
	s5 =	simm.s32 @!p0 $0x1B8D  }
0xb1: {  	s4 =	sshll.u32 @!p0 s4, $0x11;
	s6 =	sadd.s32 @!p0 $0x11B8D, s6;
	_ =	swait.eq @!p0 [sflag:s5], $0x1  }
0xb2: {  	s4 =	sor.u32 @!p0 s4, s6;
	[sflag:s5] =	ssyncadd.s32 @!p0 $0xFFFFFFFF  }
0xb3: {  	s25 =	simm.s32 $0x1B8E;
	s24 =	sld [smem:$0x3FFE];
	[sflag:s4] =	ssyncadd.remote.s32 @!p0 $0x1  }
0xb4: {  	s26 =	simm.s32 $execute0_lowered;
	[smem:$0x3FD2] =	sst s25  }
0xb5: {  	s5 =	sshll.u32 s26, $0x1;
	_ =	strace $0x80000049;
	[dreg:$0x1] =	wrdreg $0xFFFFFFFF  }
0xb6: {  	s28 =	simm.s32 $_size_execute0_lowered;
	s3 =	sadd.s32 s3, s5;
	[dreg:$0x0] =	wrdreg $0x0  }
0xb7: {  	s5 =	sshll.u32 s28, $0x1;
	[dreg:$0x2] =	wrdreg s3  }
0xb8: {  	[dreg:$0x3] =	wrdreg s5  }
0xb9: {  	[dreg:$0x4] =	wrdreg $0xC0  }
0xba: {  	_ =	task [dreg:s22], $0x5FFFF  }
0xbb: {  	[dreg:$0x1] =	wrdreg $0xFFFFFFFF  }
0xbc: {  	[dreg:$0x0] =	wrdreg $0x60  }
0xbd: {  	[dreg:$0x2] =	wrdreg s24  }
0xbe: {  	[dreg:$0x3] =	wrdreg $0x9  }
0xbf: {  	_ =	task.clear_ibuf [dreg:s22], $0x4FFFF;
	_ =	strace $0x90000049  }
0xc0: {  	s29 =	simm.s32 $0x9;
	_ =	strace $0x8000004B  }
0xc1: {  	_ =	swait.ge [sflag:s29], $0x1  }
0xc2: {  	[sflag:s29] =	ssyncadd.s32 $0xFFFFFFFF  }
0xc3: {  	_ =	strace $0x9000004B  }
0xc4: {  	_ =	sfence  }
0xc5: {  	s30 =	sld [smem:$0x0];
	_ =	sdelay $0x2  }
0xc6: {  	s31 =	sshll.u32 s1, $0xD;
	s1 =	sshrl.u32 s1, $0x2  }
0xc7: {  	s4 =	sand.u32 $0x4000, s31;
	s1 =	sadd.s32 s1, s30  }
0xc8: {  	s0 =	sor.u32 s4, s0;
	s1 =	sshll.u32 s1, $0x11  }
0xc9: {  	s0 =	sor.u32 s1, s0  }
0xca: {  	s0 =	sadd.s32 $0x8F2B, s0  }
0xcb: {  	[sflag:s0] =	ssyncadd.remote.s32 $0x1  }
0xcc: {  	_ =	sfence.sel $0xFFFF  }
0xcd: {  	[dreg:$0x0] =	wrdreg $0xFFFFFFFF;
	(pc) =	sbr.abs _section_cstart, $3  }
0xce: {  	[dreg:$0x1] =	wrdreg $0xFFFFFFFF  }
0xcf: {  	_ =	task.clear_ibuf [dreg:s22], $0x2FFFF;
	_ =	strace $0x9FFFFFFF  }
0xd0: {  	(tm) =	ssettm $0x7FFFFFFF  }
0xd1: {  	_ =	shalt  }
tec
execute0_lowered:
.L_overlay_start_1:
0x0: {  	(tag) =	ssettag $0x1  }
0x1: {  	s1 =	srdreg.scid  }
0x2: {  	s0 =	stileid.u32;
	s8 =	rddreg [dreg:$0x0];
	s2 =	simm.s32 $0x0  }
0x3: {  	s4 =	sand.u32 $0x1, s1;
	s16 =	sshll.u32 s0, $0x1;
	s1 =	rddreg [dreg:$0x1]  }
0x4: {  	[smem:$0x7FF] =	sst s2;
	s6 =	sadd.s32 $0x9800, s8;
	s9 =	sor.u32 s4, s16  }
0x5: {  	s12 =	sadd.s32 $0x39800, s8;
	p0 =	sgt.u32 s0, $0x3;
	s18 =	smul.u32 $0x3, s9  }
0x6: {  	_ =	strace $0x8000004A;
	s4 =	ssub.s32 $0x2, s4;
	s22 =	smul.u32 $0x6000, s9  }
0x7: {  	s13 =	sshrl.u32 s4, $0x1;
	s9 =	smul.u32 $0x6, s9;
	s10 =	sadd.s32 $0xFFFFFFE8, s18  }
0x8: {  	s16 =	ssub.s32 s4, s13;
	s11 =	sadd.s32 $0xFFFFFFE9, s18;
	s3 =	sshll.u32 s10, $0x18  }
0x9: {  	s15 =	sadd.s32 $0xFFFFFFEA, s18;
	s17 =	sshll.u32 s11, $0x18;
	s3 =	sshra.s32 s3, $0x18  }
0xa: {  	s4 =	sadd.s32 s6, s22;
	s19 =	sshra.s32 s17, $0x18;
	s5 =	smul.u32 $0x56, s3  }
0xb: {  	s21 =	sshll.u32 s15, $0x18;
	s20 =	smul.u32 $0x56, s19;
	s19 =	sadd.s32 $0x1, s18  }
0xc: {  	s31 =	sshll.u32 s15, $0xD;
	s3 =	sadd.s32 $0x141C00, s8;
	s24 =	sshll.u32 s19, $0xD  }
0xd: {  	s7 =	sshrl.u32 s5, $0x1F;
	s5 =	sshrl.u32 s5, $0x8;
	s23 =	sshrl.u32 s20, $0x1F  }
0xe: {  	s17 =	sshrl.u32 s20, $0x8;
	s20 =	sadd.s32 $0x2, s18;
	s5 =	sadd.s32 s7, s5  }
0xf: {  	v0 =	vmov s18;
	s18 =	simm.s32 $0x10000;
	s13 =	sadd.s32 s23, s17;
	s14 =	smul.u32 $0x3, s5  }
0x10: {  	s26 =	sshll.u32 s20, $0xD;
	s5 =	sshra.s32 s21, $0x18;
	s13 =	smul.u32 $0x3, s13  }
0x11: {  	s7 =	sadd.s32 $0xC9800, s8;
	s8 =	sadd.s32 $0x14A000, s8;
	s5 =	smul.u32 $0x56, s5  }
0x12: {  	s14 =	ssub.s32 s10, s14;
	s10 =	sshll.u32 s10, $0xD;
	s13 =	ssub.s32 s11, s13  }
0x13: {  	s11 =	sshll.u32 s11, $0xD;
	s25 =	sshrl.u32 s5, $0x1F;
	s21 =	sshrl.u32 s5, $0x8  }
0x14: {  	s5 =	sadd.s32 s6, s24;
	s6 =	sadd.s32 s6, s26;
	s14 =	smul.u32 $0xB000000, s14  }
0x15: {  	s10 =	sand.u32 $0x1FFFE000, s10;
	s13 =	smul.u32 $0xB000000, s13;
	s11 =	sand.u32 $0x1FFFE000, s11  }
0x16: {  	s17 =	sadd.s32 s25, s21;
	s21 =	sadd.s32 s12, s10;
	s28 =	sshra.s32 s14, $0x18  }
0x17: {  	s29 =	smul.u32 $0x3, s17;
	s17 =	sadd.s32 s12, s11;
	s30 =	sshra.s32 s13, $0x18  }
0x18: {  	s13 =	sand.u32 $0x1FFFE000, s31;
	s4 =	smov.u32 @p0 s21;
	s10 =	sadd.s32 $0xB, s28  }
0x19: {  	s11 =	sadd.s32 $0xB, s30;
	s22 =	sadd.s32 s12, s13;
	s14 =	ssub.s32 s15, s29  }
0x1a: {  	s13 =	sshll.u32 s19, $0xC;
	s5 =	smov.u32 @p0 s17;
	s14 =	smul.u32 $0xB000000, s14  }
0x1b: {  	v1 =	vmov s19;
	s17 =	simm.s32 $0x1;
	s19 =	simm.s32 $0x11800;
	s10 =	simm.s32 @!p0 $0x0  }
0x1c: {  	s11 =	simm.s32 @!p0 $0x0;
	s15 =	smax.u32 s16, $0x1;
	s14 =	sshra.s32 s14, $0x18  }
0x1d: {  	s6 =	smov.u32 @p0 s22;
	s16 =	simm.s32 $0x12800;
	s12 =	sadd.s32 $0xB, s14  }
0x1e: {  	v2 =	vmov s20;
	s14 =	sshll.u32 s20, $0xC;
	s20 =	simm.s32 $0x0;
	s12 =	simm.s32 @!p0 $0x0  }
.LBB2_1:
0x1f: {  	[tilespmem:s16], [sflag:$0x1] =	stream.linear.gather [hbm4b:s7+s2], $0x80, $0x38;
	[tilespmem:$0x12880] =	vst v63  }
0x20: {  	_ =	swait.ge [sflag:s17], $0x80  }
0x21: {  	[sflag:s17] =	ssyncset.done $0x0  }
0x22: {  	[sflag:s17] =	ssyncadd.s32 $0xFFFFFF80  }
0x23: {  	[tilespmem:s2], [sflag:$0x1] =	stream.linear.gather [hbm4b:s4+s2], $0x10000, $0x38;
	[tilespmem:$0x12880] =	vst v63  }
0x24: {  	_ =	swait.ge [sflag:s17], $0x10000  }
0x25: {  	[sflag:s17] =	ssyncset.done $0x0  }
0x26: {  	[sflag:s17] =	ssyncadd.s32 $0xFFFF0000  }
0x27: {  	s21 =	simm.s32 $0x0;
	v3 =	vld.idx.msk [tilespmem:v0+s16+$0x0], $0xffff  }
.LBB2_2:
0x28: {  	s22 =	sadd.s32 s10, s21  }
0x29: {  	s22 =	smul.u32 $0x1800, s22;
	_ =	sdelay $0x1  }
0x2a: {  	s22 =	sshrl.u32 s22, $0x3  }
0x2b: {  	s22 =	sadd.s32 s3, s22  }
0x2c: {  	[tilespmem:s18], [sflag:$0x1] =	stream.linear.gather [hbm4b:s22+s2], $0x1800, $0x38;
	[tilespmem:$0x12880] =	vst v63  }
0x2d: {  	_ =	swait.ge [sflag:s17], $0x1800  }
0x2e: {  	[sflag:s17] =	ssyncset.done $0x0  }
0x2f: {  	s31 =	simm.s32 $0x10810;
	s23 =	simm.s32 $0x0;
	[sflag:s17] =	ssyncadd.s32 $0xFFFFE800  }
0x30: {  	s23 =	sand.u32 $0x7E0, s23;
	v4 =	vld [tilespmem:s31+$0xFFFFFFF0]  }
0x31: {  	v5 =	vld [tilespmem:s23+$0x11000]  }
0x32: {  	v6 =	vld [tilespmem:s31+$0xFFFFF7F0]  }
0x33: {  	v7 =	vld [tilespmem:s31+$0x0]  }
0x34: {  	v8 =	vld [tilespmem:s31+$0x800]  }
0x35: {  	v10 =	vld [tilespmem:s31+$0xFFFFF800];
	_ =	sdelay $0x2  }
0x36: {  	v4 =	vmul.f32 v4, v3;
	v5 =	vmul.f32 v5, v3  }
0x37: {  	v6 =	vmul.f32 v6, v3;
	v7 =	vmul.f32 v7, v3  }
0x38: {  	v8 =	vmul.f32 v8, v3;
	v10 =	vmul.f32 v10, v3  }
0x39: {  	v9 =	vtrunc.f32 v4;
	v11 =	vtrunc.f32 v5  }
0x3a: {  	v12 =	vtrunc.f32 v6;
	v16 =	vtrunc.f32 v7  }
0x3b: {  	v18 =	vtrunc.f32 v8;
	v9 =	vcvt.f32.s32 v9  }
0x3c: {  	v11 =	vcvt.f32.s32 v11;
	v12 =	vcvt.f32.s32 v12  }
0x3d: {  	v16 =	vcvt.f32.s32 v16;
	v18 =	vcvt.f32.s32 v18  }
0x3e: {  	v13 =	vmul.u32 $0x9E3779B1, v9;
	v14 =	vmul.u32 $0x30025795, v11;
	v20 =	vcvt.s32.f32 v12  }
0x3f: {  	v9 =	vcvt.s32.f32 v9;
	v11 =	vcvt.s32.f32 v11  }
0x40: {  	v46 =	vmul.u32 $0x30025795, v18;
	v15 =	vxor.u32 v12, v13;
	v19 =	vadd.s32 $0x30025795, v14  }
0x41: {  	v21 =	vadd.s32 $0x9E3779B1, v13;
	v6 =	vsub.f32 v6, v20;
	v4 =	vsub.f32 v4, v9  }
0x42: {  	v5 =	vsub.f32 v5, v11;
	v17 =	vxor.u32 v14, v15;
	v15 =	vxor.u32 v15, v19  }
0x43: {  	v22 =	vxor.u32 v12, v21;
	v12 =	vadd.s32 $0x1, v12;
	v17 =	vand.u32 $0xFFFF, v17  }
0x44: {  	v15 =	vand.u32 $0xFFFF, v15;
	v23 =	vxor.u32 v14, v22;
	v11 =	vxor.u32 v19, v22  }
0x45: {  	v13 =	vxor.u32 v12, v13;
	v20 =	vsub.f32 $1.000000000e+00, v6;
	v22 =	vsub.f32 $1.000000000e+00, v4  }
0x46: {  	v25 =	vsub.f32 $1.000000000e+00, v5;
	v12 =	vxor.u32 v12, v21;
	v21 =	vmul.u32 $0x9E3779B1, v16  }
0x47: {  	v16 =	vcvt.s32.f32 v16;
	v9 =	vand.u32 $0xFFFF, v23;
	v23 =	vtrunc.f32 v10  }
0x48: {  	v11 =	vand.u32 $0xFFFF, v11;
	v24 =	vxor.u32 v14, v13;
	v13 =	vxor.u32 v13, v19  }
0x49: {  	v14 =	vxor.u32 v14, v12;
	v12 =	vxor.u32 v19, v12;
	v23 =	vcvt.f32.s32 v23  }
0x4a: {  	v26 =	vmul.f32 v22, v20;
	v24 =	vand.u32 $0xFFFF, v24;
	v20 =	vmul.f32 v4, v20  }
0x4b: {  	v13 =	vand.u32 $0xFFFF, v13;
	v22 =	vmul.f32 v22, v6;
	v6 =	vmul.f32 v4, v6  }
0x4c: {  	v14 =	vand.u32 $0xFFFF, v14;
	v27 =	vmul.f32 v25, v26;
	v26 =	vmul.f32 v26, v5  }
0x4d: {  	v12 =	vand.u32 $0xFFFF, v12;
	v29 =	vmul.f32 v25, v20;
	v20 =	vmul.f32 v5, v20;
	v17 =	vld.idx.msk [tilespmem:v17+s2+$0x0], $0xffff  }
0x4e: {  	v54 =	vadd.s32 $0x9E3779B1, v21;
	v31 =	vcvt.s32.f32 v23;
	v48 =	vmul.f32 v25, v22  }
0x4f: {  	v33 =	vxor.u32 v23, v21;
	v22 =	vmul.f32 v22, v5;
	v25 =	vmul.f32 v25, v6;
	v15 =	vld.idx.msk [tilespmem:v15+s2+$0x0], $0xffff  }
0x50: {  	v5 =	vmul.f32 v5, v6;
	v6 =	vsub.f32 v7, v16;
	v16 =	vcvt.s32.f32 v18  }
0x51: {  	v18 =	vadd.s32 $0x30025795, v46;
	v49 =	vxor.u32 v46, v33;
	v9 =	vld.idx.msk [tilespmem:v9+s2+$0x0], $0xffff;
	v10 =	vsub.f32 v10, v31  }
0x52: {  	v53 =	vsub.f32 $1.000000000e+00, v6;
	v8 =	vsub.f32 v8, v16;
	v28 =	vand.u32 $0xFFFF0000, v17  }
0x53: {  	v11 =	vld.idx.msk [tilespmem:v11+s2+$0x0], $0xffff;
	v16 =	vxor.u32 v23, v54;
	v23 =	vadd.s32 $0x1, v23;
	v28 =	vmul.f32 v28, v27  }
0x54: {  	v35 =	vxor.u32 v46, v16;
	v16 =	vxor.u32 v18, v16;
	v19 =	vand.u32 $0xFFFF0000, v15  }
0x55: {  	v24 =	vld.idx.msk [tilespmem:v24+s2+$0x0], $0xffff;
	v21 =	vxor.u32 v23, v21;
	v19 =	vmul.f32 v19, v26;
	v28 =	vadd.f32 $0.0e+00, v28  }
0x56: {  	v23 =	vxor.u32 v23, v54;
	v52 =	vsub.f32 $1.000000000e+00, v10;
	v30 =	vand.u32 $0xFFFF0000, v9  }
0x57: {  	v13 =	vld.idx.msk [tilespmem:v13+s2+$0x0], $0xffff;
	v36 =	vsub.f32 $1.000000000e+00, v8;
	v45 =	vmul.f32 v30, v29;
	v19 =	vadd.f32 v28, v19  }
0x58: {  	v35 =	vand.u32 $0xFFFF, v35;
	v16 =	vand.u32 $0xFFFF, v16;
	v32 =	vand.u32 $0xFFFF0000, v11  }
0x59: {  	v14 =	vld.idx.msk [tilespmem:v14+s2+$0x0], $0xffff;
	v37 =	vxor.u32 v46, v21;
	v47 =	vmul.f32 v32, v20;
	v19 =	vadd.f32 v19, v45  }
0x5a: {  	v21 =	vxor.u32 v21, v18;
	v37 =	vand.u32 $0xFFFF, v37;
	v34 =	vand.u32 $0xFFFF0000, v24  }
0x5b: {  	v4 =	vld.idx.msk [tilespmem:v12+s2+$0x0], $0xffff;
	v21 =	vand.u32 $0xFFFF, v21;
	v12 =	vadd.f32 v19, v47;
	v19 =	vmul.f32 v34, v48  }
0x5c: {  	v55 =	vmul.f32 v53, v52;
	v17 =	vshll.u32 v17, $0x10;
	v50 =	vand.u32 $0xFFFF0000, v13  }
0x5d: {  	v15 =	vshll.u32 v15, $0x10;
	v12 =	vadd.f32 v12, v19;
	v19 =	vmul.f32 v50, v22  }
0x5e: {  	v31 =	vmul.f32 v6, v52;
	v6 =	vmul.f32 v6, v10;
	v51 =	vand.u32 $0xFFFF0000, v14  }
0x5f: {  	v28 =	vand.u32 $0xFFFF, v49;
	v12 =	vadd.f32 v12, v19;
	v19 =	vmul.f32 v51, v25  }
0x60: {  	v17 =	vmul.f32 v17, v27;
	v15 =	vmul.f32 v15, v26;
	v9 =	vshll.u32 v9, $0x10  }
0x61: {  	v7 =	vand.u32 $0xFFFF0000, v4;
	v12 =	vadd.f32 v12, v19;
	v19 =	vxor.u32 v33, v18  }
0x62: {  	v56 =	vmul.f32 v36, v55;
	v7 =	vmul.f32 v7, v5;
	v57 =	vld.idx.msk [tilespmem:v35+s2+$0x0], $0xffff;
	v19 =	vand.u32 $0xFFFF, v19  }
0x63: {  	v11 =	vshll.u32 v11, $0x10;
	v58 =	vmul.f32 v36, v31;
	v9 =	vmul.f32 v9, v29;
	v16 =	vld.idx.msk [tilespmem:v16+s2+$0x0], $0xffff  }
0x64: {  	v11 =	vmul.f32 v11, v20;
	v17 =	vadd.f32 $0.0e+00, v17;
	v7 =	vadd.f32 v12, v7;
	v12 =	vld.idx.msk [tilespmem:v28+s2+$0x0], $0xffff  }
0x65: {  	v13 =	vshll.u32 v13, $0x10;
	v14 =	vshll.u32 v14, $0x10;
	v4 =	vshll.u32 v4, $0x10  }
0x66: {  	v35 =	vmul.f32 v53, v10;
	v20 =	vld.idx.msk [tilespmem:v21+s2+$0x0], $0xffff;
	v15 =	vadd.f32 v17, v15;
	v17 =	vxor.u32 v46, v23  }
0x67: {  	v13 =	vmul.f32 v13, v22;
	v21 =	vshll.u32 v24, $0x10;
	v17 =	vand.u32 $0xFFFF, v17;
	v19 =	vld.idx.msk [tilespmem:v19+s2+$0x0], $0xffff  }
0x68: {  	v9 =	vadd.f32 v15, v9;
	v62 =	vshll.u32 v57, $0x10;
	v26 =	vand.u32 $0xFFFF0000, v57  }
0x69: {  	v63 =	vld.idx.msk [tilespmem:v37+s2+$0x0], $0xffff;
	v37 =	vshll.u32 v16, $0x10;
	v26 =	vmul.f32 v26, v58;
	v38 =	vshll.u32 v12, $0x10  }
0x6a: {  	v34 =	vmul.f32 v8, v31;
	v12 =	vand.u32 $0xFFFF0000, v12;
	v38 =	vmul.f32 v38, v56  }
0x6b: {  	v16 =	vand.u32 $0xFFFF0000, v16;
	v28 =	vmul.f32 v55, v8;
	v12 =	vmul.f32 v12, v56  }
0x6c: {  	v59 =	vadd.f32 $0.0e+00, v38;
	v60 =	vshll.u32 v19, $0x10;
	v19 =	vand.u32 $0xFFFF0000, v19  }
0x6d: {  	v12 =	vadd.f32 $0.0e+00, v12;
	v38 =	vmul.f32 v60, v28;
	v19 =	vmul.f32 v19, v28  }
0x6e: {  	v9 =	vadd.f32 v9, v11;
	v11 =	vmul.f32 v21, v48;
	v18 =	vxor.u32 v18, v23  }
0x6f: {  	v61 =	vadd.f32 v59, v38;
	v12 =	vadd.f32 v12, v19;
	v19 =	vmul.f32 v62, v58  }
0x70: {  	v16 =	vmul.f32 v16, v34;
	v23 =	vmul.f32 v36, v35;
	v18 =	vand.u32 $0xFFFF, v18  }
0x71: {  	v15 =	vadd.f32 v61, v19;
	v12 =	vadd.f32 v12, v26;
	v19 =	vmul.f32 v37, v34  }
0x72: {  	v39 =	vand.u32 $0xFFFF0000, v63;
	v9 =	vadd.f32 v9, v11;
	v38 =	vshll.u32 v63, $0x10  }
0x73: {  	s23 =	simm.s32 $0x10830;
	v15 =	vadd.f32 v15, v19;
	v12 =	vadd.f32 v12, v16;
	v16 =	vld.idx.msk [tilespmem:v17+s2+$0x0], $0xffff;
	v17 =	vmul.f32 v38, v23  }
0x74: {  	v21 =	vmul.f32 v35, v8;
	v9 =	vadd.f32 v9, v13;
	v13 =	vmul.f32 v14, v25;
	v14 =	vld [tilespmem:s23+$0xFFFFF7F0]  }
0x75: {  	s22 =	simm.s32 $0x20;
	v10 =	vshll.u32 v20, $0x10;
	v19 =	vmul.f32 v39, v23;
	v15 =	vadd.f32 v15, v17;
	v17 =	vld [tilespmem:s23+$0xFFFFFFF0]  }
0x76: {  	s24 =	sand.u32 $0x7E0, s22;
	v5 =	vmul.f32 v4, v5;
	v11 =	vand.u32 $0xFFFF0000, v20;
	v10 =	vmul.f32 v10, v21;
	v18 =	vld.idx.msk [tilespmem:v18+s2+$0x0], $0xffff  }
0x77: {  	v20 =	vld [tilespmem:s24+$0x11000];
	v11 =	vmul.f32 v11, v21;
	v12 =	vadd.f32 v12, v19;
	v19 =	vmul.f32 v36, v6  }
0x78: {  	v10 =	vadd.f32 v15, v10;
	v21 =	vshll.u32 v16, $0x10;
	v16 =	vand.u32 $0xFFFF0000, v16  }
0x79: {  	v11 =	vadd.f32 v12, v11;
	v12 =	vmul.f32 v21, v19;
	v15 =	vmul.f32 v16, v19  }
0x7a: {  	v16 =	vmul.f32 v8, v6;
	v8 =	vld [tilespmem:s23+$0x0];
	v6 =	vmul.f32 v17, v3  }
0x7b: {  	v9 =	vadd.f32 v9, v13;
	v13 =	vshll.u32 v18, $0x10;
	v19 =	vmul.f32 v14, v3;
	v17 =	vld [tilespmem:s23+$0x800]  }
0x7c: {  	v10 =	vadd.f32 v10, v12;
	v12 =	vmul.f32 v20, v3;
	v20 =	vld [tilespmem:s23+$0xFFFFF800];
	v4 =	vtrunc.f32 v6  }
0x7d: {  	v18 =	vand.u32 $0xFFFF0000, v18;
	v13 =	vmul.f32 v13, v16;
	v21 =	vcvt.f32.s32 v4  }
0x7e: {  	v14 =	vtrunc.f32 v12;
	v4 =	vadd.f32 v11, v15;
	v11 =	vtrunc.f32 v19  }
0x7f: {  	v13 =	vadd.f32 v10, v13;
	v15 =	vcvt.f32.s32 v14;
	v11 =	vcvt.f32.s32 v11  }
0x80: {  	v14 =	vadd.f32 v9, v5;
	v5 =	vmul.f32 v8, v3;
	v17 =	vmul.f32 v17, v3  }
0x81: {  	v22 =	vmul.u32 $0x9E3779B1, v21;
	v21 =	vcvt.s32.f32 v21;
	v10 =	vmul.f32 v20, v3  }
0x82: {  	v8 =	vmul.u32 $0x30025795, v15;
	v20 =	vtrunc.f32 v5;
	v42 =	vcvt.s32.f32 v11  }
0x83: {  	v15 =	vcvt.s32.f32 v15;
	v9 =	vxor.u32 v11, v22;
	v20 =	vcvt.f32.s32 v20  }
0x84: {  	v40 =	vtrunc.f32 v17;
	v43 =	vadd.s32 $0x9E3779B1, v22;
	v6 =	vsub.f32 v6, v21  }
0x85: {  	v23 =	vxor.u32 v8, v9;
	v41 =	vadd.s32 $0x30025795, v8;
	v44 =	vxor.u32 v11, v43  }
0x86: {  	v11 =	vadd.s32 $0x1, v11;
	v19 =	vsub.f32 v19, v42;
	v12 =	vsub.f32 v12, v15  }
0x87: {  	v47 =	vtrunc.f32 v10;
	v24 =	vcvt.f32.s32 v40;
	v23 =	vand.u32 $0xFFFF, v23  }
0x88: {  	v9 =	vxor.u32 v9, v41;
	v45 =	vxor.u32 v8, v44;
	v15 =	vxor.u32 v41, v44  }
0x89: {  	v22 =	vxor.u32 v11, v22;
	v46 =	vsub.f32 $1.000000000e+00, v6;
	v29 =	vcvt.f32.s32 v47  }
0x8a: {  	v11 =	vxor.u32 v11, v43;
	v27 =	vmul.u32 $0x9E3779B1, v20;
	v20 =	vcvt.s32.f32 v20  }
0x8b: {  	v9 =	vand.u32 $0xFFFF, v9;
	v21 =	vand.u32 $0xFFFF, v45;
	v26 =	vsub.f32 $1.000000000e+00, v19  }
0x8c: {  	v15 =	vand.u32 $0xFFFF, v15;
	v48 =	vxor.u32 v8, v22;
	v22 =	vxor.u32 v22, v41  }
0x8d: {  	v8 =	vxor.u32 v8, v11;
	v11 =	vxor.u32 v41, v11;
	v36 =	vmul.u32 $0x30025795, v24  }
0x8e: {  	v24 =	vcvt.s32.f32 v24;
	v30 =	vand.u32 $0xFFFF, v48;
	v22 =	vand.u32 $0xFFFF, v22  }
0x8f: {  	v8 =	vand.u32 $0xFFFF, v8;
	v11 =	vand.u32 $0xFFFF, v11;
	v28 =	vmul.f32 v46, v19  }
0x90: {  	v55 =	vcvt.s32.f32 v29;
	v58 =	vxor.u32 v29, v27;
	v19 =	vmul.f32 v6, v19  }
0x91: {  	v20 =	vsub.f32 v5, v20;
	v45 =	vadd.s32 $0x9E3779B1, v27;
	v49 =	vmul.f32 v46, v26;
	v23 =	vld.idx.msk [tilespmem:v23+s2+$0x0], $0xffff  }
0x92: {  	v26 =	vmul.f32 v6, v26;
	v41 =	vxor.u32 v36, v58;
	v37 =	vsub.f32 v10, v55;
	v31 =	vld.idx.msk [tilespmem:v9+s2+$0x0], $0xffff  }
0x93: {  	s24 =	simm.s32 $0x12010;
	v42 =	vxor.u32 v29, v45;
	v29 =	vadd.s32 $0x1, v29;
	v9 =	vsub.f32 $1.000000000e+00, v12;
	v21 =	vld.idx.msk [tilespmem:v21+s2+$0x0], $0xffff  }
0x94: {  	[tilespmem:s24+$0xFFFFFFF0] =	vst v7;
	v5 =	vand.u32 $0xFFFF, v41;
	v32 =	vmul.f32 v49, v12;
	v15 =	vld.idx.msk [tilespmem:v15+s2+$0x0], $0xffff;
	v7 =	vmul.f32 v20, v37  }
0x95: {  	v63 =	vsub.f32 $1.000000000e+00, v20;
	v50 =	vmul.f32 v9, v49;
	v35 =	vmul.f32 v9, v26  }
0x96: {  	v27 =	vxor.u32 v29, v27;
	v30 =	vld.idx.msk [tilespmem:v30+s2+$0x0], $0xffff;
	v26 =	vmul.f32 v12, v26;
	v39 =	vmul.f32 v9, v28  }
0x97: {  	v22 =	vld.idx.msk [tilespmem:v22+s2+$0x0], $0xffff;
	v28 =	vmul.f32 v28, v12;
	v10 =	vmul.f32 v9, v19;
	v51 =	vand.u32 $0xFFFF0000, v23  }
0x98: {  	v8 =	vld.idx.msk [tilespmem:v8+s2+$0x0], $0xffff;
	v23 =	vshll.u32 v23, $0x10;
	v34 =	vmul.f32 v51, v50;
	v52 =	vand.u32 $0xFFFF0000, v31  }
0x99: {  	v53 =	vand.u32 $0xFFFF0000, v21;
	v56 =	vand.u32 $0xFFFF0000, v15;
	v23 =	vmul.f32 v23, v50  }
0x9a: {  	v31 =	vshll.u32 v31, $0x10;
	v21 =	vshll.u32 v21, $0x10;
	v15 =	vshll.u32 v15, $0x10  }
0x9b: {  	v25 =	vmul.f32 v52, v32;
	v54 =	vmul.f32 v53, v35;
	v34 =	vadd.f32 $0.0e+00, v34  }
0x9c: {  	v57 =	vmul.f32 v56, v26;
	v40 =	vand.u32 $0xFFFF0000, v30;
	v60 =	vand.u32 $0xFFFF0000, v22  }
0x9d: {  	v9 =	vand.u32 $0xFFFF0000, v8;
	v31 =	vmul.f32 v31, v32;
	v25 =	vadd.f32 v34, v25  }
0x9e: {  	v6 =	vld.idx.msk [tilespmem:v11+s2+$0x0], $0xffff;
	v53 =	vxor.u32 v36, v27;
	v21 =	vmul.f32 v21, v35;
	v34 =	vadd.s32 $0x30025795, v36  }
0x9f: {  	v15 =	vmul.f32 v15, v26;
	v38 =	vxor.u32 v58, v34;
	v25 =	vadd.f32 v25, v54  }
0xa0: {  	[tilespmem:s24+$0xFFFFF800] =	vst v13;
	v13 =	vshll.u32 v22, $0x10;
	v59 =	vmul.f32 v40, v39;
	v38 =	vand.u32 $0xFFFF, v38  }
0xa1: {  	v61 =	vmul.f32 v60, v28;
	v23 =	vadd.f32 $0.0e+00, v23;
	v25 =	vadd.f32 v25, v57  }
0xa2: {  	v62 =	vmul.f32 v9, v10;
	v9 =	vmul.f32 v12, v19;
	v19 =	vsub.f32 $1.000000000e+00, v37  }
0xa3: {  	v12 =	vand.u32 $0xFFFF0000, v6;
	v23 =	vadd.f32 v23, v31;
	v11 =	vadd.f32 v25, v59  }
0xa4: {  	v46 =	vmul.f32 v12, v9;
	v43 =	vmul.f32 v63, v19;
	v50 =	vxor.u32 v34, v42  }
0xa5: {  	v21 =	vadd.f32 v23, v21;
	v47 =	vld.idx.msk [tilespmem:v38+s2+$0x0], $0xffff;
	v38 =	vand.u32 $0xFFFF, v50;
	v25 =	vadd.f32 v11, v61  }
0xa6: {  	v11 =	vsub.f32 v17, v24;
	v17 =	vld.idx.msk [tilespmem:v5+s2+$0x0], $0xffff;
	v5 =	vmul.f32 v18, v16;
	v18 =	vxor.u32 v36, v42  }
0xa7: {  	v19 =	vmul.f32 v20, v19;
	v27 =	vxor.u32 v27, v34;
	v18 =	vand.u32 $0xFFFF, v18  }
0xa8: {  	v58 =	vmul.f32 v63, v37;
	v27 =	vand.u32 $0xFFFF, v27;
	v21 =	vadd.f32 v21, v15  }
0xa9: {  	v24 =	vxor.u32 v29, v45;
	v29 =	vand.u32 $0xFFFF, v53;
	v61 =	vshll.u32 v30, $0x10  }
0xaa: {  	v36 =	vxor.u32 v36, v24;
	v25 =	vadd.f32 v25, v62;
	v12 =	vsub.f32 $1.000000000e+00, v11  }
0xab: {  	v24 =	vxor.u32 v34, v24;
	v51 =	vmul.f32 v43, v11;
	v36 =	vand.u32 $0xFFFF, v36;
	v55 =	vld.idx.msk [tilespmem:v38+s2+$0x0], $0xffff  }
0xac: {  	v24 =	vand.u32 $0xFFFF, v24;
	v16 =	vadd.f32 v25, v46;
	v48 =	vmul.f32 v12, v43;
	v18 =	vld.idx.msk [tilespmem:v18+s2+$0x0], $0xffff  }
0xad: {  	v52 =	vshll.u32 v47, $0x10;
	v54 =	vmul.f32 v12, v19;
	v49 =	vshll.u32 v17, $0x10  }
0xae: {  	v19 =	vmul.f32 v11, v19;
	v17 =	vand.u32 $0xFFFF0000, v17;
	v33 =	vmul.f32 v49, v48  }
0xaf: {  	v25 =	vand.u32 $0xFFFF0000, v47;
	v62 =	vmul.f32 v12, v58;
	v29 =	vld.idx.msk [tilespmem:v29+s2+$0x0], $0xffff;
	v17 =	vmul.f32 v17, v48  }
0xb0: {  	v32 =	vmul.f32 v52, v51;
	v25 =	vmul.f32 v25, v51;
	v33 =	vadd.f32 $0.0e+00, v33  }
0xb1: {  	v60 =	vld.idx.msk [tilespmem:v27+s2+$0x0], $0xffff;
	v17 =	vadd.f32 $0.0e+00, v17;
	v59 =	vshll.u32 v55, $0x10;
	v56 =	vshll.u32 v18, $0x10  }
0xb2: {  	v32 =	vadd.f32 v33, v32;
	v18 =	vand.u32 $0xFFFF0000, v18;
	v57 =	vmul.f32 v56, v54  }
0xb3: {  	v35 =	vand.u32 $0xFFFF0000, v55;
	v17 =	vadd.f32 v17, v25;
	v18 =	vmul.f32 v18, v54  }
0xb4: {  	v63 =	vshll.u32 v29, $0x10;
	v29 =	vand.u32 $0xFFFF0000, v29;
	v23 =	vadd.f32 v32, v57  }
0xb5: {  	v17 =	vadd.f32 v17, v18;
	v18 =	vmul.f32 v59, v19;
	v19 =	vmul.f32 v35, v19  }
0xb6: {  	v26 =	vmul.f32 v61, v39;
	v20 =	vshll.u32 v60, $0x10;
	v15 =	vld.idx.msk [tilespmem:v36+s2+$0x0], $0xffff;
	v27 =	vmul.f32 v29, v62  }
0xb7: {  	s25 =	simm.s32 $0x12030;
	[tilespmem:s24+$0xFFFFF7F0] =	vst v14;
	v23 =	vadd.f32 v23, v18;
	v14 =	vadd.f32 v17, v19;
	v17 =	vmul.f32 v63, v62  }
0xb8: {  	[tilespmem:s25+$0xFFFFFFF0] =	vst v16;
	v16 =	vadd.f32 v21, v26;
	v21 =	vand.u32 $0xFFFF0000, v60;
	v19 =	vmul.f32 v58, v11  }
0xb9: {  	v18 =	vmul.f32 v13, v28;
	v13 =	vld.idx.msk [tilespmem:v24+s2+$0x0], $0xffff;
	v17 =	vadd.f32 v23, v17;
	v14 =	vadd.f32 v14, v27  }
.LBB2_3:
0xba: {  	s22 =	sadd.s32 $0x20, s22;
	v8 =	vshll.u32 v8, $0x10;
	v20 =	vmul.f32 v20, v19;
	v19 =	vmul.f32 v21, v19;
	s23 =	sadd.s32 $0x20, s23  }
0xbb: {  	v12 =	vmul.f32 v12, v7;
	v22 =	vshll.u32 v15, $0x10;
	v15 =	vand.u32 $0xFFFF0000, v15;
	v21 =	vld [tilespmem:s23+$0xFFFFFFF0];
	s26 =	sand.u32 $0x7E0, s22;
	p0 =	slt.u32 s22, $0x7E0  }
0xbc: {  	v16 =	vadd.f32 v16, v18;
	v8 =	vmul.f32 v8, v10;
	v23 =	vld [tilespmem:s26+$0x11000];
	v10 =	vadd.f32 v17, v20  }
0xbd: {  	v14 =	vadd.f32 v14, v19;
	v18 =	vmul.f32 v22, v12;
	v12 =	vmul.f32 v15, v12;
	v17 =	vld [tilespmem:s23+$0xFFFFF7F0]  }
0xbe: {  	v6 =	vshll.u32 v6, $0x10;
	v7 =	vmul.f32 v11, v7;
	v8 =	vadd.f32 v16, v8;
	v15 =	vld [tilespmem:s23+$0x0]  }
0xbf: {  	v10 =	vadd.f32 v10, v18;
	v16 =	vshll.u32 v13, $0x10;
	v13 =	vand.u32 $0xFFFF0000, v13;
	v11 =	vld [tilespmem:s23+$0x800]  }
0xc0: {  	v6 =	vmul.f32 v6, v9;
	v9 =	vadd.f32 v14, v12;
	v18 =	vmul.f32 v21, v3;
	v19 =	vld [tilespmem:s23+$0xFFFFF800]  }
0xc1: {  	v5 =	vadd.f32 v4, v5;
	v14 =	vmul.f32 v16, v7;
	v12 =	vmul.f32 v23, v3  }
0xc2: {  	v6 =	vadd.f32 v8, v6;
	v4 =	vmovc v9;
	v16 =	vmul.f32 v17, v3;
	v17 =	vtrunc.f32 v18  }
0xc3: {  	v10 =	vadd.f32 v10, v14;
	v8 =	vcvt.f32.s32 v17;
	v9 =	vtrunc.f32 v12;
	[tilespmem:s24+$0x0] =	vst v5;
	s24 =	smov.u32 s25  }
0xc4: {  	v5 =	vtrunc.f32 v16;
	v9 =	vcvt.f32.s32 v9;
	[tilespmem:s25+$0xFFFFF7F0] =	vst v6  }
0xc5: {  	v20 =	vmul.f32 v15, v3;
	v6 =	vcvt.f32.s32 v5;
	v14 =	vmul.u32 $0x9E3779B1, v8;
	[tilespmem:s25+$0xFFFFF800] =	vst v10  }
0xc6: {  	v11 =	vmul.f32 v11, v3;
	v17 =	vmul.f32 v19, v3;
	v10 =	vmul.u32 $0x30025795, v9  }
0xc7: {  	v19 =	vtrunc.f32 v20;
	v5 =	vmul.f32 v13, v7;
	v15 =	vxor.u32 v6, v14  }
0xc8: {  	v19 =	vcvt.f32.s32 v19;
	v13 =	vtrunc.f32 v11;
	v7 =	vxor.u32 v10, v15  }
0xc9: {  	v22 =	vtrunc.f32 v17;
	v21 =	vadd.s32 $0x30025795, v10;
	v7 =	vand.u32 $0xFFFF, v7  }
0xca: {  	v23 =	vcvt.s32.f32 v6;
	v24 =	vadd.s32 $0x9E3779B1, v14;
	v15 =	vxor.u32 v15, v21  }
0xcb: {  	v8 =	vcvt.s32.f32 v8;
	v25 =	vxor.u32 v6, v24;
	v15 =	vand.u32 $0xFFFF, v15  }
0xcc: {  	v9 =	vcvt.s32.f32 v9;
	v6 =	vadd.s32 $0x1, v6;
	v26 =	vxor.u32 v10, v25  }
0xcd: {  	v18 =	vsub.f32 v18, v8;
	v23 =	vsub.f32 v16, v23;
	v8 =	vand.u32 $0xFFFF, v26  }
0xce: {  	v9 =	vsub.f32 v12, v9;
	v12 =	vxor.u32 v6, v14;
	v26 =	vld.idx.msk [tilespmem:v7+s2+$0x0], $0xffff;
	v7 =	vxor.u32 v21, v25  }
0xcf: {  	v16 =	vsub.f32 $1.000000000e+00, v18;
	v14 =	vsub.f32 $1.000000000e+00, v23;
	v7 =	vand.u32 $0xFFFF, v7  }
0xd0: {  	v27 =	vcvt.f32.s32 v13;
	v22 =	vcvt.f32.s32 v22;
	v25 =	vld.idx.msk [tilespmem:v15+s2+$0x0], $0xffff;
	v15 =	vxor.u32 v10, v12  }
0xd1: {  	v28 =	vsub.f32 $1.000000000e+00, v9;
	v13 =	vmul.f32 v16, v14;
	v29 =	vand.u32 $0xFFFF, v15  }
0xd2: {  	v6 =	vxor.u32 v6, v24;
	v24 =	vmul.u32 $0x9E3779B1, v19;
	v30 =	vld.idx.msk [tilespmem:v8+s2+$0x0], $0xffff;
	v8 =	vxor.u32 v12, v21  }
0xd3: {  	v31 =	vmul.f32 v28, v13;
	v12 =	vxor.u32 v21, v6;
	v8 =	vand.u32 $0xFFFF, v8  }
0xd4: {  	v14 =	vmul.f32 v18, v14;
	v6 =	vxor.u32 v10, v6;
	v21 =	vand.u32 $0xFFFF0000, v26;
	v15 =	vld.idx.msk [tilespmem:v7+s2+$0x0], $0xffff  }
0xd5: {  	v6 =	vand.u32 $0xFFFF, v6;
	v7 =	vmul.f32 v21, v31;
	v21 =	vmul.f32 v13, v9  }
0xd6: {  	v12 =	vand.u32 $0xFFFF, v12;
	v10 =	vand.u32 $0xFFFF0000, v25;
	v13 =	vld.idx.msk [tilespmem:v29+s2+$0x0], $0xffff;
	v29 =	vmul.u32 $0x30025795, v27  }
0xd7: {  	v33 =	vmul.f32 v28, v14;
	v32 =	vadd.f32 $0.0e+00, v7;
	v10 =	vmul.f32 v10, v21  }
0xd8: {  	v36 =	vcvt.s32.f32 v22;
	v35 =	vmul.f32 v16, v23;
	v34 =	vand.u32 $0xFFFF0000, v30;
	v7 =	vld.idx.msk [tilespmem:v8+s2+$0x0], $0xffff  }
0xd9: {  	v10 =	vadd.f32 v32, v10;
	v16 =	vmul.f32 v34, v33;
	v32 =	vmul.f32 v9, v14  }
0xda: {  	v19 =	vcvt.s32.f32 v19;
	v34 =	vxor.u32 v22, v24;
	v14 =	vand.u32 $0xFFFF0000, v15;
	v8 =	vld.idx.msk [tilespmem:v6+s2+$0x0], $0xffff  }
0xdb: {  	v10 =	vadd.f32 v10, v16;
	v14 =	vmul.f32 v14, v32;
	v16 =	vmul.f32 v28, v35  }
0xdc: {  	v23 =	vmul.f32 v18, v23;
	v37 =	vand.u32 $0xFFFF0000, v13;
	v6 =	vld.idx.msk [tilespmem:v12+s2+$0x0], $0xffff;
	v12 =	vxor.u32 v29, v34  }
0xdd: {  	v10 =	vadd.f32 v10, v14;
	v37 =	vmul.f32 v37, v16;
	v14 =	vmul.f32 v35, v9  }
0xde: {  	v17 =	vsub.f32 v17, v36;
	v18 =	vsub.f32 v20, v19;
	v35 =	vand.u32 $0xFFFF0000, v7  }
0xdf: {  	v19 =	vadd.f32 v10, v37;
	v20 =	vmul.f32 v35, v14;
	v10 =	vmul.f32 v28, v23  }
0xe0: {  	v27 =	vcvt.s32.f32 v27;
	v12 =	vand.u32 $0xFFFF, v12;
	v28 =	vand.u32 $0xFFFF0000, v8  }
0xe1: {  	v9 =	vmul.f32 v9, v23;
	v19 =	vadd.f32 v19, v20;
	v20 =	vmul.f32 v28, v10  }
0xe2: {  	v35 =	vadd.s32 $0x30025795, v29;
	v28 =	vadd.s32 $0x9E3779B1, v24;
	v23 =	vand.u32 $0xFFFF0000, v6  }
0xe3: {  	v19 =	vadd.f32 v19, v20;
	v20 =	vmul.f32 v23, v9;
	v23 =	vxor.u32 v34, v35  }
0xe4: {  	v36 =	vsub.f32 $1.000000000e+00, v18;
	v34 =	vsub.f32 $1.000000000e+00, v17;
	v23 =	vand.u32 $0xFFFF, v23  }
0xe5: {  	v11 =	vsub.f32 v11, v27;
	v19 =	vadd.f32 v19, v20;
	v20 =	vld.idx.msk [tilespmem:v12+s2+$0x0], $0xffff;
	v12 =	vxor.u32 v22, v28  }
0xe6: {  	s25 =	sadd.s32 $0x20, s25;
	v27 =	vmul.f32 v36, v34;
	v37 =	vxor.u32 v29, v12;
	v38 =	vxor.u32 v35, v12  }
0xe7: {  	v12 =	vsub.f32 $1.000000000e+00, v11;
	[tilespmem:s25+$0xFFFFFFF0] =	vst v19;
	v19 =	vadd.s32 $0x1, v22;
	v22 =	vand.u32 $0xFFFF, v37  }
0xe8: {  	v26 =	vshll.u32 v26, $0x10;
	v37 =	vand.u32 $0xFFFF, v38;
	v24 =	vxor.u32 v19, v24  }
0xe9: {  	v26 =	vmul.f32 v26, v31;
	v31 =	vmul.f32 v12, v27;
	v23 =	vld.idx.msk [tilespmem:v23+s2+$0x0], $0xffff;
	v38 =	vxor.u32 v29, v24  }
0xea: {  	v25 =	vshll.u32 v25, $0x10;
	v34 =	vmul.f32 v18, v34;
	v27 =	vmul.f32 v27, v11  }
0xeb: {  	v39 =	vshll.u32 v20, $0x10;
	v20 =	vand.u32 $0xFFFF0000, v20;
	v38 =	vand.u32 $0xFFFF, v38  }
0xec: {  	v26 =	vadd.f32 $0.0e+00, v26;
	v39 =	vmul.f32 v39, v31;
	v20 =	vmul.f32 v20, v31;
	v22 =	vld.idx.msk [tilespmem:v22+s2+$0x0], $0xffff  }
0xed: {  	v21 =	vmul.f32 v25, v21;
	v25 =	vmul.f32 v12, v34;
	v24 =	vxor.u32 v24, v35;
	v31 =	vld.idx.msk [tilespmem:v37+s2+$0x0], $0xffff  }
0xee: {  	v30 =	vshll.u32 v30, $0x10;
	v37 =	vadd.f32 $0.0e+00, v39;
	v20 =	vadd.f32 $0.0e+00, v20  }
0xef: {  	v24 =	vand.u32 $0xFFFF, v24;
	v39 =	vshll.u32 v23, $0x10;
	v23 =	vand.u32 $0xFFFF0000, v23  }
0xf0: {  	v19 =	vxor.u32 v19, v28;
	v39 =	vmul.f32 v39, v27;
	v23 =	vmul.f32 v23, v27;
	v27 =	vld.idx.msk [tilespmem:v38+s2+$0x0], $0xffff  }
0xf1: {  	v21 =	vadd.f32 v26, v21;
	v26 =	vmul.f32 v30, v33;
	v28 =	vxor.u32 v29, v19  }
0xf2: {  	v29 =	vadd.f32 v37, v39;
	v30 =	vshll.u32 v22, $0x10;
	v22 =	vand.u32 $0xFFFF0000, v22  }
0xf3: {  	v20 =	vadd.f32 v20, v23;
	v23 =	vmul.f32 v30, v25;
	v22 =	vmul.f32 v22, v25  }
0xf4: {  	v15 =	vshll.u32 v15, $0x10;
	v25 =	vmul.f32 v11, v34;
	v30 =	vmul.f32 v36, v17;
	v24 =	vld.idx.msk [tilespmem:v24+s2+$0x0], $0xffff  }
0xf5: {  	v28 =	vand.u32 $0xFFFF, v28;
	v33 =	vshll.u32 v31, $0x10;
	v31 =	vand.u32 $0xFFFF0000, v31  }
0xf6: {  	v21 =	vadd.f32 v21, v26;
	v15 =	vmul.f32 v15, v32;
	v23 =	vadd.f32 v29, v23  }
0xf7: {  	v20 =	vadd.f32 v20, v22;
	v22 =	vmul.f32 v33, v25;
	v25 =	vmul.f32 v31, v25  }
0xf8: {  	v13 =	vshll.u32 v13, $0x10;
	v19 =	vxor.u32 v35, v19;
	v26 =	vmul.f32 v12, v30  }
0xf9: {  	v31 =	vand.u32 $0xFFFF, v19;
	v29 =	vshll.u32 v27, $0x10;
	v27 =	vand.u32 $0xFFFF0000, v27  }
.Ltmp0:
0xfa: {  	v21 =	vadd.f32 v21, v15;
	v13 =	vmul.f32 v13, v16;
	v22 =	vadd.f32 v23, v22;
	v15 =	vld.idx.msk [tilespmem:v28+s2+$0x0], $0xffff;
	(pc) =	sbr.rel @p0 .LBB2_3-.Ltmp0, $4  }
0xfb: {  	v23 =	vadd.f32 v20, v25;
	v25 =	vmul.f32 v29, v26;
	v26 =	vmul.f32 v27, v26  }
0xfc: {  	v19 =	vmul.f32 v30, v11;
	v27 =	vshll.u32 v7, $0x10;
	v7 =	vmul.f32 v18, v17  }
0xfd: {  	v16 =	vadd.f32 v21, v13;
	v20 =	vshll.u32 v24, $0x10;
	v21 =	vand.u32 $0xFFFF0000, v24  }
0xfe: {  	v18 =	vmul.f32 v27, v14;
	v17 =	vadd.f32 v22, v25;
	v14 =	vadd.f32 v23, v26;
	v13 =	vld.idx.msk [tilespmem:v31+s2+$0x0], $0xffff  }
0xff: {  	v8 =	vshll.u32 v8, $0x10;
	v20 =	vmul.f32 v20, v19;
	v56 =	vmul.f32 v21, v19  }
0x100: {  	v12 =	vmul.f32 v12, v7;
	v57 =	vshll.u32 v15, $0x10;
	v58 =	vand.u32 $0xFFFF0000, v15  }
0x101: {  	v6 =	vshll.u32 v6, $0x10;
	v61 =	vmul.f32 v11, v7;
	v4 =	vadd.f32 v4, v5  }
0x102: {  	v16 =	vadd.f32 v16, v18;
	v8 =	vmul.f32 v8, v10;
	v6 =	vmul.f32 v6, v9  }
0x103: {  	v59 =	vadd.f32 v17, v20;
	v14 =	vadd.f32 v14, v56;
	v60 =	vmul.f32 v57, v12  }
0x104: {  	v12 =	vmul.f32 v58, v12;
	v8 =	vadd.f32 v16, v8;
	v62 =	vshll.u32 v13, $0x10  }
0x105: {  	v10 =	vadd.f32 v59, v60;
	v63 =	vand.u32 $0xFFFF0000, v13;
	v11 =	vmul.f32 v62, v61  }
0x106: {  	s22 =	smul.u32 $0xC0, s21;
	v5 =	vadd.f32 v14, v12;
	v6 =	vadd.f32 v8, v6;
	v7 =	vmul.f32 v63, v61  }
0x107: {  	[tilespmem:s24+$0x0] =	vst v4;
	v4 =	vadd.f32 v10, v11  }
0x108: {  	s21 =	sadd.s32 $0x1, s21;
	s22 =	sadd.s32 s9, s22;
	[tilespmem:s25+$0xFFFFF7F0] =	vst v6;
	v5 =	vadd.f32 v5, v7  }
0x109: {  	p0 =	sne.s32 s21, $0xB;
	s22 =	sshll.u32 s22, $0x8;
	[tilespmem:s25+$0xFFFFF800] =	vst v4  }
.Ltmp1:
0x10a: {  	s22 =	sadd.s32 s8, s22;
	[tilespmem:s25+$0x0] =	vst v5;
	(pc) =	sbr.rel @p0 .LBB2_2-.Ltmp1, $4  }
0x10b: {  	[hbm4b:s22+s2] =	stream.linear.scatter [tilespmem:s19], [sflag:$0x1], $0x1000, $0x38;
	[tilespmem:$0x12880] =	vst v63  }
0x10c: {  	_ =	swait.ge [sflag:s17], $0x1000  }
0x10d: {  	[sflag:s17] =	ssyncset.done $0x0  }
0x10e: {  	[sflag:s17] =	ssyncadd.s32 $0xFFFFF000  }
0x10f: {  	s21 =	simm.s32 $0x0  }
0x110: {  	[tilespmem:s21], [sflag:$0x1] =	stream.linear.gather [hbm4b:s5+s21], $0x10000, $0x38;
	[tilespmem:$0x12880] =	vst v63  }
0x111: {  	_ =	swait.ge [sflag:s17], $0x10000  }
0x112: {  	[sflag:s17] =	ssyncset.done $0x0  }
0x113: {  	[sflag:s17] =	ssyncadd.s32 $0xFFFF0000  }
0x114: {  	v3 =	vld.idx.msk [tilespmem:v1+s16+$0x0], $0xffff  }
.LBB2_6:
0x115: {  	s22 =	sadd.s32 s11, s21  }
0x116: {  	s22 =	smul.u32 $0x1800, s22;
	_ =	sdelay $0x1  }
0x117: {  	s22 =	sshrl.u32 s22, $0x3  }
0x118: {  	s22 =	sadd.s32 s3, s22  }
0x119: {  	[tilespmem:s18], [sflag:$0x1] =	stream.linear.gather [hbm4b:s22+s2], $0x1800, $0x38;
	[tilespmem:$0x12880] =	vst v63  }
0x11a: {  	_ =	swait.ge [sflag:s17], $0x1800  }
0x11b: {  	[sflag:s17] =	ssyncset.done $0x0  }
0x11c: {  	s31 =	simm.s32 $0x10810;
	s23 =	simm.s32 $0x0;
	[sflag:s17] =	ssyncadd.s32 $0xFFFFE800  }
0x11d: {  	s23 =	sand.u32 $0x7E0, s23;
	v4 =	vld [tilespmem:s31+$0xFFFFFFF0]  }
0x11e: {  	v5 =	vld [tilespmem:s23+$0x11000]  }
0x11f: {  	v6 =	vld [tilespmem:s31+$0xFFFFF7F0]  }
0x120: {  	v7 =	vld [tilespmem:s31+$0x0]  }
0x121: {  	v8 =	vld [tilespmem:s31+$0x800]  }
0x122: {  	v10 =	vld [tilespmem:s31+$0xFFFFF800];
	_ =	sdelay $0x2  }
0x123: {  	v4 =	vmul.f32 v4, v3;
	v5 =	vmul.f32 v5, v3  }
0x124: {  	v6 =	vmul.f32 v6, v3;
	v7 =	vmul.f32 v7, v3  }
0x125: {  	v8 =	vmul.f32 v8, v3;
	v10 =	vmul.f32 v10, v3  }
0x126: {  	v9 =	vtrunc.f32 v4;
	v11 =	vtrunc.f32 v5  }
0x127: {  	v12 =	vtrunc.f32 v6;
	v16 =	vtrunc.f32 v7  }
0x128: {  	v18 =	vtrunc.f32 v8;
	v9 =	vcvt.f32.s32 v9  }
0x129: {  	v11 =	vcvt.f32.s32 v11;
	v12 =	vcvt.f32.s32 v12  }
0x12a: {  	v16 =	vcvt.f32.s32 v16;
	v18 =	vcvt.f32.s32 v18  }
0x12b: {  	v13 =	vmul.u32 $0x9E3779B1, v9;
	v14 =	vmul.u32 $0x30025795, v11;
	v20 =	vcvt.s32.f32 v12  }
0x12c: {  	v9 =	vcvt.s32.f32 v9;
	v11 =	vcvt.s32.f32 v11  }
0x12d: {  	v46 =	vmul.u32 $0x30025795, v18;
	v15 =	vxor.u32 v12, v13;
	v19 =	vadd.s32 $0x30025795, v14  }
0x12e: {  	v21 =	vadd.s32 $0x9E3779B1, v13;
	v6 =	vsub.f32 v6, v20;
	v4 =	vsub.f32 v4, v9  }
0x12f: {  	v5 =	vsub.f32 v5, v11;
	v17 =	vxor.u32 v14, v15;
	v15 =	vxor.u32 v15, v19  }
0x130: {  	v22 =	vxor.u32 v12, v21;
	v12 =	vadd.s32 $0x1, v12;
	v17 =	vand.u32 $0xFFFF, v17  }
0x131: {  	v15 =	vand.u32 $0xFFFF, v15;
	v23 =	vxor.u32 v14, v22;
	v11 =	vxor.u32 v19, v22  }
0x132: {  	v13 =	vxor.u32 v12, v13;
	v20 =	vsub.f32 $1.000000000e+00, v6;
	v22 =	vsub.f32 $1.000000000e+00, v4  }
0x133: {  	v25 =	vsub.f32 $1.000000000e+00, v5;
	v12 =	vxor.u32 v12, v21;
	v21 =	vmul.u32 $0x9E3779B1, v16  }
0x134: {  	v16 =	vcvt.s32.f32 v16;
	v9 =	vand.u32 $0xFFFF, v23;
	v23 =	vtrunc.f32 v10  }
0x135: {  	v11 =	vand.u32 $0xFFFF, v11;
	v24 =	vxor.u32 v14, v13;
	v13 =	vxor.u32 v13, v19  }
0x136: {  	v14 =	vxor.u32 v14, v12;
	v12 =	vxor.u32 v19, v12;
	v23 =	vcvt.f32.s32 v23  }
0x137: {  	v26 =	vmul.f32 v22, v20;
	v24 =	vand.u32 $0xFFFF, v24;
	v20 =	vmul.f32 v4, v20  }
0x138: {  	v13 =	vand.u32 $0xFFFF, v13;
	v22 =	vmul.f32 v22, v6;
	v6 =	vmul.f32 v4, v6  }
0x139: {  	v14 =	vand.u32 $0xFFFF, v14;
	v27 =	vmul.f32 v25, v26;
	v26 =	vmul.f32 v26, v5  }
0x13a: {  	v12 =	vand.u32 $0xFFFF, v12;
	v29 =	vmul.f32 v25, v20;
	v20 =	vmul.f32 v5, v20;
	v17 =	vld.idx.msk [tilespmem:v17+s2+$0x0], $0xffff  }
0x13b: {  	v54 =	vadd.s32 $0x9E3779B1, v21;
	v31 =	vcvt.s32.f32 v23;
	v48 =	vmul.f32 v25, v22  }
0x13c: {  	v33 =	vxor.u32 v23, v21;
	v22 =	vmul.f32 v22, v5;
	v25 =	vmul.f32 v25, v6;
	v15 =	vld.idx.msk [tilespmem:v15+s2+$0x0], $0xffff  }
0x13d: {  	v5 =	vmul.f32 v5, v6;
	v6 =	vsub.f32 v7, v16;
	v16 =	vcvt.s32.f32 v18  }
0x13e: {  	v18 =	vadd.s32 $0x30025795, v46;
	v49 =	vxor.u32 v46, v33;
	v9 =	vld.idx.msk [tilespmem:v9+s2+$0x0], $0xffff;
	v10 =	vsub.f32 v10, v31  }
0x13f: {  	v53 =	vsub.f32 $1.000000000e+00, v6;
	v8 =	vsub.f32 v8, v16;
	v28 =	vand.u32 $0xFFFF0000, v17  }
0x140: {  	v11 =	vld.idx.msk [tilespmem:v11+s2+$0x0], $0xffff;
	v16 =	vxor.u32 v23, v54;
	v23 =	vadd.s32 $0x1, v23;
	v28 =	vmul.f32 v28, v27  }
0x141: {  	v35 =	vxor.u32 v46, v16;
	v16 =	vxor.u32 v18, v16;
	v19 =	vand.u32 $0xFFFF0000, v15  }
0x142: {  	v24 =	vld.idx.msk [tilespmem:v24+s2+$0x0], $0xffff;
	v21 =	vxor.u32 v23, v21;
	v19 =	vmul.f32 v19, v26;
	v28 =	vadd.f32 $0.0e+00, v28  }
0x143: {  	v23 =	vxor.u32 v23, v54;
	v52 =	vsub.f32 $1.000000000e+00, v10;
	v30 =	vand.u32 $0xFFFF0000, v9  }
0x144: {  	v13 =	vld.idx.msk [tilespmem:v13+s2+$0x0], $0xffff;
	v36 =	vsub.f32 $1.000000000e+00, v8;
	v45 =	vmul.f32 v30, v29;
	v19 =	vadd.f32 v28, v19  }
0x145: {  	v35 =	vand.u32 $0xFFFF, v35;
	v16 =	vand.u32 $0xFFFF, v16;
	v32 =	vand.u32 $0xFFFF0000, v11  }
0x146: {  	v14 =	vld.idx.msk [tilespmem:v14+s2+$0x0], $0xffff;
	v37 =	vxor.u32 v46, v21;
	v47 =	vmul.f32 v32, v20;
	v19 =	vadd.f32 v19, v45  }
0x147: {  	v21 =	vxor.u32 v21, v18;
	v37 =	vand.u32 $0xFFFF, v37;
	v34 =	vand.u32 $0xFFFF0000, v24  }
0x148: {  	v4 =	vld.idx.msk [tilespmem:v12+s2+$0x0], $0xffff;
	v21 =	vand.u32 $0xFFFF, v21;
	v12 =	vadd.f32 v19, v47;
	v19 =	vmul.f32 v34, v48  }
0x149: {  	v55 =	vmul.f32 v53, v52;
	v17 =	vshll.u32 v17, $0x10;
	v50 =	vand.u32 $0xFFFF0000, v13  }
0x14a: {  	v15 =	vshll.u32 v15, $0x10;
	v12 =	vadd.f32 v12, v19;
	v19 =	vmul.f32 v50, v22  }
0x14b: {  	v31 =	vmul.f32 v6, v52;
	v6 =	vmul.f32 v6, v10;
	v51 =	vand.u32 $0xFFFF0000, v14  }
0x14c: {  	v28 =	vand.u32 $0xFFFF, v49;
	v12 =	vadd.f32 v12, v19;
	v19 =	vmul.f32 v51, v25  }
0x14d: {  	v17 =	vmul.f32 v17, v27;
	v15 =	vmul.f32 v15, v26;
	v9 =	vshll.u32 v9, $0x10  }
0x14e: {  	v7 =	vand.u32 $0xFFFF0000, v4;
	v12 =	vadd.f32 v12, v19;
	v19 =	vxor.u32 v33, v18  }
0x14f: {  	v56 =	vmul.f32 v36, v55;
	v7 =	vmul.f32 v7, v5;
	v57 =	vld.idx.msk [tilespmem:v35+s2+$0x0], $0xffff;
	v19 =	vand.u32 $0xFFFF, v19  }
0x150: {  	v11 =	vshll.u32 v11, $0x10;
	v58 =	vmul.f32 v36, v31;
	v9 =	vmul.f32 v9, v29;
	v16 =	vld.idx.msk [tilespmem:v16+s2+$0x0], $0xffff  }
0x151: {  	v11 =	vmul.f32 v11, v20;
	v17 =	vadd.f32 $0.0e+00, v17;
	v7 =	vadd.f32 v12, v7;
	v12 =	vld.idx.msk [tilespmem:v28+s2+$0x0], $0xffff  }
0x152: {  	v13 =	vshll.u32 v13, $0x10;
	v14 =	vshll.u32 v14, $0x10;
	v4 =	vshll.u32 v4, $0x10  }
0x153: {  	v35 =	vmul.f32 v53, v10;
	v20 =	vld.idx.msk [tilespmem:v21+s2+$0x0], $0xffff;
	v15 =	vadd.f32 v17, v15;
	v17 =	vxor.u32 v46, v23  }
0x154: {  	v13 =	vmul.f32 v13, v22;
	v21 =	vshll.u32 v24, $0x10;
	v17 =	vand.u32 $0xFFFF, v17;
	v19 =	vld.idx.msk [tilespmem:v19+s2+$0x0], $0xffff  }
0x155: {  	v9 =	vadd.f32 v15, v9;
	v62 =	vshll.u32 v57, $0x10;
	v26 =	vand.u32 $0xFFFF0000, v57  }
0x156: {  	v63 =	vld.idx.msk [tilespmem:v37+s2+$0x0], $0xffff;
	v37 =	vshll.u32 v16, $0x10;
	v26 =	vmul.f32 v26, v58;
	v38 =	vshll.u32 v12, $0x10  }
0x157: {  	v34 =	vmul.f32 v8, v31;
	v12 =	vand.u32 $0xFFFF0000, v12;
	v38 =	vmul.f32 v38, v56  }
0x158: {  	v16 =	vand.u32 $0xFFFF0000, v16;
	v28 =	vmul.f32 v55, v8;
	v12 =	vmul.f32 v12, v56  }
0x159: {  	v59 =	vadd.f32 $0.0e+00, v38;
	v60 =	vshll.u32 v19, $0x10;
	v19 =	vand.u32 $0xFFFF0000, v19  }
0x15a: {  	v12 =	vadd.f32 $0.0e+00, v12;
	v38 =	vmul.f32 v60, v28;
	v19 =	vmul.f32 v19, v28  }
0x15b: {  	v9 =	vadd.f32 v9, v11;
	v11 =	vmul.f32 v21, v48;
	v18 =	vxor.u32 v18, v23  }
0x15c: {  	v61 =	vadd.f32 v59, v38;
	v12 =	vadd.f32 v12, v19;
	v19 =	vmul.f32 v62, v58  }
0x15d: {  	v16 =	vmul.f32 v16, v34;
	v23 =	vmul.f32 v36, v35;
	v18 =	vand.u32 $0xFFFF, v18  }
0x15e: {  	v15 =	vadd.f32 v61, v19;
	v12 =	vadd.f32 v12, v26;
	v19 =	vmul.f32 v37, v34  }
0x15f: {  	v39 =	vand.u32 $0xFFFF0000, v63;
	v9 =	vadd.f32 v9, v11;
	v38 =	vshll.u32 v63, $0x10  }
0x160: {  	s23 =	simm.s32 $0x10830;
	v15 =	vadd.f32 v15, v19;
	v12 =	vadd.f32 v12, v16;
	v16 =	vld.idx.msk [tilespmem:v17+s2+$0x0], $0xffff;
	v17 =	vmul.f32 v38, v23  }
0x161: {  	v21 =	vmul.f32 v35, v8;
	v9 =	vadd.f32 v9, v13;
	v13 =	vmul.f32 v14, v25;
	v14 =	vld [tilespmem:s23+$0xFFFFF7F0]  }
0x162: {  	s22 =	simm.s32 $0x20;
	v10 =	vshll.u32 v20, $0x10;
	v19 =	vmul.f32 v39, v23;
	v15 =	vadd.f32 v15, v17;
	v17 =	vld [tilespmem:s23+$0xFFFFFFF0]  }
0x163: {  	s24 =	sand.u32 $0x7E0, s22;
	v5 =	vmul.f32 v4, v5;
	v11 =	vand.u32 $0xFFFF0000, v20;
	v10 =	vmul.f32 v10, v21;
	v18 =	vld.idx.msk [tilespmem:v18+s2+$0x0], $0xffff  }
0x164: {  	v20 =	vld [tilespmem:s24+$0x11000];
	v11 =	vmul.f32 v11, v21;
	v12 =	vadd.f32 v12, v19;
	v19 =	vmul.f32 v36, v6  }
0x165: {  	v10 =	vadd.f32 v15, v10;
	v21 =	vshll.u32 v16, $0x10;
	v16 =	vand.u32 $0xFFFF0000, v16  }
0x166: {  	v11 =	vadd.f32 v12, v11;
	v12 =	vmul.f32 v21, v19;
	v15 =	vmul.f32 v16, v19  }
0x167: {  	v16 =	vmul.f32 v8, v6;
	v8 =	vld [tilespmem:s23+$0x0];
	v6 =	vmul.f32 v17, v3  }
0x168: {  	v9 =	vadd.f32 v9, v13;
	v13 =	vshll.u32 v18, $0x10;
	v19 =	vmul.f32 v14, v3;
	v17 =	vld [tilespmem:s23+$0x800]  }
0x169: {  	v10 =	vadd.f32 v10, v12;
	v12 =	vmul.f32 v20, v3;
	v20 =	vld [tilespmem:s23+$0xFFFFF800];
	v4 =	vtrunc.f32 v6  }
0x16a: {  	v18 =	vand.u32 $0xFFFF0000, v18;
	v13 =	vmul.f32 v13, v16;
	v21 =	vcvt.f32.s32 v4  }
0x16b: {  	v14 =	vtrunc.f32 v12;
	v4 =	vadd.f32 v11, v15;
	v11 =	vtrunc.f32 v19  }
0x16c: {  	v13 =	vadd.f32 v10, v13;
	v15 =	vcvt.f32.s32 v14;
	v11 =	vcvt.f32.s32 v11  }
0x16d: {  	v14 =	vadd.f32 v9, v5;
	v5 =	vmul.f32 v8, v3;
	v17 =	vmul.f32 v17, v3  }
0x16e: {  	v22 =	vmul.u32 $0x9E3779B1, v21;
	v21 =	vcvt.s32.f32 v21;
	v10 =	vmul.f32 v20, v3  }
0x16f: {  	v8 =	vmul.u32 $0x30025795, v15;
	v20 =	vtrunc.f32 v5;
	v42 =	vcvt.s32.f32 v11  }
0x170: {  	v15 =	vcvt.s32.f32 v15;
	v9 =	vxor.u32 v11, v22;
	v20 =	vcvt.f32.s32 v20  }
0x171: {  	v40 =	vtrunc.f32 v17;
	v43 =	vadd.s32 $0x9E3779B1, v22;
	v6 =	vsub.f32 v6, v21  }
0x172: {  	v23 =	vxor.u32 v8, v9;
	v41 =	vadd.s32 $0x30025795, v8;
	v44 =	vxor.u32 v11, v43  }
0x173: {  	v11 =	vadd.s32 $0x1, v11;
	v19 =	vsub.f32 v19, v42;
	v12 =	vsub.f32 v12, v15  }
0x174: {  	v47 =	vtrunc.f32 v10;
	v24 =	vcvt.f32.s32 v40;
	v23 =	vand.u32 $0xFFFF, v23  }
0x175: {  	v9 =	vxor.u32 v9, v41;
	v45 =	vxor.u32 v8, v44;
	v15 =	vxor.u32 v41, v44  }
0x176: {  	v22 =	vxor.u32 v11, v22;
	v46 =	vsub.f32 $1.000000000e+00, v6;
	v29 =	vcvt.f32.s32 v47  }
0x177: {  	v11 =	vxor.u32 v11, v43;
	v27 =	vmul.u32 $0x9E3779B1, v20;
	v20 =	vcvt.s32.f32 v20  }
0x178: {  	v9 =	vand.u32 $0xFFFF, v9;
	v21 =	vand.u32 $0xFFFF, v45;
	v26 =	vsub.f32 $1.000000000e+00, v19  }
0x179: {  	v15 =	vand.u32 $0xFFFF, v15;
	v48 =	vxor.u32 v8, v22;
	v22 =	vxor.u32 v22, v41  }
0x17a: {  	v8 =	vxor.u32 v8, v11;
	v11 =	vxor.u32 v41, v11;
	v36 =	vmul.u32 $0x30025795, v24  }
0x17b: {  	v24 =	vcvt.s32.f32 v24;
	v30 =	vand.u32 $0xFFFF, v48;
	v22 =	vand.u32 $0xFFFF, v22  }
0x17c: {  	v8 =	vand.u32 $0xFFFF, v8;
	v11 =	vand.u32 $0xFFFF, v11;
	v28 =	vmul.f32 v46, v19  }
0x17d: {  	v55 =	vcvt.s32.f32 v29;
	v58 =	vxor.u32 v29, v27;
	v19 =	vmul.f32 v6, v19  }
0x17e: {  	v20 =	vsub.f32 v5, v20;
	v45 =	vadd.s32 $0x9E3779B1, v27;
	v49 =	vmul.f32 v46, v26;
	v23 =	vld.idx.msk [tilespmem:v23+s2+$0x0], $0xffff  }
0x17f: {  	v26 =	vmul.f32 v6, v26;
	v41 =	vxor.u32 v36, v58;
	v37 =	vsub.f32 v10, v55;
	v31 =	vld.idx.msk [tilespmem:v9+s2+$0x0], $0xffff  }
0x180: {  	s24 =	simm.s32 $0x12010;
	v42 =	vxor.u32 v29, v45;
	v29 =	vadd.s32 $0x1, v29;
	v9 =	vsub.f32 $1.000000000e+00, v12;
	v21 =	vld.idx.msk [tilespmem:v21+s2+$0x0], $0xffff  }
0x181: {  	[tilespmem:s24+$0xFFFFFFF0] =	vst v7;
	v5 =	vand.u32 $0xFFFF, v41;
	v32 =	vmul.f32 v49, v12;
	v15 =	vld.idx.msk [tilespmem:v15+s2+$0x0], $0xffff;
	v7 =	vmul.f32 v20, v37  }
0x182: {  	v63 =	vsub.f32 $1.000000000e+00, v20;
	v50 =	vmul.f32 v9, v49;
	v35 =	vmul.f32 v9, v26  }
0x183: {  	v27 =	vxor.u32 v29, v27;
	v30 =	vld.idx.msk [tilespmem:v30+s2+$0x0], $0xffff;
	v26 =	vmul.f32 v12, v26;
	v39 =	vmul.f32 v9, v28  }
0x184: {  	v22 =	vld.idx.msk [tilespmem:v22+s2+$0x0], $0xffff;
	v28 =	vmul.f32 v28, v12;
	v10 =	vmul.f32 v9, v19;
	v51 =	vand.u32 $0xFFFF0000, v23  }
0x185: {  	v8 =	vld.idx.msk [tilespmem:v8+s2+$0x0], $0xffff;
	v23 =	vshll.u32 v23, $0x10;
	v34 =	vmul.f32 v51, v50;
	v52 =	vand.u32 $0xFFFF0000, v31  }
0x186: {  	v53 =	vand.u32 $0xFFFF0000, v21;
	v56 =	vand.u32 $0xFFFF0000, v15;
	v23 =	vmul.f32 v23, v50  }
0x187: {  	v31 =	vshll.u32 v31, $0x10;
	v21 =	vshll.u32 v21, $0x10;
	v15 =	vshll.u32 v15, $0x10  }
0x188: {  	v25 =	vmul.f32 v52, v32;
	v54 =	vmul.f32 v53, v35;
	v34 =	vadd.f32 $0.0e+00, v34  }
0x189: {  	v57 =	vmul.f32 v56, v26;
	v40 =	vand.u32 $0xFFFF0000, v30;
	v60 =	vand.u32 $0xFFFF0000, v22  }
0x18a: {  	v9 =	vand.u32 $0xFFFF0000, v8;
	v31 =	vmul.f32 v31, v32;
	v25 =	vadd.f32 v34, v25  }
0x18b: {  	v6 =	vld.idx.msk [tilespmem:v11+s2+$0x0], $0xffff;
	v53 =	vxor.u32 v36, v27;
	v21 =	vmul.f32 v21, v35;
	v34 =	vadd.s32 $0x30025795, v36  }
0x18c: {  	v15 =	vmul.f32 v15, v26;
	v38 =	vxor.u32 v58, v34;
	v25 =	vadd.f32 v25, v54  }
0x18d: {  	[tilespmem:s24+$0xFFFFF800] =	vst v13;
	v13 =	vshll.u32 v22, $0x10;
	v59 =	vmul.f32 v40, v39;
	v38 =	vand.u32 $0xFFFF, v38  }
0x18e: {  	v61 =	vmul.f32 v60, v28;
	v23 =	vadd.f32 $0.0e+00, v23;
	v25 =	vadd.f32 v25, v57  }
0x18f: {  	v62 =	vmul.f32 v9, v10;
	v9 =	vmul.f32 v12, v19;
	v19 =	vsub.f32 $1.000000000e+00, v37  }
0x190: {  	v12 =	vand.u32 $0xFFFF0000, v6;
	v23 =	vadd.f32 v23, v31;
	v11 =	vadd.f32 v25, v59  }
0x191: {  	v46 =	vmul.f32 v12, v9;
	v43 =	vmul.f32 v63, v19;
	v50 =	vxor.u32 v34, v42  }
0x192: {  	v21 =	vadd.f32 v23, v21;
	v47 =	vld.idx.msk [tilespmem:v38+s2+$0x0], $0xffff;
	v38 =	vand.u32 $0xFFFF, v50;
	v25 =	vadd.f32 v11, v61  }
0x193: {  	v11 =	vsub.f32 v17, v24;
	v17 =	vld.idx.msk [tilespmem:v5+s2+$0x0], $0xffff;
	v5 =	vmul.f32 v18, v16;
	v18 =	vxor.u32 v36, v42  }
0x194: {  	v19 =	vmul.f32 v20, v19;
	v27 =	vxor.u32 v27, v34;
	v18 =	vand.u32 $0xFFFF, v18  }
0x195: {  	v58 =	vmul.f32 v63, v37;
	v27 =	vand.u32 $0xFFFF, v27;
	v21 =	vadd.f32 v21, v15  }
0x196: {  	v24 =	vxor.u32 v29, v45;
	v29 =	vand.u32 $0xFFFF, v53;
	v61 =	vshll.u32 v30, $0x10  }
0x197: {  	v36 =	vxor.u32 v36, v24;
	v25 =	vadd.f32 v25, v62;
	v12 =	vsub.f32 $1.000000000e+00, v11  }
0x198: {  	v24 =	vxor.u32 v34, v24;
	v51 =	vmul.f32 v43, v11;
	v36 =	vand.u32 $0xFFFF, v36;
	v55 =	vld.idx.msk [tilespmem:v38+s2+$0x0], $0xffff  }
0x199: {  	v24 =	vand.u32 $0xFFFF, v24;
	v16 =	vadd.f32 v25, v46;
	v48 =	vmul.f32 v12, v43;
	v18 =	vld.idx.msk [tilespmem:v18+s2+$0x0], $0xffff  }
0x19a: {  	v52 =	vshll.u32 v47, $0x10;
	v54 =	vmul.f32 v12, v19;
	v49 =	vshll.u32 v17, $0x10  }
0x19b: {  	v19 =	vmul.f32 v11, v19;
	v17 =	vand.u32 $0xFFFF0000, v17;
	v33 =	vmul.f32 v49, v48  }
0x19c: {  	v25 =	vand.u32 $0xFFFF0000, v47;
	v62 =	vmul.f32 v12, v58;
	v29 =	vld.idx.msk [tilespmem:v29+s2+$0x0], $0xffff;
	v17 =	vmul.f32 v17, v48  }
0x19d: {  	v32 =	vmul.f32 v52, v51;
	v25 =	vmul.f32 v25, v51;
	v33 =	vadd.f32 $0.0e+00, v33  }
0x19e: {  	v60 =	vld.idx.msk [tilespmem:v27+s2+$0x0], $0xffff;
	v17 =	vadd.f32 $0.0e+00, v17;
	v59 =	vshll.u32 v55, $0x10;
	v56 =	vshll.u32 v18, $0x10  }
0x19f: {  	v32 =	vadd.f32 v33, v32;
	v18 =	vand.u32 $0xFFFF0000, v18;
	v57 =	vmul.f32 v56, v54  }
0x1a0: {  	v35 =	vand.u32 $0xFFFF0000, v55;
	v17 =	vadd.f32 v17, v25;
	v18 =	vmul.f32 v18, v54  }
0x1a1: {  	v63 =	vshll.u32 v29, $0x10;
	v29 =	vand.u32 $0xFFFF0000, v29;
	v23 =	vadd.f32 v32, v57  }
0x1a2: {  	v17 =	vadd.f32 v17, v18;
	v18 =	vmul.f32 v59, v19;
	v19 =	vmul.f32 v35, v19  }
0x1a3: {  	v26 =	vmul.f32 v61, v39;
	v20 =	vshll.u32 v60, $0x10;
	v15 =	vld.idx.msk [tilespmem:v36+s2+$0x0], $0xffff;
	v27 =	vmul.f32 v29, v62  }
0x1a4: {  	s25 =	simm.s32 $0x12030;
	[tilespmem:s24+$0xFFFFF7F0] =	vst v14;
	v23 =	vadd.f32 v23, v18;
	v14 =	vadd.f32 v17, v19;
	v17 =	vmul.f32 v63, v62  }
0x1a5: {  	[tilespmem:s25+$0xFFFFFFF0] =	vst v16;
	v16 =	vadd.f32 v21, v26;
	v21 =	vand.u32 $0xFFFF0000, v60;
	v19 =	vmul.f32 v58, v11  }
0x1a6: {  	v18 =	vmul.f32 v13, v28;
	v13 =	vld.idx.msk [tilespmem:v24+s2+$0x0], $0xffff;
	v17 =	vadd.f32 v23, v17;
	v14 =	vadd.f32 v14, v27  }
.LBB2_7:
0x1a7: {  	s22 =	sadd.s32 $0x20, s22;
	v8 =	vshll.u32 v8, $0x10;
	v20 =	vmul.f32 v20, v19;
	v19 =	vmul.f32 v21, v19;
	s23 =	sadd.s32 $0x20, s23  }
0x1a8: {  	v12 =	vmul.f32 v12, v7;
	v22 =	vshll.u32 v15, $0x10;
	v15 =	vand.u32 $0xFFFF0000, v15;
	v21 =	vld [tilespmem:s23+$0xFFFFFFF0];
	s26 =	sand.u32 $0x7E0, s22;
	p0 =	slt.u32 s22, $0x7E0  }
0x1a9: {  	v16 =	vadd.f32 v16, v18;
	v8 =	vmul.f32 v8, v10;
	v23 =	vld [tilespmem:s26+$0x11000];
	v10 =	vadd.f32 v17, v20  }
0x1aa: {  	v14 =	vadd.f32 v14, v19;
	v18 =	vmul.f32 v22, v12;
	v12 =	vmul.f32 v15, v12;
	v17 =	vld [tilespmem:s23+$0xFFFFF7F0]  }
0x1ab: {  	v6 =	vshll.u32 v6, $0x10;
	v7 =	vmul.f32 v11, v7;
	v8 =	vadd.f32 v16, v8;
	v15 =	vld [tilespmem:s23+$0x0]  }
0x1ac: {  	v10 =	vadd.f32 v10, v18;
	v16 =	vshll.u32 v13, $0x10;
	v13 =	vand.u32 $0xFFFF0000, v13;
	v11 =	vld [tilespmem:s23+$0x800]  }
0x1ad: {  	v6 =	vmul.f32 v6, v9;
	v9 =	vadd.f32 v14, v12;
	v18 =	vmul.f32 v21, v3;
	v19 =	vld [tilespmem:s23+$0xFFFFF800]  }
0x1ae: {  	v5 =	vadd.f32 v4, v5;
	v14 =	vmul.f32 v16, v7;
	v12 =	vmul.f32 v23, v3  }
0x1af: {  	v6 =	vadd.f32 v8, v6;
	v4 =	vmovc v9;
	v16 =	vmul.f32 v17, v3;
	v17 =	vtrunc.f32 v18  }
0x1b0: {  	v10 =	vadd.f32 v10, v14;
	v8 =	vcvt.f32.s32 v17;
	v9 =	vtrunc.f32 v12;
	[tilespmem:s24+$0x0] =	vst v5;
	s24 =	smov.u32 s25  }
0x1b1: {  	v5 =	vtrunc.f32 v16;
	v9 =	vcvt.f32.s32 v9;
	[tilespmem:s25+$0xFFFFF7F0] =	vst v6  }
0x1b2: {  	v20 =	vmul.f32 v15, v3;
	v6 =	vcvt.f32.s32 v5;
	v14 =	vmul.u32 $0x9E3779B1, v8;
	[tilespmem:s25+$0xFFFFF800] =	vst v10  }
0x1b3: {  	v11 =	vmul.f32 v11, v3;
	v17 =	vmul.f32 v19, v3;
	v10 =	vmul.u32 $0x30025795, v9  }
0x1b4: {  	v19 =	vtrunc.f32 v20;
	v5 =	vmul.f32 v13, v7;
	v15 =	vxor.u32 v6, v14  }
0x1b5: {  	v19 =	vcvt.f32.s32 v19;
	v13 =	vtrunc.f32 v11;
	v7 =	vxor.u32 v10, v15  }
0x1b6: {  	v22 =	vtrunc.f32 v17;
	v21 =	vadd.s32 $0x30025795, v10;
	v7 =	vand.u32 $0xFFFF, v7  }
0x1b7: {  	v23 =	vcvt.s32.f32 v6;
	v24 =	vadd.s32 $0x9E3779B1, v14;
	v15 =	vxor.u32 v15, v21  }
0x1b8: {  	v8 =	vcvt.s32.f32 v8;
	v25 =	vxor.u32 v6, v24;
	v15 =	vand.u32 $0xFFFF, v15  }
0x1b9: {  	v9 =	vcvt.s32.f32 v9;
	v6 =	vadd.s32 $0x1, v6;
	v26 =	vxor.u32 v10, v25  }
0x1ba: {  	v18 =	vsub.f32 v18, v8;
	v23 =	vsub.f32 v16, v23;
	v8 =	vand.u32 $0xFFFF, v26  }
0x1bb: {  	v9 =	vsub.f32 v12, v9;
	v12 =	vxor.u32 v6, v14;
	v26 =	vld.idx.msk [tilespmem:v7+s2+$0x0], $0xffff;
	v7 =	vxor.u32 v21, v25  }
0x1bc: {  	v16 =	vsub.f32 $1.000000000e+00, v18;
	v14 =	vsub.f32 $1.000000000e+00, v23;
	v7 =	vand.u32 $0xFFFF, v7  }
0x1bd: {  	v27 =	vcvt.f32.s32 v13;
	v22 =	vcvt.f32.s32 v22;
	v25 =	vld.idx.msk [tilespmem:v15+s2+$0x0], $0xffff;
	v15 =	vxor.u32 v10, v12  }
0x1be: {  	v28 =	vsub.f32 $1.000000000e+00, v9;
	v13 =	vmul.f32 v16, v14;
	v29 =	vand.u32 $0xFFFF, v15  }
0x1bf: {  	v6 =	vxor.u32 v6, v24;
	v24 =	vmul.u32 $0x9E3779B1, v19;
	v30 =	vld.idx.msk [tilespmem:v8+s2+$0x0], $0xffff;
	v8 =	vxor.u32 v12, v21  }
0x1c0: {  	v31 =	vmul.f32 v28, v13;
	v12 =	vxor.u32 v21, v6;
	v8 =	vand.u32 $0xFFFF, v8  }
0x1c1: {  	v14 =	vmul.f32 v18, v14;
	v6 =	vxor.u32 v10, v6;
	v21 =	vand.u32 $0xFFFF0000, v26;
	v15 =	vld.idx.msk [tilespmem:v7+s2+$0x0], $0xffff  }
0x1c2: {  	v6 =	vand.u32 $0xFFFF, v6;
	v7 =	vmul.f32 v21, v31;
	v21 =	vmul.f32 v13, v9  }
0x1c3: {  	v12 =	vand.u32 $0xFFFF, v12;
	v10 =	vand.u32 $0xFFFF0000, v25;
	v13 =	vld.idx.msk [tilespmem:v29+s2+$0x0], $0xffff;
	v29 =	vmul.u32 $0x30025795, v27  }
0x1c4: {  	v33 =	vmul.f32 v28, v14;
	v32 =	vadd.f32 $0.0e+00, v7;
	v10 =	vmul.f32 v10, v21  }
0x1c5: {  	v36 =	vcvt.s32.f32 v22;
	v35 =	vmul.f32 v16, v23;
	v34 =	vand.u32 $0xFFFF0000, v30;
	v7 =	vld.idx.msk [tilespmem:v8+s2+$0x0], $0xffff  }
0x1c6: {  	v10 =	vadd.f32 v32, v10;
	v16 =	vmul.f32 v34, v33;
	v32 =	vmul.f32 v9, v14  }
0x1c7: {  	v19 =	vcvt.s32.f32 v19;
	v34 =	vxor.u32 v22, v24;
	v14 =	vand.u32 $0xFFFF0000, v15;
	v8 =	vld.idx.msk [tilespmem:v6+s2+$0x0], $0xffff  }
0x1c8: {  	v10 =	vadd.f32 v10, v16;
	v14 =	vmul.f32 v14, v32;
	v16 =	vmul.f32 v28, v35  }
0x1c9: {  	v23 =	vmul.f32 v18, v23;
	v37 =	vand.u32 $0xFFFF0000, v13;
	v6 =	vld.idx.msk [tilespmem:v12+s2+$0x0], $0xffff;
	v12 =	vxor.u32 v29, v34  }
0x1ca: {  	v10 =	vadd.f32 v10, v14;
	v37 =	vmul.f32 v37, v16;
	v14 =	vmul.f32 v35, v9  }
0x1cb: {  	v17 =	vsub.f32 v17, v36;
	v18 =	vsub.f32 v20, v19;
	v35 =	vand.u32 $0xFFFF0000, v7  }
0x1cc: {  	v19 =	vadd.f32 v10, v37;
	v20 =	vmul.f32 v35, v14;
	v10 =	vmul.f32 v28, v23  }
0x1cd: {  	v27 =	vcvt.s32.f32 v27;
	v12 =	vand.u32 $0xFFFF, v12;
	v28 =	vand.u32 $0xFFFF0000, v8  }
0x1ce: {  	v9 =	vmul.f32 v9, v23;
	v19 =	vadd.f32 v19, v20;
	v20 =	vmul.f32 v28, v10  }
0x1cf: {  	v35 =	vadd.s32 $0x30025795, v29;
	v28 =	vadd.s32 $0x9E3779B1, v24;
	v23 =	vand.u32 $0xFFFF0000, v6  }
0x1d0: {  	v19 =	vadd.f32 v19, v20;
	v20 =	vmul.f32 v23, v9;
	v23 =	vxor.u32 v34, v35  }
0x1d1: {  	v36 =	vsub.f32 $1.000000000e+00, v18;
	v34 =	vsub.f32 $1.000000000e+00, v17;
	v23 =	vand.u32 $0xFFFF, v23  }
0x1d2: {  	v11 =	vsub.f32 v11, v27;
	v19 =	vadd.f32 v19, v20;
	v20 =	vld.idx.msk [tilespmem:v12+s2+$0x0], $0xffff;
	v12 =	vxor.u32 v22, v28  }
0x1d3: {  	s25 =	sadd.s32 $0x20, s25;
	v27 =	vmul.f32 v36, v34;
	v37 =	vxor.u32 v29, v12;
	v38 =	vxor.u32 v35, v12  }
0x1d4: {  	v12 =	vsub.f32 $1.000000000e+00, v11;
	[tilespmem:s25+$0xFFFFFFF0] =	vst v19;
	v19 =	vadd.s32 $0x1, v22;
	v22 =	vand.u32 $0xFFFF, v37  }
0x1d5: {  	v26 =	vshll.u32 v26, $0x10;
	v37 =	vand.u32 $0xFFFF, v38;
	v24 =	vxor.u32 v19, v24  }
0x1d6: {  	v26 =	vmul.f32 v26, v31;
	v31 =	vmul.f32 v12, v27;
	v23 =	vld.idx.msk [tilespmem:v23+s2+$0x0], $0xffff;
	v38 =	vxor.u32 v29, v24  }
0x1d7: {  	v25 =	vshll.u32 v25, $0x10;
	v34 =	vmul.f32 v18, v34;
	v27 =	vmul.f32 v27, v11  }
0x1d8: {  	v39 =	vshll.u32 v20, $0x10;
	v20 =	vand.u32 $0xFFFF0000, v20;
	v38 =	vand.u32 $0xFFFF, v38  }
0x1d9: {  	v26 =	vadd.f32 $0.0e+00, v26;
	v39 =	vmul.f32 v39, v31;
	v20 =	vmul.f32 v20, v31;
	v22 =	vld.idx.msk [tilespmem:v22+s2+$0x0], $0xffff  }
0x1da: {  	v21 =	vmul.f32 v25, v21;
	v25 =	vmul.f32 v12, v34;
	v24 =	vxor.u32 v24, v35;
	v31 =	vld.idx.msk [tilespmem:v37+s2+$0x0], $0xffff  }
0x1db: {  	v30 =	vshll.u32 v30, $0x10;
	v37 =	vadd.f32 $0.0e+00, v39;
	v20 =	vadd.f32 $0.0e+00, v20  }
0x1dc: {  	v24 =	vand.u32 $0xFFFF, v24;
	v39 =	vshll.u32 v23, $0x10;
	v23 =	vand.u32 $0xFFFF0000, v23  }
0x1dd: {  	v19 =	vxor.u32 v19, v28;
	v39 =	vmul.f32 v39, v27;
	v23 =	vmul.f32 v23, v27;
	v27 =	vld.idx.msk [tilespmem:v38+s2+$0x0], $0xffff  }
0x1de: {  	v21 =	vadd.f32 v26, v21;
	v26 =	vmul.f32 v30, v33;
	v28 =	vxor.u32 v29, v19  }
0x1df: {  	v29 =	vadd.f32 v37, v39;
	v30 =	vshll.u32 v22, $0x10;
	v22 =	vand.u32 $0xFFFF0000, v22  }
0x1e0: {  	v20 =	vadd.f32 v20, v23;
	v23 =	vmul.f32 v30, v25;
	v22 =	vmul.f32 v22, v25  }
0x1e1: {  	v15 =	vshll.u32 v15, $0x10;
	v25 =	vmul.f32 v11, v34;
	v30 =	vmul.f32 v36, v17;
	v24 =	vld.idx.msk [tilespmem:v24+s2+$0x0], $0xffff  }
0x1e2: {  	v28 =	vand.u32 $0xFFFF, v28;
	v33 =	vshll.u32 v31, $0x10;
	v31 =	vand.u32 $0xFFFF0000, v31  }
0x1e3: {  	v21 =	vadd.f32 v21, v26;
	v15 =	vmul.f32 v15, v32;
	v23 =	vadd.f32 v29, v23  }
0x1e4: {  	v20 =	vadd.f32 v20, v22;
	v22 =	vmul.f32 v33, v25;
	v25 =	vmul.f32 v31, v25  }
0x1e5: {  	v13 =	vshll.u32 v13, $0x10;
	v19 =	vxor.u32 v35, v19;
	v26 =	vmul.f32 v12, v30  }
0x1e6: {  	v31 =	vand.u32 $0xFFFF, v19;
	v29 =	vshll.u32 v27, $0x10;
	v27 =	vand.u32 $0xFFFF0000, v27  }
.Ltmp2:
0x1e7: {  	v21 =	vadd.f32 v21, v15;
	v13 =	vmul.f32 v13, v16;
	v22 =	vadd.f32 v23, v22;
	v15 =	vld.idx.msk [tilespmem:v28+s2+$0x0], $0xffff;
	(pc) =	sbr.rel @p0 .LBB2_7-.Ltmp2, $4  }
0x1e8: {  	v23 =	vadd.f32 v20, v25;
	v25 =	vmul.f32 v29, v26;
	v26 =	vmul.f32 v27, v26  }
0x1e9: {  	v19 =	vmul.f32 v30, v11;
	v27 =	vshll.u32 v7, $0x10;
	v7 =	vmul.f32 v18, v17  }
0x1ea: {  	v16 =	vadd.f32 v21, v13;
	v20 =	vshll.u32 v24, $0x10;
	v21 =	vand.u32 $0xFFFF0000, v24  }
0x1eb: {  	v18 =	vmul.f32 v27, v14;
	v17 =	vadd.f32 v22, v25;
	v14 =	vadd.f32 v23, v26;
	v13 =	vld.idx.msk [tilespmem:v31+s2+$0x0], $0xffff  }
0x1ec: {  	v8 =	vshll.u32 v8, $0x10;
	v20 =	vmul.f32 v20, v19;
	v56 =	vmul.f32 v21, v19  }
0x1ed: {  	v12 =	vmul.f32 v12, v7;
	v57 =	vshll.u32 v15, $0x10;
	v58 =	vand.u32 $0xFFFF0000, v15  }
0x1ee: {  	v6 =	vshll.u32 v6, $0x10;
	v61 =	vmul.f32 v11, v7;
	v4 =	vadd.f32 v4, v5  }
0x1ef: {  	v16 =	vadd.f32 v16, v18;
	v8 =	vmul.f32 v8, v10;
	v6 =	vmul.f32 v6, v9  }
0x1f0: {  	v59 =	vadd.f32 v17, v20;
	v14 =	vadd.f32 v14, v56;
	v60 =	vmul.f32 v57, v12  }
0x1f1: {  	v12 =	vmul.f32 v58, v12;
	v8 =	vadd.f32 v16, v8;
	v62 =	vshll.u32 v13, $0x10  }
0x1f2: {  	v10 =	vadd.f32 v59, v60;
	v63 =	vand.u32 $0xFFFF0000, v13;
	v11 =	vmul.f32 v62, v61  }
0x1f3: {  	s22 =	smul.u32 $0x60000, s21;
	v5 =	vadd.f32 v14, v12;
	v6 =	vadd.f32 v8, v6;
	v7 =	vmul.f32 v63, v61  }
0x1f4: {  	[tilespmem:s24+$0x0] =	vst v4;
	v4 =	vadd.f32 v10, v11  }
0x1f5: {  	s21 =	sadd.s32 $0x1, s21;
	s22 =	sadd.s32 s13, s22;
	[tilespmem:s25+$0xFFFFF7F0] =	vst v6;
	v5 =	vadd.f32 v5, v7  }
0x1f6: {  	p0 =	sne.s32 s21, $0xB;
	s22 =	sshrl.u32 s22, $0x3;
	[tilespmem:s25+$0xFFFFF800] =	vst v4  }
.Ltmp3:
0x1f7: {  	s22 =	sadd.s32 s8, s22;
	[tilespmem:s25+$0x0] =	vst v5;
	(pc) =	sbr.rel @p0 .LBB2_6-.Ltmp3, $4  }
0x1f8: {  	[hbm4b:s22+s2] =	stream.linear.scatter [tilespmem:s19], [sflag:$0x1], $0x1000, $0x38;
	[tilespmem:$0x12880] =	vst v63  }
0x1f9: {  	_ =	swait.ge [sflag:s17], $0x1000  }
0x1fa: {  	[sflag:s17] =	ssyncset.done $0x0  }
0x1fb: {  	[sflag:s17] =	ssyncadd.s32 $0xFFFFF000  }
0x1fc: {  	s21 =	simm.s32 $0x0  }
0x1fd: {  	[tilespmem:s21], [sflag:$0x1] =	stream.linear.gather [hbm4b:s6+s21], $0x10000, $0x38;
	[tilespmem:$0x12880] =	vst v63  }
0x1fe: {  	_ =	swait.ge [sflag:s17], $0x10000  }
0x1ff: {  	[sflag:s17] =	ssyncset.done $0x0  }
0x200: {  	[sflag:s17] =	ssyncadd.s32 $0xFFFF0000  }
0x201: {  	v3 =	vld.idx.msk [tilespmem:v2+s16+$0x0], $0xffff  }
.LBB2_10:
0x202: {  	s22 =	sadd.s32 s12, s21  }
0x203: {  	s22 =	smul.u32 $0x1800, s22;
	_ =	sdelay $0x1  }
0x204: {  	s22 =	sshrl.u32 s22, $0x3  }
0x205: {  	s22 =	sadd.s32 s3, s22  }
0x206: {  	[tilespmem:s18], [sflag:$0x1] =	stream.linear.gather [hbm4b:s22+s2], $0x1800, $0x38;
	[tilespmem:$0x12880] =	vst v63  }
0x207: {  	_ =	swait.ge [sflag:s17], $0x1800  }
0x208: {  	[sflag:s17] =	ssyncset.done $0x0  }
0x209: {  	s31 =	simm.s32 $0x10810;
	s23 =	simm.s32 $0x0;
	[sflag:s17] =	ssyncadd.s32 $0xFFFFE800  }
0x20a: {  	s23 =	sand.u32 $0x7E0, s23;
	v4 =	vld [tilespmem:s31+$0xFFFFFFF0]  }
0x20b: {  	v5 =	vld [tilespmem:s23+$0x11000]  }
0x20c: {  	v6 =	vld [tilespmem:s31+$0xFFFFF7F0]  }
0x20d: {  	v7 =	vld [tilespmem:s31+$0x0]  }
0x20e: {  	v8 =	vld [tilespmem:s31+$0x800]  }
0x20f: {  	v10 =	vld [tilespmem:s31+$0xFFFFF800];
	_ =	sdelay $0x2  }
0x210: {  	v4 =	vmul.f32 v4, v3;
	v5 =	vmul.f32 v5, v3  }
0x211: {  	v6 =	vmul.f32 v6, v3;
	v7 =	vmul.f32 v7, v3  }
0x212: {  	v8 =	vmul.f32 v8, v3;
	v10 =	vmul.f32 v10, v3  }
0x213: {  	v9 =	vtrunc.f32 v4;
	v11 =	vtrunc.f32 v5  }
0x214: {  	v12 =	vtrunc.f32 v6;
	v16 =	vtrunc.f32 v7  }
0x215: {  	v18 =	vtrunc.f32 v8;
	v9 =	vcvt.f32.s32 v9  }
0x216: {  	v11 =	vcvt.f32.s32 v11;
	v12 =	vcvt.f32.s32 v12  }
0x217: {  	v16 =	vcvt.f32.s32 v16;
	v18 =	vcvt.f32.s32 v18  }
0x218: {  	v13 =	vmul.u32 $0x9E3779B1, v9;
	v14 =	vmul.u32 $0x30025795, v11;
	v20 =	vcvt.s32.f32 v12  }
0x219: {  	v9 =	vcvt.s32.f32 v9;
	v11 =	vcvt.s32.f32 v11  }
0x21a: {  	v46 =	vmul.u32 $0x30025795, v18;
	v15 =	vxor.u32 v12, v13;
	v19 =	vadd.s32 $0x30025795, v14  }
0x21b: {  	v21 =	vadd.s32 $0x9E3779B1, v13;
	v6 =	vsub.f32 v6, v20;
	v4 =	vsub.f32 v4, v9  }
0x21c: {  	v5 =	vsub.f32 v5, v11;
	v17 =	vxor.u32 v14, v15;
	v15 =	vxor.u32 v15, v19  }
0x21d: {  	v22 =	vxor.u32 v12, v21;
	v12 =	vadd.s32 $0x1, v12;
	v17 =	vand.u32 $0xFFFF, v17  }
0x21e: {  	v15 =	vand.u32 $0xFFFF, v15;
	v23 =	vxor.u32 v14, v22;
	v11 =	vxor.u32 v19, v22  }
0x21f: {  	v13 =	vxor.u32 v12, v13;
	v20 =	vsub.f32 $1.000000000e+00, v6;
	v22 =	vsub.f32 $1.000000000e+00, v4  }
0x220: {  	v25 =	vsub.f32 $1.000000000e+00, v5;
	v12 =	vxor.u32 v12, v21;
	v21 =	vmul.u32 $0x9E3779B1, v16  }
0x221: {  	v16 =	vcvt.s32.f32 v16;
	v9 =	vand.u32 $0xFFFF, v23;
	v23 =	vtrunc.f32 v10  }
0x222: {  	v11 =	vand.u32 $0xFFFF, v11;
	v24 =	vxor.u32 v14, v13;
	v13 =	vxor.u32 v13, v19  }
0x223: {  	v14 =	vxor.u32 v14, v12;
	v12 =	vxor.u32 v19, v12;
	v23 =	vcvt.f32.s32 v23  }
0x224: {  	v26 =	vmul.f32 v22, v20;
	v24 =	vand.u32 $0xFFFF, v24;
	v20 =	vmul.f32 v4, v20  }
0x225: {  	v13 =	vand.u32 $0xFFFF, v13;
	v22 =	vmul.f32 v22, v6;
	v6 =	vmul.f32 v4, v6  }
0x226: {  	v14 =	vand.u32 $0xFFFF, v14;
	v27 =	vmul.f32 v25, v26;
	v26 =	vmul.f32 v26, v5  }
0x227: {  	v12 =	vand.u32 $0xFFFF, v12;
	v29 =	vmul.f32 v25, v20;
	v20 =	vmul.f32 v5, v20;
	v17 =	vld.idx.msk [tilespmem:v17+s2+$0x0], $0xffff  }
0x228: {  	v54 =	vadd.s32 $0x9E3779B1, v21;
	v31 =	vcvt.s32.f32 v23;
	v48 =	vmul.f32 v25, v22  }
0x229: {  	v33 =	vxor.u32 v23, v21;
	v22 =	vmul.f32 v22, v5;
	v25 =	vmul.f32 v25, v6;
	v15 =	vld.idx.msk [tilespmem:v15+s2+$0x0], $0xffff  }
0x22a: {  	v5 =	vmul.f32 v5, v6;
	v6 =	vsub.f32 v7, v16;
	v16 =	vcvt.s32.f32 v18  }
0x22b: {  	v18 =	vadd.s32 $0x30025795, v46;
	v49 =	vxor.u32 v46, v33;
	v9 =	vld.idx.msk [tilespmem:v9+s2+$0x0], $0xffff;
	v10 =	vsub.f32 v10, v31  }
0x22c: {  	v53 =	vsub.f32 $1.000000000e+00, v6;
	v8 =	vsub.f32 v8, v16;
	v28 =	vand.u32 $0xFFFF0000, v17  }
0x22d: {  	v11 =	vld.idx.msk [tilespmem:v11+s2+$0x0], $0xffff;
	v16 =	vxor.u32 v23, v54;
	v23 =	vadd.s32 $0x1, v23;
	v28 =	vmul.f32 v28, v27  }
0x22e: {  	v35 =	vxor.u32 v46, v16;
	v16 =	vxor.u32 v18, v16;
	v19 =	vand.u32 $0xFFFF0000, v15  }
0x22f: {  	v24 =	vld.idx.msk [tilespmem:v24+s2+$0x0], $0xffff;
	v21 =	vxor.u32 v23, v21;
	v19 =	vmul.f32 v19, v26;
	v28 =	vadd.f32 $0.0e+00, v28  }
0x230: {  	v23 =	vxor.u32 v23, v54;
	v52 =	vsub.f32 $1.000000000e+00, v10;
	v30 =	vand.u32 $0xFFFF0000, v9  }
0x231: {  	v13 =	vld.idx.msk [tilespmem:v13+s2+$0x0], $0xffff;
	v36 =	vsub.f32 $1.000000000e+00, v8;
	v45 =	vmul.f32 v30, v29;
	v19 =	vadd.f32 v28, v19  }
0x232: {  	v35 =	vand.u32 $0xFFFF, v35;
	v16 =	vand.u32 $0xFFFF, v16;
	v32 =	vand.u32 $0xFFFF0000, v11  }
0x233: {  	v14 =	vld.idx.msk [tilespmem:v14+s2+$0x0], $0xffff;
	v37 =	vxor.u32 v46, v21;
	v47 =	vmul.f32 v32, v20;
	v19 =	vadd.f32 v19, v45  }
0x234: {  	v21 =	vxor.u32 v21, v18;
	v37 =	vand.u32 $0xFFFF, v37;
	v34 =	vand.u32 $0xFFFF0000, v24  }
0x235: {  	v4 =	vld.idx.msk [tilespmem:v12+s2+$0x0], $0xffff;
	v21 =	vand.u32 $0xFFFF, v21;
	v12 =	vadd.f32 v19, v47;
	v19 =	vmul.f32 v34, v48  }
0x236: {  	v55 =	vmul.f32 v53, v52;
	v17 =	vshll.u32 v17, $0x10;
	v50 =	vand.u32 $0xFFFF0000, v13  }
0x237: {  	v15 =	vshll.u32 v15, $0x10;
	v12 =	vadd.f32 v12, v19;
	v19 =	vmul.f32 v50, v22  }
0x238: {  	v31 =	vmul.f32 v6, v52;
	v6 =	vmul.f32 v6, v10;
	v51 =	vand.u32 $0xFFFF0000, v14  }
0x239: {  	v28 =	vand.u32 $0xFFFF, v49;
	v12 =	vadd.f32 v12, v19;
	v19 =	vmul.f32 v51, v25  }
0x23a: {  	v17 =	vmul.f32 v17, v27;
	v15 =	vmul.f32 v15, v26;
	v9 =	vshll.u32 v9, $0x10  }
0x23b: {  	v7 =	vand.u32 $0xFFFF0000, v4;
	v12 =	vadd.f32 v12, v19;
	v19 =	vxor.u32 v33, v18  }
0x23c: {  	v56 =	vmul.f32 v36, v55;
	v7 =	vmul.f32 v7, v5;
	v57 =	vld.idx.msk [tilespmem:v35+s2+$0x0], $0xffff;
	v19 =	vand.u32 $0xFFFF, v19  }
0x23d: {  	v11 =	vshll.u32 v11, $0x10;
	v58 =	vmul.f32 v36, v31;
	v9 =	vmul.f32 v9, v29;
	v16 =	vld.idx.msk [tilespmem:v16+s2+$0x0], $0xffff  }
0x23e: {  	v11 =	vmul.f32 v11, v20;
	v17 =	vadd.f32 $0.0e+00, v17;
	v7 =	vadd.f32 v12, v7;
	v12 =	vld.idx.msk [tilespmem:v28+s2+$0x0], $0xffff  }
0x23f: {  	v13 =	vshll.u32 v13, $0x10;
	v14 =	vshll.u32 v14, $0x10;
	v4 =	vshll.u32 v4, $0x10  }
0x240: {  	v35 =	vmul.f32 v53, v10;
	v20 =	vld.idx.msk [tilespmem:v21+s2+$0x0], $0xffff;
	v15 =	vadd.f32 v17, v15;
	v17 =	vxor.u32 v46, v23  }
0x241: {  	v13 =	vmul.f32 v13, v22;
	v21 =	vshll.u32 v24, $0x10;
	v17 =	vand.u32 $0xFFFF, v17;
	v19 =	vld.idx.msk [tilespmem:v19+s2+$0x0], $0xffff  }
0x242: {  	v9 =	vadd.f32 v15, v9;
	v62 =	vshll.u32 v57, $0x10;
	v26 =	vand.u32 $0xFFFF0000, v57  }
0x243: {  	v63 =	vld.idx.msk [tilespmem:v37+s2+$0x0], $0xffff;
	v37 =	vshll.u32 v16, $0x10;
	v26 =	vmul.f32 v26, v58;
	v38 =	vshll.u32 v12, $0x10  }
0x244: {  	v34 =	vmul.f32 v8, v31;
	v12 =	vand.u32 $0xFFFF0000, v12;
	v38 =	vmul.f32 v38, v56  }
0x245: {  	v16 =	vand.u32 $0xFFFF0000, v16;
	v28 =	vmul.f32 v55, v8;
	v12 =	vmul.f32 v12, v56  }
0x246: {  	v59 =	vadd.f32 $0.0e+00, v38;
	v60 =	vshll.u32 v19, $0x10;
	v19 =	vand.u32 $0xFFFF0000, v19  }
0x247: {  	v12 =	vadd.f32 $0.0e+00, v12;
	v38 =	vmul.f32 v60, v28;
	v19 =	vmul.f32 v19, v28  }
0x248: {  	v9 =	vadd.f32 v9, v11;
	v11 =	vmul.f32 v21, v48;
	v18 =	vxor.u32 v18, v23  }
0x249: {  	v61 =	vadd.f32 v59, v38;
	v12 =	vadd.f32 v12, v19;
	v19 =	vmul.f32 v62, v58  }
0x24a: {  	v16 =	vmul.f32 v16, v34;
	v23 =	vmul.f32 v36, v35;
	v18 =	vand.u32 $0xFFFF, v18  }
0x24b: {  	v15 =	vadd.f32 v61, v19;
	v12 =	vadd.f32 v12, v26;
	v19 =	vmul.f32 v37, v34  }
0x24c: {  	v39 =	vand.u32 $0xFFFF0000, v63;
	v9 =	vadd.f32 v9, v11;
	v38 =	vshll.u32 v63, $0x10  }
0x24d: {  	s23 =	simm.s32 $0x10830;
	v15 =	vadd.f32 v15, v19;
	v12 =	vadd.f32 v12, v16;
	v16 =	vld.idx.msk [tilespmem:v17+s2+$0x0], $0xffff;
	v17 =	vmul.f32 v38, v23  }
0x24e: {  	v21 =	vmul.f32 v35, v8;
	v9 =	vadd.f32 v9, v13;
	v13 =	vmul.f32 v14, v25;
	v14 =	vld [tilespmem:s23+$0xFFFFF7F0]  }
0x24f: {  	s22 =	simm.s32 $0x20;
	v10 =	vshll.u32 v20, $0x10;
	v19 =	vmul.f32 v39, v23;
	v15 =	vadd.f32 v15, v17;
	v17 =	vld [tilespmem:s23+$0xFFFFFFF0]  }
0x250: {  	s24 =	sand.u32 $0x7E0, s22;
	v5 =	vmul.f32 v4, v5;
	v11 =	vand.u32 $0xFFFF0000, v20;
	v10 =	vmul.f32 v10, v21;
	v18 =	vld.idx.msk [tilespmem:v18+s2+$0x0], $0xffff  }
0x251: {  	v20 =	vld [tilespmem:s24+$0x11000];
	v11 =	vmul.f32 v11, v21;
	v12 =	vadd.f32 v12, v19;
	v19 =	vmul.f32 v36, v6  }
0x252: {  	v10 =	vadd.f32 v15, v10;
	v21 =	vshll.u32 v16, $0x10;
	v16 =	vand.u32 $0xFFFF0000, v16  }
0x253: {  	v11 =	vadd.f32 v12, v11;
	v12 =	vmul.f32 v21, v19;
	v15 =	vmul.f32 v16, v19  }
0x254: {  	v16 =	vmul.f32 v8, v6;
	v8 =	vld [tilespmem:s23+$0x0];
	v6 =	vmul.f32 v17, v3  }
0x255: {  	v9 =	vadd.f32 v9, v13;
	v13 =	vshll.u32 v18, $0x10;
	v19 =	vmul.f32 v14, v3;
	v17 =	vld [tilespmem:s23+$0x800]  }
0x256: {  	v10 =	vadd.f32 v10, v12;
	v12 =	vmul.f32 v20, v3;
	v20 =	vld [tilespmem:s23+$0xFFFFF800];
	v4 =	vtrunc.f32 v6  }
0x257: {  	v18 =	vand.u32 $0xFFFF0000, v18;
	v13 =	vmul.f32 v13, v16;
	v21 =	vcvt.f32.s32 v4  }
0x258: {  	v14 =	vtrunc.f32 v12;
	v4 =	vadd.f32 v11, v15;
	v11 =	vtrunc.f32 v19  }
0x259: {  	v13 =	vadd.f32 v10, v13;
	v15 =	vcvt.f32.s32 v14;
	v11 =	vcvt.f32.s32 v11  }
0x25a: {  	v14 =	vadd.f32 v9, v5;
	v5 =	vmul.f32 v8, v3;
	v17 =	vmul.f32 v17, v3  }
0x25b: {  	v22 =	vmul.u32 $0x9E3779B1, v21;
	v21 =	vcvt.s32.f32 v21;
	v10 =	vmul.f32 v20, v3  }
0x25c: {  	v8 =	vmul.u32 $0x30025795, v15;
	v20 =	vtrunc.f32 v5;
	v42 =	vcvt.s32.f32 v11  }
0x25d: {  	v15 =	vcvt.s32.f32 v15;
	v9 =	vxor.u32 v11, v22;
	v20 =	vcvt.f32.s32 v20  }
0x25e: {  	v40 =	vtrunc.f32 v17;
	v43 =	vadd.s32 $0x9E3779B1, v22;
	v6 =	vsub.f32 v6, v21  }
0x25f: {  	v23 =	vxor.u32 v8, v9;
	v41 =	vadd.s32 $0x30025795, v8;
	v44 =	vxor.u32 v11, v43  }
0x260: {  	v11 =	vadd.s32 $0x1, v11;
	v19 =	vsub.f32 v19, v42;
	v12 =	vsub.f32 v12, v15  }
0x261: {  	v47 =	vtrunc.f32 v10;
	v24 =	vcvt.f32.s32 v40;
	v23 =	vand.u32 $0xFFFF, v23  }
0x262: {  	v9 =	vxor.u32 v9, v41;
	v45 =	vxor.u32 v8, v44;
	v15 =	vxor.u32 v41, v44  }
0x263: {  	v22 =	vxor.u32 v11, v22;
	v46 =	vsub.f32 $1.000000000e+00, v6;
	v29 =	vcvt.f32.s32 v47  }
0x264: {  	v11 =	vxor.u32 v11, v43;
	v27 =	vmul.u32 $0x9E3779B1, v20;
	v20 =	vcvt.s32.f32 v20  }
0x265: {  	v9 =	vand.u32 $0xFFFF, v9;
	v21 =	vand.u32 $0xFFFF, v45;
	v26 =	vsub.f32 $1.000000000e+00, v19  }
0x266: {  	v15 =	vand.u32 $0xFFFF, v15;
	v48 =	vxor.u32 v8, v22;
	v22 =	vxor.u32 v22, v41  }
0x267: {  	v8 =	vxor.u32 v8, v11;
	v11 =	vxor.u32 v41, v11;
	v36 =	vmul.u32 $0x30025795, v24  }
0x268: {  	v24 =	vcvt.s32.f32 v24;
	v30 =	vand.u32 $0xFFFF, v48;
	v22 =	vand.u32 $0xFFFF, v22  }
0x269: {  	v8 =	vand.u32 $0xFFFF, v8;
	v11 =	vand.u32 $0xFFFF, v11;
	v28 =	vmul.f32 v46, v19  }
0x26a: {  	v55 =	vcvt.s32.f32 v29;
	v58 =	vxor.u32 v29, v27;
	v19 =	vmul.f32 v6, v19  }
0x26b: {  	v20 =	vsub.f32 v5, v20;
	v45 =	vadd.s32 $0x9E3779B1, v27;
	v49 =	vmul.f32 v46, v26;
	v23 =	vld.idx.msk [tilespmem:v23+s2+$0x0], $0xffff  }
0x26c: {  	v26 =	vmul.f32 v6, v26;
	v41 =	vxor.u32 v36, v58;
	v37 =	vsub.f32 v10, v55;
	v31 =	vld.idx.msk [tilespmem:v9+s2+$0x0], $0xffff  }
0x26d: {  	s24 =	simm.s32 $0x12010;
	v42 =	vxor.u32 v29, v45;
	v29 =	vadd.s32 $0x1, v29;
	v9 =	vsub.f32 $1.000000000e+00, v12;
	v21 =	vld.idx.msk [tilespmem:v21+s2+$0x0], $0xffff  }
0x26e: {  	[tilespmem:s24+$0xFFFFFFF0] =	vst v7;
	v5 =	vand.u32 $0xFFFF, v41;
	v32 =	vmul.f32 v49, v12;
	v15 =	vld.idx.msk [tilespmem:v15+s2+$0x0], $0xffff;
	v7 =	vmul.f32 v20, v37  }
0x26f: {  	v63 =	vsub.f32 $1.000000000e+00, v20;
	v50 =	vmul.f32 v9, v49;
	v35 =	vmul.f32 v9, v26  }
0x270: {  	v27 =	vxor.u32 v29, v27;
	v30 =	vld.idx.msk [tilespmem:v30+s2+$0x0], $0xffff;
	v26 =	vmul.f32 v12, v26;
	v39 =	vmul.f32 v9, v28  }
0x271: {  	v22 =	vld.idx.msk [tilespmem:v22+s2+$0x0], $0xffff;
	v28 =	vmul.f32 v28, v12;
	v10 =	vmul.f32 v9, v19;
	v51 =	vand.u32 $0xFFFF0000, v23  }
0x272: {  	v8 =	vld.idx.msk [tilespmem:v8+s2+$0x0], $0xffff;
	v23 =	vshll.u32 v23, $0x10;
	v34 =	vmul.f32 v51, v50;
	v52 =	vand.u32 $0xFFFF0000, v31  }
0x273: {  	v53 =	vand.u32 $0xFFFF0000, v21;
	v56 =	vand.u32 $0xFFFF0000, v15;
	v23 =	vmul.f32 v23, v50  }
0x274: {  	v31 =	vshll.u32 v31, $0x10;
	v21 =	vshll.u32 v21, $0x10;
	v15 =	vshll.u32 v15, $0x10  }
0x275: {  	v25 =	vmul.f32 v52, v32;
	v54 =	vmul.f32 v53, v35;
	v34 =	vadd.f32 $0.0e+00, v34  }
0x276: {  	v57 =	vmul.f32 v56, v26;
	v40 =	vand.u32 $0xFFFF0000, v30;
	v60 =	vand.u32 $0xFFFF0000, v22  }
0x277: {  	v9 =	vand.u32 $0xFFFF0000, v8;
	v31 =	vmul.f32 v31, v32;
	v25 =	vadd.f32 v34, v25  }
0x278: {  	v6 =	vld.idx.msk [tilespmem:v11+s2+$0x0], $0xffff;
	v53 =	vxor.u32 v36, v27;
	v21 =	vmul.f32 v21, v35;
	v34 =	vadd.s32 $0x30025795, v36  }
0x279: {  	v15 =	vmul.f32 v15, v26;
	v38 =	vxor.u32 v58, v34;
	v25 =	vadd.f32 v25, v54  }
0x27a: {  	[tilespmem:s24+$0xFFFFF800] =	vst v13;
	v13 =	vshll.u32 v22, $0x10;
	v59 =	vmul.f32 v40, v39;
	v38 =	vand.u32 $0xFFFF, v38  }
0x27b: {  	v61 =	vmul.f32 v60, v28;
	v23 =	vadd.f32 $0.0e+00, v23;
	v25 =	vadd.f32 v25, v57  }
0x27c: {  	v62 =	vmul.f32 v9, v10;
	v9 =	vmul.f32 v12, v19;
	v19 =	vsub.f32 $1.000000000e+00, v37  }
0x27d: {  	v12 =	vand.u32 $0xFFFF0000, v6;
	v23 =	vadd.f32 v23, v31;
	v11 =	vadd.f32 v25, v59  }
0x27e: {  	v46 =	vmul.f32 v12, v9;
	v43 =	vmul.f32 v63, v19;
	v50 =	vxor.u32 v34, v42  }
0x27f: {  	v21 =	vadd.f32 v23, v21;
	v47 =	vld.idx.msk [tilespmem:v38+s2+$0x0], $0xffff;
	v38 =	vand.u32 $0xFFFF, v50;
	v25 =	vadd.f32 v11, v61  }
0x280: {  	v11 =	vsub.f32 v17, v24;
	v17 =	vld.idx.msk [tilespmem:v5+s2+$0x0], $0xffff;
	v5 =	vmul.f32 v18, v16;
	v18 =	vxor.u32 v36, v42  }
0x281: {  	v19 =	vmul.f32 v20, v19;
	v27 =	vxor.u32 v27, v34;
	v18 =	vand.u32 $0xFFFF, v18  }
0x282: {  	v58 =	vmul.f32 v63, v37;
	v27 =	vand.u32 $0xFFFF, v27;
	v21 =	vadd.f32 v21, v15  }
0x283: {  	v24 =	vxor.u32 v29, v45;
	v29 =	vand.u32 $0xFFFF, v53;
	v61 =	vshll.u32 v30, $0x10  }
0x284: {  	v36 =	vxor.u32 v36, v24;
	v25 =	vadd.f32 v25, v62;
	v12 =	vsub.f32 $1.000000000e+00, v11  }
0x285: {  	v24 =	vxor.u32 v34, v24;
	v51 =	vmul.f32 v43, v11;
	v36 =	vand.u32 $0xFFFF, v36;
	v55 =	vld.idx.msk [tilespmem:v38+s2+$0x0], $0xffff  }
0x286: {  	v24 =	vand.u32 $0xFFFF, v24;
	v16 =	vadd.f32 v25, v46;
	v48 =	vmul.f32 v12, v43;
	v18 =	vld.idx.msk [tilespmem:v18+s2+$0x0], $0xffff  }
0x287: {  	v52 =	vshll.u32 v47, $0x10;
	v54 =	vmul.f32 v12, v19;
	v49 =	vshll.u32 v17, $0x10  }
0x288: {  	v19 =	vmul.f32 v11, v19;
	v17 =	vand.u32 $0xFFFF0000, v17;
	v33 =	vmul.f32 v49, v48  }
0x289: {  	v25 =	vand.u32 $0xFFFF0000, v47;
	v62 =	vmul.f32 v12, v58;
	v29 =	vld.idx.msk [tilespmem:v29+s2+$0x0], $0xffff;
	v17 =	vmul.f32 v17, v48  }
0x28a: {  	v32 =	vmul.f32 v52, v51;
	v25 =	vmul.f32 v25, v51;
	v33 =	vadd.f32 $0.0e+00, v33  }
0x28b: {  	v60 =	vld.idx.msk [tilespmem:v27+s2+$0x0], $0xffff;
	v17 =	vadd.f32 $0.0e+00, v17;
	v59 =	vshll.u32 v55, $0x10;
	v56 =	vshll.u32 v18, $0x10  }
0x28c: {  	v32 =	vadd.f32 v33, v32;
	v18 =	vand.u32 $0xFFFF0000, v18;
	v57 =	vmul.f32 v56, v54  }
0x28d: {  	v35 =	vand.u32 $0xFFFF0000, v55;
	v17 =	vadd.f32 v17, v25;
	v18 =	vmul.f32 v18, v54  }
0x28e: {  	v63 =	vshll.u32 v29, $0x10;
	v29 =	vand.u32 $0xFFFF0000, v29;
	v23 =	vadd.f32 v32, v57  }
0x28f: {  	v17 =	vadd.f32 v17, v18;
	v18 =	vmul.f32 v59, v19;
	v19 =	vmul.f32 v35, v19  }
0x290: {  	v26 =	vmul.f32 v61, v39;
	v20 =	vshll.u32 v60, $0x10;
	v15 =	vld.idx.msk [tilespmem:v36+s2+$0x0], $0xffff;
	v27 =	vmul.f32 v29, v62  }
0x291: {  	s25 =	simm.s32 $0x12030;
	[tilespmem:s24+$0xFFFFF7F0] =	vst v14;
	v23 =	vadd.f32 v23, v18;
	v14 =	vadd.f32 v17, v19;
	v17 =	vmul.f32 v63, v62  }
0x292: {  	[tilespmem:s25+$0xFFFFFFF0] =	vst v16;
	v16 =	vadd.f32 v21, v26;
	v21 =	vand.u32 $0xFFFF0000, v60;
	v19 =	vmul.f32 v58, v11  }
0x293: {  	v18 =	vmul.f32 v13, v28;
	v13 =	vld.idx.msk [tilespmem:v24+s2+$0x0], $0xffff;
	v17 =	vadd.f32 v23, v17;
	v14 =	vadd.f32 v14, v27  }
.LBB2_11:
0x294: {  	s22 =	sadd.s32 $0x20, s22;
	v8 =	vshll.u32 v8, $0x10;
	v20 =	vmul.f32 v20, v19;
	v19 =	vmul.f32 v21, v19;
	s23 =	sadd.s32 $0x20, s23  }
0x295: {  	v12 =	vmul.f32 v12, v7;
	v22 =	vshll.u32 v15, $0x10;
	v15 =	vand.u32 $0xFFFF0000, v15;
	v21 =	vld [tilespmem:s23+$0xFFFFFFF0];
	s26 =	sand.u32 $0x7E0, s22;
	p0 =	slt.u32 s22, $0x7E0  }
0x296: {  	v16 =	vadd.f32 v16, v18;
	v8 =	vmul.f32 v8, v10;
	v23 =	vld [tilespmem:s26+$0x11000];
	v10 =	vadd.f32 v17, v20  }
0x297: {  	v14 =	vadd.f32 v14, v19;
	v18 =	vmul.f32 v22, v12;
	v12 =	vmul.f32 v15, v12;
	v17 =	vld [tilespmem:s23+$0xFFFFF7F0]  }
0x298: {  	v6 =	vshll.u32 v6, $0x10;
	v7 =	vmul.f32 v11, v7;
	v8 =	vadd.f32 v16, v8;
	v15 =	vld [tilespmem:s23+$0x0]  }
0x299: {  	v10 =	vadd.f32 v10, v18;
	v16 =	vshll.u32 v13, $0x10;
	v13 =	vand.u32 $0xFFFF0000, v13;
	v11 =	vld [tilespmem:s23+$0x800]  }
0x29a: {  	v6 =	vmul.f32 v6, v9;
	v9 =	vadd.f32 v14, v12;
	v18 =	vmul.f32 v21, v3;
	v19 =	vld [tilespmem:s23+$0xFFFFF800]  }
0x29b: {  	v5 =	vadd.f32 v4, v5;
	v14 =	vmul.f32 v16, v7;
	v12 =	vmul.f32 v23, v3  }
0x29c: {  	v6 =	vadd.f32 v8, v6;
	v4 =	vmovc v9;
	v16 =	vmul.f32 v17, v3;
	v17 =	vtrunc.f32 v18  }
0x29d: {  	v10 =	vadd.f32 v10, v14;
	v8 =	vcvt.f32.s32 v17;
	v9 =	vtrunc.f32 v12;
	[tilespmem:s24+$0x0] =	vst v5;
	s24 =	smov.u32 s25  }
0x29e: {  	v5 =	vtrunc.f32 v16;
	v9 =	vcvt.f32.s32 v9;
	[tilespmem:s25+$0xFFFFF7F0] =	vst v6  }
0x29f: {  	v20 =	vmul.f32 v15, v3;
	v6 =	vcvt.f32.s32 v5;
	v14 =	vmul.u32 $0x9E3779B1, v8;
	[tilespmem:s25+$0xFFFFF800] =	vst v10  }
0x2a0: {  	v11 =	vmul.f32 v11, v3;
	v17 =	vmul.f32 v19, v3;
	v10 =	vmul.u32 $0x30025795, v9  }
0x2a1: {  	v19 =	vtrunc.f32 v20;
	v5 =	vmul.f32 v13, v7;
	v15 =	vxor.u32 v6, v14  }
0x2a2: {  	v19 =	vcvt.f32.s32 v19;
	v13 =	vtrunc.f32 v11;
	v7 =	vxor.u32 v10, v15  }
0x2a3: {  	v22 =	vtrunc.f32 v17;
	v21 =	vadd.s32 $0x30025795, v10;
	v7 =	vand.u32 $0xFFFF, v7  }
0x2a4: {  	v23 =	vcvt.s32.f32 v6;
	v24 =	vadd.s32 $0x9E3779B1, v14;
	v15 =	vxor.u32 v15, v21  }
0x2a5: {  	v8 =	vcvt.s32.f32 v8;
	v25 =	vxor.u32 v6, v24;
	v15 =	vand.u32 $0xFFFF, v15  }
0x2a6: {  	v9 =	vcvt.s32.f32 v9;
	v6 =	vadd.s32 $0x1, v6;
	v26 =	vxor.u32 v10, v25  }
0x2a7: {  	v18 =	vsub.f32 v18, v8;
	v23 =	vsub.f32 v16, v23;
	v8 =	vand.u32 $0xFFFF, v26  }
0x2a8: {  	v9 =	vsub.f32 v12, v9;
	v12 =	vxor.u32 v6, v14;
	v26 =	vld.idx.msk [tilespmem:v7+s2+$0x0], $0xffff;
	v7 =	vxor.u32 v21, v25  }
0x2a9: {  	v16 =	vsub.f32 $1.000000000e+00, v18;
	v14 =	vsub.f32 $1.000000000e+00, v23;
	v7 =	vand.u32 $0xFFFF, v7  }
0x2aa: {  	v27 =	vcvt.f32.s32 v13;
	v22 =	vcvt.f32.s32 v22;
	v25 =	vld.idx.msk [tilespmem:v15+s2+$0x0], $0xffff;
	v15 =	vxor.u32 v10, v12  }
0x2ab: {  	v28 =	vsub.f32 $1.000000000e+00, v9;
	v13 =	vmul.f32 v16, v14;
	v29 =	vand.u32 $0xFFFF, v15  }
0x2ac: {  	v6 =	vxor.u32 v6, v24;
	v24 =	vmul.u32 $0x9E3779B1, v19;
	v30 =	vld.idx.msk [tilespmem:v8+s2+$0x0], $0xffff;
	v8 =	vxor.u32 v12, v21  }
0x2ad: {  	v31 =	vmul.f32 v28, v13;
	v12 =	vxor.u32 v21, v6;
	v8 =	vand.u32 $0xFFFF, v8  }
0x2ae: {  	v14 =	vmul.f32 v18, v14;
	v6 =	vxor.u32 v10, v6;
	v21 =	vand.u32 $0xFFFF0000, v26;
	v15 =	vld.idx.msk [tilespmem:v7+s2+$0x0], $0xffff  }
0x2af: {  	v6 =	vand.u32 $0xFFFF, v6;
	v7 =	vmul.f32 v21, v31;
	v21 =	vmul.f32 v13, v9  }
0x2b0: {  	v12 =	vand.u32 $0xFFFF, v12;
	v10 =	vand.u32 $0xFFFF0000, v25;
	v13 =	vld.idx.msk [tilespmem:v29+s2+$0x0], $0xffff;
	v29 =	vmul.u32 $0x30025795, v27  }
0x2b1: {  	v33 =	vmul.f32 v28, v14;
	v32 =	vadd.f32 $0.0e+00, v7;
	v10 =	vmul.f32 v10, v21  }
0x2b2: {  	v36 =	vcvt.s32.f32 v22;
	v35 =	vmul.f32 v16, v23;
	v34 =	vand.u32 $0xFFFF0000, v30;
	v7 =	vld.idx.msk [tilespmem:v8+s2+$0x0], $0xffff  }
0x2b3: {  	v10 =	vadd.f32 v32, v10;
	v16 =	vmul.f32 v34, v33;
	v32 =	vmul.f32 v9, v14  }
0x2b4: {  	v19 =	vcvt.s32.f32 v19;
	v34 =	vxor.u32 v22, v24;
	v14 =	vand.u32 $0xFFFF0000, v15;
	v8 =	vld.idx.msk [tilespmem:v6+s2+$0x0], $0xffff  }
0x2b5: {  	v10 =	vadd.f32 v10, v16;
	v14 =	vmul.f32 v14, v32;
	v16 =	vmul.f32 v28, v35  }
0x2b6: {  	v23 =	vmul.f32 v18, v23;
	v37 =	vand.u32 $0xFFFF0000, v13;
	v6 =	vld.idx.msk [tilespmem:v12+s2+$0x0], $0xffff;
	v12 =	vxor.u32 v29, v34  }
0x2b7: {  	v10 =	vadd.f32 v10, v14;
	v37 =	vmul.f32 v37, v16;
	v14 =	vmul.f32 v35, v9  }
0x2b8: {  	v17 =	vsub.f32 v17, v36;
	v18 =	vsub.f32 v20, v19;
	v35 =	vand.u32 $0xFFFF0000, v7  }
0x2b9: {  	v19 =	vadd.f32 v10, v37;
	v20 =	vmul.f32 v35, v14;
	v10 =	vmul.f32 v28, v23  }
0x2ba: {  	v27 =	vcvt.s32.f32 v27;
	v12 =	vand.u32 $0xFFFF, v12;
	v28 =	vand.u32 $0xFFFF0000, v8  }
0x2bb: {  	v9 =	vmul.f32 v9, v23;
	v19 =	vadd.f32 v19, v20;
	v20 =	vmul.f32 v28, v10  }
0x2bc: {  	v35 =	vadd.s32 $0x30025795, v29;
	v28 =	vadd.s32 $0x9E3779B1, v24;
	v23 =	vand.u32 $0xFFFF0000, v6  }
0x2bd: {  	v19 =	vadd.f32 v19, v20;
	v20 =	vmul.f32 v23, v9;
	v23 =	vxor.u32 v34, v35  }
0x2be: {  	v36 =	vsub.f32 $1.000000000e+00, v18;
	v34 =	vsub.f32 $1.000000000e+00, v17;
	v23 =	vand.u32 $0xFFFF, v23  }
0x2bf: {  	v11 =	vsub.f32 v11, v27;
	v19 =	vadd.f32 v19, v20;
	v20 =	vld.idx.msk [tilespmem:v12+s2+$0x0], $0xffff;
	v12 =	vxor.u32 v22, v28  }
0x2c0: {  	s25 =	sadd.s32 $0x20, s25;
	v27 =	vmul.f32 v36, v34;
	v37 =	vxor.u32 v29, v12;
	v38 =	vxor.u32 v35, v12  }
0x2c1: {  	v12 =	vsub.f32 $1.000000000e+00, v11;
	[tilespmem:s25+$0xFFFFFFF0] =	vst v19;
	v19 =	vadd.s32 $0x1, v22;
	v22 =	vand.u32 $0xFFFF, v37  }
0x2c2: {  	v26 =	vshll.u32 v26, $0x10;
	v37 =	vand.u32 $0xFFFF, v38;
	v24 =	vxor.u32 v19, v24  }
0x2c3: {  	v26 =	vmul.f32 v26, v31;
	v31 =	vmul.f32 v12, v27;
	v23 =	vld.idx.msk [tilespmem:v23+s2+$0x0], $0xffff;
	v38 =	vxor.u32 v29, v24  }
0x2c4: {  	v25 =	vshll.u32 v25, $0x10;
	v34 =	vmul.f32 v18, v34;
	v27 =	vmul.f32 v27, v11  }
0x2c5: {  	v39 =	vshll.u32 v20, $0x10;
	v20 =	vand.u32 $0xFFFF0000, v20;
	v38 =	vand.u32 $0xFFFF, v38  }
0x2c6: {  	v26 =	vadd.f32 $0.0e+00, v26;
	v39 =	vmul.f32 v39, v31;
	v20 =	vmul.f32 v20, v31;
	v22 =	vld.idx.msk [tilespmem:v22+s2+$0x0], $0xffff  }
0x2c7: {  	v21 =	vmul.f32 v25, v21;
	v25 =	vmul.f32 v12, v34;
	v24 =	vxor.u32 v24, v35;
	v31 =	vld.idx.msk [tilespmem:v37+s2+$0x0], $0xffff  }
0x2c8: {  	v30 =	vshll.u32 v30, $0x10;
	v37 =	vadd.f32 $0.0e+00, v39;
	v20 =	vadd.f32 $0.0e+00, v20  }
0x2c9: {  	v24 =	vand.u32 $0xFFFF, v24;
	v39 =	vshll.u32 v23, $0x10;
	v23 =	vand.u32 $0xFFFF0000, v23  }
0x2ca: {  	v19 =	vxor.u32 v19, v28;
	v39 =	vmul.f32 v39, v27;
	v23 =	vmul.f32 v23, v27;
	v27 =	vld.idx.msk [tilespmem:v38+s2+$0x0], $0xffff  }
0x2cb: {  	v21 =	vadd.f32 v26, v21;
	v26 =	vmul.f32 v30, v33;
	v28 =	vxor.u32 v29, v19  }
0x2cc: {  	v29 =	vadd.f32 v37, v39;
	v30 =	vshll.u32 v22, $0x10;
	v22 =	vand.u32 $0xFFFF0000, v22  }
0x2cd: {  	v20 =	vadd.f32 v20, v23;
	v23 =	vmul.f32 v30, v25;
	v22 =	vmul.f32 v22, v25  }
0x2ce: {  	v15 =	vshll.u32 v15, $0x10;
	v25 =	vmul.f32 v11, v34;
	v30 =	vmul.f32 v36, v17;
	v24 =	vld.idx.msk [tilespmem:v24+s2+$0x0], $0xffff  }
0x2cf: {  	v28 =	vand.u32 $0xFFFF, v28;
	v33 =	vshll.u32 v31, $0x10;
	v31 =	vand.u32 $0xFFFF0000, v31  }
0x2d0: {  	v21 =	vadd.f32 v21, v26;
	v15 =	vmul.f32 v15, v32;
	v23 =	vadd.f32 v29, v23  }
0x2d1: {  	v20 =	vadd.f32 v20, v22;
	v22 =	vmul.f32 v33, v25;
	v25 =	vmul.f32 v31, v25  }
0x2d2: {  	v13 =	vshll.u32 v13, $0x10;
	v19 =	vxor.u32 v35, v19;
	v26 =	vmul.f32 v12, v30  }
0x2d3: {  	v31 =	vand.u32 $0xFFFF, v19;
	v29 =	vshll.u32 v27, $0x10;
	v27 =	vand.u32 $0xFFFF0000, v27  }
.Ltmp4:
0x2d4: {  	v21 =	vadd.f32 v21, v15;
	v13 =	vmul.f32 v13, v16;
	v22 =	vadd.f32 v23, v22;
	v15 =	vld.idx.msk [tilespmem:v28+s2+$0x0], $0xffff;
	(pc) =	sbr.rel @p0 .LBB2_11-.Ltmp4, $4  }
0x2d5: {  	v23 =	vadd.f32 v20, v25;
	v25 =	vmul.f32 v29, v26;
	v26 =	vmul.f32 v27, v26  }
0x2d6: {  	v19 =	vmul.f32 v30, v11;
	v27 =	vshll.u32 v7, $0x10;
	v7 =	vmul.f32 v18, v17  }
0x2d7: {  	v16 =	vadd.f32 v21, v13;
	v20 =	vshll.u32 v24, $0x10;
	v21 =	vand.u32 $0xFFFF0000, v24  }
0x2d8: {  	v18 =	vmul.f32 v27, v14;
	v17 =	vadd.f32 v22, v25;
	v14 =	vadd.f32 v23, v26;
	v13 =	vld.idx.msk [tilespmem:v31+s2+$0x0], $0xffff  }
0x2d9: {  	v8 =	vshll.u32 v8, $0x10;
	v20 =	vmul.f32 v20, v19;
	v56 =	vmul.f32 v21, v19  }
0x2da: {  	v12 =	vmul.f32 v12, v7;
	v57 =	vshll.u32 v15, $0x10;
	v58 =	vand.u32 $0xFFFF0000, v15  }
0x2db: {  	v6 =	vshll.u32 v6, $0x10;
	v61 =	vmul.f32 v11, v7;
	v4 =	vadd.f32 v4, v5  }
0x2dc: {  	v16 =	vadd.f32 v16, v18;
	v8 =	vmul.f32 v8, v10;
	v6 =	vmul.f32 v6, v9  }
0x2dd: {  	v59 =	vadd.f32 v17, v20;
	v14 =	vadd.f32 v14, v56;
	v60 =	vmul.f32 v57, v12  }
0x2de: {  	v12 =	vmul.f32 v58, v12;
	v8 =	vadd.f32 v16, v8;
	v62 =	vshll.u32 v13, $0x10  }
0x2df: {  	v10 =	vadd.f32 v59, v60;
	v63 =	vand.u32 $0xFFFF0000, v13;
	v11 =	vmul.f32 v62, v61  }
0x2e0: {  	s22 =	smul.u32 $0x60000, s21;
	v5 =	vadd.f32 v14, v12;
	v6 =	vadd.f32 v8, v6;
	v7 =	vmul.f32 v63, v61  }
0x2e1: {  	[tilespmem:s24+$0x0] =	vst v4;
	v4 =	vadd.f32 v10, v11  }
0x2e2: {  	s21 =	sadd.s32 $0x1, s21;
	s22 =	sadd.s32 s14, s22;
	[tilespmem:s25+$0xFFFFF7F0] =	vst v6;
	v5 =	vadd.f32 v5, v7  }
0x2e3: {  	p0 =	sne.s32 s21, $0xB;
	s22 =	sshrl.u32 s22, $0x3;
	[tilespmem:s25+$0xFFFFF800] =	vst v4  }
.Ltmp5:
0x2e4: {  	s22 =	sadd.s32 s8, s22;
	[tilespmem:s25+$0x0] =	vst v5;
	(pc) =	sbr.rel @p0 .LBB2_10-.Ltmp5, $4  }
0x2e5: {  	[hbm4b:s22+s2] =	stream.linear.scatter [tilespmem:s19], [sflag:$0x1], $0x1000, $0x38;
	[tilespmem:$0x12880] =	vst v63  }
0x2e6: {  	_ =	swait.ge [sflag:s17], $0x1000  }
0x2e7: {  	[sflag:s17] =	ssyncset.done $0x0  }
0x2e8: {  	[sflag:s17] =	ssyncadd.s32 $0xFFFFF000  }
0x2e9: {  	s20 =	sadd.s32 $0x1, s20  }
0x2ea: {  	p0 =	sne.s32 s20, s15  }
.Ltmp6:
0x2eb: {  	_ = 	snop;
	(pc) =	sbr.rel @p0 .LBB2_1-.Ltmp6, $1  }
0x2ec: {  	_ =	sdelay $0x3  }
0x2ed: {  	_ =	sfence.sel $0x180000  }
0x2ee: {  	[bflag:$0x0] =	sbarrier.arrive $0xFFFF  }
0x2ef: {  	p0 =	sne.s32 s0, $0x0;
	_ =	strace $0x9000004A  }
0x2f0: {  	s0 =	sadd.s32 @!p0 $0x100000, s1;
	[bflag:$0x2] =	sbarrier.arrive $0xFFFF  }
0x2f1: {  	[sflag:s0] =	ssyncadd.tile.s32 @!p0 $0x1;
	_ =	shalt  }
.Lfunc_end2:
_tile_overlayer_lowered:
.L_overlay_start_2:
0x2f2: {  	(tag) =	ssettag $0x2  }
0x2f3: {  	s0 =	rddreg [dreg:$0x0];
	s2 =	stileid.u32  }
0x2f4: {  	s1 =	rddreg [dreg:$0x1];
	p0 =	sne.s32 s2, $0x0  }
0x2f5: {  	s3 =	rddreg [dreg:$0x2];
	[bflag:$0x3] =	sbarrier.arrive $0xFFFF;
	s2 =	simm.s32 @!p0 $0x1C01  }
0x2f6: {  	[timem:s3], [sflag:s2] =	dma.local @!p0 [hbm:s0], s1  }
0x2f7: {  	s0 =	simm.s32 @!p0 $0x1  }
0x2f8: {  	_ =	swait.ge @!p0 [sflag:s0], s1  }
0x2f9: {  	s1 =	ssub.s32 @!p0 $0x0, s1;
	[sflag:s0] =	ssyncset.done @!p0 $0x0  }
0x2fa: {  	[sflag:s0] =	ssyncadd.s32 @!p0 s1  }
0x2fb: {  	[bflag:$0x3] =	sbarrier.arrive $0xFFFF  }
0x2fc: {  	_ =	shalt  }

// kernel: kernel.9.cloned.1.call-start
scs
__scs_entry_jumppad:
0x0: {  	(pc) =	sbr.rel $0x88, $3  }
0x1: {  	(tag) =	ssettag $0x0;
	lr =	simm.s32 $0x1  }
0x2: {  	[smem:$0x3F95] =	sst lr;
	_ =	strace $0xD0000000  }
0x3: {  	_ = 	snop  }
0x4: {  	_ = 	snop  }
0x5: {  	_ = 	snop  }
0x6: {  	_ = 	snop  }
0x7: {  	_ = 	snop  }
__scs_overlays_trampoline_lowered:
0x8: {  	[smem:$0x3FA4] =	sst s0  }
0x9: {  	[smem:$0x3FA5] =	sst s1  }
0xa: {  	[smem:$0x3FA6] =	sst s2  }
0xb: {  	[smem:$0x3FA7] =	sst s3  }
0xc: {  	[smem:$0x3FA8] =	sst s4  }
0xd: {  	[smem:$0x3FA9] =	sst s5  }
0xe: {  	[smem:$0x3FAA] =	sst s6  }
0xf: {  	[smem:$0x3FAB] =	sst s7  }
0x10: {  	[smem:$0x3FAC] =	sst s8  }
0x11: {  	[smem:$0x3FAD] =	sst s9;
	s0 =	simm.s32 @!p0 $0x0  }
0x12: {  	s1 =	sld [smem:$0x3F93];
	s0 =	simm.s32 @p0 $0x1  }
0x13: {  	[smem:$0x3FAE] =	sst s0;
	s0 =	simm.s32 @!p1 $0x0  }
0x14: {  	s2 =	sld [smem:$0x3F92];
	s0 =	simm.s32 @p1 $0x1  }
0x15: {  	[smem:$0x3FAF] =	sst s0;
	s0 =	simm.s32 @!p2 $0x0  }
0x16: {  	s3 =	sld [smem:$0x3FDB];
	s0 =	simm.s32 @p2 $0x1  }
0x17: {  	s4 =	simm.s32 $0x1BF5;
	[smem:$0x3FB1] =	sst s0  }
0x18: {  	s0 =	sld [smem:$0x3F94];
	_ =	swait.ge [sflag:s4], $0x0  }
0x19: {  	s7 =	sld [smem:$0x3F95]  }
0x1a: {  	s8 =	sadd.s32 $0xFFFFE003, lr  }
0x1b: {  	s9 =	sadd.s32 $0xFFFFFEF7, lr;
	s5 =	simm.s32 $0xFFFFFFFF;
	p2 =	slt.u32 s8, $0xFFFFF086  }
0x1c: {  	p1 =	slt.u32 s9, $0xF7A;
	s5 =	simm.s32 @!p2 $0x0  }
0x1d: {  	s5 =	simm.s32 @p1 $0x1;
	p0 =	seq.s32 s7, s2  }
0x1e: {  	s7 =	smul.u32 @!p0 $0xF7A, s2;
	p2 =	seq.s32 @!p0 s5, $0x0  }
0x1f: {  	s9 =	smul.u32 $0xF7A, s1;
	s8 =	simm.s32 @!p0 $0x1BF5;
	p2 =	por !p2, p0  }
0x20: {  	[sflag:s8] =	ssyncset.s32 @!p0 $0xFFFFF086;
	s6 =	sadd.s32 @!p0 s3, s7;
	s7 =	simm.s32 @!p0 $0x108  }
0x21: {  	s3 =	sadd.s32 s3, s9;
	s6 =	sadd.s32 @!p0 $0x88, s6;
	s7 =	simm.s32 @p2 $0x1082  }
0x22: {  	[simem:s7], [sflag:s8] =	dma.local @!p0 [hbm:s6], $0xF7A  }
0x23: {  	s9 =	sor.u32 $0xD0000000, s2;
	s6 =	simm.s32 $0x108;
	_ =	swait.ge @!p0 [sflag:s8], $0x0  }
0x24: {  	s3 =	sadd.s32 $0x88, s3;
	s6 =	simm.s32 @!p1 $0x1082;
	[sflag:s4] =	ssyncset.s32 $0xFFFFF086  }
0x25: {  	[simem:s6], [sflag:s4] =	dma.local [hbm:s3], $0xF7A  }
0x26: {  	[smem:$0x3F95] =	sst s1;
	(tag) =	ssettag s2;
	_ =	strace s9  }
0x27: {  	s1 =	sld [smem:$0x3FA5]  }
0x28: {  	s2 =	sld [smem:$0x3FA6]  }
0x29: {  	s4 =	sld [smem:$0x3FA8]  }
0x2a: {  	p0 =	seq.s32 s5, $0x0;
	s5 =	sld [smem:$0x3FA9]  }
0x2b: {  	s6 =	sld [smem:$0x3FAA]  }
0x2c: {  	s7 =	sld [smem:$0x3FAB]  }
0x2d: {  	s3 =	simm.s32 $0x108;
	s8 =	sld [smem:$0x3FAC]  }
0x2e: {  	s3 =	simm.s32 @!p0 $0x1082;
	s9 =	sld [smem:$0x3FAD]  }
0x2f: {  	lr =	sadd.s32 s0, s3;
	s0 =	sld [smem:$0x3FA4]  }
0x30: {  	s3 =	sld [smem:$0x3FA7]  }
0x31: {  	[smem:$0x3FB0] =	sst s10  }
0x32: {  	s10 =	sld [smem:$0x3FAE];
	_ =	sdelay $0x3  }
0x33: {  	p0 =	seq.s32 s10, $0x1;
	s10 =	sld [smem:$0x3FB0];
	_ =	sdelay $0x3  }
0x34: {  	[smem:$0x3FB0] =	sst s10  }
0x35: {  	s10 =	sld [smem:$0x3FAF];
	_ =	sdelay $0x3  }
0x36: {  	p1 =	seq.s32 s10, $0x1;
	s10 =	sld [smem:$0x3FB0];
	_ =	sdelay $0x3  }
0x37: {  	[smem:$0x3FB0] =	sst s10  }
0x38: {  	s10 =	sld [smem:$0x3FB1]  }
0x39: {  	_ = 	snop;
	(pc) =	sbr.ind lr, $3  }
0x3a: {  	_ = 	snop  }
0x3b: {  	_ = 	snop  }
0x3c: {  	p2 =	seq.s32 s10, $0x1;
	s10 =	sld [smem:$0x3FB0]  }
0x3d: {  	_ =	shalt  }
0x3e: {  	_ =	shalt  }
0x3f: {  	_ =	shalt  }
0x40: {  	_ =	shalt  }
0x41: {  	_ =	shalt  }
0x42: {  	_ =	shalt  }
0x43: {  	_ =	shalt  }
0x44: {  	_ =	shalt  }
0x45: {  	_ =	shalt  }
0x46: {  	_ =	shalt  }
0x47: {  	_ =	shalt  }
0x48: {  	_ =	shalt  }
0x49: {  	_ =	shalt  }
0x4a: {  	_ =	shalt  }
0x4b: {  	_ =	shalt  }
0x4c: {  	_ =	shalt  }
0x4d: {  	_ =	shalt  }
0x4e: {  	_ =	shalt  }
0x4f: {  	_ =	shalt  }
0x50: {  	_ =	shalt  }
0x51: {  	_ =	shalt  }
0x52: {  	_ =	shalt  }
0x53: {  	_ =	shalt  }
0x54: {  	_ =	shalt  }
0x55: {  	_ =	shalt  }
0x56: {  	_ =	shalt  }
0x57: {  	_ =	shalt  }
0x58: {  	_ =	shalt  }
0x59: {  	_ =	shalt  }
0x5a: {  	_ =	shalt  }
0x5b: {  	_ =	shalt  }
0x5c: {  	_ =	shalt  }
0x5d: {  	_ =	shalt  }
0x5e: {  	_ =	shalt  }
0x5f: {  	_ =	shalt  }
0x60: {  	_ =	shalt  }
0x61: {  	_ =	shalt  }
0x62: {  	_ =	shalt  }
0x63: {  	_ =	shalt  }
0x64: {  	_ =	shalt  }
0x65: {  	_ =	shalt  }
0x66: {  	_ =	shalt  }
0x67: {  	_ =	shalt  }
0x68: {  	_ =	shalt  }
0x69: {  	_ =	shalt  }
0x6a: {  	_ =	shalt  }
0x6b: {  	_ =	shalt  }
0x6c: {  	_ =	shalt  }
0x6d: {  	_ =	shalt  }
0x6e: {  	_ =	shalt  }
0x6f: {  	_ =	shalt  }
0x70: {  	_ =	shalt  }
0x71: {  	_ =	shalt  }
0x72: {  	_ =	shalt  }
0x73: {  	_ =	shalt  }
0x74: {  	_ =	shalt  }
0x75: {  	_ =	shalt  }
0x76: {  	_ =	shalt  }
0x77: {  	_ =	shalt  }
0x78: {  	_ =	shalt  }
0x79: {  	_ =	shalt  }
0x7a: {  	_ =	shalt  }
0x7b: {  	_ =	shalt  }
0x7c: {  	_ =	shalt  }
0x7d: {  	_ =	shalt  }
0x7e: {  	_ =	shalt  }
0x7f: {  	_ =	shalt  }
0x80: {  	_ =	shalt  }
0x81: {  	_ =	shalt  }
0x82: {  	_ =	shalt  }
0x83: {  	_ =	shalt  }
0x84: {  	_ =	shalt  }
0x85: {  	_ =	shalt  }
0x86: {  	_ =	shalt  }
0x87: {  	_ =	shalt  }
.Lfunc_end0:
.L_simem_size_0:
called_computation.2_lowered:
.L_overlay_start_0:
0x88: {  	s2 =	sld [smem:$0x3FD9]  }
0x89: {  	s3 =	sld [smem:$0x3FFE];
	_ =	sdelay $0x1  }
0x8a: {  	s1 =	srdreg.scid  }
0x8b: {  	s0 =	sand.u32 $0x1, s1  }
0x8c: {  	s16 =	sshll.u32 s0, $0xA;
	s2 =	sadd.s32 s3, s2  }
0x8d: {  	s2 =	sadd.s32 s2, s16  }
0x8e: {  	[smem:$0x3FBC] =	sst s2  }
0x8f: {  	_ = 	snop  }
0x90: {  	(tm) =	ssettm $0x1  }
0x91: {  	s17 =	sld [smem:$0x3FFB];
	_ =	sdelay $0x3  }
0x92: {  	_ =	strace s17  }
0x93: {  	s2 =	sld [smem:$0x3FFC];
	_ =	sdelay $0x3  }
0x94: {  	_ =	strace s2  }
0x95: {  	s2 =	sld [smem:$0x3FFD];
	_ =	sdelay $0x3  }
0x96: {  	_ =	strace s2  }
0x97: {  	_ =	strace $0x8FFFFFFF  }
0x98: {  	s18 =	sld [smem:$0x3FDB];
	_ =	sdelay $0x1  }
0x99: {  	s19 =	simm.s32 $_scs_section_size  }
0x9a: {  	s4 =	simm.s32 $_size__tile_overlayer_lowered;
	s5 =	simm.s32 $_tile_overlayer_lowered  }
0x9b: {  	s22 =	simm.s32 $0x1BFF;
	s21 =	sshll.u32 s5, $0x1;
	s2 =	sadd.s32 s19, s18  }
0x9c: {  	s6 =	simm.s32 $0x0;
	s20 =	sshll.u32 s4, $0x1;
	s4 =	sadd.s32 s21, s2  }
0x9d: {  	[timem:s6], [sflag:s22] =	dma.local [hbm:s4], s20  }
0x9e: {  	_ =	swait.ge [sflag:s22], s20  }
0x9f: {  	s3 =	ssub.s32 $0x0, s20;
	[sflag:s22] =	ssyncset.done $0x0  }
0xa0: {  	[sflag:s22] =	ssyncadd.s32 s3;
	_ =	sdelay $0x1  }
0xa1: {  	s23 =	simm.s32 $0x1B8B  }
0xa2: {  	_ =	swait.ge [sflag:s23], $0x1  }
0xa3: {  	[sflag:s23] =	ssyncset.done $0x0  }
0xa4: {  	s25 =	simm.s32 $0x1B8E;
	s24 =	sld [smem:$0x3FFE];
	[sflag:s23] =	ssyncadd.s32 $0xFFFFFFFF  }
0xa5: {  	s26 =	simm.s32 $execute0_lowered;
	[smem:$0x3FD2] =	sst s25  }
0xa6: {  	s4 =	sshll.u32 s26, $0x1;
	_ =	strace $0x80000046;
	[dreg:$0x1] =	wrdreg $0xFFFFFFFF  }
0xa7: {  	s28 =	simm.s32 $_size_execute0_lowered;
	s2 =	sadd.s32 s2, s4;
	[dreg:$0x0] =	wrdreg $0x0  }
0xa8: {  	s4 =	sshll.u32 s28, $0x1;
	[dreg:$0x2] =	wrdreg s2  }
0xa9: {  	[dreg:$0x3] =	wrdreg s4  }
0xaa: {  	[dreg:$0x4] =	wrdreg $0xC0  }
0xab: {  	_ =	task [dreg:s6], $0x5FFFF  }
0xac: {  	[dreg:$0x1] =	wrdreg $0xFFFFFFFF  }
0xad: {  	[dreg:$0x0] =	wrdreg $0x60  }
0xae: {  	[dreg:$0x2] =	wrdreg s24  }
0xaf: {  	[dreg:$0x3] =	wrdreg $0xA  }
0xb0: {  	_ =	task.clear_ibuf [dreg:s6], $0x4FFFF;
	_ =	strace $0x90000046  }
0xb1: {  	s29 =	simm.s32 $0xA;
	_ =	strace $0x80000048  }
0xb2: {  	_ =	swait.ge [sflag:s29], $0x1  }
0xb3: {  	[sflag:s29] =	ssyncadd.s32 $0xFFFFFFFF  }
0xb4: {  	_ =	strace $0x90000048  }
0xb5: {  	_ =	sfence  }
0xb6: {  	s30 =	sld [smem:$0x0];
	_ =	sdelay $0x2  }
0xb7: {  	s31 =	sshll.u32 s1, $0xD;
	s1 =	sshrl.u32 s1, $0x2  }
0xb8: {  	s3 =	sand.u32 $0x4000, s31;
	s1 =	sadd.s32 s1, s30  }
0xb9: {  	s0 =	sor.u32 s3, s0;
	s1 =	sshll.u32 s1, $0x11  }
0xba: {  	s0 =	sor.u32 s1, s0  }
0xbb: {  	s0 =	sadd.s32 $0x8F2B, s0  }
0xbc: {  	[sflag:s0] =	ssyncadd.remote.s32 $0x1  }
0xbd: {  	_ =	sfence.sel $0xFFFF  }
0xbe: {  	[dreg:$0x0] =	wrdreg $0xFFFFFFFF;
	(pc) =	sbr.abs _section_cstart, $3  }
0xbf: {  	[dreg:$0x1] =	wrdreg $0xFFFFFFFF  }
0xc0: {  	_ =	task.clear_ibuf [dreg:s6], $0x2FFFF;
	_ =	strace $0x9FFFFFFF  }
0xc1: {  	(tm) =	ssettm $0x7FFFFFFF  }
tec
execute0_lowered:
.L_overlay_start_1:
0x0: {  	(tag) =	ssettag $0x1  }
0x1: {  	s1 =	srdreg.scid  }
0x2: {  	s0 =	stileid.u32;
	s8 =	rddreg [dreg:$0x0];
	s2 =	simm.s32 $0x0  }
0x3: {  	s4 =	sand.u32 $0x1, s1;
	s16 =	sshll.u32 s0, $0x1;
	s1 =	rddreg [dreg:$0x1]  }
0x4: {  	[smem:$0x7FF] =	sst s2;
	s6 =	sadd.s32 $0x9800, s8;
	s9 =	sor.u32 s4, s16  }
0x5: {  	s12 =	sadd.s32 $0x39800, s8;
	p0 =	sgt.u32 s0, $0x3;
	s18 =	smul.u32 $0x3, s9  }
0x6: {  	_ =	strace $0x80000047;
	s4 =	ssub.s32 $0x2, s4;
	s22 =	smul.u32 $0x6000, s9  }
0x7: {  	s13 =	sshrl.u32 s4, $0x1;
	s9 =	smul.u32 $0x6, s9;
	s10 =	sadd.s32 $0xFFFFFFE8, s18  }
0x8: {  	s16 =	ssub.s32 s4, s13;
	s11 =	sadd.s32 $0xFFFFFFE9, s18;
	s3 =	sshll.u32 s10, $0x18  }
0x9: {  	s15 =	sadd.s32 $0xFFFFFFEA, s18;
	s17 =	sshll.u32 s11, $0x18;
	s3 =	sshra.s32 s3, $0x18  }
0xa: {  	s4 =	sadd.s32 s6, s22;
	s19 =	sshra.s32 s17, $0x18;
	s5 =	smul.u32 $0x56, s3  }
0xb: {  	s21 =	sshll.u32 s15, $0x18;
	s20 =	smul.u32 $0x56, s19;
	s19 =	sadd.s32 $0x1, s18  }
0xc: {  	s31 =	sshll.u32 s15, $0xD;
	s3 =	sadd.s32 $0x2000, s8;
	s24 =	sshll.u32 s19, $0xD  }
0xd: {  	s7 =	sshrl.u32 s5, $0x1F;
	s5 =	sshrl.u32 s5, $0x8;
	s23 =	sshrl.u32 s20, $0x1F  }
0xe: {  	s17 =	sshrl.u32 s20, $0x8;
	s20 =	sadd.s32 $0x2, s18;
	s5 =	sadd.s32 s7, s5  }
0xf: {  	v0 =	vmov s18;
	s18 =	simm.s32 $0x10000;
	s13 =	sadd.s32 s23, s17;
	s14 =	smul.u32 $0x3, s5  }
0x10: {  	s26 =	sshll.u32 s20, $0xD;
	s5 =	sshra.s32 s21, $0x18;
	s13 =	smul.u32 $0x3, s13  }
0x11: {  	s7 =	sadd.s32 $0xC9A00, s8;
	s8 =	sadd.s32 $0xC9C00, s8;
	s5 =	smul.u32 $0x56, s5  }
0x12: {  	s14 =	ssub.s32 s10, s14;
	s10 =	sshll.u32 s10, $0xD;
	s13 =	ssub.s32 s11, s13  }
0x13: {  	s11 =	sshll.u32 s11, $0xD;
	s25 =	sshrl.u32 s5, $0x1F;
	s21 =	sshrl.u32 s5, $0x8  }
0x14: {  	s5 =	sadd.s32 s6, s24;
	s6 =	sadd.s32 s6, s26;
	s14 =	smul.u32 $0xA000000, s14  }
0x15: {  	s10 =	sand.u32 $0x1FFFE000, s10;
	s13 =	smul.u32 $0xA000000, s13;
	s11 =	sand.u32 $0x1FFFE000, s11  }
0x16: {  	s17 =	sadd.s32 s25, s21;
	s21 =	sadd.s32 s12, s10;
	s28 =	sshra.s32 s14, $0x18  }
0x17: {  	s29 =	smul.u32 $0x3, s17;
	s17 =	sadd.s32 s12, s11;
	s30 =	sshra.s32 s13, $0x18  }
0x18: {  	s13 =	sand.u32 $0x1FFFE000, s31;
	s4 =	smov.u32 @p0 s21;
	s10 =	sadd.s32 $0xA, s28  }
0x19: {  	s11 =	sadd.s32 $0xA, s30;
	s22 =	sadd.s32 s12, s13;
	s14 =	ssub.s32 s15, s29  }
0x1a: {  	s13 =	sshll.u32 s19, $0xC;
	s5 =	smov.u32 @p0 s17;
	s14 =	smul.u32 $0xA000000, s14  }
0x1b: {  	v1 =	vmov s19;
	s17 =	simm.s32 $0x1;
	s19 =	simm.s32 $0x11800;
	s10 =	simm.s32 @!p0 $0x0  }
0x1c: {  	s11 =	simm.s32 @!p0 $0x0;
	s15 =	smax.u32 s16, $0x1;
	s14 =	sshra.s32 s14, $0x18  }
0x1d: {  	s6 =	smov.u32 @p0 s22;
	s16 =	simm.s32 $0x12800;
	s12 =	sadd.s32 $0xA, s14  }
0x1e: {  	v2 =	vmov s20;
	s14 =	sshll.u32 s20, $0xC;
	s20 =	simm.s32 $0x0;
	s12 =	simm.s32 @!p0 $0x0  }
.LBB2_1:
0x1f: {  	[tilespmem:s16], [sflag:$0x1] =	stream.linear.gather [hbm4b:s7+s2], $0x80, $0x38;
	[tilespmem:$0x12880] =	vst v63  }
0x20: {  	_ =	swait.ge [sflag:s17], $0x80  }
0x21: {  	[sflag:s17] =	ssyncset.done $0x0  }
0x22: {  	[sflag:s17] =	ssyncadd.s32 $0xFFFFFF80  }
0x23: {  	[tilespmem:s2], [sflag:$0x1] =	stream.linear.gather [hbm4b:s4+s2], $0x10000, $0x38;
	[tilespmem:$0x12880] =	vst v63  }
0x24: {  	_ =	swait.ge [sflag:s17], $0x10000  }
0x25: {  	[sflag:s17] =	ssyncset.done $0x0  }
0x26: {  	[sflag:s17] =	ssyncadd.s32 $0xFFFF0000  }
0x27: {  	s21 =	simm.s32 $0x0;
	v3 =	vld.idx.msk [tilespmem:v0+s16+$0x0], $0xffff  }
.LBB2_2:
0x28: {  	s22 =	sadd.s32 s10, s21  }
0x29: {  	s22 =	smul.u32 $0x1800, s22;
	_ =	sdelay $0x1  }
0x2a: {  	s22 =	sshrl.u32 s22, $0x3  }
0x2b: {  	s22 =	sadd.s32 s3, s22  }
0x2c: {  	[tilespmem:s18], [sflag:$0x1] =	stream.linear.gather [hbm4b:s22+s2], $0x1800, $0x38;
	[tilespmem:$0x12880] =	vst v63  }
0x2d: {  	_ =	swait.ge [sflag:s17], $0x1800  }
0x2e: {  	[sflag:s17] =	ssyncset.done $0x0  }
0x2f: {  	s31 =	simm.s32 $0x10810;
	s23 =	simm.s32 $0x0;
	[sflag:s17] =	ssyncadd.s32 $0xFFFFE800  }
0x30: {  	s23 =	sand.u32 $0x7E0, s23;
	v4 =	vld [tilespmem:s31+$0xFFFFFFF0]  }
0x31: {  	v5 =	vld [tilespmem:s23+$0x11000]  }
0x32: {  	v6 =	vld [tilespmem:s31+$0xFFFFF7F0]  }
0x33: {  	v7 =	vld [tilespmem:s31+$0x0]  }
0x34: {  	v8 =	vld [tilespmem:s31+$0x800]  }
0x35: {  	v10 =	vld [tilespmem:s31+$0xFFFFF800];
	_ =	sdelay $0x2  }
0x36: {  	v4 =	vmul.f32 v4, v3;
	v5 =	vmul.f32 v5, v3  }
0x37: {  	v6 =	vmul.f32 v6, v3;
	v7 =	vmul.f32 v7, v3  }
0x38: {  	v8 =	vmul.f32 v8, v3;
	v10 =	vmul.f32 v10, v3  }
0x39: {  	v9 =	vtrunc.f32 v4;
	v11 =	vtrunc.f32 v5  }
0x3a: {  	v12 =	vtrunc.f32 v6;
	v16 =	vtrunc.f32 v7  }
0x3b: {  	v18 =	vtrunc.f32 v8;
	v9 =	vcvt.f32.s32 v9  }
0x3c: {  	v11 =	vcvt.f32.s32 v11;
	v12 =	vcvt.f32.s32 v12  }
0x3d: {  	v16 =	vcvt.f32.s32 v16;
	v18 =	vcvt.f32.s32 v18  }
0x3e: {  	v13 =	vmul.u32 $0x9E3779B1, v9;
	v14 =	vmul.u32 $0x30025795, v11;
	v20 =	vcvt.s32.f32 v12  }
0x3f: {  	v9 =	vcvt.s32.f32 v9;
	v11 =	vcvt.s32.f32 v11  }
0x40: {  	v46 =	vmul.u32 $0x30025795, v18;
	v15 =	vxor.u32 v12, v13;
	v19 =	vadd.s32 $0x30025795, v14  }
0x41: {  	v21 =	vadd.s32 $0x9E3779B1, v13;
	v6 =	vsub.f32 v6, v20;
	v4 =	vsub.f32 v4, v9  }
0x42: {  	v5 =	vsub.f32 v5, v11;
	v17 =	vxor.u32 v14, v15;
	v15 =	vxor.u32 v15, v19  }
0x43: {  	v22 =	vxor.u32 v12, v21;
	v12 =	vadd.s32 $0x1, v12;
	v17 =	vand.u32 $0xFFFF, v17  }
0x44: {  	v15 =	vand.u32 $0xFFFF, v15;
	v23 =	vxor.u32 v14, v22;
	v11 =	vxor.u32 v19, v22  }
0x45: {  	v13 =	vxor.u32 v12, v13;
	v20 =	vsub.f32 $1.000000000e+00, v6;
	v22 =	vsub.f32 $1.000000000e+00, v4  }
0x46: {  	v25 =	vsub.f32 $1.000000000e+00, v5;
	v12 =	vxor.u32 v12, v21;
	v21 =	vmul.u32 $0x9E3779B1, v16  }
0x47: {  	v16 =	vcvt.s32.f32 v16;
	v9 =	vand.u32 $0xFFFF, v23;
	v23 =	vtrunc.f32 v10  }
0x48: {  	v11 =	vand.u32 $0xFFFF, v11;
	v24 =	vxor.u32 v14, v13;
	v13 =	vxor.u32 v13, v19  }
0x49: {  	v14 =	vxor.u32 v14, v12;
	v12 =	vxor.u32 v19, v12;
	v23 =	vcvt.f32.s32 v23  }
0x4a: {  	v26 =	vmul.f32 v22, v20;
	v24 =	vand.u32 $0xFFFF, v24;
	v20 =	vmul.f32 v4, v20  }
0x4b: {  	v13 =	vand.u32 $0xFFFF, v13;
	v22 =	vmul.f32 v22, v6;
	v6 =	vmul.f32 v4, v6  }
0x4c: {  	v14 =	vand.u32 $0xFFFF, v14;
	v27 =	vmul.f32 v25, v26;
	v26 =	vmul.f32 v26, v5  }
0x4d: {  	v12 =	vand.u32 $0xFFFF, v12;
	v29 =	vmul.f32 v25, v20;
	v20 =	vmul.f32 v5, v20;
	v17 =	vld.idx.msk [tilespmem:v17+s2+$0x0], $0xffff  }
0x4e: {  	v54 =	vadd.s32 $0x9E3779B1, v21;
	v31 =	vcvt.s32.f32 v23;
	v48 =	vmul.f32 v25, v22  }
0x4f: {  	v33 =	vxor.u32 v23, v21;
	v22 =	vmul.f32 v22, v5;
	v25 =	vmul.f32 v25, v6;
	v15 =	vld.idx.msk [tilespmem:v15+s2+$0x0], $0xffff  }
0x50: {  	v5 =	vmul.f32 v5, v6;
	v6 =	vsub.f32 v7, v16;
	v16 =	vcvt.s32.f32 v18  }
0x51: {  	v18 =	vadd.s32 $0x30025795, v46;
	v49 =	vxor.u32 v46, v33;
	v9 =	vld.idx.msk [tilespmem:v9+s2+$0x0], $0xffff;
	v10 =	vsub.f32 v10, v31  }
0x52: {  	v53 =	vsub.f32 $1.000000000e+00, v6;
	v8 =	vsub.f32 v8, v16;
	v28 =	vand.u32 $0xFFFF0000, v17  }
0x53: {  	v11 =	vld.idx.msk [tilespmem:v11+s2+$0x0], $0xffff;
	v16 =	vxor.u32 v23, v54;
	v23 =	vadd.s32 $0x1, v23;
	v28 =	vmul.f32 v28, v27  }
0x54: {  	v35 =	vxor.u32 v46, v16;
	v16 =	vxor.u32 v18, v16;
	v19 =	vand.u32 $0xFFFF0000, v15  }
0x55: {  	v24 =	vld.idx.msk [tilespmem:v24+s2+$0x0], $0xffff;
	v21 =	vxor.u32 v23, v21;
	v19 =	vmul.f32 v19, v26;
	v28 =	vadd.f32 $0.0e+00, v28  }
0x56: {  	v23 =	vxor.u32 v23, v54;
	v52 =	vsub.f32 $1.000000000e+00, v10;
	v30 =	vand.u32 $0xFFFF0000, v9  }
0x57: {  	v13 =	vld.idx.msk [tilespmem:v13+s2+$0x0], $0xffff;
	v36 =	vsub.f32 $1.000000000e+00, v8;
	v45 =	vmul.f32 v30, v29;
	v19 =	vadd.f32 v28, v19  }
0x58: {  	v35 =	vand.u32 $0xFFFF, v35;
	v16 =	vand.u32 $0xFFFF, v16;
	v32 =	vand.u32 $0xFFFF0000, v11  }
0x59: {  	v14 =	vld.idx.msk [tilespmem:v14+s2+$0x0], $0xffff;
	v37 =	vxor.u32 v46, v21;
	v47 =	vmul.f32 v32, v20;
	v19 =	vadd.f32 v19, v45  }
0x5a: {  	v21 =	vxor.u32 v21, v18;
	v37 =	vand.u32 $0xFFFF, v37;
	v34 =	vand.u32 $0xFFFF0000, v24  }
0x5b: {  	v4 =	vld.idx.msk [tilespmem:v12+s2+$0x0], $0xffff;
	v21 =	vand.u32 $0xFFFF, v21;
	v12 =	vadd.f32 v19, v47;
	v19 =	vmul.f32 v34, v48  }
0x5c: {  	v55 =	vmul.f32 v53, v52;
	v17 =	vshll.u32 v17, $0x10;
	v50 =	vand.u32 $0xFFFF0000, v13  }
0x5d: {  	v15 =	vshll.u32 v15, $0x10;
	v12 =	vadd.f32 v12, v19;
	v19 =	vmul.f32 v50, v22  }
0x5e: {  	v31 =	vmul.f32 v6, v52;
	v6 =	vmul.f32 v6, v10;
	v51 =	vand.u32 $0xFFFF0000, v14  }
0x5f: {  	v28 =	vand.u32 $0xFFFF, v49;
	v12 =	vadd.f32 v12, v19;
	v19 =	vmul.f32 v51, v25  }
0x60: {  	v17 =	vmul.f32 v17, v27;
	v15 =	vmul.f32 v15, v26;
	v9 =	vshll.u32 v9, $0x10  }
0x61: {  	v7 =	vand.u32 $0xFFFF0000, v4;
	v12 =	vadd.f32 v12, v19;
	v19 =	vxor.u32 v33, v18  }
0x62: {  	v56 =	vmul.f32 v36, v55;
	v7 =	vmul.f32 v7, v5;
	v57 =	vld.idx.msk [tilespmem:v35+s2+$0x0], $0xffff;
	v19 =	vand.u32 $0xFFFF, v19  }
0x63: {  	v11 =	vshll.u32 v11, $0x10;
	v58 =	vmul.f32 v36, v31;
	v9 =	vmul.f32 v9, v29;
	v16 =	vld.idx.msk [tilespmem:v16+s2+$0x0], $0xffff  }
0x64: {  	v11 =	vmul.f32 v11, v20;
	v17 =	vadd.f32 $0.0e+00, v17;
	v7 =	vadd.f32 v12, v7;
	v12 =	vld.idx.msk [tilespmem:v28+s2+$0x0], $0xffff  }
0x65: {  	v13 =	vshll.u32 v13, $0x10;
	v14 =	vshll.u32 v14, $0x10;
	v4 =	vshll.u32 v4, $0x10  }
0x66: {  	v35 =	vmul.f32 v53, v10;
	v20 =	vld.idx.msk [tilespmem:v21+s2+$0x0], $0xffff;
	v15 =	vadd.f32 v17, v15;
	v17 =	vxor.u32 v46, v23  }
0x67: {  	v13 =	vmul.f32 v13, v22;
	v21 =	vshll.u32 v24, $0x10;
	v17 =	vand.u32 $0xFFFF, v17;
	v19 =	vld.idx.msk [tilespmem:v19+s2+$0x0], $0xffff  }
0x68: {  	v9 =	vadd.f32 v15, v9;
	v62 =	vshll.u32 v57, $0x10;
	v26 =	vand.u32 $0xFFFF0000, v57  }
0x69: {  	v63 =	vld.idx.msk [tilespmem:v37+s2+$0x0], $0xffff;
	v37 =	vshll.u32 v16, $0x10;
	v26 =	vmul.f32 v26, v58;
	v38 =	vshll.u32 v12, $0x10  }
0x6a: {  	v34 =	vmul.f32 v8, v31;
	v12 =	vand.u32 $0xFFFF0000, v12;
	v38 =	vmul.f32 v38, v56  }
0x6b: {  	v16 =	vand.u32 $0xFFFF0000, v16;
	v28 =	vmul.f32 v55, v8;
	v12 =	vmul.f32 v12, v56  }
0x6c: {  	v59 =	vadd.f32 $0.0e+00, v38;
	v60 =	vshll.u32 v19, $0x10;
	v19 =	vand.u32 $0xFFFF0000, v19  }
0x6d: {  	v12 =	vadd.f32 $0.0e+00, v12;
	v38 =	vmul.f32 v60, v28;
	v19 =	vmul.f32 v19, v28  }
0x6e: {  	v9 =	vadd.f32 v9, v11;
	v11 =	vmul.f32 v21, v48;
	v18 =	vxor.u32 v18, v23  }
0x6f: {  	v61 =	vadd.f32 v59, v38;
	v12 =	vadd.f32 v12, v19;
	v19 =	vmul.f32 v62, v58  }
0x70: {  	v16 =	vmul.f32 v16, v34;
	v23 =	vmul.f32 v36, v35;
	v18 =	vand.u32 $0xFFFF, v18  }
0x71: {  	v15 =	vadd.f32 v61, v19;
	v12 =	vadd.f32 v12, v26;
	v19 =	vmul.f32 v37, v34  }
0x72: {  	v39 =	vand.u32 $0xFFFF0000, v63;
	v9 =	vadd.f32 v9, v11;
	v38 =	vshll.u32 v63, $0x10  }
0x73: {  	s23 =	simm.s32 $0x10830;
	v15 =	vadd.f32 v15, v19;
	v12 =	vadd.f32 v12, v16;
	v16 =	vld.idx.msk [tilespmem:v17+s2+$0x0], $0xffff;
	v17 =	vmul.f32 v38, v23  }
0x74: {  	v21 =	vmul.f32 v35, v8;
	v9 =	vadd.f32 v9, v13;
	v13 =	vmul.f32 v14, v25;
	v14 =	vld [tilespmem:s23+$0xFFFFF7F0]  }
0x75: {  	s22 =	simm.s32 $0x20;
	v10 =	vshll.u32 v20, $0x10;
	v19 =	vmul.f32 v39, v23;
	v15 =	vadd.f32 v15, v17;
	v17 =	vld [tilespmem:s23+$0xFFFFFFF0]  }
0x76: {  	s24 =	sand.u32 $0x7E0, s22;
	v5 =	vmul.f32 v4, v5;
	v11 =	vand.u32 $0xFFFF0000, v20;
	v10 =	vmul.f32 v10, v21;
	v18 =	vld.idx.msk [tilespmem:v18+s2+$0x0], $0xffff  }
0x77: {  	v20 =	vld [tilespmem:s24+$0x11000];
	v11 =	vmul.f32 v11, v21;
	v12 =	vadd.f32 v12, v19;
	v19 =	vmul.f32 v36, v6  }
0x78: {  	v10 =	vadd.f32 v15, v10;
	v21 =	vshll.u32 v16, $0x10;
	v16 =	vand.u32 $0xFFFF0000, v16  }
0x79: {  	v11 =	vadd.f32 v12, v11;
	v12 =	vmul.f32 v21, v19;
	v15 =	vmul.f32 v16, v19  }
0x7a: {  	v16 =	vmul.f32 v8, v6;
	v8 =	vld [tilespmem:s23+$0x0];
	v6 =	vmul.f32 v17, v3  }
0x7b: {  	v9 =	vadd.f32 v9, v13;
	v13 =	vshll.u32 v18, $0x10;
	v19 =	vmul.f32 v14, v3;
	v17 =	vld [tilespmem:s23+$0x800]  }
0x7c: {  	v10 =	vadd.f32 v10, v12;
	v12 =	vmul.f32 v20, v3;
	v20 =	vld [tilespmem:s23+$0xFFFFF800];
	v4 =	vtrunc.f32 v6  }
0x7d: {  	v18 =	vand.u32 $0xFFFF0000, v18;
	v13 =	vmul.f32 v13, v16;
	v21 =	vcvt.f32.s32 v4  }
0x7e: {  	v14 =	vtrunc.f32 v12;
	v4 =	vadd.f32 v11, v15;
	v11 =	vtrunc.f32 v19  }
0x7f: {  	v13 =	vadd.f32 v10, v13;
	v15 =	vcvt.f32.s32 v14;
	v11 =	vcvt.f32.s32 v11  }
0x80: {  	v14 =	vadd.f32 v9, v5;
	v5 =	vmul.f32 v8, v3;
	v17 =	vmul.f32 v17, v3  }
0x81: {  	v22 =	vmul.u32 $0x9E3779B1, v21;
	v21 =	vcvt.s32.f32 v21;
	v10 =	vmul.f32 v20, v3  }
0x82: {  	v8 =	vmul.u32 $0x30025795, v15;
	v20 =	vtrunc.f32 v5;
	v42 =	vcvt.s32.f32 v11  }
0x83: {  	v15 =	vcvt.s32.f32 v15;
	v9 =	vxor.u32 v11, v22;
	v20 =	vcvt.f32.s32 v20  }
0x84: {  	v40 =	vtrunc.f32 v17;
	v43 =	vadd.s32 $0x9E3779B1, v22;
	v6 =	vsub.f32 v6, v21  }
0x85: {  	v23 =	vxor.u32 v8, v9;
	v41 =	vadd.s32 $0x30025795, v8;
	v44 =	vxor.u32 v11, v43  }
0x86: {  	v11 =	vadd.s32 $0x1, v11;
	v19 =	vsub.f32 v19, v42;
	v12 =	vsub.f32 v12, v15  }
0x87: {  	v47 =	vtrunc.f32 v10;
	v24 =	vcvt.f32.s32 v40;
	v23 =	vand.u32 $0xFFFF, v23  }
0x88: {  	v9 =	vxor.u32 v9, v41;
	v45 =	vxor.u32 v8, v44;
	v15 =	vxor.u32 v41, v44  }
0x89: {  	v22 =	vxor.u32 v11, v22;
	v46 =	vsub.f32 $1.000000000e+00, v6;
	v29 =	vcvt.f32.s32 v47  }
0x8a: {  	v11 =	vxor.u32 v11, v43;
	v27 =	vmul.u32 $0x9E3779B1, v20;
	v20 =	vcvt.s32.f32 v20  }
0x8b: {  	v9 =	vand.u32 $0xFFFF, v9;
	v21 =	vand.u32 $0xFFFF, v45;
	v26 =	vsub.f32 $1.000000000e+00, v19  }
0x8c: {  	v15 =	vand.u32 $0xFFFF, v15;
	v48 =	vxor.u32 v8, v22;
	v22 =	vxor.u32 v22, v41  }
0x8d: {  	v8 =	vxor.u32 v8, v11;
	v11 =	vxor.u32 v41, v11;
	v36 =	vmul.u32 $0x30025795, v24  }
0x8e: {  	v24 =	vcvt.s32.f32 v24;
	v30 =	vand.u32 $0xFFFF, v48;
	v22 =	vand.u32 $0xFFFF, v22  }
0x8f: {  	v8 =	vand.u32 $0xFFFF, v8;
	v11 =	vand.u32 $0xFFFF, v11;
	v28 =	vmul.f32 v46, v19  }
0x90: {  	v55 =	vcvt.s32.f32 v29;
	v58 =	vxor.u32 v29, v27;
	v19 =	vmul.f32 v6, v19  }
0x91: {  	v20 =	vsub.f32 v5, v20;
	v45 =	vadd.s32 $0x9E3779B1, v27;
	v49 =	vmul.f32 v46, v26;
	v23 =	vld.idx.msk [tilespmem:v23+s2+$0x0], $0xffff  }
0x92: {  	v26 =	vmul.f32 v6, v26;
	v41 =	vxor.u32 v36, v58;
	v37 =	vsub.f32 v10, v55;
	v31 =	vld.idx.msk [tilespmem:v9+s2+$0x0], $0xffff  }
0x93: {  	s24 =	simm.s32 $0x12010;
	v42 =	vxor.u32 v29, v45;
	v29 =	vadd.s32 $0x1, v29;
	v9 =	vsub.f32 $1.000000000e+00, v12;
	v21 =	vld.idx.msk [tilespmem:v21+s2+$0x0], $0xffff  }
0x94: {  	[tilespmem:s24+$0xFFFFFFF0] =	vst v7;
	v5 =	vand.u32 $0xFFFF, v41;
	v32 =	vmul.f32 v49, v12;
	v15 =	vld.idx.msk [tilespmem:v15+s2+$0x0], $0xffff;
	v7 =	vmul.f32 v20, v37  }
0x95: {  	v63 =	vsub.f32 $1.000000000e+00, v20;
	v50 =	vmul.f32 v9, v49;
	v35 =	vmul.f32 v9, v26  }
0x96: {  	v27 =	vxor.u32 v29, v27;
	v30 =	vld.idx.msk [tilespmem:v30+s2+$0x0], $0xffff;
	v26 =	vmul.f32 v12, v26;
	v39 =	vmul.f32 v9, v28  }
0x97: {  	v22 =	vld.idx.msk [tilespmem:v22+s2+$0x0], $0xffff;
	v28 =	vmul.f32 v28, v12;
	v10 =	vmul.f32 v9, v19;
	v51 =	vand.u32 $0xFFFF0000, v23  }
0x98: {  	v8 =	vld.idx.msk [tilespmem:v8+s2+$0x0], $0xffff;
	v23 =	vshll.u32 v23, $0x10;
	v34 =	vmul.f32 v51, v50;
	v52 =	vand.u32 $0xFFFF0000, v31  }
0x99: {  	v53 =	vand.u32 $0xFFFF0000, v21;
	v56 =	vand.u32 $0xFFFF0000, v15;
	v23 =	vmul.f32 v23, v50  }
0x9a: {  	v31 =	vshll.u32 v31, $0x10;
	v21 =	vshll.u32 v21, $0x10;
	v15 =	vshll.u32 v15, $0x10  }
0x9b: {  	v25 =	vmul.f32 v52, v32;
	v54 =	vmul.f32 v53, v35;
	v34 =	vadd.f32 $0.0e+00, v34  }
0x9c: {  	v57 =	vmul.f32 v56, v26;
	v40 =	vand.u32 $0xFFFF0000, v30;
	v60 =	vand.u32 $0xFFFF0000, v22  }
0x9d: {  	v9 =	vand.u32 $0xFFFF0000, v8;
	v31 =	vmul.f32 v31, v32;
	v25 =	vadd.f32 v34, v25  }
0x9e: {  	v6 =	vld.idx.msk [tilespmem:v11+s2+$0x0], $0xffff;
	v53 =	vxor.u32 v36, v27;
	v21 =	vmul.f32 v21, v35;
	v34 =	vadd.s32 $0x30025795, v36  }
0x9f: {  	v15 =	vmul.f32 v15, v26;
	v38 =	vxor.u32 v58, v34;
	v25 =	vadd.f32 v25, v54  }
0xa0: {  	[tilespmem:s24+$0xFFFFF800] =	vst v13;
	v13 =	vshll.u32 v22, $0x10;
	v59 =	vmul.f32 v40, v39;
	v38 =	vand.u32 $0xFFFF, v38  }
0xa1: {  	v61 =	vmul.f32 v60, v28;
	v23 =	vadd.f32 $0.0e+00, v23;
	v25 =	vadd.f32 v25, v57  }
0xa2: {  	v62 =	vmul.f32 v9, v10;
	v9 =	vmul.f32 v12, v19;
	v19 =	vsub.f32 $1.000000000e+00, v37  }
0xa3: {  	v12 =	vand.u32 $0xFFFF0000, v6;
	v23 =	vadd.f32 v23, v31;
	v11 =	vadd.f32 v25, v59  }
0xa4: {  	v46 =	vmul.f32 v12, v9;
	v43 =	vmul.f32 v63, v19;
	v50 =	vxor.u32 v34, v42  }
0xa5: {  	v21 =	vadd.f32 v23, v21;
	v47 =	vld.idx.msk [tilespmem:v38+s2+$0x0], $0xffff;
	v38 =	vand.u32 $0xFFFF, v50;
	v25 =	vadd.f32 v11, v61  }
0xa6: {  	v11 =	vsub.f32 v17, v24;
	v17 =	vld.idx.msk [tilespmem:v5+s2+$0x0], $0xffff;
	v5 =	vmul.f32 v18, v16;
	v18 =	vxor.u32 v36, v42  }
0xa7: {  	v19 =	vmul.f32 v20, v19;
	v27 =	vxor.u32 v27, v34;
	v18 =	vand.u32 $0xFFFF, v18  }
0xa8: {  	v58 =	vmul.f32 v63, v37;
	v27 =	vand.u32 $0xFFFF, v27;
	v21 =	vadd.f32 v21, v15  }
0xa9: {  	v24 =	vxor.u32 v29, v45;
	v29 =	vand.u32 $0xFFFF, v53;
	v61 =	vshll.u32 v30, $0x10  }
0xaa: {  	v36 =	vxor.u32 v36, v24;
	v25 =	vadd.f32 v25, v62;
	v12 =	vsub.f32 $1.000000000e+00, v11  }
0xab: {  	v24 =	vxor.u32 v34, v24;
	v51 =	vmul.f32 v43, v11;
	v36 =	vand.u32 $0xFFFF, v36;
	v55 =	vld.idx.msk [tilespmem:v38+s2+$0x0], $0xffff  }
0xac: {  	v24 =	vand.u32 $0xFFFF, v24;
	v16 =	vadd.f32 v25, v46;
	v48 =	vmul.f32 v12, v43;
	v18 =	vld.idx.msk [tilespmem:v18+s2+$0x0], $0xffff  }
0xad: {  	v52 =	vshll.u32 v47, $0x10;
	v54 =	vmul.f32 v12, v19;
	v49 =	vshll.u32 v17, $0x10  }
0xae: {  	v19 =	vmul.f32 v11, v19;
	v17 =	vand.u32 $0xFFFF0000, v17;
	v33 =	vmul.f32 v49, v48  }
0xaf: {  	v25 =	vand.u32 $0xFFFF0000, v47;
	v62 =	vmul.f32 v12, v58;
	v29 =	vld.idx.msk [tilespmem:v29+s2+$0x0], $0xffff;
	v17 =	vmul.f32 v17, v48  }
0xb0: {  	v32 =	vmul.f32 v52, v51;
	v25 =	vmul.f32 v25, v51;
	v33 =	vadd.f32 $0.0e+00, v33  }
0xb1: {  	v60 =	vld.idx.msk [tilespmem:v27+s2+$0x0], $0xffff;
	v17 =	vadd.f32 $0.0e+00, v17;
	v59 =	vshll.u32 v55, $0x10;
	v56 =	vshll.u32 v18, $0x10  }
0xb2: {  	v32 =	vadd.f32 v33, v32;
	v18 =	vand.u32 $0xFFFF0000, v18;
	v57 =	vmul.f32 v56, v54  }
0xb3: {  	v35 =	vand.u32 $0xFFFF0000, v55;
	v17 =	vadd.f32 v17, v25;
	v18 =	vmul.f32 v18, v54  }
0xb4: {  	v63 =	vshll.u32 v29, $0x10;
	v29 =	vand.u32 $0xFFFF0000, v29;
	v23 =	vadd.f32 v32, v57  }
0xb5: {  	v17 =	vadd.f32 v17, v18;
	v18 =	vmul.f32 v59, v19;
	v19 =	vmul.f32 v35, v19  }
0xb6: {  	v26 =	vmul.f32 v61, v39;
	v20 =	vshll.u32 v60, $0x10;
	v15 =	vld.idx.msk [tilespmem:v36+s2+$0x0], $0xffff;
	v27 =	vmul.f32 v29, v62  }
0xb7: {  	s25 =	simm.s32 $0x12030;
	[tilespmem:s24+$0xFFFFF7F0] =	vst v14;
	v23 =	vadd.f32 v23, v18;
	v14 =	vadd.f32 v17, v19;
	v17 =	vmul.f32 v63, v62  }
0xb8: {  	[tilespmem:s25+$0xFFFFFFF0] =	vst v16;
	v16 =	vadd.f32 v21, v26;
	v21 =	vand.u32 $0xFFFF0000, v60;
	v19 =	vmul.f32 v58, v11  }
0xb9: {  	v18 =	vmul.f32 v13, v28;
	v13 =	vld.idx.msk [tilespmem:v24+s2+$0x0], $0xffff;
	v17 =	vadd.f32 v23, v17;
	v14 =	vadd.f32 v14, v27  }
.LBB2_3:
0xba: {  	s22 =	sadd.s32 $0x20, s22;
	v8 =	vshll.u32 v8, $0x10;
	v20 =	vmul.f32 v20, v19;
	v19 =	vmul.f32 v21, v19;
	s23 =	sadd.s32 $0x20, s23  }
0xbb: {  	v12 =	vmul.f32 v12, v7;
	v22 =	vshll.u32 v15, $0x10;
	v15 =	vand.u32 $0xFFFF0000, v15;
	v21 =	vld [tilespmem:s23+$0xFFFFFFF0];
	s26 =	sand.u32 $0x7E0, s22;
	p0 =	slt.u32 s22, $0x7E0  }
0xbc: {  	v16 =	vadd.f32 v16, v18;
	v8 =	vmul.f32 v8, v10;
	v23 =	vld [tilespmem:s26+$0x11000];
	v10 =	vadd.f32 v17, v20  }
0xbd: {  	v14 =	vadd.f32 v14, v19;
	v18 =	vmul.f32 v22, v12;
	v12 =	vmul.f32 v15, v12;
	v17 =	vld [tilespmem:s23+$0xFFFFF7F0]  }
0xbe: {  	v6 =	vshll.u32 v6, $0x10;
	v7 =	vmul.f32 v11, v7;
	v8 =	vadd.f32 v16, v8;
	v15 =	vld [tilespmem:s23+$0x0]  }
0xbf: {  	v10 =	vadd.f32 v10, v18;
	v16 =	vshll.u32 v13, $0x10;
	v13 =	vand.u32 $0xFFFF0000, v13;
	v11 =	vld [tilespmem:s23+$0x800]  }
0xc0: {  	v6 =	vmul.f32 v6, v9;
	v9 =	vadd.f32 v14, v12;
	v18 =	vmul.f32 v21, v3;
	v19 =	vld [tilespmem:s23+$0xFFFFF800]  }
0xc1: {  	v5 =	vadd.f32 v4, v5;
	v14 =	vmul.f32 v16, v7;
	v12 =	vmul.f32 v23, v3  }
0xc2: {  	v6 =	vadd.f32 v8, v6;
	v4 =	vmovc v9;
	v16 =	vmul.f32 v17, v3;
	v17 =	vtrunc.f32 v18  }
0xc3: {  	v10 =	vadd.f32 v10, v14;
	v8 =	vcvt.f32.s32 v17;
	v9 =	vtrunc.f32 v12;
	[tilespmem:s24+$0x0] =	vst v5;
	s24 =	smov.u32 s25  }
0xc4: {  	v5 =	vtrunc.f32 v16;
	v9 =	vcvt.f32.s32 v9;
	[tilespmem:s25+$0xFFFFF7F0] =	vst v6  }
0xc5: {  	v20 =	vmul.f32 v15, v3;
	v6 =	vcvt.f32.s32 v5;
	v14 =	vmul.u32 $0x9E3779B1, v8;
	[tilespmem:s25+$0xFFFFF800] =	vst v10  }
0xc6: {  	v11 =	vmul.f32 v11, v3;
	v17 =	vmul.f32 v19, v3;
	v10 =	vmul.u32 $0x30025795, v9  }
0xc7: {  	v19 =	vtrunc.f32 v20;
	v5 =	vmul.f32 v13, v7;
	v15 =	vxor.u32 v6, v14  }
0xc8: {  	v19 =	vcvt.f32.s32 v19;
	v13 =	vtrunc.f32 v11;
	v7 =	vxor.u32 v10, v15  }
0xc9: {  	v22 =	vtrunc.f32 v17;
	v21 =	vadd.s32 $0x30025795, v10;
	v7 =	vand.u32 $0xFFFF, v7  }
0xca: {  	v23 =	vcvt.s32.f32 v6;
	v24 =	vadd.s32 $0x9E3779B1, v14;
	v15 =	vxor.u32 v15, v21  }
0xcb: {  	v8 =	vcvt.s32.f32 v8;
	v25 =	vxor.u32 v6, v24;
	v15 =	vand.u32 $0xFFFF, v15  }
0xcc: {  	v9 =	vcvt.s32.f32 v9;
	v6 =	vadd.s32 $0x1, v6;
	v26 =	vxor.u32 v10, v25  }
0xcd: {  	v18 =	vsub.f32 v18, v8;
	v23 =	vsub.f32 v16, v23;
	v8 =	vand.u32 $0xFFFF, v26  }
0xce: {  	v9 =	vsub.f32 v12, v9;
	v12 =	vxor.u32 v6, v14;
	v26 =	vld.idx.msk [tilespmem:v7+s2+$0x0], $0xffff;
	v7 =	vxor.u32 v21, v25  }
0xcf: {  	v16 =	vsub.f32 $1.000000000e+00, v18;
	v14 =	vsub.f32 $1.000000000e+00, v23;
	v7 =	vand.u32 $0xFFFF, v7  }
0xd0: {  	v27 =	vcvt.f32.s32 v13;
	v22 =	vcvt.f32.s32 v22;
	v25 =	vld.idx.msk [tilespmem:v15+s2+$0x0], $0xffff;
	v15 =	vxor.u32 v10, v12  }
0xd1: {  	v28 =	vsub.f32 $1.000000000e+00, v9;
	v13 =	vmul.f32 v16, v14;
	v29 =	vand.u32 $0xFFFF, v15  }
0xd2: {  	v6 =	vxor.u32 v6, v24;
	v24 =	vmul.u32 $0x9E3779B1, v19;
	v30 =	vld.idx.msk [tilespmem:v8+s2+$0x0], $0xffff;
	v8 =	vxor.u32 v12, v21  }
0xd3: {  	v31 =	vmul.f32 v28, v13;
	v12 =	vxor.u32 v21, v6;
	v8 =	vand.u32 $0xFFFF, v8  }
0xd4: {  	v14 =	vmul.f32 v18, v14;
	v6 =	vxor.u32 v10, v6;
	v21 =	vand.u32 $0xFFFF0000, v26;
	v15 =	vld.idx.msk [tilespmem:v7+s2+$0x0], $0xffff  }
0xd5: {  	v6 =	vand.u32 $0xFFFF, v6;
	v7 =	vmul.f32 v21, v31;
	v21 =	vmul.f32 v13, v9  }
0xd6: {  	v12 =	vand.u32 $0xFFFF, v12;
	v10 =	vand.u32 $0xFFFF0000, v25;
	v13 =	vld.idx.msk [tilespmem:v29+s2+$0x0], $0xffff;
	v29 =	vmul.u32 $0x30025795, v27  }
0xd7: {  	v33 =	vmul.f32 v28, v14;
	v32 =	vadd.f32 $0.0e+00, v7;
	v10 =	vmul.f32 v10, v21  }
0xd8: {  	v36 =	vcvt.s32.f32 v22;
	v35 =	vmul.f32 v16, v23;
	v34 =	vand.u32 $0xFFFF0000, v30;
	v7 =	vld.idx.msk [tilespmem:v8+s2+$0x0], $0xffff  }
0xd9: {  	v10 =	vadd.f32 v32, v10;
	v16 =	vmul.f32 v34, v33;
	v32 =	vmul.f32 v9, v14  }
0xda: {  	v19 =	vcvt.s32.f32 v19;
	v34 =	vxor.u32 v22, v24;
	v14 =	vand.u32 $0xFFFF0000, v15;
	v8 =	vld.idx.msk [tilespmem:v6+s2+$0x0], $0xffff  }
0xdb: {  	v10 =	vadd.f32 v10, v16;
	v14 =	vmul.f32 v14, v32;
	v16 =	vmul.f32 v28, v35  }
0xdc: {  	v23 =	vmul.f32 v18, v23;
	v37 =	vand.u32 $0xFFFF0000, v13;
	v6 =	vld.idx.msk [tilespmem:v12+s2+$0x0], $0xffff;
	v12 =	vxor.u32 v29, v34  }
0xdd: {  	v10 =	vadd.f32 v10, v14;
	v37 =	vmul.f32 v37, v16;
	v14 =	vmul.f32 v35, v9  }
0xde: {  	v17 =	vsub.f32 v17, v36;
	v18 =	vsub.f32 v20, v19;
	v35 =	vand.u32 $0xFFFF0000, v7  }
0xdf: {  	v19 =	vadd.f32 v10, v37;
	v20 =	vmul.f32 v35, v14;
	v10 =	vmul.f32 v28, v23  }
0xe0: {  	v27 =	vcvt.s32.f32 v27;
	v12 =	vand.u32 $0xFFFF, v12;
	v28 =	vand.u32 $0xFFFF0000, v8  }
0xe1: {  	v9 =	vmul.f32 v9, v23;
	v19 =	vadd.f32 v19, v20;
	v20 =	vmul.f32 v28, v10  }
0xe2: {  	v35 =	vadd.s32 $0x30025795, v29;
	v28 =	vadd.s32 $0x9E3779B1, v24;
	v23 =	vand.u32 $0xFFFF0000, v6  }
0xe3: {  	v19 =	vadd.f32 v19, v20;
	v20 =	vmul.f32 v23, v9;
	v23 =	vxor.u32 v34, v35  }
0xe4: {  	v36 =	vsub.f32 $1.000000000e+00, v18;
	v34 =	vsub.f32 $1.000000000e+00, v17;
	v23 =	vand.u32 $0xFFFF, v23  }
0xe5: {  	v11 =	vsub.f32 v11, v27;
	v19 =	vadd.f32 v19, v20;
	v20 =	vld.idx.msk [tilespmem:v12+s2+$0x0], $0xffff;
	v12 =	vxor.u32 v22, v28  }
0xe6: {  	s25 =	sadd.s32 $0x20, s25;
	v27 =	vmul.f32 v36, v34;
	v37 =	vxor.u32 v29, v12;
	v38 =	vxor.u32 v35, v12  }
0xe7: {  	v12 =	vsub.f32 $1.000000000e+00, v11;
	[tilespmem:s25+$0xFFFFFFF0] =	vst v19;
	v19 =	vadd.s32 $0x1, v22;
	v22 =	vand.u32 $0xFFFF, v37  }
0xe8: {  	v26 =	vshll.u32 v26, $0x10;
	v37 =	vand.u32 $0xFFFF, v38;
	v24 =	vxor.u32 v19, v24  }
0xe9: {  	v26 =	vmul.f32 v26, v31;
	v31 =	vmul.f32 v12, v27;
	v23 =	vld.idx.msk [tilespmem:v23+s2+$0x0], $0xffff;
	v38 =	vxor.u32 v29, v24  }
0xea: {  	v25 =	vshll.u32 v25, $0x10;
	v34 =	vmul.f32 v18, v34;
	v27 =	vmul.f32 v27, v11  }
0xeb: {  	v39 =	vshll.u32 v20, $0x10;
	v20 =	vand.u32 $0xFFFF0000, v20;
	v38 =	vand.u32 $0xFFFF, v38  }
0xec: {  	v26 =	vadd.f32 $0.0e+00, v26;
	v39 =	vmul.f32 v39, v31;
	v20 =	vmul.f32 v20, v31;
	v22 =	vld.idx.msk [tilespmem:v22+s2+$0x0], $0xffff  }
0xed: {  	v21 =	vmul.f32 v25, v21;
	v25 =	vmul.f32 v12, v34;
	v24 =	vxor.u32 v24, v35;
	v31 =	vld.idx.msk [tilespmem:v37+s2+$0x0], $0xffff  }
0xee: {  	v30 =	vshll.u32 v30, $0x10;
	v37 =	vadd.f32 $0.0e+00, v39;
	v20 =	vadd.f32 $0.0e+00, v20  }
0xef: {  	v24 =	vand.u32 $0xFFFF, v24;
	v39 =	vshll.u32 v23, $0x10;
	v23 =	vand.u32 $0xFFFF0000, v23  }
0xf0: {  	v19 =	vxor.u32 v19, v28;
	v39 =	vmul.f32 v39, v27;
	v23 =	vmul.f32 v23, v27;
	v27 =	vld.idx.msk [tilespmem:v38+s2+$0x0], $0xffff  }
0xf1: {  	v21 =	vadd.f32 v26, v21;
	v26 =	vmul.f32 v30, v33;
	v28 =	vxor.u32 v29, v19  }
0xf2: {  	v29 =	vadd.f32 v37, v39;
	v30 =	vshll.u32 v22, $0x10;
	v22 =	vand.u32 $0xFFFF0000, v22  }
0xf3: {  	v20 =	vadd.f32 v20, v23;
	v23 =	vmul.f32 v30, v25;
	v22 =	vmul.f32 v22, v25  }
0xf4: {  	v15 =	vshll.u32 v15, $0x10;
	v25 =	vmul.f32 v11, v34;
	v30 =	vmul.f32 v36, v17;
	v24 =	vld.idx.msk [tilespmem:v24+s2+$0x0], $0xffff  }
0xf5: {  	v28 =	vand.u32 $0xFFFF, v28;
	v33 =	vshll.u32 v31, $0x10;
	v31 =	vand.u32 $0xFFFF0000, v31  }
0xf6: {  	v21 =	vadd.f32 v21, v26;
	v15 =	vmul.f32 v15, v32;
	v23 =	vadd.f32 v29, v23  }
0xf7: {  	v20 =	vadd.f32 v20, v22;
	v22 =	vmul.f32 v33, v25;
	v25 =	vmul.f32 v31, v25  }
0xf8: {  	v13 =	vshll.u32 v13, $0x10;
	v19 =	vxor.u32 v35, v19;
	v26 =	vmul.f32 v12, v30  }
0xf9: {  	v31 =	vand.u32 $0xFFFF, v19;
	v29 =	vshll.u32 v27, $0x10;
	v27 =	vand.u32 $0xFFFF0000, v27  }
.Ltmp0:
0xfa: {  	v21 =	vadd.f32 v21, v15;
	v13 =	vmul.f32 v13, v16;
	v22 =	vadd.f32 v23, v22;
	v15 =	vld.idx.msk [tilespmem:v28+s2+$0x0], $0xffff;
	(pc) =	sbr.rel @p0 .LBB2_3-.Ltmp0, $4  }
0xfb: {  	v23 =	vadd.f32 v20, v25;
	v25 =	vmul.f32 v29, v26;
	v26 =	vmul.f32 v27, v26  }
0xfc: {  	v19 =	vmul.f32 v30, v11;
	v27 =	vshll.u32 v7, $0x10;
	v7 =	vmul.f32 v18, v17  }
0xfd: {  	v16 =	vadd.f32 v21, v13;
	v20 =	vshll.u32 v24, $0x10;
	v21 =	vand.u32 $0xFFFF0000, v24  }
0xfe: {  	v18 =	vmul.f32 v27, v14;
	v17 =	vadd.f32 v22, v25;
	v14 =	vadd.f32 v23, v26;
	v13 =	vld.idx.msk [tilespmem:v31+s2+$0x0], $0xffff  }
0xff: {  	v8 =	vshll.u32 v8, $0x10;
	v20 =	vmul.f32 v20, v19;
	v56 =	vmul.f32 v21, v19  }
0x100: {  	v12 =	vmul.f32 v12, v7;
	v57 =	vshll.u32 v15, $0x10;
	v58 =	vand.u32 $0xFFFF0000, v15  }
0x101: {  	v6 =	vshll.u32 v6, $0x10;
	v61 =	vmul.f32 v11, v7;
	v4 =	vadd.f32 v4, v5  }
0x102: {  	v16 =	vadd.f32 v16, v18;
	v8 =	vmul.f32 v8, v10;
	v6 =	vmul.f32 v6, v9  }
0x103: {  	v59 =	vadd.f32 v17, v20;
	v14 =	vadd.f32 v14, v56;
	v60 =	vmul.f32 v57, v12  }
0x104: {  	v12 =	vmul.f32 v58, v12;
	v8 =	vadd.f32 v16, v8;
	v62 =	vshll.u32 v13, $0x10  }
0x105: {  	v10 =	vadd.f32 v59, v60;
	v63 =	vand.u32 $0xFFFF0000, v13;
	v11 =	vmul.f32 v62, v61  }
0x106: {  	s22 =	smul.u32 $0xC0, s21;
	v5 =	vadd.f32 v14, v12;
	v6 =	vadd.f32 v8, v6;
	v7 =	vmul.f32 v63, v61  }
0x107: {  	[tilespmem:s24+$0x0] =	vst v4;
	v4 =	vadd.f32 v10, v11  }
0x108: {  	s21 =	sadd.s32 $0x1, s21;
	s22 =	sadd.s32 s9, s22;
	[tilespmem:s25+$0xFFFFF7F0] =	vst v6;
	v5 =	vadd.f32 v5, v7  }
0x109: {  	p0 =	sne.s32 s21, $0xA;
	s22 =	sshll.u32 s22, $0x8;
	[tilespmem:s25+$0xFFFFF800] =	vst v4  }
.Ltmp1:
0x10a: {  	s22 =	sadd.s32 s8, s22;
	[tilespmem:s25+$0x0] =	vst v5;
	(pc) =	sbr.rel @p0 .LBB2_2-.Ltmp1, $4  }
0x10b: {  	[hbm4b:s22+s2] =	stream.linear.scatter [tilespmem:s19], [sflag:$0x1], $0x1000, $0x38;
	[tilespmem:$0x12880] =	vst v63  }
0x10c: {  	_ =	swait.ge [sflag:s17], $0x1000  }
0x10d: {  	[sflag:s17] =	ssyncset.done $0x0  }
0x10e: {  	[sflag:s17] =	ssyncadd.s32 $0xFFFFF000  }
0x10f: {  	s21 =	simm.s32 $0x0  }
0x110: {  	[tilespmem:s21], [sflag:$0x1] =	stream.linear.gather [hbm4b:s5+s21], $0x10000, $0x38;
	[tilespmem:$0x12880] =	vst v63  }
0x111: {  	_ =	swait.ge [sflag:s17], $0x10000  }
0x112: {  	[sflag:s17] =	ssyncset.done $0x0  }
0x113: {  	[sflag:s17] =	ssyncadd.s32 $0xFFFF0000  }
0x114: {  	v3 =	vld.idx.msk [tilespmem:v1+s16+$0x0], $0xffff  }
.LBB2_6:
0x115: {  	s22 =	sadd.s32 s11, s21  }
0x116: {  	s22 =	smul.u32 $0x1800, s22;
	_ =	sdelay $0x1  }
0x117: {  	s22 =	sshrl.u32 s22, $0x3  }
0x118: {  	s22 =	sadd.s32 s3, s22  }
0x119: {  	[tilespmem:s18], [sflag:$0x1] =	stream.linear.gather [hbm4b:s22+s2], $0x1800, $0x38;
	[tilespmem:$0x12880] =	vst v63  }
0x11a: {  	_ =	swait.ge [sflag:s17], $0x1800  }
0x11b: {  	[sflag:s17] =	ssyncset.done $0x0  }
0x11c: {  	s31 =	simm.s32 $0x10810;
	s23 =	simm.s32 $0x0;
	[sflag:s17] =	ssyncadd.s32 $0xFFFFE800  }
0x11d: {  	s23 =	sand.u32 $0x7E0, s23;
	v4 =	vld [tilespmem:s31+$0xFFFFFFF0]  }
0x11e: {  	v5 =	vld [tilespmem:s23+$0x11000]  }
0x11f: {  	v6 =	vld [tilespmem:s31+$0xFFFFF7F0]  }
0x120: {  	v7 =	vld [tilespmem:s31+$0x0]  }
0x121: {  	v8 =	vld [tilespmem:s31+$0x800]  }
0x122: {  	v10 =	vld [tilespmem:s31+$0xFFFFF800];
	_ =	sdelay $0x2  }
0x123: {  	v4 =	vmul.f32 v4, v3;
	v5 =	vmul.f32 v5, v3  }
0x124: {  	v6 =	vmul.f32 v6, v3;
	v7 =	vmul.f32 v7, v3  }
0x125: {  	v8 =	vmul.f32 v8, v3;
	v10 =	vmul.f32 v10, v3  }
0x126: {  	v9 =	vtrunc.f32 v4;
	v11 =	vtrunc.f32 v5  }
0x127: {  	v12 =	vtrunc.f32 v6;
	v16 =	vtrunc.f32 v7  }
0x128: {  	v18 =	vtrunc.f32 v8;
	v9 =	vcvt.f32.s32 v9  }
0x129: {  	v11 =	vcvt.f32.s32 v11;
	v12 =	vcvt.f32.s32 v12  }
0x12a: {  	v16 =	vcvt.f32.s32 v16;
	v18 =	vcvt.f32.s32 v18  }
0x12b: {  	v13 =	vmul.u32 $0x9E3779B1, v9;
	v14 =	vmul.u32 $0x30025795, v11;
	v20 =	vcvt.s32.f32 v12  }
0x12c: {  	v9 =	vcvt.s32.f32 v9;
	v11 =	vcvt.s32.f32 v11  }
0x12d: {  	v46 =	vmul.u32 $0x30025795, v18;
	v15 =	vxor.u32 v12, v13;
	v19 =	vadd.s32 $0x30025795, v14  }
0x12e: {  	v21 =	vadd.s32 $0x9E3779B1, v13;
	v6 =	vsub.f32 v6, v20;
	v4 =	vsub.f32 v4, v9  }
0x12f: {  	v5 =	vsub.f32 v5, v11;
	v17 =	vxor.u32 v14, v15;
	v15 =	vxor.u32 v15, v19  }
0x130: {  	v22 =	vxor.u32 v12, v21;
	v12 =	vadd.s32 $0x1, v12;
	v17 =	vand.u32 $0xFFFF, v17  }
0x131: {  	v15 =	vand.u32 $0xFFFF, v15;
	v23 =	vxor.u32 v14, v22;
	v11 =	vxor.u32 v19, v22  }
0x132: {  	v13 =	vxor.u32 v12, v13;
	v20 =	vsub.f32 $1.000000000e+00, v6;
	v22 =	vsub.f32 $1.000000000e+00, v4  }
0x133: {  	v25 =	vsub.f32 $1.000000000e+00, v5;
	v12 =	vxor.u32 v12, v21;
	v21 =	vmul.u32 $0x9E3779B1, v16  }
0x134: {  	v16 =	vcvt.s32.f32 v16;
	v9 =	vand.u32 $0xFFFF, v23;
	v23 =	vtrunc.f32 v10  }
0x135: {  	v11 =	vand.u32 $0xFFFF, v11;
	v24 =	vxor.u32 v14, v13;
	v13 =	vxor.u32 v13, v19  }
0x136: {  	v14 =	vxor.u32 v14, v12;
	v12 =	vxor.u32 v19, v12;
	v23 =	vcvt.f32.s32 v23  }
0x137: {  	v26 =	vmul.f32 v22, v20;
	v24 =	vand.u32 $0xFFFF, v24;
	v20 =	vmul.f32 v4, v20  }
0x138: {  	v13 =	vand.u32 $0xFFFF, v13;
	v22 =	vmul.f32 v22, v6;
	v6 =	vmul.f32 v4, v6  }
0x139: {  	v14 =	vand.u32 $0xFFFF, v14;
	v27 =	vmul.f32 v25, v26;
	v26 =	vmul.f32 v26, v5  }
0x13a: {  	v12 =	vand.u32 $0xFFFF, v12;
	v29 =	vmul.f32 v25, v20;
	v20 =	vmul.f32 v5, v20;
	v17 =	vld.idx.msk [tilespmem:v17+s2+$0x0], $0xffff  }
0x13b: {  	v54 =	vadd.s32 $0x9E3779B1, v21;
	v31 =	vcvt.s32.f32 v23;
	v48 =	vmul.f32 v25, v22  }
0x13c: {  	v33 =	vxor.u32 v23, v21;
	v22 =	vmul.f32 v22, v5;
	v25 =	vmul.f32 v25, v6;
	v15 =	vld.idx.msk [tilespmem:v15+s2+$0x0], $0xffff  }
0x13d: {  	v5 =	vmul.f32 v5, v6;
	v6 =	vsub.f32 v7, v16;
	v16 =	vcvt.s32.f32 v18  }
0x13e: {  	v18 =	vadd.s32 $0x30025795, v46;
	v49 =	vxor.u32 v46, v33;
	v9 =	vld.idx.msk [tilespmem:v9+s2+$0x0], $0xffff;
	v10 =	vsub.f32 v10, v31  }
0x13f: {  	v53 =	vsub.f32 $1.000000000e+00, v6;
	v8 =	vsub.f32 v8, v16;
	v28 =	vand.u32 $0xFFFF0000, v17  }
0x140: {  	v11 =	vld.idx.msk [tilespmem:v11+s2+$0x0], $0xffff;
	v16 =	vxor.u32 v23, v54;
	v23 =	vadd.s32 $0x1, v23;
	v28 =	vmul.f32 v28, v27  }
0x141: {  	v35 =	vxor.u32 v46, v16;
	v16 =	vxor.u32 v18, v16;
	v19 =	vand.u32 $0xFFFF0000, v15  }
0x142: {  	v24 =	vld.idx.msk [tilespmem:v24+s2+$0x0], $0xffff;
	v21 =	vxor.u32 v23, v21;
	v19 =	vmul.f32 v19, v26;
	v28 =	vadd.f32 $0.0e+00, v28  }
0x143: {  	v23 =	vxor.u32 v23, v54;
	v52 =	vsub.f32 $1.000000000e+00, v10;
	v30 =	vand.u32 $0xFFFF0000, v9  }
0x144: {  	v13 =	vld.idx.msk [tilespmem:v13+s2+$0x0], $0xffff;
	v36 =	vsub.f32 $1.000000000e+00, v8;
	v45 =	vmul.f32 v30, v29;
	v19 =	vadd.f32 v28, v19  }
0x145: {  	v35 =	vand.u32 $0xFFFF, v35;
	v16 =	vand.u32 $0xFFFF, v16;
	v32 =	vand.u32 $0xFFFF0000, v11  }
0x146: {  	v14 =	vld.idx.msk [tilespmem:v14+s2+$0x0], $0xffff;
	v37 =	vxor.u32 v46, v21;
	v47 =	vmul.f32 v32, v20;
	v19 =	vadd.f32 v19, v45  }
0x147: {  	v21 =	vxor.u32 v21, v18;
	v37 =	vand.u32 $0xFFFF, v37;
	v34 =	vand.u32 $0xFFFF0000, v24  }
0x148: {  	v4 =	vld.idx.msk [tilespmem:v12+s2+$0x0], $0xffff;
	v21 =	vand.u32 $0xFFFF, v21;
	v12 =	vadd.f32 v19, v47;
	v19 =	vmul.f32 v34, v48  }
0x149: {  	v55 =	vmul.f32 v53, v52;
	v17 =	vshll.u32 v17, $0x10;
	v50 =	vand.u32 $0xFFFF0000, v13  }
0x14a: {  	v15 =	vshll.u32 v15, $0x10;
	v12 =	vadd.f32 v12, v19;
	v19 =	vmul.f32 v50, v22  }
0x14b: {  	v31 =	vmul.f32 v6, v52;
	v6 =	vmul.f32 v6, v10;
	v51 =	vand.u32 $0xFFFF0000, v14  }
0x14c: {  	v28 =	vand.u32 $0xFFFF, v49;
	v12 =	vadd.f32 v12, v19;
	v19 =	vmul.f32 v51, v25  }
0x14d: {  	v17 =	vmul.f32 v17, v27;
	v15 =	vmul.f32 v15, v26;
	v9 =	vshll.u32 v9, $0x10  }
0x14e: {  	v7 =	vand.u32 $0xFFFF0000, v4;
	v12 =	vadd.f32 v12, v19;
	v19 =	vxor.u32 v33, v18  }
0x14f: {  	v56 =	vmul.f32 v36, v55;
	v7 =	vmul.f32 v7, v5;
	v57 =	vld.idx.msk [tilespmem:v35+s2+$0x0], $0xffff;
	v19 =	vand.u32 $0xFFFF, v19  }
0x150: {  	v11 =	vshll.u32 v11, $0x10;
	v58 =	vmul.f32 v36, v31;
	v9 =	vmul.f32 v9, v29;
	v16 =	vld.idx.msk [tilespmem:v16+s2+$0x0], $0xffff  }
0x151: {  	v11 =	vmul.f32 v11, v20;
	v17 =	vadd.f32 $0.0e+00, v17;
	v7 =	vadd.f32 v12, v7;
	v12 =	vld.idx.msk [tilespmem:v28+s2+$0x0], $0xffff  }
0x152: {  	v13 =	vshll.u32 v13, $0x10;
	v14 =	vshll.u32 v14, $0x10;
	v4 =	vshll.u32 v4, $0x10  }
0x153: {  	v35 =	vmul.f32 v53, v10;
	v20 =	vld.idx.msk [tilespmem:v21+s2+$0x0], $0xffff;
	v15 =	vadd.f32 v17, v15;
	v17 =	vxor.u32 v46, v23  }
0x154: {  	v13 =	vmul.f32 v13, v22;
	v21 =	vshll.u32 v24, $0x10;
	v17 =	vand.u32 $0xFFFF, v17;
	v19 =	vld.idx.msk [tilespmem:v19+s2+$0x0], $0xffff  }
0x155: {  	v9 =	vadd.f32 v15, v9;
	v62 =	vshll.u32 v57, $0x10;
	v26 =	vand.u32 $0xFFFF0000, v57  }
0x156: {  	v63 =	vld.idx.msk [tilespmem:v37+s2+$0x0], $0xffff;
	v37 =	vshll.u32 v16, $0x10;
	v26 =	vmul.f32 v26, v58;
	v38 =	vshll.u32 v12, $0x10  }
0x157: {  	v34 =	vmul.f32 v8, v31;
	v12 =	vand.u32 $0xFFFF0000, v12;
	v38 =	vmul.f32 v38, v56  }
0x158: {  	v16 =	vand.u32 $0xFFFF0000, v16;
	v28 =	vmul.f32 v55, v8;
	v12 =	vmul.f32 v12, v56  }
0x159: {  	v59 =	vadd.f32 $0.0e+00, v38;
	v60 =	vshll.u32 v19, $0x10;
	v19 =	vand.u32 $0xFFFF0000, v19  }
0x15a: {  	v12 =	vadd.f32 $0.0e+00, v12;
	v38 =	vmul.f32 v60, v28;
	v19 =	vmul.f32 v19, v28  }
0x15b: {  	v9 =	vadd.f32 v9, v11;
	v11 =	vmul.f32 v21, v48;
	v18 =	vxor.u32 v18, v23  }
0x15c: {  	v61 =	vadd.f32 v59, v38;
	v12 =	vadd.f32 v12, v19;
	v19 =	vmul.f32 v62, v58  }
0x15d: {  	v16 =	vmul.f32 v16, v34;
	v23 =	vmul.f32 v36, v35;
	v18 =	vand.u32 $0xFFFF, v18  }
0x15e: {  	v15 =	vadd.f32 v61, v19;
	v12 =	vadd.f32 v12, v26;
	v19 =	vmul.f32 v37, v34  }
0x15f: {  	v39 =	vand.u32 $0xFFFF0000, v63;
	v9 =	vadd.f32 v9, v11;
	v38 =	vshll.u32 v63, $0x10  }
0x160: {  	s23 =	simm.s32 $0x10830;
	v15 =	vadd.f32 v15, v19;
	v12 =	vadd.f32 v12, v16;
	v16 =	vld.idx.msk [tilespmem:v17+s2+$0x0], $0xffff;
	v17 =	vmul.f32 v38, v23  }
0x161: {  	v21 =	vmul.f32 v35, v8;
	v9 =	vadd.f32 v9, v13;
	v13 =	vmul.f32 v14, v25;
	v14 =	vld [tilespmem:s23+$0xFFFFF7F0]  }
0x162: {  	s22 =	simm.s32 $0x20;
	v10 =	vshll.u32 v20, $0x10;
	v19 =	vmul.f32 v39, v23;
	v15 =	vadd.f32 v15, v17;
	v17 =	vld [tilespmem:s23+$0xFFFFFFF0]  }
0x163: {  	s24 =	sand.u32 $0x7E0, s22;
	v5 =	vmul.f32 v4, v5;
	v11 =	vand.u32 $0xFFFF0000, v20;
	v10 =	vmul.f32 v10, v21;
	v18 =	vld.idx.msk [tilespmem:v18+s2+$0x0], $0xffff  }
0x164: {  	v20 =	vld [tilespmem:s24+$0x11000];
	v11 =	vmul.f32 v11, v21;
	v12 =	vadd.f32 v12, v19;
	v19 =	vmul.f32 v36, v6  }
0x165: {  	v10 =	vadd.f32 v15, v10;
	v21 =	vshll.u32 v16, $0x10;
	v16 =	vand.u32 $0xFFFF0000, v16  }
0x166: {  	v11 =	vadd.f32 v12, v11;
	v12 =	vmul.f32 v21, v19;
	v15 =	vmul.f32 v16, v19  }
0x167: {  	v16 =	vmul.f32 v8, v6;
	v8 =	vld [tilespmem:s23+$0x0];
	v6 =	vmul.f32 v17, v3  }
0x168: {  	v9 =	vadd.f32 v9, v13;
	v13 =	vshll.u32 v18, $0x10;
	v19 =	vmul.f32 v14, v3;
	v17 =	vld [tilespmem:s23+$0x800]  }
0x169: {  	v10 =	vadd.f32 v10, v12;
	v12 =	vmul.f32 v20, v3;
	v20 =	vld [tilespmem:s23+$0xFFFFF800];
	v4 =	vtrunc.f32 v6  }
0x16a: {  	v18 =	vand.u32 $0xFFFF0000, v18;
	v13 =	vmul.f32 v13, v16;
	v21 =	vcvt.f32.s32 v4  }
0x16b: {  	v14 =	vtrunc.f32 v12;
	v4 =	vadd.f32 v11, v15;
	v11 =	vtrunc.f32 v19  }
0x16c: {  	v13 =	vadd.f32 v10, v13;
	v15 =	vcvt.f32.s32 v14;
	v11 =	vcvt.f32.s32 v11  }
0x16d: {  	v14 =	vadd.f32 v9, v5;
	v5 =	vmul.f32 v8, v3;
	v17 =	vmul.f32 v17, v3  }
0x16e: {  	v22 =	vmul.u32 $0x9E3779B1, v21;
	v21 =	vcvt.s32.f32 v21;
	v10 =	vmul.f32 v20, v3  }
0x16f: {  	v8 =	vmul.u32 $0x30025795, v15;
	v20 =	vtrunc.f32 v5;
	v42 =	vcvt.s32.f32 v11  }
0x170: {  	v15 =	vcvt.s32.f32 v15;
	v9 =	vxor.u32 v11, v22;
	v20 =	vcvt.f32.s32 v20  }
0x171: {  	v40 =	vtrunc.f32 v17;
	v43 =	vadd.s32 $0x9E3779B1, v22;
	v6 =	vsub.f32 v6, v21  }
0x172: {  	v23 =	vxor.u32 v8, v9;
	v41 =	vadd.s32 $0x30025795, v8;
	v44 =	vxor.u32 v11, v43  }
0x173: {  	v11 =	vadd.s32 $0x1, v11;
	v19 =	vsub.f32 v19, v42;
	v12 =	vsub.f32 v12, v15  }
0x174: {  	v47 =	vtrunc.f32 v10;
	v24 =	vcvt.f32.s32 v40;
	v23 =	vand.u32 $0xFFFF, v23  }
0x175: {  	v9 =	vxor.u32 v9, v41;
	v45 =	vxor.u32 v8, v44;
	v15 =	vxor.u32 v41, v44  }
0x176: {  	v22 =	vxor.u32 v11, v22;
	v46 =	vsub.f32 $1.000000000e+00, v6;
	v29 =	vcvt.f32.s32 v47  }
0x177: {  	v11 =	vxor.u32 v11, v43;
	v27 =	vmul.u32 $0x9E3779B1, v20;
	v20 =	vcvt.s32.f32 v20  }
0x178: {  	v9 =	vand.u32 $0xFFFF, v9;
	v21 =	vand.u32 $0xFFFF, v45;
	v26 =	vsub.f32 $1.000000000e+00, v19  }
0x179: {  	v15 =	vand.u32 $0xFFFF, v15;
	v48 =	vxor.u32 v8, v22;
	v22 =	vxor.u32 v22, v41  }
0x17a: {  	v8 =	vxor.u32 v8, v11;
	v11 =	vxor.u32 v41, v11;
	v36 =	vmul.u32 $0x30025795, v24  }
0x17b: {  	v24 =	vcvt.s32.f32 v24;
	v30 =	vand.u32 $0xFFFF, v48;
	v22 =	vand.u32 $0xFFFF, v22  }
0x17c: {  	v8 =	vand.u32 $0xFFFF, v8;
	v11 =	vand.u32 $0xFFFF, v11;
	v28 =	vmul.f32 v46, v19  }
0x17d: {  	v55 =	vcvt.s32.f32 v29;
	v58 =	vxor.u32 v29, v27;
	v19 =	vmul.f32 v6, v19  }
0x17e: {  	v20 =	vsub.f32 v5, v20;
	v45 =	vadd.s32 $0x9E3779B1, v27;
	v49 =	vmul.f32 v46, v26;
	v23 =	vld.idx.msk [tilespmem:v23+s2+$0x0], $0xffff  }
0x17f: {  	v26 =	vmul.f32 v6, v26;
	v41 =	vxor.u32 v36, v58;
	v37 =	vsub.f32 v10, v55;
	v31 =	vld.idx.msk [tilespmem:v9+s2+$0x0], $0xffff  }
0x180: {  	s24 =	simm.s32 $0x12010;
	v42 =	vxor.u32 v29, v45;
	v29 =	vadd.s32 $0x1, v29;
	v9 =	vsub.f32 $1.000000000e+00, v12;
	v21 =	vld.idx.msk [tilespmem:v21+s2+$0x0], $0xffff  }
0x181: {  	[tilespmem:s24+$0xFFFFFFF0] =	vst v7;
	v5 =	vand.u32 $0xFFFF, v41;
	v32 =	vmul.f32 v49, v12;
	v15 =	vld.idx.msk [tilespmem:v15+s2+$0x0], $0xffff;
	v7 =	vmul.f32 v20, v37  }
0x182: {  	v63 =	vsub.f32 $1.000000000e+00, v20;
	v50 =	vmul.f32 v9, v49;
	v35 =	vmul.f32 v9, v26  }
0x183: {  	v27 =	vxor.u32 v29, v27;
	v30 =	vld.idx.msk [tilespmem:v30+s2+$0x0], $0xffff;
	v26 =	vmul.f32 v12, v26;
	v39 =	vmul.f32 v9, v28  }
0x184: {  	v22 =	vld.idx.msk [tilespmem:v22+s2+$0x0], $0xffff;
	v28 =	vmul.f32 v28, v12;
	v10 =	vmul.f32 v9, v19;
	v51 =	vand.u32 $0xFFFF0000, v23  }
0x185: {  	v8 =	vld.idx.msk [tilespmem:v8+s2+$0x0], $0xffff;
	v23 =	vshll.u32 v23, $0x10;
	v34 =	vmul.f32 v51, v50;
	v52 =	vand.u32 $0xFFFF0000, v31  }
0x186: {  	v53 =	vand.u32 $0xFFFF0000, v21;
	v56 =	vand.u32 $0xFFFF0000, v15;
	v23 =	vmul.f32 v23, v50  }
0x187: {  	v31 =	vshll.u32 v31, $0x10;
	v21 =	vshll.u32 v21, $0x10;
	v15 =	vshll.u32 v15, $0x10  }
0x188: {  	v25 =	vmul.f32 v52, v32;
	v54 =	vmul.f32 v53, v35;
	v34 =	vadd.f32 $0.0e+00, v34  }
0x189: {  	v57 =	vmul.f32 v56, v26;
	v40 =	vand.u32 $0xFFFF0000, v30;
	v60 =	vand.u32 $0xFFFF0000, v22  }
0x18a: {  	v9 =	vand.u32 $0xFFFF0000, v8;
	v31 =	vmul.f32 v31, v32;
	v25 =	vadd.f32 v34, v25  }
0x18b: {  	v6 =	vld.idx.msk [tilespmem:v11+s2+$0x0], $0xffff;
	v53 =	vxor.u32 v36, v27;
	v21 =	vmul.f32 v21, v35;
	v34 =	vadd.s32 $0x30025795, v36  }
0x18c: {  	v15 =	vmul.f32 v15, v26;
	v38 =	vxor.u32 v58, v34;
	v25 =	vadd.f32 v25, v54  }
0x18d: {  	[tilespmem:s24+$0xFFFFF800] =	vst v13;
	v13 =	vshll.u32 v22, $0x10;
	v59 =	vmul.f32 v40, v39;
	v38 =	vand.u32 $0xFFFF, v38  }
0x18e: {  	v61 =	vmul.f32 v60, v28;
	v23 =	vadd.f32 $0.0e+00, v23;
	v25 =	vadd.f32 v25, v57  }
0x18f: {  	v62 =	vmul.f32 v9, v10;
	v9 =	vmul.f32 v12, v19;
	v19 =	vsub.f32 $1.000000000e+00, v37  }
0x190: {  	v12 =	vand.u32 $0xFFFF0000, v6;
	v23 =	vadd.f32 v23, v31;
	v11 =	vadd.f32 v25, v59  }
0x191: {  	v46 =	vmul.f32 v12, v9;
	v43 =	vmul.f32 v63, v19;
	v50 =	vxor.u32 v34, v42  }
0x192: {  	v21 =	vadd.f32 v23, v21;
	v47 =	vld.idx.msk [tilespmem:v38+s2+$0x0], $0xffff;
	v38 =	vand.u32 $0xFFFF, v50;
	v25 =	vadd.f32 v11, v61  }
0x193: {  	v11 =	vsub.f32 v17, v24;
	v17 =	vld.idx.msk [tilespmem:v5+s2+$0x0], $0xffff;
	v5 =	vmul.f32 v18, v16;
	v18 =	vxor.u32 v36, v42  }
0x194: {  	v19 =	vmul.f32 v20, v19;
	v27 =	vxor.u32 v27, v34;
	v18 =	vand.u32 $0xFFFF, v18  }
0x195: {  	v58 =	vmul.f32 v63, v37;
	v27 =	vand.u32 $0xFFFF, v27;
	v21 =	vadd.f32 v21, v15  }
0x196: {  	v24 =	vxor.u32 v29, v45;
	v29 =	vand.u32 $0xFFFF, v53;
	v61 =	vshll.u32 v30, $0x10  }
0x197: {  	v36 =	vxor.u32 v36, v24;
	v25 =	vadd.f32 v25, v62;
	v12 =	vsub.f32 $1.000000000e+00, v11  }
0x198: {  	v24 =	vxor.u32 v34, v24;
	v51 =	vmul.f32 v43, v11;
	v36 =	vand.u32 $0xFFFF, v36;
	v55 =	vld.idx.msk [tilespmem:v38+s2+$0x0], $0xffff  }
0x199: {  	v24 =	vand.u32 $0xFFFF, v24;
	v16 =	vadd.f32 v25, v46;
	v48 =	vmul.f32 v12, v43;
	v18 =	vld.idx.msk [tilespmem:v18+s2+$0x0], $0xffff  }
0x19a: {  	v52 =	vshll.u32 v47, $0x10;
	v54 =	vmul.f32 v12, v19;
	v49 =	vshll.u32 v17, $0x10  }
0x19b: {  	v19 =	vmul.f32 v11, v19;
	v17 =	vand.u32 $0xFFFF0000, v17;
	v33 =	vmul.f32 v49, v48  }
0x19c: {  	v25 =	vand.u32 $0xFFFF0000, v47;
	v62 =	vmul.f32 v12, v58;
	v29 =	vld.idx.msk [tilespmem:v29+s2+$0x0], $0xffff;
	v17 =	vmul.f32 v17, v48  }
0x19d: {  	v32 =	vmul.f32 v52, v51;
	v25 =	vmul.f32 v25, v51;
	v33 =	vadd.f32 $0.0e+00, v33  }
0x19e: {  	v60 =	vld.idx.msk [tilespmem:v27+s2+$0x0], $0xffff;
	v17 =	vadd.f32 $0.0e+00, v17;
	v59 =	vshll.u32 v55, $0x10;
	v56 =	vshll.u32 v18, $0x10  }
0x19f: {  	v32 =	vadd.f32 v33, v32;
	v18 =	vand.u32 $0xFFFF0000, v18;
	v57 =	vmul.f32 v56, v54  }
0x1a0: {  	v35 =	vand.u32 $0xFFFF0000, v55;
	v17 =	vadd.f32 v17, v25;
	v18 =	vmul.f32 v18, v54  }
0x1a1: {  	v63 =	vshll.u32 v29, $0x10;
	v29 =	vand.u32 $0xFFFF0000, v29;
	v23 =	vadd.f32 v32, v57  }
0x1a2: {  	v17 =	vadd.f32 v17, v18;
	v18 =	vmul.f32 v59, v19;
	v19 =	vmul.f32 v35, v19  }
0x1a3: {  	v26 =	vmul.f32 v61, v39;
	v20 =	vshll.u32 v60, $0x10;
	v15 =	vld.idx.msk [tilespmem:v36+s2+$0x0], $0xffff;
	v27 =	vmul.f32 v29, v62  }
0x1a4: {  	s25 =	simm.s32 $0x12030;
	[tilespmem:s24+$0xFFFFF7F0] =	vst v14;
	v23 =	vadd.f32 v23, v18;
	v14 =	vadd.f32 v17, v19;
	v17 =	vmul.f32 v63, v62  }
0x1a5: {  	[tilespmem:s25+$0xFFFFFFF0] =	vst v16;
	v16 =	vadd.f32 v21, v26;
	v21 =	vand.u32 $0xFFFF0000, v60;
	v19 =	vmul.f32 v58, v11  }
0x1a6: {  	v18 =	vmul.f32 v13, v28;
	v13 =	vld.idx.msk [tilespmem:v24+s2+$0x0], $0xffff;
	v17 =	vadd.f32 v23, v17;
	v14 =	vadd.f32 v14, v27  }
.LBB2_7:
0x1a7: {  	s22 =	sadd.s32 $0x20, s22;
	v8 =	vshll.u32 v8, $0x10;
	v20 =	vmul.f32 v20, v19;
	v19 =	vmul.f32 v21, v19;
	s23 =	sadd.s32 $0x20, s23  }
0x1a8: {  	v12 =	vmul.f32 v12, v7;
	v22 =	vshll.u32 v15, $0x10;
	v15 =	vand.u32 $0xFFFF0000, v15;
	v21 =	vld [tilespmem:s23+$0xFFFFFFF0];
	s26 =	sand.u32 $0x7E0, s22;
	p0 =	slt.u32 s22, $0x7E0  }
0x1a9: {  	v16 =	vadd.f32 v16, v18;
	v8 =	vmul.f32 v8, v10;
	v23 =	vld [tilespmem:s26+$0x11000];
	v10 =	vadd.f32 v17, v20  }
0x1aa: {  	v14 =	vadd.f32 v14, v19;
	v18 =	vmul.f32 v22, v12;
	v12 =	vmul.f32 v15, v12;
	v17 =	vld [tilespmem:s23+$0xFFFFF7F0]  }
0x1ab: {  	v6 =	vshll.u32 v6, $0x10;
	v7 =	vmul.f32 v11, v7;
	v8 =	vadd.f32 v16, v8;
	v15 =	vld [tilespmem:s23+$0x0]  }
0x1ac: {  	v10 =	vadd.f32 v10, v18;
	v16 =	vshll.u32 v13, $0x10;
	v13 =	vand.u32 $0xFFFF0000, v13;
	v11 =	vld [tilespmem:s23+$0x800]  }
0x1ad: {  	v6 =	vmul.f32 v6, v9;
	v9 =	vadd.f32 v14, v12;
	v18 =	vmul.f32 v21, v3;
	v19 =	vld [tilespmem:s23+$0xFFFFF800]  }
0x1ae: {  	v5 =	vadd.f32 v4, v5;
	v14 =	vmul.f32 v16, v7;
	v12 =	vmul.f32 v23, v3  }
0x1af: {  	v6 =	vadd.f32 v8, v6;
	v4 =	vmovc v9;
	v16 =	vmul.f32 v17, v3;
	v17 =	vtrunc.f32 v18  }
0x1b0: {  	v10 =	vadd.f32 v10, v14;
	v8 =	vcvt.f32.s32 v17;
	v9 =	vtrunc.f32 v12;
	[tilespmem:s24+$0x0] =	vst v5;
	s24 =	smov.u32 s25  }
0x1b1: {  	v5 =	vtrunc.f32 v16;
	v9 =	vcvt.f32.s32 v9;
	[tilespmem:s25+$0xFFFFF7F0] =	vst v6  }
0x1b2: {  	v20 =	vmul.f32 v15, v3;
	v6 =	vcvt.f32.s32 v5;
	v14 =	vmul.u32 $0x9E3779B1, v8;
	[tilespmem:s25+$0xFFFFF800] =	vst v10  }
0x1b3: {  	v11 =	vmul.f32 v11, v3;
	v17 =	vmul.f32 v19, v3;
	v10 =	vmul.u32 $0x30025795, v9  }
0x1b4: {  	v19 =	vtrunc.f32 v20;
	v5 =	vmul.f32 v13, v7;
	v15 =	vxor.u32 v6, v14  }
0x1b5: {  	v19 =	vcvt.f32.s32 v19;
	v13 =	vtrunc.f32 v11;
	v7 =	vxor.u32 v10, v15  }
0x1b6: {  	v22 =	vtrunc.f32 v17;
	v21 =	vadd.s32 $0x30025795, v10;
	v7 =	vand.u32 $0xFFFF, v7  }
0x1b7: {  	v23 =	vcvt.s32.f32 v6;
	v24 =	vadd.s32 $0x9E3779B1, v14;
	v15 =	vxor.u32 v15, v21  }
0x1b8: {  	v8 =	vcvt.s32.f32 v8;
	v25 =	vxor.u32 v6, v24;
	v15 =	vand.u32 $0xFFFF, v15  }
0x1b9: {  	v9 =	vcvt.s32.f32 v9;
	v6 =	vadd.s32 $0x1, v6;
	v26 =	vxor.u32 v10, v25  }
0x1ba: {  	v18 =	vsub.f32 v18, v8;
	v23 =	vsub.f32 v16, v23;
	v8 =	vand.u32 $0xFFFF, v26  }
0x1bb: {  	v9 =	vsub.f32 v12, v9;
	v12 =	vxor.u32 v6, v14;
	v26 =	vld.idx.msk [tilespmem:v7+s2+$0x0], $0xffff;
	v7 =	vxor.u32 v21, v25  }
0x1bc: {  	v16 =	vsub.f32 $1.000000000e+00, v18;
	v14 =	vsub.f32 $1.000000000e+00, v23;
	v7 =	vand.u32 $0xFFFF, v7  }
0x1bd: {  	v27 =	vcvt.f32.s32 v13;
	v22 =	vcvt.f32.s32 v22;
	v25 =	vld.idx.msk [tilespmem:v15+s2+$0x0], $0xffff;
	v15 =	vxor.u32 v10, v12  }
0x1be: {  	v28 =	vsub.f32 $1.000000000e+00, v9;
	v13 =	vmul.f32 v16, v14;
	v29 =	vand.u32 $0xFFFF, v15  }
0x1bf: {  	v6 =	vxor.u32 v6, v24;
	v24 =	vmul.u32 $0x9E3779B1, v19;
	v30 =	vld.idx.msk [tilespmem:v8+s2+$0x0], $0xffff;
	v8 =	vxor.u32 v12, v21  }
0x1c0: {  	v31 =	vmul.f32 v28, v13;
	v12 =	vxor.u32 v21, v6;
	v8 =	vand.u32 $0xFFFF, v8  }
0x1c1: {  	v14 =	vmul.f32 v18, v14;
	v6 =	vxor.u32 v10, v6;
	v21 =	vand.u32 $0xFFFF0000, v26;
	v15 =	vld.idx.msk [tilespmem:v7+s2+$0x0], $0xffff  }
0x1c2: {  	v6 =	vand.u32 $0xFFFF, v6;
	v7 =	vmul.f32 v21, v31;
	v21 =	vmul.f32 v13, v9  }
0x1c3: {  	v12 =	vand.u32 $0xFFFF, v12;
	v10 =	vand.u32 $0xFFFF0000, v25;
	v13 =	vld.idx.msk [tilespmem:v29+s2+$0x0], $0xffff;
	v29 =	vmul.u32 $0x30025795, v27  }
0x1c4: {  	v33 =	vmul.f32 v28, v14;
	v32 =	vadd.f32 $0.0e+00, v7;
	v10 =	vmul.f32 v10, v21  }
0x1c5: {  	v36 =	vcvt.s32.f32 v22;
	v35 =	vmul.f32 v16, v23;
	v34 =	vand.u32 $0xFFFF0000, v30;
	v7 =	vld.idx.msk [tilespmem:v8+s2+$0x0], $0xffff  }
0x1c6: {  	v10 =	vadd.f32 v32, v10;
	v16 =	vmul.f32 v34, v33;
	v32 =	vmul.f32 v9, v14  }
0x1c7: {  	v19 =	vcvt.s32.f32 v19;
	v34 =	vxor.u32 v22, v24;
	v14 =	vand.u32 $0xFFFF0000, v15;
	v8 =	vld.idx.msk [tilespmem:v6+s2+$0x0], $0xffff  }
0x1c8: {  	v10 =	vadd.f32 v10, v16;
	v14 =	vmul.f32 v14, v32;
	v16 =	vmul.f32 v28, v35  }
0x1c9: {  	v23 =	vmul.f32 v18, v23;
	v37 =	vand.u32 $0xFFFF0000, v13;
	v6 =	vld.idx.msk [tilespmem:v12+s2+$0x0], $0xffff;
	v12 =	vxor.u32 v29, v34  }
0x1ca: {  	v10 =	vadd.f32 v10, v14;
	v37 =	vmul.f32 v37, v16;
	v14 =	vmul.f32 v35, v9  }
0x1cb: {  	v17 =	vsub.f32 v17, v36;
	v18 =	vsub.f32 v20, v19;
	v35 =	vand.u32 $0xFFFF0000, v7  }
0x1cc: {  	v19 =	vadd.f32 v10, v37;
	v20 =	vmul.f32 v35, v14;
	v10 =	vmul.f32 v28, v23  }
0x1cd: {  	v27 =	vcvt.s32.f32 v27;
	v12 =	vand.u32 $0xFFFF, v12;
	v28 =	vand.u32 $0xFFFF0000, v8  }
0x1ce: {  	v9 =	vmul.f32 v9, v23;
	v19 =	vadd.f32 v19, v20;
	v20 =	vmul.f32 v28, v10  }
0x1cf: {  	v35 =	vadd.s32 $0x30025795, v29;
	v28 =	vadd.s32 $0x9E3779B1, v24;
	v23 =	vand.u32 $0xFFFF0000, v6  }
0x1d0: {  	v19 =	vadd.f32 v19, v20;
	v20 =	vmul.f32 v23, v9;
	v23 =	vxor.u32 v34, v35  }
0x1d1: {  	v36 =	vsub.f32 $1.000000000e+00, v18;
	v34 =	vsub.f32 $1.000000000e+00, v17;
	v23 =	vand.u32 $0xFFFF, v23  }
0x1d2: {  	v11 =	vsub.f32 v11, v27;
	v19 =	vadd.f32 v19, v20;
	v20 =	vld.idx.msk [tilespmem:v12+s2+$0x0], $0xffff;
	v12 =	vxor.u32 v22, v28  }
0x1d3: {  	s25 =	sadd.s32 $0x20, s25;
	v27 =	vmul.f32 v36, v34;
	v37 =	vxor.u32 v29, v12;
	v38 =	vxor.u32 v35, v12  }
0x1d4: {  	v12 =	vsub.f32 $1.000000000e+00, v11;
	[tilespmem:s25+$0xFFFFFFF0] =	vst v19;
	v19 =	vadd.s32 $0x1, v22;
	v22 =	vand.u32 $0xFFFF, v37  }
0x1d5: {  	v26 =	vshll.u32 v26, $0x10;
	v37 =	vand.u32 $0xFFFF, v38;
	v24 =	vxor.u32 v19, v24  }
0x1d6: {  	v26 =	vmul.f32 v26, v31;
	v31 =	vmul.f32 v12, v27;
	v23 =	vld.idx.msk [tilespmem:v23+s2+$0x0], $0xffff;
	v38 =	vxor.u32 v29, v24  }
0x1d7: {  	v25 =	vshll.u32 v25, $0x10;
	v34 =	vmul.f32 v18, v34;
	v27 =	vmul.f32 v27, v11  }
0x1d8: {  	v39 =	vshll.u32 v20, $0x10;
	v20 =	vand.u32 $0xFFFF0000, v20;
	v38 =	vand.u32 $0xFFFF, v38  }
0x1d9: {  	v26 =	vadd.f32 $0.0e+00, v26;
	v39 =	vmul.f32 v39, v31;
	v20 =	vmul.f32 v20, v31;
	v22 =	vld.idx.msk [tilespmem:v22+s2+$0x0], $0xffff  }
0x1da: {  	v21 =	vmul.f32 v25, v21;
	v25 =	vmul.f32 v12, v34;
	v24 =	vxor.u32 v24, v35;
	v31 =	vld.idx.msk [tilespmem:v37+s2+$0x0], $0xffff  }
0x1db: {  	v30 =	vshll.u32 v30, $0x10;
	v37 =	vadd.f32 $0.0e+00, v39;
	v20 =	vadd.f32 $0.0e+00, v20  }
0x1dc: {  	v24 =	vand.u32 $0xFFFF, v24;
	v39 =	vshll.u32 v23, $0x10;
	v23 =	vand.u32 $0xFFFF0000, v23  }
0x1dd: {  	v19 =	vxor.u32 v19, v28;
	v39 =	vmul.f32 v39, v27;
	v23 =	vmul.f32 v23, v27;
	v27 =	vld.idx.msk [tilespmem:v38+s2+$0x0], $0xffff  }
0x1de: {  	v21 =	vadd.f32 v26, v21;
	v26 =	vmul.f32 v30, v33;
	v28 =	vxor.u32 v29, v19  }
0x1df: {  	v29 =	vadd.f32 v37, v39;
	v30 =	vshll.u32 v22, $0x10;
	v22 =	vand.u32 $0xFFFF0000, v22  }
0x1e0: {  	v20 =	vadd.f32 v20, v23;
	v23 =	vmul.f32 v30, v25;
	v22 =	vmul.f32 v22, v25  }
0x1e1: {  	v15 =	vshll.u32 v15, $0x10;
	v25 =	vmul.f32 v11, v34;
	v30 =	vmul.f32 v36, v17;
	v24 =	vld.idx.msk [tilespmem:v24+s2+$0x0], $0xffff  }
0x1e2: {  	v28 =	vand.u32 $0xFFFF, v28;
	v33 =	vshll.u32 v31, $0x10;
	v31 =	vand.u32 $0xFFFF0000, v31  }
0x1e3: {  	v21 =	vadd.f32 v21, v26;
	v15 =	vmul.f32 v15, v32;
	v23 =	vadd.f32 v29, v23  }
0x1e4: {  	v20 =	vadd.f32 v20, v22;
	v22 =	vmul.f32 v33, v25;
	v25 =	vmul.f32 v31, v25  }
0x1e5: {  	v13 =	vshll.u32 v13, $0x10;
	v19 =	vxor.u32 v35, v19;
	v26 =	vmul.f32 v12, v30  }
0x1e6: {  	v31 =	vand.u32 $0xFFFF, v19;
	v29 =	vshll.u32 v27, $0x10;
	v27 =	vand.u32 $0xFFFF0000, v27  }
.Ltmp2:
0x1e7: {  	v21 =	vadd.f32 v21, v15;
	v13 =	vmul.f32 v13, v16;
	v22 =	vadd.f32 v23, v22;
	v15 =	vld.idx.msk [tilespmem:v28+s2+$0x0], $0xffff;
	(pc) =	sbr.rel @p0 .LBB2_7-.Ltmp2, $4  }
0x1e8: {  	v23 =	vadd.f32 v20, v25;
	v25 =	vmul.f32 v29, v26;
	v26 =	vmul.f32 v27, v26  }
0x1e9: {  	v19 =	vmul.f32 v30, v11;
	v27 =	vshll.u32 v7, $0x10;
	v7 =	vmul.f32 v18, v17  }
0x1ea: {  	v16 =	vadd.f32 v21, v13;
	v20 =	vshll.u32 v24, $0x10;
	v21 =	vand.u32 $0xFFFF0000, v24  }
0x1eb: {  	v18 =	vmul.f32 v27, v14;
	v17 =	vadd.f32 v22, v25;
	v14 =	vadd.f32 v23, v26;
	v13 =	vld.idx.msk [tilespmem:v31+s2+$0x0], $0xffff  }
0x1ec: {  	v8 =	vshll.u32 v8, $0x10;
	v20 =	vmul.f32 v20, v19;
	v56 =	vmul.f32 v21, v19  }
0x1ed: {  	v12 =	vmul.f32 v12, v7;
	v57 =	vshll.u32 v15, $0x10;
	v58 =	vand.u32 $0xFFFF0000, v15  }
0x1ee: {  	v6 =	vshll.u32 v6, $0x10;
	v61 =	vmul.f32 v11, v7;
	v4 =	vadd.f32 v4, v5  }
0x1ef: {  	v16 =	vadd.f32 v16, v18;
	v8 =	vmul.f32 v8, v10;
	v6 =	vmul.f32 v6, v9  }
0x1f0: {  	v59 =	vadd.f32 v17, v20;
	v14 =	vadd.f32 v14, v56;
	v60 =	vmul.f32 v57, v12  }
0x1f1: {  	v12 =	vmul.f32 v58, v12;
	v8 =	vadd.f32 v16, v8;
	v62 =	vshll.u32 v13, $0x10  }
0x1f2: {  	v10 =	vadd.f32 v59, v60;
	v63 =	vand.u32 $0xFFFF0000, v13;
	v11 =	vmul.f32 v62, v61  }
0x1f3: {  	s22 =	smul.u32 $0x60000, s21;
	v5 =	vadd.f32 v14, v12;
	v6 =	vadd.f32 v8, v6;
	v7 =	vmul.f32 v63, v61  }
0x1f4: {  	[tilespmem:s24+$0x0] =	vst v4;
	v4 =	vadd.f32 v10, v11  }
0x1f5: {  	s21 =	sadd.s32 $0x1, s21;
	s22 =	sadd.s32 s13, s22;
	[tilespmem:s25+$0xFFFFF7F0] =	vst v6;
	v5 =	vadd.f32 v5, v7  }
0x1f6: {  	p0 =	sne.s32 s21, $0xA;
	s22 =	sshrl.u32 s22, $0x3;
	[tilespmem:s25+$0xFFFFF800] =	vst v4  }
.Ltmp3:
0x1f7: {  	s22 =	sadd.s32 s8, s22;
	[tilespmem:s25+$0x0] =	vst v5;
	(pc) =	sbr.rel @p0 .LBB2_6-.Ltmp3, $4  }
0x1f8: {  	[hbm4b:s22+s2] =	stream.linear.scatter [tilespmem:s19], [sflag:$0x1], $0x1000, $0x38;
	[tilespmem:$0x12880] =	vst v63  }
0x1f9: {  	_ =	swait.ge [sflag:s17], $0x1000  }
0x1fa: {  	[sflag:s17] =	ssyncset.done $0x0  }
0x1fb: {  	[sflag:s17] =	ssyncadd.s32 $0xFFFFF000  }
0x1fc: {  	s21 =	simm.s32 $0x0  }
0x1fd: {  	[tilespmem:s21], [sflag:$0x1] =	stream.linear.gather [hbm4b:s6+s21], $0x10000, $0x38;
	[tilespmem:$0x12880] =	vst v63  }
0x1fe: {  	_ =	swait.ge [sflag:s17], $0x10000  }
0x1ff: {  	[sflag:s17] =	ssyncset.done $0x0  }
0x200: {  	[sflag:s17] =	ssyncadd.s32 $0xFFFF0000  }
0x201: {  	v3 =	vld.idx.msk [tilespmem:v2+s16+$0x0], $0xffff  }
.LBB2_10:
0x202: {  	s22 =	sadd.s32 s12, s21  }
0x203: {  	s22 =	smul.u32 $0x1800, s22;
	_ =	sdelay $0x1  }
0x204: {  	s22 =	sshrl.u32 s22, $0x3  }
0x205: {  	s22 =	sadd.s32 s3, s22  }
0x206: {  	[tilespmem:s18], [sflag:$0x1] =	stream.linear.gather [hbm4b:s22+s2], $0x1800, $0x38;
	[tilespmem:$0x12880] =	vst v63  }
0x207: {  	_ =	swait.ge [sflag:s17], $0x1800  }
0x208: {  	[sflag:s17] =	ssyncset.done $0x0  }
0x209: {  	s31 =	simm.s32 $0x10810;
	s23 =	simm.s32 $0x0;
	[sflag:s17] =	ssyncadd.s32 $0xFFFFE800  }
0x20a: {  	s23 =	sand.u32 $0x7E0, s23;
	v4 =	vld [tilespmem:s31+$0xFFFFFFF0]  }
0x20b: {  	v5 =	vld [tilespmem:s23+$0x11000]  }
0x20c: {  	v6 =	vld [tilespmem:s31+$0xFFFFF7F0]  }
0x20d: {  	v7 =	vld [tilespmem:s31+$0x0]  }
0x20e: {  	v8 =	vld [tilespmem:s31+$0x800]  }
0x20f: {  	v10 =	vld [tilespmem:s31+$0xFFFFF800];
	_ =	sdelay $0x2  }
0x210: {  	v4 =	vmul.f32 v4, v3;
	v5 =	vmul.f32 v5, v3  }
0x211: {  	v6 =	vmul.f32 v6, v3;
	v7 =	vmul.f32 v7, v3  }
0x212: {  	v8 =	vmul.f32 v8, v3;
	v10 =	vmul.f32 v10, v3  }
0x213: {  	v9 =	vtrunc.f32 v4;
	v11 =	vtrunc.f32 v5  }
0x214: {  	v12 =	vtrunc.f32 v6;
	v16 =	vtrunc.f32 v7  }
0x215: {  	v18 =	vtrunc.f32 v8;
	v9 =	vcvt.f32.s32 v9  }
0x216: {  	v11 =	vcvt.f32.s32 v11;
	v12 =	vcvt.f32.s32 v12  }
0x217: {  	v16 =	vcvt.f32.s32 v16;
	v18 =	vcvt.f32.s32 v18  }
0x218: {  	v13 =	vmul.u32 $0x9E3779B1, v9;
	v14 =	vmul.u32 $0x30025795, v11;
	v20 =	vcvt.s32.f32 v12  }
0x219: {  	v9 =	vcvt.s32.f32 v9;
	v11 =	vcvt.s32.f32 v11  }
0x21a: {  	v46 =	vmul.u32 $0x30025795, v18;
	v15 =	vxor.u32 v12, v13;
	v19 =	vadd.s32 $0x30025795, v14  }
0x21b: {  	v21 =	vadd.s32 $0x9E3779B1, v13;
	v6 =	vsub.f32 v6, v20;
	v4 =	vsub.f32 v4, v9  }
0x21c: {  	v5 =	vsub.f32 v5, v11;
	v17 =	vxor.u32 v14, v15;
	v15 =	vxor.u32 v15, v19  }
0x21d: {  	v22 =	vxor.u32 v12, v21;
	v12 =	vadd.s32 $0x1, v12;
	v17 =	vand.u32 $0xFFFF, v17  }
0x21e: {  	v15 =	vand.u32 $0xFFFF, v15;
	v23 =	vxor.u32 v14, v22;
	v11 =	vxor.u32 v19, v22  }
0x21f: {  	v13 =	vxor.u32 v12, v13;
	v20 =	vsub.f32 $1.000000000e+00, v6;
	v22 =	vsub.f32 $1.000000000e+00, v4  }
0x220: {  	v25 =	vsub.f32 $1.000000000e+00, v5;
	v12 =	vxor.u32 v12, v21;
	v21 =	vmul.u32 $0x9E3779B1, v16  }
0x221: {  	v16 =	vcvt.s32.f32 v16;
	v9 =	vand.u32 $0xFFFF, v23;
	v23 =	vtrunc.f32 v10  }
0x222: {  	v11 =	vand.u32 $0xFFFF, v11;
	v24 =	vxor.u32 v14, v13;
	v13 =	vxor.u32 v13, v19  }
0x223: {  	v14 =	vxor.u32 v14, v12;
	v12 =	vxor.u32 v19, v12;
	v23 =	vcvt.f32.s32 v23  }
0x224: {  	v26 =	vmul.f32 v22, v20;
	v24 =	vand.u32 $0xFFFF, v24;
	v20 =	vmul.f32 v4, v20  }
0x225: {  	v13 =	vand.u32 $0xFFFF, v13;
	v22 =	vmul.f32 v22, v6;
	v6 =	vmul.f32 v4, v6  }
0x226: {  	v14 =	vand.u32 $0xFFFF, v14;
	v27 =	vmul.f32 v25, v26;
	v26 =	vmul.f32 v26, v5  }
0x227: {  	v12 =	vand.u32 $0xFFFF, v12;
	v29 =	vmul.f32 v25, v20;
	v20 =	vmul.f32 v5, v20;
	v17 =	vld.idx.msk [tilespmem:v17+s2+$0x0], $0xffff  }
0x228: {  	v54 =	vadd.s32 $0x9E3779B1, v21;
	v31 =	vcvt.s32.f32 v23;
	v48 =	vmul.f32 v25, v22  }
0x229: {  	v33 =	vxor.u32 v23, v21;
	v22 =	vmul.f32 v22, v5;
	v25 =	vmul.f32 v25, v6;
	v15 =	vld.idx.msk [tilespmem:v15+s2+$0x0], $0xffff  }
0x22a: {  	v5 =	vmul.f32 v5, v6;
	v6 =	vsub.f32 v7, v16;
	v16 =	vcvt.s32.f32 v18  }
0x22b: {  	v18 =	vadd.s32 $0x30025795, v46;
	v49 =	vxor.u32 v46, v33;
	v9 =	vld.idx.msk [tilespmem:v9+s2+$0x0], $0xffff;
	v10 =	vsub.f32 v10, v31  }
0x22c: {  	v53 =	vsub.f32 $1.000000000e+00, v6;
	v8 =	vsub.f32 v8, v16;
	v28 =	vand.u32 $0xFFFF0000, v17  }
0x22d: {  	v11 =	vld.idx.msk [tilespmem:v11+s2+$0x0], $0xffff;
	v16 =	vxor.u32 v23, v54;
	v23 =	vadd.s32 $0x1, v23;
	v28 =	vmul.f32 v28, v27  }
0x22e: {  	v35 =	vxor.u32 v46, v16;
	v16 =	vxor.u32 v18, v16;
	v19 =	vand.u32 $0xFFFF0000, v15  }
0x22f: {  	v24 =	vld.idx.msk [tilespmem:v24+s2+$0x0], $0xffff;
	v21 =	vxor.u32 v23, v21;
	v19 =	vmul.f32 v19, v26;
	v28 =	vadd.f32 $0.0e+00, v28  }
0x230: {  	v23 =	vxor.u32 v23, v54;
	v52 =	vsub.f32 $1.000000000e+00, v10;
	v30 =	vand.u32 $0xFFFF0000, v9  }
0x231: {  	v13 =	vld.idx.msk [tilespmem:v13+s2+$0x0], $0xffff;
	v36 =	vsub.f32 $1.000000000e+00, v8;
	v45 =	vmul.f32 v30, v29;
	v19 =	vadd.f32 v28, v19  }
0x232: {  	v35 =	vand.u32 $0xFFFF, v35;
	v16 =	vand.u32 $0xFFFF, v16;
	v32 =	vand.u32 $0xFFFF0000, v11  }
0x233: {  	v14 =	vld.idx.msk [tilespmem:v14+s2+$0x0], $0xffff;
	v37 =	vxor.u32 v46, v21;
	v47 =	vmul.f32 v32, v20;
	v19 =	vadd.f32 v19, v45  }
0x234: {  	v21 =	vxor.u32 v21, v18;
	v37 =	vand.u32 $0xFFFF, v37;
	v34 =	vand.u32 $0xFFFF0000, v24  }
0x235: {  	v4 =	vld.idx.msk [tilespmem:v12+s2+$0x0], $0xffff;
	v21 =	vand.u32 $0xFFFF, v21;
	v12 =	vadd.f32 v19, v47;
	v19 =	vmul.f32 v34, v48  }
0x236: {  	v55 =	vmul.f32 v53, v52;
	v17 =	vshll.u32 v17, $0x10;
	v50 =	vand.u32 $0xFFFF0000, v13  }
0x237: {  	v15 =	vshll.u32 v15, $0x10;
	v12 =	vadd.f32 v12, v19;
	v19 =	vmul.f32 v50, v22  }
0x238: {  	v31 =	vmul.f32 v6, v52;
	v6 =	vmul.f32 v6, v10;
	v51 =	vand.u32 $0xFFFF0000, v14  }
0x239: {  	v28 =	vand.u32 $0xFFFF, v49;
	v12 =	vadd.f32 v12, v19;
	v19 =	vmul.f32 v51, v25  }
0x23a: {  	v17 =	vmul.f32 v17, v27;
	v15 =	vmul.f32 v15, v26;
	v9 =	vshll.u32 v9, $0x10  }
0x23b: {  	v7 =	vand.u32 $0xFFFF0000, v4;
	v12 =	vadd.f32 v12, v19;
	v19 =	vxor.u32 v33, v18  }
0x23c: {  	v56 =	vmul.f32 v36, v55;
	v7 =	vmul.f32 v7, v5;
	v57 =	vld.idx.msk [tilespmem:v35+s2+$0x0], $0xffff;
	v19 =	vand.u32 $0xFFFF, v19  }
0x23d: {  	v11 =	vshll.u32 v11, $0x10;
	v58 =	vmul.f32 v36, v31;
	v9 =	vmul.f32 v9, v29;
	v16 =	vld.idx.msk [tilespmem:v16+s2+$0x0], $0xffff  }
0x23e: {  	v11 =	vmul.f32 v11, v20;
	v17 =	vadd.f32 $0.0e+00, v17;
	v7 =	vadd.f32 v12, v7;
	v12 =	vld.idx.msk [tilespmem:v28+s2+$0x0], $0xffff  }
0x23f: {  	v13 =	vshll.u32 v13, $0x10;
	v14 =	vshll.u32 v14, $0x10;
	v4 =	vshll.u32 v4, $0x10  }
0x240: {  	v35 =	vmul.f32 v53, v10;
	v20 =	vld.idx.msk [tilespmem:v21+s2+$0x0], $0xffff;
	v15 =	vadd.f32 v17, v15;
	v17 =	vxor.u32 v46, v23  }
0x241: {  	v13 =	vmul.f32 v13, v22;
	v21 =	vshll.u32 v24, $0x10;
	v17 =	vand.u32 $0xFFFF, v17;
	v19 =	vld.idx.msk [tilespmem:v19+s2+$0x0], $0xffff  }
0x242: {  	v9 =	vadd.f32 v15, v9;
	v62 =	vshll.u32 v57, $0x10;
	v26 =	vand.u32 $0xFFFF0000, v57  }
0x243: {  	v63 =	vld.idx.msk [tilespmem:v37+s2+$0x0], $0xffff;
	v37 =	vshll.u32 v16, $0x10;
	v26 =	vmul.f32 v26, v58;
	v38 =	vshll.u32 v12, $0x10  }
0x244: {  	v34 =	vmul.f32 v8, v31;
	v12 =	vand.u32 $0xFFFF0000, v12;
	v38 =	vmul.f32 v38, v56  }
0x245: {  	v16 =	vand.u32 $0xFFFF0000, v16;
	v28 =	vmul.f32 v55, v8;
	v12 =	vmul.f32 v12, v56  }
0x246: {  	v59 =	vadd.f32 $0.0e+00, v38;
	v60 =	vshll.u32 v19, $0x10;
	v19 =	vand.u32 $0xFFFF0000, v19  }
0x247: {  	v12 =	vadd.f32 $0.0e+00, v12;
	v38 =	vmul.f32 v60, v28;
	v19 =	vmul.f32 v19, v28  }
0x248: {  	v9 =	vadd.f32 v9, v11;
	v11 =	vmul.f32 v21, v48;
	v18 =	vxor.u32 v18, v23  }
0x249: {  	v61 =	vadd.f32 v59, v38;
	v12 =	vadd.f32 v12, v19;
	v19 =	vmul.f32 v62, v58  }
0x24a: {  	v16 =	vmul.f32 v16, v34;
	v23 =	vmul.f32 v36, v35;
	v18 =	vand.u32 $0xFFFF, v18  }
0x24b: {  	v15 =	vadd.f32 v61, v19;
	v12 =	vadd.f32 v12, v26;
	v19 =	vmul.f32 v37, v34  }
0x24c: {  	v39 =	vand.u32 $0xFFFF0000, v63;
	v9 =	vadd.f32 v9, v11;
	v38 =	vshll.u32 v63, $0x10  }
0x24d: {  	s23 =	simm.s32 $0x10830;
	v15 =	vadd.f32 v15, v19;
	v12 =	vadd.f32 v12, v16;
	v16 =	vld.idx.msk [tilespmem:v17+s2+$0x0], $0xffff;
	v17 =	vmul.f32 v38, v23  }
0x24e: {  	v21 =	vmul.f32 v35, v8;
	v9 =	vadd.f32 v9, v13;
	v13 =	vmul.f32 v14, v25;
	v14 =	vld [tilespmem:s23+$0xFFFFF7F0]  }
0x24f: {  	s22 =	simm.s32 $0x20;
	v10 =	vshll.u32 v20, $0x10;
	v19 =	vmul.f32 v39, v23;
	v15 =	vadd.f32 v15, v17;
	v17 =	vld [tilespmem:s23+$0xFFFFFFF0]  }
0x250: {  	s24 =	sand.u32 $0x7E0, s22;
	v5 =	vmul.f32 v4, v5;
	v11 =	vand.u32 $0xFFFF0000, v20;
	v10 =	vmul.f32 v10, v21;
	v18 =	vld.idx.msk [tilespmem:v18+s2+$0x0], $0xffff  }
0x251: {  	v20 =	vld [tilespmem:s24+$0x11000];
	v11 =	vmul.f32 v11, v21;
	v12 =	vadd.f32 v12, v19;
	v19 =	vmul.f32 v36, v6  }
0x252: {  	v10 =	vadd.f32 v15, v10;
	v21 =	vshll.u32 v16, $0x10;
	v16 =	vand.u32 $0xFFFF0000, v16  }
0x253: {  	v11 =	vadd.f32 v12, v11;
	v12 =	vmul.f32 v21, v19;
	v15 =	vmul.f32 v16, v19  }
0x254: {  	v16 =	vmul.f32 v8, v6;
	v8 =	vld [tilespmem:s23+$0x0];
	v6 =	vmul.f32 v17, v3  }
0x255: {  	v9 =	vadd.f32 v9, v13;
	v13 =	vshll.u32 v18, $0x10;
	v19 =	vmul.f32 v14, v3;
	v17 =	vld [tilespmem:s23+$0x800]  }
0x256: {  	v10 =	vadd.f32 v10, v12;
	v12 =	vmul.f32 v20, v3;
	v20 =	vld [tilespmem:s23+$0xFFFFF800];
	v4 =	vtrunc.f32 v6  }
0x257: {  	v18 =	vand.u32 $0xFFFF0000, v18;
	v13 =	vmul.f32 v13, v16;
	v21 =	vcvt.f32.s32 v4  }
0x258: {  	v14 =	vtrunc.f32 v12;
	v4 =	vadd.f32 v11, v15;
	v11 =	vtrunc.f32 v19  }
0x259: {  	v13 =	vadd.f32 v10, v13;
	v15 =	vcvt.f32.s32 v14;
	v11 =	vcvt.f32.s32 v11  }
0x25a: {  	v14 =	vadd.f32 v9, v5;
	v5 =	vmul.f32 v8, v3;
	v17 =	vmul.f32 v17, v3  }
0x25b: {  	v22 =	vmul.u32 $0x9E3779B1, v21;
	v21 =	vcvt.s32.f32 v21;
	v10 =	vmul.f32 v20, v3  }
0x25c: {  	v8 =	vmul.u32 $0x30025795, v15;
	v20 =	vtrunc.f32 v5;
	v42 =	vcvt.s32.f32 v11  }
0x25d: {  	v15 =	vcvt.s32.f32 v15;
	v9 =	vxor.u32 v11, v22;
	v20 =	vcvt.f32.s32 v20  }
0x25e: {  	v40 =	vtrunc.f32 v17;
	v43 =	vadd.s32 $0x9E3779B1, v22;
	v6 =	vsub.f32 v6, v21  }
0x25f: {  	v23 =	vxor.u32 v8, v9;
	v41 =	vadd.s32 $0x30025795, v8;
	v44 =	vxor.u32 v11, v43  }
0x260: {  	v11 =	vadd.s32 $0x1, v11;
	v19 =	vsub.f32 v19, v42;
	v12 =	vsub.f32 v12, v15  }
0x261: {  	v47 =	vtrunc.f32 v10;
	v24 =	vcvt.f32.s32 v40;
	v23 =	vand.u32 $0xFFFF, v23  }
0x262: {  	v9 =	vxor.u32 v9, v41;
	v45 =	vxor.u32 v8, v44;
	v15 =	vxor.u32 v41, v44  }
0x263: {  	v22 =	vxor.u32 v11, v22;
	v46 =	vsub.f32 $1.000000000e+00, v6;
	v29 =	vcvt.f32.s32 v47  }
0x264: {  	v11 =	vxor.u32 v11, v43;
	v27 =	vmul.u32 $0x9E3779B1, v20;
	v20 =	vcvt.s32.f32 v20  }
0x265: {  	v9 =	vand.u32 $0xFFFF, v9;
	v21 =	vand.u32 $0xFFFF, v45;
	v26 =	vsub.f32 $1.000000000e+00, v19  }
0x266: {  	v15 =	vand.u32 $0xFFFF, v15;
	v48 =	vxor.u32 v8, v22;
	v22 =	vxor.u32 v22, v41  }
0x267: {  	v8 =	vxor.u32 v8, v11;
	v11 =	vxor.u32 v41, v11;
	v36 =	vmul.u32 $0x30025795, v24  }
0x268: {  	v24 =	vcvt.s32.f32 v24;
	v30 =	vand.u32 $0xFFFF, v48;
	v22 =	vand.u32 $0xFFFF, v22  }
0x269: {  	v8 =	vand.u32 $0xFFFF, v8;
	v11 =	vand.u32 $0xFFFF, v11;
	v28 =	vmul.f32 v46, v19  }
0x26a: {  	v55 =	vcvt.s32.f32 v29;
	v58 =	vxor.u32 v29, v27;
	v19 =	vmul.f32 v6, v19  }
0x26b: {  	v20 =	vsub.f32 v5, v20;
	v45 =	vadd.s32 $0x9E3779B1, v27;
	v49 =	vmul.f32 v46, v26;
	v23 =	vld.idx.msk [tilespmem:v23+s2+$0x0], $0xffff  }
0x26c: {  	v26 =	vmul.f32 v6, v26;
	v41 =	vxor.u32 v36, v58;
	v37 =	vsub.f32 v10, v55;
	v31 =	vld.idx.msk [tilespmem:v9+s2+$0x0], $0xffff  }
0x26d: {  	s24 =	simm.s32 $0x12010;
	v42 =	vxor.u32 v29, v45;
	v29 =	vadd.s32 $0x1, v29;
	v9 =	vsub.f32 $1.000000000e+00, v12;
	v21 =	vld.idx.msk [tilespmem:v21+s2+$0x0], $0xffff  }
0x26e: {  	[tilespmem:s24+$0xFFFFFFF0] =	vst v7;
	v5 =	vand.u32 $0xFFFF, v41;
	v32 =	vmul.f32 v49, v12;
	v15 =	vld.idx.msk [tilespmem:v15+s2+$0x0], $0xffff;
	v7 =	vmul.f32 v20, v37  }
0x26f: {  	v63 =	vsub.f32 $1.000000000e+00, v20;
	v50 =	vmul.f32 v9, v49;
	v35 =	vmul.f32 v9, v26  }
0x270: {  	v27 =	vxor.u32 v29, v27;
	v30 =	vld.idx.msk [tilespmem:v30+s2+$0x0], $0xffff;
	v26 =	vmul.f32 v12, v26;
	v39 =	vmul.f32 v9, v28  }
0x271: {  	v22 =	vld.idx.msk [tilespmem:v22+s2+$0x0], $0xffff;
	v28 =	vmul.f32 v28, v12;
	v10 =	vmul.f32 v9, v19;
	v51 =	vand.u32 $0xFFFF0000, v23  }
0x272: {  	v8 =	vld.idx.msk [tilespmem:v8+s2+$0x0], $0xffff;
	v23 =	vshll.u32 v23, $0x10;
	v34 =	vmul.f32 v51, v50;
	v52 =	vand.u32 $0xFFFF0000, v31  }
0x273: {  	v53 =	vand.u32 $0xFFFF0000, v21;
	v56 =	vand.u32 $0xFFFF0000, v15;
	v23 =	vmul.f32 v23, v50  }
0x274: {  	v31 =	vshll.u32 v31, $0x10;
	v21 =	vshll.u32 v21, $0x10;
	v15 =	vshll.u32 v15, $0x10  }
0x275: {  	v25 =	vmul.f32 v52, v32;
	v54 =	vmul.f32 v53, v35;
	v34 =	vadd.f32 $0.0e+00, v34  }
0x276: {  	v57 =	vmul.f32 v56, v26;
	v40 =	vand.u32 $0xFFFF0000, v30;
	v60 =	vand.u32 $0xFFFF0000, v22  }
0x277: {  	v9 =	vand.u32 $0xFFFF0000, v8;
	v31 =	vmul.f32 v31, v32;
	v25 =	vadd.f32 v34, v25  }
0x278: {  	v6 =	vld.idx.msk [tilespmem:v11+s2+$0x0], $0xffff;
	v53 =	vxor.u32 v36, v27;
	v21 =	vmul.f32 v21, v35;
	v34 =	vadd.s32 $0x30025795, v36  }
0x279: {  	v15 =	vmul.f32 v15, v26;
	v38 =	vxor.u32 v58, v34;
	v25 =	vadd.f32 v25, v54  }
0x27a: {  	[tilespmem:s24+$0xFFFFF800] =	vst v13;
	v13 =	vshll.u32 v22, $0x10;
	v59 =	vmul.f32 v40, v39;
	v38 =	vand.u32 $0xFFFF, v38  }
0x27b: {  	v61 =	vmul.f32 v60, v28;
	v23 =	vadd.f32 $0.0e+00, v23;
	v25 =	vadd.f32 v25, v57  }
0x27c: {  	v62 =	vmul.f32 v9, v10;
	v9 =	vmul.f32 v12, v19;
	v19 =	vsub.f32 $1.000000000e+00, v37  }
0x27d: {  	v12 =	vand.u32 $0xFFFF0000, v6;
	v23 =	vadd.f32 v23, v31;
	v11 =	vadd.f32 v25, v59  }
0x27e: {  	v46 =	vmul.f32 v12, v9;
	v43 =	vmul.f32 v63, v19;
	v50 =	vxor.u32 v34, v42  }
0x27f: {  	v21 =	vadd.f32 v23, v21;
	v47 =	vld.idx.msk [tilespmem:v38+s2+$0x0], $0xffff;
	v38 =	vand.u32 $0xFFFF, v50;
	v25 =	vadd.f32 v11, v61  }
0x280: {  	v11 =	vsub.f32 v17, v24;
	v17 =	vld.idx.msk [tilespmem:v5+s2+$0x0], $0xffff;
	v5 =	vmul.f32 v18, v16;
	v18 =	vxor.u32 v36, v42  }
0x281: {  	v19 =	vmul.f32 v20, v19;
	v27 =	vxor.u32 v27, v34;
	v18 =	vand.u32 $0xFFFF, v18  }
0x282: {  	v58 =	vmul.f32 v63, v37;
	v27 =	vand.u32 $0xFFFF, v27;
	v21 =	vadd.f32 v21, v15  }
0x283: {  	v24 =	vxor.u32 v29, v45;
	v29 =	vand.u32 $0xFFFF, v53;
	v61 =	vshll.u32 v30, $0x10  }
0x284: {  	v36 =	vxor.u32 v36, v24;
	v25 =	vadd.f32 v25, v62;
	v12 =	vsub.f32 $1.000000000e+00, v11  }
0x285: {  	v24 =	vxor.u32 v34, v24;
	v51 =	vmul.f32 v43, v11;
	v36 =	vand.u32 $0xFFFF, v36;
	v55 =	vld.idx.msk [tilespmem:v38+s2+$0x0], $0xffff  }
0x286: {  	v24 =	vand.u32 $0xFFFF, v24;
	v16 =	vadd.f32 v25, v46;
	v48 =	vmul.f32 v12, v43;
	v18 =	vld.idx.msk [tilespmem:v18+s2+$0x0], $0xffff  }
0x287: {  	v52 =	vshll.u32 v47, $0x10;
	v54 =	vmul.f32 v12, v19;
	v49 =	vshll.u32 v17, $0x10  }
0x288: {  	v19 =	vmul.f32 v11, v19;
	v17 =	vand.u32 $0xFFFF0000, v17;
	v33 =	vmul.f32 v49, v48  }
0x289: {  	v25 =	vand.u32 $0xFFFF0000, v47;
	v62 =	vmul.f32 v12, v58;
	v29 =	vld.idx.msk [tilespmem:v29+s2+$0x0], $0xffff;
	v17 =	vmul.f32 v17, v48  }
0x28a: {  	v32 =	vmul.f32 v52, v51;
	v25 =	vmul.f32 v25, v51;
	v33 =	vadd.f32 $0.0e+00, v33  }
0x28b: {  	v60 =	vld.idx.msk [tilespmem:v27+s2+$0x0], $0xffff;
	v17 =	vadd.f32 $0.0e+00, v17;
	v59 =	vshll.u32 v55, $0x10;
	v56 =	vshll.u32 v18, $0x10  }
0x28c: {  	v32 =	vadd.f32 v33, v32;
	v18 =	vand.u32 $0xFFFF0000, v18;
	v57 =	vmul.f32 v56, v54  }
0x28d: {  	v35 =	vand.u32 $0xFFFF0000, v55;
	v17 =	vadd.f32 v17, v25;
	v18 =	vmul.f32 v18, v54  }
0x28e: {  	v63 =	vshll.u32 v29, $0x10;
	v29 =	vand.u32 $0xFFFF0000, v29;
	v23 =	vadd.f32 v32, v57  }
0x28f: {  	v17 =	vadd.f32 v17, v18;
	v18 =	vmul.f32 v59, v19;
	v19 =	vmul.f32 v35, v19  }
0x290: {  	v26 =	vmul.f32 v61, v39;
	v20 =	vshll.u32 v60, $0x10;
	v15 =	vld.idx.msk [tilespmem:v36+s2+$0x0], $0xffff;
	v27 =	vmul.f32 v29, v62  }
0x291: {  	s25 =	simm.s32 $0x12030;
	[tilespmem:s24+$0xFFFFF7F0] =	vst v14;
	v23 =	vadd.f32 v23, v18;
	v14 =	vadd.f32 v17, v19;
	v17 =	vmul.f32 v63, v62  }
0x292: {  	[tilespmem:s25+$0xFFFFFFF0] =	vst v16;
	v16 =	vadd.f32 v21, v26;
	v21 =	vand.u32 $0xFFFF0000, v60;
	v19 =	vmul.f32 v58, v11  }
0x293: {  	v18 =	vmul.f32 v13, v28;
	v13 =	vld.idx.msk [tilespmem:v24+s2+$0x0], $0xffff;
	v17 =	vadd.f32 v23, v17;
	v14 =	vadd.f32 v14, v27  }
.LBB2_11:
0x294: {  	s22 =	sadd.s32 $0x20, s22;
	v8 =	vshll.u32 v8, $0x10;
	v20 =	vmul.f32 v20, v19;
	v19 =	vmul.f32 v21, v19;
	s23 =	sadd.s32 $0x20, s23  }
0x295: {  	v12 =	vmul.f32 v12, v7;
	v22 =	vshll.u32 v15, $0x10;
	v15 =	vand.u32 $0xFFFF0000, v15;
	v21 =	vld [tilespmem:s23+$0xFFFFFFF0];
	s26 =	sand.u32 $0x7E0, s22;
	p0 =	slt.u32 s22, $0x7E0  }
0x296: {  	v16 =	vadd.f32 v16, v18;
	v8 =	vmul.f32 v8, v10;
	v23 =	vld [tilespmem:s26+$0x11000];
	v10 =	vadd.f32 v17, v20  }
0x297: {  	v14 =	vadd.f32 v14, v19;
	v18 =	vmul.f32 v22, v12;
	v12 =	vmul.f32 v15, v12;
	v17 =	vld [tilespmem:s23+$0xFFFFF7F0]  }
0x298: {  	v6 =	vshll.u32 v6, $0x10;
	v7 =	vmul.f32 v11, v7;
	v8 =	vadd.f32 v16, v8;
	v15 =	vld [tilespmem:s23+$0x0]  }
0x299: {  	v10 =	vadd.f32 v10, v18;
	v16 =	vshll.u32 v13, $0x10;
	v13 =	vand.u32 $0xFFFF0000, v13;
	v11 =	vld [tilespmem:s23+$0x800]  }
0x29a: {  	v6 =	vmul.f32 v6, v9;
	v9 =	vadd.f32 v14, v12;
	v18 =	vmul.f32 v21, v3;
	v19 =	vld [tilespmem:s23+$0xFFFFF800]  }
0x29b: {  	v5 =	vadd.f32 v4, v5;
	v14 =	vmul.f32 v16, v7;
	v12 =	vmul.f32 v23, v3  }
0x29c: {  	v6 =	vadd.f32 v8, v6;
	v4 =	vmovc v9;
	v16 =	vmul.f32 v17, v3;
	v17 =	vtrunc.f32 v18  }
0x29d: {  	v10 =	vadd.f32 v10, v14;
	v8 =	vcvt.f32.s32 v17;
	v9 =	vtrunc.f32 v12;
	[tilespmem:s24+$0x0] =	vst v5;
	s24 =	smov.u32 s25  }
0x29e: {  	v5 =	vtrunc.f32 v16;
	v9 =	vcvt.f32.s32 v9;
	[tilespmem:s25+$0xFFFFF7F0] =	vst v6  }
0x29f: {  	v20 =	vmul.f32 v15, v3;
	v6 =	vcvt.f32.s32 v5;
	v14 =	vmul.u32 $0x9E3779B1, v8;
	[tilespmem:s25+$0xFFFFF800] =	vst v10  }
0x2a0: {  	v11 =	vmul.f32 v11, v3;
	v17 =	vmul.f32 v19, v3;
	v10 =	vmul.u32 $0x30025795, v9  }
0x2a1: {  	v19 =	vtrunc.f32 v20;
	v5 =	vmul.f32 v13, v7;
	v15 =	vxor.u32 v6, v14  }
0x2a2: {  	v19 =	vcvt.f32.s32 v19;
	v13 =	vtrunc.f32 v11;
	v7 =	vxor.u32 v10, v15  }
0x2a3: {  	v22 =	vtrunc.f32 v17;
	v21 =	vadd.s32 $0x30025795, v10;
	v7 =	vand.u32 $0xFFFF, v7  }
0x2a4: {  	v23 =	vcvt.s32.f32 v6;
	v24 =	vadd.s32 $0x9E3779B1, v14;
	v15 =	vxor.u32 v15, v21  }
0x2a5: {  	v8 =	vcvt.s32.f32 v8;
	v25 =	vxor.u32 v6, v24;
	v15 =	vand.u32 $0xFFFF, v15  }
0x2a6: {  	v9 =	vcvt.s32.f32 v9;
	v6 =	vadd.s32 $0x1, v6;
	v26 =	vxor.u32 v10, v25  }
0x2a7: {  	v18 =	vsub.f32 v18, v8;
	v23 =	vsub.f32 v16, v23;
	v8 =	vand.u32 $0xFFFF, v26  }
0x2a8: {  	v9 =	vsub.f32 v12, v9;
	v12 =	vxor.u32 v6, v14;
	v26 =	vld.idx.msk [tilespmem:v7+s2+$0x0], $0xffff;
	v7 =	vxor.u32 v21, v25  }
0x2a9: {  	v16 =	vsub.f32 $1.000000000e+00, v18;
	v14 =	vsub.f32 $1.000000000e+00, v23;
	v7 =	vand.u32 $0xFFFF, v7  }
0x2aa: {  	v27 =	vcvt.f32.s32 v13;
	v22 =	vcvt.f32.s32 v22;
	v25 =	vld.idx.msk [tilespmem:v15+s2+$0x0], $0xffff;
	v15 =	vxor.u32 v10, v12  }
0x2ab: {  	v28 =	vsub.f32 $1.000000000e+00, v9;
	v13 =	vmul.f32 v16, v14;
	v29 =	vand.u32 $0xFFFF, v15  }
0x2ac: {  	v6 =	vxor.u32 v6, v24;
	v24 =	vmul.u32 $0x9E3779B1, v19;
	v30 =	vld.idx.msk [tilespmem:v8+s2+$0x0], $0xffff;
	v8 =	vxor.u32 v12, v21  }
0x2ad: {  	v31 =	vmul.f32 v28, v13;
	v12 =	vxor.u32 v21, v6;
	v8 =	vand.u32 $0xFFFF, v8  }
0x2ae: {  	v14 =	vmul.f32 v18, v14;
	v6 =	vxor.u32 v10, v6;
	v21 =	vand.u32 $0xFFFF0000, v26;
	v15 =	vld.idx.msk [tilespmem:v7+s2+$0x0], $0xffff  }
0x2af: {  	v6 =	vand.u32 $0xFFFF, v6;
	v7 =	vmul.f32 v21, v31;
	v21 =	vmul.f32 v13, v9  }
0x2b0: {  	v12 =	vand.u32 $0xFFFF, v12;
	v10 =	vand.u32 $0xFFFF0000, v25;
	v13 =	vld.idx.msk [tilespmem:v29+s2+$0x0], $0xffff;
	v29 =	vmul.u32 $0x30025795, v27  }
0x2b1: {  	v33 =	vmul.f32 v28, v14;
	v32 =	vadd.f32 $0.0e+00, v7;
	v10 =	vmul.f32 v10, v21  }
0x2b2: {  	v36 =	vcvt.s32.f32 v22;
	v35 =	vmul.f32 v16, v23;
	v34 =	vand.u32 $0xFFFF0000, v30;
	v7 =	vld.idx.msk [tilespmem:v8+s2+$0x0], $0xffff  }
0x2b3: {  	v10 =	vadd.f32 v32, v10;
	v16 =	vmul.f32 v34, v33;
	v32 =	vmul.f32 v9, v14  }
0x2b4: {  	v19 =	vcvt.s32.f32 v19;
	v34 =	vxor.u32 v22, v24;
	v14 =	vand.u32 $0xFFFF0000, v15;
	v8 =	vld.idx.msk [tilespmem:v6+s2+$0x0], $0xffff  }
0x2b5: {  	v10 =	vadd.f32 v10, v16;
	v14 =	vmul.f32 v14, v32;
	v16 =	vmul.f32 v28, v35  }
0x2b6: {  	v23 =	vmul.f32 v18, v23;
	v37 =	vand.u32 $0xFFFF0000, v13;
	v6 =	vld.idx.msk [tilespmem:v12+s2+$0x0], $0xffff;
	v12 =	vxor.u32 v29, v34  }
0x2b7: {  	v10 =	vadd.f32 v10, v14;
	v37 =	vmul.f32 v37, v16;
	v14 =	vmul.f32 v35, v9  }
0x2b8: {  	v17 =	vsub.f32 v17, v36;
	v18 =	vsub.f32 v20, v19;
	v35 =	vand.u32 $0xFFFF0000, v7  }
0x2b9: {  	v19 =	vadd.f32 v10, v37;
	v20 =	vmul.f32 v35, v14;
	v10 =	vmul.f32 v28, v23  }
0x2ba: {  	v27 =	vcvt.s32.f32 v27;
	v12 =	vand.u32 $0xFFFF, v12;
	v28 =	vand.u32 $0xFFFF0000, v8  }
0x2bb: {  	v9 =	vmul.f32 v9, v23;
	v19 =	vadd.f32 v19, v20;
	v20 =	vmul.f32 v28, v10  }
0x2bc: {  	v35 =	vadd.s32 $0x30025795, v29;
	v28 =	vadd.s32 $0x9E3779B1, v24;
	v23 =	vand.u32 $0xFFFF0000, v6  }
0x2bd: {  	v19 =	vadd.f32 v19, v20;
	v20 =	vmul.f32 v23, v9;
	v23 =	vxor.u32 v34, v35  }
0x2be: {  	v36 =	vsub.f32 $1.000000000e+00, v18;
	v34 =	vsub.f32 $1.000000000e+00, v17;
	v23 =	vand.u32 $0xFFFF, v23  }
0x2bf: {  	v11 =	vsub.f32 v11, v27;
	v19 =	vadd.f32 v19, v20;
	v20 =	vld.idx.msk [tilespmem:v12+s2+$0x0], $0xffff;
	v12 =	vxor.u32 v22, v28  }
0x2c0: {  	s25 =	sadd.s32 $0x20, s25;
	v27 =	vmul.f32 v36, v34;
	v37 =	vxor.u32 v29, v12;
	v38 =	vxor.u32 v35, v12  }
0x2c1: {  	v12 =	vsub.f32 $1.000000000e+00, v11;
	[tilespmem:s25+$0xFFFFFFF0] =	vst v19;
	v19 =	vadd.s32 $0x1, v22;
	v22 =	vand.u32 $0xFFFF, v37  }
0x2c2: {  	v26 =	vshll.u32 v26, $0x10;
	v37 =	vand.u32 $0xFFFF, v38;
	v24 =	vxor.u32 v19, v24  }
0x2c3: {  	v26 =	vmul.f32 v26, v31;
	v31 =	vmul.f32 v12, v27;
	v23 =	vld.idx.msk [tilespmem:v23+s2+$0x0], $0xffff;
	v38 =	vxor.u32 v29, v24  }
0x2c4: {  	v25 =	vshll.u32 v25, $0x10;
	v34 =	vmul.f32 v18, v34;
	v27 =	vmul.f32 v27, v11  }
0x2c5: {  	v39 =	vshll.u32 v20, $0x10;
	v20 =	vand.u32 $0xFFFF0000, v20;
	v38 =	vand.u32 $0xFFFF, v38  }
0x2c6: {  	v26 =	vadd.f32 $0.0e+00, v26;
	v39 =	vmul.f32 v39, v31;
	v20 =	vmul.f32 v20, v31;
	v22 =	vld.idx.msk [tilespmem:v22+s2+$0x0], $0xffff  }
0x2c7: {  	v21 =	vmul.f32 v25, v21;
	v25 =	vmul.f32 v12, v34;
	v24 =	vxor.u32 v24, v35;
	v31 =	vld.idx.msk [tilespmem:v37+s2+$0x0], $0xffff  }
0x2c8: {  	v30 =	vshll.u32 v30, $0x10;
	v37 =	vadd.f32 $0.0e+00, v39;
	v20 =	vadd.f32 $0.0e+00, v20  }
0x2c9: {  	v24 =	vand.u32 $0xFFFF, v24;
	v39 =	vshll.u32 v23, $0x10;
	v23 =	vand.u32 $0xFFFF0000, v23  }
0x2ca: {  	v19 =	vxor.u32 v19, v28;
	v39 =	vmul.f32 v39, v27;
	v23 =	vmul.f32 v23, v27;
	v27 =	vld.idx.msk [tilespmem:v38+s2+$0x0], $0xffff  }
0x2cb: {  	v21 =	vadd.f32 v26, v21;
	v26 =	vmul.f32 v30, v33;
	v28 =	vxor.u32 v29, v19  }
0x2cc: {  	v29 =	vadd.f32 v37, v39;
	v30 =	vshll.u32 v22, $0x10;
	v22 =	vand.u32 $0xFFFF0000, v22  }
0x2cd: {  	v20 =	vadd.f32 v20, v23;
	v23 =	vmul.f32 v30, v25;
	v22 =	vmul.f32 v22, v25  }
0x2ce: {  	v15 =	vshll.u32 v15, $0x10;
	v25 =	vmul.f32 v11, v34;
	v30 =	vmul.f32 v36, v17;
	v24 =	vld.idx.msk [tilespmem:v24+s2+$0x0], $0xffff  }
0x2cf: {  	v28 =	vand.u32 $0xFFFF, v28;
	v33 =	vshll.u32 v31, $0x10;
	v31 =	vand.u32 $0xFFFF0000, v31  }
0x2d0: {  	v21 =	vadd.f32 v21, v26;
	v15 =	vmul.f32 v15, v32;
	v23 =	vadd.f32 v29, v23  }
0x2d1: {  	v20 =	vadd.f32 v20, v22;
	v22 =	vmul.f32 v33, v25;
	v25 =	vmul.f32 v31, v25  }
0x2d2: {  	v13 =	vshll.u32 v13, $0x10;
	v19 =	vxor.u32 v35, v19;
	v26 =	vmul.f32 v12, v30  }
0x2d3: {  	v31 =	vand.u32 $0xFFFF, v19;
	v29 =	vshll.u32 v27, $0x10;
	v27 =	vand.u32 $0xFFFF0000, v27  }
.Ltmp4:
0x2d4: {  	v21 =	vadd.f32 v21, v15;
	v13 =	vmul.f32 v13, v16;
	v22 =	vadd.f32 v23, v22;
	v15 =	vld.idx.msk [tilespmem:v28+s2+$0x0], $0xffff;
	(pc) =	sbr.rel @p0 .LBB2_11-.Ltmp4, $4  }
0x2d5: {  	v23 =	vadd.f32 v20, v25;
	v25 =	vmul.f32 v29, v26;
	v26 =	vmul.f32 v27, v26  }
0x2d6: {  	v19 =	vmul.f32 v30, v11;
	v27 =	vshll.u32 v7, $0x10;
	v7 =	vmul.f32 v18, v17  }
0x2d7: {  	v16 =	vadd.f32 v21, v13;
	v20 =	vshll.u32 v24, $0x10;
	v21 =	vand.u32 $0xFFFF0000, v24  }
0x2d8: {  	v18 =	vmul.f32 v27, v14;
	v17 =	vadd.f32 v22, v25;
	v14 =	vadd.f32 v23, v26;
	v13 =	vld.idx.msk [tilespmem:v31+s2+$0x0], $0xffff  }
0x2d9: {  	v8 =	vshll.u32 v8, $0x10;
	v20 =	vmul.f32 v20, v19;
	v56 =	vmul.f32 v21, v19  }
0x2da: {  	v12 =	vmul.f32 v12, v7;
	v57 =	vshll.u32 v15, $0x10;
	v58 =	vand.u32 $0xFFFF0000, v15  }
0x2db: {  	v6 =	vshll.u32 v6, $0x10;
	v61 =	vmul.f32 v11, v7;
	v4 =	vadd.f32 v4, v5  }
0x2dc: {  	v16 =	vadd.f32 v16, v18;
	v8 =	vmul.f32 v8, v10;
	v6 =	vmul.f32 v6, v9  }
0x2dd: {  	v59 =	vadd.f32 v17, v20;
	v14 =	vadd.f32 v14, v56;
	v60 =	vmul.f32 v57, v12  }
0x2de: {  	v12 =	vmul.f32 v58, v12;
	v8 =	vadd.f32 v16, v8;
	v62 =	vshll.u32 v13, $0x10  }
0x2df: {  	v10 =	vadd.f32 v59, v60;
	v63 =	vand.u32 $0xFFFF0000, v13;
	v11 =	vmul.f32 v62, v61  }
0x2e0: {  	s22 =	smul.u32 $0x60000, s21;
	v5 =	vadd.f32 v14, v12;
	v6 =	vadd.f32 v8, v6;
	v7 =	vmul.f32 v63, v61  }
0x2e1: {  	[tilespmem:s24+$0x0] =	vst v4;
	v4 =	vadd.f32 v10, v11  }
0x2e2: {  	s21 =	sadd.s32 $0x1, s21;
	s22 =	sadd.s32 s14, s22;
	[tilespmem:s25+$0xFFFFF7F0] =	vst v6;
	v5 =	vadd.f32 v5, v7  }
0x2e3: {  	p0 =	sne.s32 s21, $0xA;
	s22 =	sshrl.u32 s22, $0x3;
	[tilespmem:s25+$0xFFFFF800] =	vst v4  }
.Ltmp5:
0x2e4: {  	s22 =	sadd.s32 s8, s22;
	[tilespmem:s25+$0x0] =	vst v5;
	(pc) =	sbr.rel @p0 .LBB2_10-.Ltmp5, $4  }
0x2e5: {  	[hbm4b:s22+s2] =	stream.linear.scatter [tilespmem:s19], [sflag:$0x1], $0x1000, $0x38;
	[tilespmem:$0x12880] =	vst v63  }
0x2e6: {  	_ =	swait.ge [sflag:s17], $0x1000  }
0x2e7: {  	[sflag:s17] =	ssyncset.done $0x0  }
0x2e8: {  	[sflag:s17] =	ssyncadd.s32 $0xFFFFF000  }
0x2e9: {  	s20 =	sadd.s32 $0x1, s20  }
0x2ea: {  	p0 =	sne.s32 s20, s15  }
.Ltmp6:
0x2eb: {  	_ = 	snop;
	(pc) =	sbr.rel @p0 .LBB2_1-.Ltmp6, $1  }
0x2ec: {  	_ =	sdelay $0x3  }
0x2ed: {  	_ =	sfence.sel $0x180000  }
0x2ee: {  	[bflag:$0x0] =	sbarrier.arrive $0xFFFF  }
0x2ef: {  	p0 =	sne.s32 s0, $0x0;
	_ =	strace $0x90000047  }
0x2f0: {  	s0 =	sadd.s32 @!p0 $0x100000, s1;
	[bflag:$0x2] =	sbarrier.arrive $0xFFFF  }
0x2f1: {  	[sflag:s0] =	ssyncadd.tile.s32 @!p0 $0x1;
	_ =	shalt  }
.Lfunc_end2:
_tile_overlayer_lowered:
.L_overlay_start_2:
0x2f2: {  	(tag) =	ssettag $0x2  }
0x2f3: {  	s0 =	rddreg [dreg:$0x0];
	s2 =	stileid.u32  }
0x2f4: {  	s1 =	rddreg [dreg:$0x1];
	p0 =	sne.s32 s2, $0x0  }
0x2f5: {  	s3 =	rddreg [dreg:$0x2];
	[bflag:$0x3] =	sbarrier.arrive $0xFFFF;
	s2 =	simm.s32 @!p0 $0x1C01  }
0x2f6: {  	[timem:s3], [sflag:s2] =	dma.local @!p0 [hbm:s0], s1  }
0x2f7: {  	s0 =	simm.s32 @!p0 $0x1  }
0x2f8: {  	_ =	swait.ge @!p0 [sflag:s0], s1  }
0x2f9: {  	s1 =	ssub.s32 @!p0 $0x0, s1;
	[sflag:s0] =	ssyncset.done @!p0 $0x0  }
0x2fa: {  	[sflag:s0] =	ssyncadd.s32 @!p0 s1  }
0x2fb: {  	[bflag:$0x3] =	sbarrier.arrive $0xFFFF  }
0x2fc: {  	_ =	shalt  }

// kernel: sparse-core-data-format-call.cloned.1.call-start
scs
called_computation_lowered:
.L_overlay_start_0:
0x0: {  	s2 =	sld [smem:$0x3FD9]  }
0x1: {  	s3 =	sld [smem:$0x3FFE];
	_ =	sdelay $0x1  }
0x2: {  	s1 =	srdreg.scid  }
0x3: {  	s0 =	sand.u32 $0x1, s1  }
0x4: {  	s18 =	sshll.u32 s0, $0xA;
	s2 =	sadd.s32 s3, s2  }
0x5: {  	s2 =	sadd.s32 s2, s18  }
0x6: {  	[smem:$0x3FBC] =	sst s2  }
0x7: {  	_ = 	snop  }
0x8: {  	s2 =	sld [smem:$0x3FD0];
	(tm) =	ssettm $0x1  }
0x9: {  	s19 =	sld [smem:$0x3FFB];
	_ =	sdelay $0x3  }
0xa: {  	_ =	strace s19  }
0xb: {  	s3 =	sld [smem:$0x3FFC];
	_ =	sdelay $0x3  }
0xc: {  	_ =	strace s3  }
0xd: {  	s3 =	sld [smem:$0x3FFD];
	_ =	sdelay $0x3  }
0xe: {  	_ =	strace s3  }
0xf: {  	_ =	strace $0x8FFFFFFF  }
0x10: {  	s20 =	sld [smem:$0x3FDB];
	_ =	sdelay $0x1  }
0x11: {  	s4 =	simm.s32 $_scs_section_size  }
0x12: {  	s5 =	simm.s32 $_size__tile_overlayer_lowered;
	s6 =	simm.s32 $_tile_overlayer_lowered  }
0x13: {  	s23 =	simm.s32 $0x1BFF;
	s22 =	sshll.u32 s6, $0x1;
	s3 =	sadd.s32 s4, s20  }
0x14: {  	s7 =	simm.s32 $0x0;
	s21 =	sshll.u32 s5, $0x1;
	s5 =	sadd.s32 s22, s3  }
0x15: {  	[timem:s7], [sflag:s23] =	dma.local [hbm:s5], s21  }
0x16: {  	_ =	swait.ge [sflag:s23], s21  }
0x17: {  	s4 =	ssub.s32 $0x0, s21;
	[sflag:s23] =	ssyncset.done $0x0  }
0x18: {  	[sflag:s23] =	ssyncadd.s32 s4;
	_ =	sdelay $0x1  }
0x19: {  	s24 =	simm.s32 $0x1B8B  }
0x1a: {  	_ =	swait.ge [sflag:s24], $0x1  }
0x1b: {  	[sflag:s24] =	ssyncset.done $0x0  }
0x1c: {  	s26 =	simm.s32 $0x1B8E;
	s25 =	sld [smem:$0x3FFE];
	[sflag:s24] =	ssyncadd.s32 $0xFFFFFFFF  }
0x1d: {  	s27 =	simm.s32 $execute0_lowered;
	[smem:$0x3FD2] =	sst s26  }
0x1e: {  	s5 =	sshll.u32 s27, $0x1;
	_ =	strace $0x8000004C;
	[dreg:$0x1] =	wrdreg $0xFFFFFFFF  }
0x1f: {  	s28 =	simm.s32 $_size_execute0_lowered;
	s3 =	sadd.s32 s3, s5;
	[dreg:$0x0] =	wrdreg $0x0  }
0x20: {  	s5 =	sshll.u32 s28, $0x1;
	[dreg:$0x2] =	wrdreg s3  }
0x21: {  	[dreg:$0x3] =	wrdreg s5  }
0x22: {  	[dreg:$0x4] =	wrdreg $0xC0  }
0x23: {  	_ =	task [dreg:s7], $0x5FFFF  }
0x24: {  	[dreg:$0x1] =	wrdreg $0xFFFFFFFF  }
0x25: {  	[dreg:$0x0] =	wrdreg $0x60  }
0x26: {  	[dreg:$0x2] =	wrdreg s25  }
0x27: {  	[dreg:$0x3] =	wrdreg s2  }
0x28: {  	[dreg:$0x4] =	wrdreg $0x9  }
0x29: {  	_ =	task.clear_ibuf [dreg:s7], $0x5FFFF;
	_ =	strace $0x9000004C  }
0x2a: {  	s29 =	simm.s32 $0x9;
	_ =	strace $0x8000004E  }
0x2b: {  	_ =	swait.ge [sflag:s29], $0x1  }
0x2c: {  	[sflag:s29] =	ssyncadd.s32 $0xFFFFFFFF  }
0x2d: {  	_ =	strace $0x9000004E  }
0x2e: {  	_ =	sfence  }
0x2f: {  	s30 =	sld [smem:$0x0];
	_ =	sdelay $0x2  }
0x30: {  	s31 =	sshll.u32 s1, $0xD;
	s1 =	sshrl.u32 s1, $0x2  }
0x31: {  	s3 =	sand.u32 $0x4000, s31;
	s1 =	sadd.s32 s1, s30  }
0x32: {  	s0 =	sor.u32 s3, s0;
	s1 =	sshll.u32 s1, $0x11  }
0x33: {  	s0 =	sor.u32 s1, s0  }
0x34: {  	s0 =	sadd.s32 $0x8F2B, s0  }
0x35: {  	[sflag:s0] =	ssyncadd.remote.s32 $0x1  }
0x36: {  	_ =	sfence.sel $0xFFFF  }
0x37: {  	[dreg:$0x0] =	wrdreg $0xFFFFFFFF;
	(pc) =	sbr.abs _section_cstart, $3  }
0x38: {  	[dreg:$0x1] =	wrdreg $0xFFFFFFFF  }
0x39: {  	_ =	task.clear_ibuf [dreg:s7], $0x2FFFF;
	_ =	strace $0x9FFFFFFF  }
0x3a: {  	(tm) =	ssettm $0x7FFFFFFF  }
0x3b: {  	_ =	shalt  }
tec
execute0_lowered:
.L_overlay_start_1:
0x0: {  	(tag) =	ssettag $0x1  }
0x1: {  	s3 =	rddreg [dreg:$0x0]  }
0x2: {  	s2 =	rddreg [dreg:$0x1];
	s1 =	stileid.u32  }
0x3: {  	s4 =	srdreg.scid;
	s0 =	rddreg [dreg:$0x2];
	_ =	strace $0x8000004D  }
0x4: {  	s7 =	simm.s32 $0x2;
	s14 =	simm.s32 $0x0;
	p0 =	por $0x0, $0x0  }
0x5: {  	s9 =	simm.s32 $0x50400;
	s5 =	sshll.u32 s1, $0x5;
	s4 =	sshll.u32 s4, $0x9  }
.Ltmp0:
0x6: {  	s13 =	simm.s32 $0x0;
	s4 =	sor.u32 s5, s4;
	(pc) =	sbr.rel .LBB1_1-.Ltmp0, $4  }
0x7: {  	s12 =	simm.s32 $0x0;
	s5 =	simm.s32 $0x1;
	s4 =	sand.u32 $0x380, s4  }
0x8: {  	s3 =	sadd.s32 $0x44E200, s3;
	[sflag:s5] =	ssyncpa.u1 $0x0;
	s8 =	ssub.s32 $0xA000, s4  }
0x9: {  	s6 =	sand.u32 $0x3, s1;
	[sflag:s7] =	ssyncpa.u1 $0x0;
	s7 =	sshrl.u32 s8, $0xA  }
0xa: {  	s11 =	smov.u32 s6;
	s10 =	smov.u32 s4;
	s8 =	sadd.s32 $0x2, s7  }
.LBB1_5:
0xb: {  	s15 =	sadd.s32 $0x400, s10  }
0xc: {  	s13 =	sadd.s32 $0x4, s11;
	s17 =	smov.u32 s11;
	p2 =	sgt.s32 s15, $0xA001  }
0xd: {  	s17 =	smov.u32 @p2 s13  }
0xe: {  	s15 =	smov.u32 @p2 s4;
	p2 =	sgt.s32 s17, $0x3  }
0xf: {  	s17 =	smov.u32 @p2 s6;
	p2 =	sne.s32 s12, s8  }
.Ltmp1:
0x10: {  	p1 =	slt.u32 s12, $0x2;
	(pc) =	sbr.rel @!p2 .LBB1_6-.Ltmp1, $4  }
0x11: {  	s16 =	simm.s32 @!p1 $0x2  }
0x12: {  	s14 =	smov.u32 s10;
	p0 =	por !p0, !p0;
	_ =	swait.ge @!p1 [sflag:s16], $0x2000  }
0x13: {  	s13 =	smov.u32 s11;
	[sflag:s16] =	ssyncset.done @!p1 $0x0;
	s10 =	smov.u32 s15  }
0x14: {  	s12 =	sadd.s32 $0x1, s12;
	[sflag:s16] =	ssyncadd.s32 @!p1 $0xFFFFE000;
	s11 =	smov.u32 s17  }
.LBB1_1:
0x15: {  	p1 =	sgt.u32 s12, s7  }
0x16: {  	s17 =	smov.u32 s11;
	s19 =	smov.u32 s10;
	p2 =	sgt.s32 @!p1 s11, $0x3  }
0x17: {  	s15 =	sand.u32 @!p1 $0x1FFFFFF, s10;
	s18 =	sshra.s32 @!p1 s11, $0x1F;
	p2 =	por !p2, p1  }
0x18: {  	s20 =	sshra.s32 @!p1 s10, $0x1F;
	s17 =	simm.s32 @p2 $0x3;
	p2 =	sgt.s32 @!p1 s10, $0x9F88  }
0x19: {  	s16 =	smulhi.u32 @!p1 $0xCCC29, s15;
	s18 =	sand.u32 @!p1 s18, s11;
	p2 =	por !p2, p1  }
0x1a: {  	s17 =	ssub.s32 @!p1 s17, s18;
	s18 =	sand.u32 @!p1 s20, s10;
	s19 =	simm.s32 @p2 $0x9F88  }
0x1b: {  	s17 =	sadd.s32 @!p1 $0xFFFFFFFD, s17;
	s18 =	ssub.s32 @!p1 s19, s18  }
0x1c: {  	s16 =	sshrl.u32 @!p1 s16, $0x3;
	p2 =	sgt.s32 @!p1 s17, $0x0;
	s19 =	sadd.s32 @!p1 $0xFFFF6078, s18  }
0x1d: {  	s17 =	sshll.u32 @!p1 s17, $0x6;
	s18 =	ssub.s32 @!p1 $0xA008, s18;
	p3 =	sgt.s32 @!p1 s19, $0x7F  }
0x1e: {  	s17 =	ssub.s32 @!p1 $0x40, s17;
	p2 =	por !p2, p1;
	p3 =	por !p3, p1  }
0x1f: {  	s16 =	smul.u32 @!p1 $0xA008, s16;
	s17 =	simm.s32 @!p2 $0x0;
	s18 =	simm.s32 @!p3 $0x0  }
0x20: {  	s19 =	sxor.u32 @!p1 $0xFFFFFFFF, s12;
	s17 =	smul.u32 @!p1 s18, s17  }
0x21: {  	s15 =	ssub.s32 @!p1 s15, s16;
	s18 =	sshll.u32 @!p1 s19, $0xD;
	s19 =	smul.u32 @!p1 $0xA0080, s11  }
0x22: {  	s15 =	sshll.u32 @!p1 s15, $0x4  }
0x23: {  	s18 =	sand.u32 @!p1 $0x2000, s18;
	s16 =	sand.u32 @!p1 $0x3FFFFFC0, s17;
	s17 =	sadd.s32 @!p1 s3, s19  }
0x24: {  	s19 =	simm.s32 @!p1 $0x80;
	s15 =	sadd.s32 @!p1 s15, s17;
	s17 =	simm.s32 @!p1 $0x40  }
0x25: {  	[tilespmem:s18], [sflag:$0x1] =	stream.strided.gather @!p1 [hbm4b:s15+s17], s16, s19, s17, $0x38;
	[tilespmem:$0x8080] =	vst v63  }
0x26: {  	p1 =	seq.s32 s12, $0x0  }
0x27: {  	p2 =	sge.u32 @!p1 s12, s8  }
0x28: {  	p1 =	por p1, p2  }
.Ltmp2:
0x29: {  	_ = 	snop;
	(pc) =	sbr.rel @p1 .LBB1_5-.Ltmp2, $1  }
0x2a: {  	_ =	sdelay $0x3  }
0x2b: {  	p1 =	sgt.s32 s13, $0x3;
	s15 =	smov.u32 s13  }
0x2c: {  	s16 =	sshra.s32 s13, $0x1F;
	s17 =	smov.u32 s14;
	s18 =	sshra.s32 s14, $0x1F  }
0x2d: {  	s15 =	simm.s32 @!p1 $0x3;
	s16 =	sand.u32 s16, s13;
	p1 =	sgt.s32 s14, $0x9F88  }
0x2e: {  	s27 =	sand.u32 s18, s14;
	s15 =	ssub.s32 s15, s16;
	s17 =	simm.s32 @!p1 $0x9F88  }
0x2f: {  	s15 =	sadd.s32 $0xFFFFFFFD, s15;
	s16 =	ssub.s32 s17, s27  }
0x30: {  	p1 =	sgt.s32 s15, $0x0;
	s17 =	sadd.s32 $0xFFFF6078, s16;
	s15 =	sshll.u32 s15, $0x6  }
0x31: {  	s16 =	ssub.s32 $0xA008, s16;
	p2 =	sgt.s32 s17, $0x7F;
	s15 =	ssub.s32 $0x40, s15  }
0x32: {  	s16 =	simm.s32 @p2 $0x0;
	s15 =	simm.s32 @p1 $0x0  }
0x33: {  	s15 =	smul.u32 s16, s15;
	_ =	sdelay $0x1  }
0x34: {  	s16 =	simm.s32 $0x1;
	s15 =	sand.u32 $0x3FFFFFC0, s15  }
0x35: {  	s16 =	simm.s32 @!p0 $0x0;
	_ =	swait.ge [sflag:s5], s15  }
0x36: {  	s28 =	sshll.u32 s16, $0xD;
	s15 =	ssub.s32 $0x0, s15;
	[sflag:s5] =	ssyncset.done $0x0  }
0x37: {  	s19 =	sor.u32 $0x20, s28;
	[sflag:s5] =	ssyncadd.s32 s15  }
0x38: {  	s29 =	smul.u32 $0x8100, s16;
	v3 =	vld [tilespmem:s19+$0x10]  }
0x39: {  	s30 =	sand.u32 $0x1, s12;
	v2 =	vld [tilespmem:s19+$0xFFFFFFF0]  }
0x3a: {  	s16 =	smul.u32 $0x8100, s30;
	s15 =	sshrl.u32 s29, $0x2;
	v0 =	vld [tilespmem:s19+$0x0]  }
0x3b: {  	s17 =	sor.u32 $0x4000, s15;
	v1 =	vld [tilespmem:s19+$0xFFFFFFE0]  }
0x3c: {  	s31 =	sshrl.u32 s16, $0x2;
	s16 =	sadd.s32 $0x0, s17  }
0x3d: {  	s18 =	simm.s32 $0x4;
	s15 =	sor.u32 $0x4000, s31;
	s19 =	sadd.s32 $0x40, s19;
	[tilespmem:s16+$0x1830 ss:$0x81] =	vst.msk $0xffff, v3  }
.LBB1_3:
0x3e: {  	v3 =	vld [tilespmem:s19+$0x10];
	p1 =	sne.s32 s18, $0x1FC;
	[tilespmem:s16+$0x810 ss:$0x81] =	vst.msk $0xffff, v2;
	s20 =	smov.u32 s18;
	s18 =	sadd.s32 $0x4, s18  }
.Ltmp3:
0x3f: {  	v2 =	vld [tilespmem:s19+$0xFFFFFFF0];
	[tilespmem:s16+$0x1020 ss:$0x81] =	vst.msk $0xffff, v0;
	(pc) =	sbr.rel @p1 .LBB1_3-.Ltmp3, $4  }
0x40: {  	v0 =	vld [tilespmem:s19+$0x0];
	[tilespmem:s16+$0x0 ss:$0x81] =	vst.msk $0xffff, v1  }
0x41: {  	s16 =	sshra.s32 s20, $0x2;
	v1 =	vld [tilespmem:s19+$0xFFFFFFE0]  }
0x42: {  	s16 =	sadd.s32 s16, s17  }
0x43: {  	s19 =	sadd.s32 $0x40, s19;
	[tilespmem:s16+$0x1830 ss:$0x81] =	vst.msk $0xffff, v3  }
0x44: {  	s17 =	sshll.u32 s14, $0x3  }
0x45: {  	s29 =	sand.u32 $0x7F, s14;
	s17 =	sand.u32 $0xFFFFFC00, s17  }
0x46: {  	s14 =	sor.u32 s29, s17;
	s17 =	smulhi.u32 $0xCC29786D, s17  }
0x47: {  	s18 =	smulhi.u32 $0xCC29786D, s14;
	_ =	sdelay $0x1  }
0x48: {  	s13 =	smul.u32 $0x50400, s13;
	s17 =	sshrl.u32 s17, $0xF;
	s18 =	sshrl.u32 s18, $0xF  }
0x49: {  	s17 =	sand.u32 $0x3F, s17;
	s18 =	smul.u32 $0xA080, s18  }
0x4a: {  	s17 =	smul.u32 $0x1410, s17  }
.Ltmp4:
0x4b: {  	s14 =	ssub.s32 s14, s18;
	(pc) =	sbr.rel .LBB1_5-.Ltmp4, $4  }
0x4c: {  	[tilespmem:s16+$0x810 ss:$0x81] =	vst.msk $0xffff, v2;
	s13 =	sadd.s32 s2, s13;
	s18 =	sand.u32 $0x7, s14  }
0x4d: {  	[tilespmem:s16+$0x1020 ss:$0x81] =	vst.msk $0xffff, v0;
	s13 =	sadd.s32 s17, s13;
	s14 =	sshrl.u32 s14, $0x3;
	s30 =	sshll.u32 s18, $0x12  }
0x4e: {  	[tilespmem:s16+$0x0 ss:$0x81] =	vst.msk $0xffff, v1;
	s13 =	sadd.s32 s14, s13;
	s31 =	sor.u32 $0x400, s30  }
0x4f: {  	[hbm4b:s13+s31] =	stream.strided.scatter [tilespmem:s15], [sflag:$0x2], $0x2000, s9, s31, $0x20;
	[tilespmem:$0x8080] =	vst v63  }
.LBB1_6:
0x50: {  	_ =	sfence.sel $0x180000  }
0x51: {  	s2 =	simm.s32 $0x1;
	[bflag:$0x0] =	sbarrier.arrive $0xFFFF  }
0x52: {  	s31 =	simm.s32 $0x2;
	[sflag:s2] =	ssyncpa.u1 $0x1  }
0x53: {  	[sflag:s31] =	ssyncpa.u1 $0x1  }
0x54: {  	p0 =	sne.s32 s1, $0x0;
	_ =	strace $0x9000004D  }
0x55: {  	s0 =	sadd.s32 @!p0 $0x100000, s0;
	[bflag:$0x2] =	sbarrier.arrive $0xFFFF  }
0x56: {  	[sflag:s0] =	ssyncadd.tile.s32 @!p0 $0x1;
	_ =	shalt  }
.Lfunc_end1:
_tile_overlayer_lowered:
.L_overlay_start_2:
0x57: {  	(tag) =	ssettag $0x2  }
0x58: {  	s0 =	rddreg [dreg:$0x0];
	s2 =	stileid.u32  }
0x59: {  	s1 =	rddreg [dreg:$0x1];
	p0 =	sne.s32 s2, $0x0  }
0x5a: {  	s3 =	rddreg [dreg:$0x2];
	[bflag:$0x3] =	sbarrier.arrive $0xFFFF;
	s2 =	simm.s32 @!p0 $0x1C01  }
0x5b: {  	[timem:s3], [sflag:s2] =	dma.local @!p0 [hbm:s0], s1  }
0x5c: {  	s0 =	simm.s32 @!p0 $0x1  }
0x5d: {  	_ =	swait.ge @!p0 [sflag:s0], s1  }
0x5e: {  	s1 =	ssub.s32 @!p0 $0x0, s1;
	[sflag:s0] =	ssyncset.done @!p0 $0x0  }
0x5f: {  	[sflag:s0] =	ssyncadd.s32 @!p0 s1  }
0x60: {  	[bflag:$0x3] =	sbarrier.arrive $0xFFFF  }
0x61: {  	_ =	shalt  }

</sc_bundles>
